<compile_context>
chip_gen: v7x
topology: tpu7x:2x2x1
jax: 0.10.2.dev20260603
libtpu: 0.0.44.dev20260713+nightly
codegen_flags: <defaults>
</compile_context>

<pallas_src>
import functools

import jax
import jax.numpy as jnp
from jax import lax
from jax.experimental import pallas as pl
from jax.experimental.pallas import tpu as pltpu
from jax.experimental.pallas import tpu_sc as plsc

_N = 100000
_D = 128
_NG = 64
_L = 16
_NS = 16
_C1 = 6272
_CL = _N - 15 * _C1
_T = 80
_BLK = 10000


def _deg_body(batch_hbm, cs_hbm, ttb_hbm, bchunk, lcum, idxv, csv, ttv,
              ttbv, shared):
    s = lax.axis_index("s")
    zeros16 = jnp.zeros((_L,), jnp.int32)
    iota16 = lax.iota(jnp.int32, _L)

    for k in range(_T // _L):
        lcum[pl.ds(k * _L, _L)] = zeros16
        idxv[pl.ds(k * _L, _L)] = iota16 + (k * _L)

    @pl.when(s == 0)
    def _zero_shared():
        pltpu.sync_copy(lcum, shared)

    start1 = s * _C1

    def _scan_step(k, carry):
        bv = bchunk[pl.ds(k * _L, _L)]
        bnext = plsc.load_gather(bchunk, [iota16 + (k * _L + 1)])
        mask = bv != bnext
        endpos = iota16 + (start1 + k * _L + 1)
        plsc.store_scatter(lcum, [bv], endpos, mask=mask)
        return carry

    @pl.when(s < _NS - 1)
    def _scan_main():
        pltpu.sync_copy(batch_hbm.at[pl.ds(start1, _C1 + _L)], bchunk)
        lax.fori_loop(0, _C1 // _L, _scan_step, 0)

    @pl.when(s == _NS - 1)
    def _scan_last():
        pltpu.sync_copy(batch_hbm.at[pl.ds(start1, _CL)],
                        bchunk.at[pl.ds(0, _CL)])
        lax.fori_loop(0, _CL // _L - 1, _scan_step, 0)
        j = _CL - _L
        bv = bchunk[pl.ds(j, _L)]
        bnext = plsc.load_gather(
            bchunk, [jnp.minimum(iota16 + (j + 1), _CL - 1)])
        mask = (bv != bnext) | (iota16 == _L - 1)
        endpos = iota16 + (start1 + j + 1)
        plsc.store_scatter(lcum, [bv], endpos, mask=mask)

    plsc.subcore_barrier()
    pltpu.sync_copy(lcum, shared.at[idxv], add=True)
    plsc.subcore_barrier()

    @pl.when(s == 0)
    def _finalize():
        pltpu.sync_copy(shared, lcum)
        for k in range(_T // _L):
            csv[0, pl.ds(k * _L, _L)] = jnp.zeros((_L,), jnp.float32)
            ttv[0, pl.ds(k * _L, _L)] = jnp.zeros((_L,), jnp.float32)
        carry0 = jnp.int32(0)
        for k in range(_NG // _L):
            cv = lcum[pl.ds(k * _L, _L)]
            cm = jnp.maximum(plsc.cummax(cv), carry0)
            carry0 = jnp.max(cm)
            plsc.store_scatter(
                csv, [zeros16, iota16 + (k * _L + 1)],
                cm.astype(jnp.float32))
            prev = csv[0, pl.ds(k * _L, _L)]
            deg = cm.astype(jnp.float32) - prev
            yi = jnp.int32(0x5F3759DF) - (plsc.bitcast(deg, jnp.int32) >> 1)
            y = plsc.bitcast(yi, jnp.float32)
            for _ in range(3):
                y = y * (1.5 - 0.5 * deg * y * y)
            ttv[0, pl.ds(k * _L, _L)] = y
        for g in range(_NG):
            yg = plsc.load_gather(ttv, [zeros16, jnp.full((_L,), g, jnp.int32)])
            for cc in range(_D // _L):
                ttbv[g, pl.ds(cc * _L, _L)] = yg
        pltpu.sync_copy(csv, cs_hbm)
        pltpu.sync_copy(ttbv, ttb_hbm)


def _segment_tables(b32):
    mesh = plsc.VectorSubcoreMesh(
        core_axis_name="c", subcore_axis_name="s", num_cores=1)
    f = functools.partial(
        pl.kernel,
        mesh=mesh,
        out_type=(jax.ShapeDtypeStruct((1, _T), jnp.float32),
                  jax.ShapeDtypeStruct((_NG, _D), jnp.float32)),
        compiler_params=pltpu.CompilerParams(needs_layout_passes=False),
        scratch_types=[
            pltpu.VMEM((_C1 + _L,), jnp.int32),
            pltpu.VMEM((_T,), jnp.int32),
            pltpu.VMEM((_T,), jnp.int32),
            pltpu.VMEM((1, _T), jnp.float32),
            pltpu.VMEM((1, _T), jnp.float32),
            pltpu.VMEM((_NG, _D), jnp.float32),
            pltpu.VMEM_SHARED((_T,), jnp.int32),
        ],
    )(_deg_body)
    return f(b32)


def _mul_body(x_ref, cs_ref, tt_ref, o_ref):
    i = pl.program_id(0)
    cs = cs_ref[...].astype(jnp.int32)
    lo = cs[:, 0:_NG] - i * _BLK
    wid = (cs[:, 1:_NG + 1] - cs[:, 0:_NG]).astype(jnp.uint32)
    rr = lax.broadcasted_iota(jnp.int32, (_BLK, _NG), 0)
    inseg = (rr - lo).astype(jnp.uint32) < wid
    member = jnp.where(inseg, 1.0, 0.0).astype(jnp.bfloat16)
    t_hi = tt_ref[...].astype(jnp.bfloat16)
    sb = jax.lax.dot_general(
        member, t_hi, (((1,), (0,)), ((), ())),
        preferred_element_type=jnp.float32)
    o_ref[...] = x_ref[...] * sb


def _scaled_mul(x, cs, tt):
    return pl.pallas_call(
        _mul_body,
        grid=(_N // _BLK,),
        in_specs=[
            pl.BlockSpec((_BLK, _D), lambda i: (i, 0)),
            pl.BlockSpec((1, _T), lambda i: (0, 0)),
            pl.BlockSpec((_NG, _D), lambda i: (0, 0)),
        ],
        out_specs=pl.BlockSpec((_BLK, _D), lambda i: (i, 0)),
        out_shape=jax.ShapeDtypeStruct((_N, _D), jnp.float32),
    )(x, cs, tt)


def kernel(x, batch):
    b32 = batch.astype(jnp.int32)
    cs, tt = _segment_tables(b32)
    return _scaled_mul(x, cs, tt)

# --- scband reference (transcript-rebuilt; emitter-appended) ---
"""Pipeline reference for scband-size-norm-37495064494618 (READ-ONLY COPY).

The authoritative reference and input builder live on the scoring server;
editing this copy changes nothing except your own understanding.
"""

import jax, jax.numpy as jnp
import numpy as np

NUM_GRAPHS = 64

def setup_inputs(seed: int = 0) -> dict:
    key = jax.random.key(seed)
    k1, k2 = jax.random.split(key)
    x = jax.random.normal(k1, (100000, 128), dtype=jnp.float32)
    batch = jnp.sort(jax.random.randint(k2, (100000,), 0, NUM_GRAPHS, dtype=jnp.int64))
    return {"x": x, "batch": batch}

def reference(x, batch):
    # degree(batch): count of nodes per graph (bincount)
    deg = jnp.bincount(batch, length=NUM_GRAPHS).astype(x.dtype)
    inv_sqrt_deg = jnp.power(deg, -0.5)
    # gather per-node scale and normalize
    return x * inv_sqrt_deg[batch][:, None]

if __name__ == "__main__":
    import jax
    _d = setup_inputs()
    print(jax.jit(kernel)(*tuple(_d.values())))

</pallas_src>

<mosaic_0001>
#map = affine_map<(d0, d1) -> (0)>
#map1 = affine_map<(d0, d1) -> (0, 0)>
module attributes {stable_mosaic.version = 14 : i64} {
  func.func @_deg_body(%arg0: i32, %arg1: i32, %arg2: memref<100000xi32, #tpu.memory_space<hbm>>, %arg3: memref<1x80xf32, #tpu.memory_space<hbm>>, %arg4: memref<64x128xf32, #tpu.memory_space<hbm>>, %arg5: memref<6288xi32, #tpu.memory_space<vmem>>, %arg6: memref<80xi32, #tpu.memory_space<vmem>>, %arg7: memref<80xi32, #tpu.memory_space<vmem>>, %arg8: memref<1x80xf32, #tpu.memory_space<vmem>>, %arg9: memref<1x80xf32, #tpu.memory_space<vmem>>, %arg10: memref<64x128xf32, #tpu.memory_space<vmem>>, %arg11: memref<80xi32, #tpu.memory_space<vmem_shared>>) attributes {dimension_semantics = [#tpu.dimension_semantics<core_parallel>, #tpu.dimension_semantics<subcore_parallel>], iteration_bounds = array<i64: 1, 16>, scalar_prefetch = 0 : i64, scratch_operands = 7 : i64, tpu.core_type = #tpu.core_type<sc_vector_subcore>, window_params = [{transform_indices = #map}, {transform_indices = #map1}, {transform_indices = #map1}]} {
    %broadcast_in_dim3A = arith.constant 0 : i32
    %broadcast_in_dim3A_0 = vector.broadcast %broadcast_in_dim3A : i32 to vector<16xi32>
    %iota3A = tpu.iota {dimensions = array<i32: 0>} : vector<16xi32>
    %swap3A = arith.constant 0 : index
    %swap3A_1 = tpu.vector_load %arg6[%swap3A] {strides = array<i32>} : memref<80xi32, #tpu.memory_space<vmem>>, vector<16xi32>,
    tpu.vector_store %arg6[%swap3A], %broadcast_in_dim3A_0 {strides = array<i32>} : memref<80xi32, #tpu.memory_space<vmem>>, vector<16xi32>,
    %add3A = arith.constant 0 : i32
    %add3A_2 = vector.broadcast %add3A : i32 to vector<16xi32>
    %add3A_3 = arith.addi %iota3A, %add3A_2 : vector<16xi32>
    %swap3A_4 = arith.constant 0 : index
    %swap3A_5 = tpu.vector_load %arg7[%swap3A_4] {strides = array<i32>} : memref<80xi32, #tpu.memory_space<vmem>>, vector<16xi32>,
    tpu.vector_store %arg7[%swap3A_4], %add3A_3 {strides = array<i32>} : memref<80xi32, #tpu.memory_space<vmem>>, vector<16xi32>,
    %swap3A_6 = arith.constant 16 : index
    %swap3A_7 = tpu.vector_load %arg6[%swap3A_6] {strides = array<i32>} : memref<80xi32, #tpu.memory_space<vmem>>, vector<16xi32>,
    tpu.vector_store %arg6[%swap3A_6], %broadcast_in_dim3A_0 {strides = array<i32>} : memref<80xi32, #tpu.memory_space<vmem>>, vector<16xi32>,
    %add3A_8 = arith.constant 16 : i32
    %add3A_9 = vector.broadcast %add3A_8 : i32 to vector<16xi32>
    %add3A_10 = arith.addi %iota3A, %add3A_9 : vector<16xi32>
    %swap3A_11 = arith.constant 16 : index
    %swap3A_12 = tpu.vector_load %arg7[%swap3A_11] {strides = array<i32>} : memref<80xi32, #tpu.memory_space<vmem>>, vector<16xi32>,
    tpu.vector_store %arg7[%swap3A_11], %add3A_10 {strides = array<i32>} : memref<80xi32, #tpu.memory_space<vmem>>, vector<16xi32>,
    %swap3A_13 = arith.constant 32 : index
    %swap3A_14 = tpu.vector_load %arg6[%swap3A_13] {strides = array<i32>} : memref<80xi32, #tpu.memory_space<vmem>>, vector<16xi32>,
    tpu.vector_store %arg6[%swap3A_13], %broadcast_in_dim3A_0 {strides = array<i32>} : memref<80xi32, #tpu.memory_space<vmem>>, vector<16xi32>,
    %add3A_15 = arith.constant 32 : i32
    %add3A_16 = vector.broadcast %add3A_15 : i32 to vector<16xi32>
    %add3A_17 = arith.addi %iota3A, %add3A_16 : vector<16xi32>
    %swap3A_18 = arith.constant 32 : index
    %swap3A_19 = tpu.vector_load %arg7[%swap3A_18] {strides = array<i32>} : memref<80xi32, #tpu.memory_space<vmem>>, vector<16xi32>,
    tpu.vector_store %arg7[%swap3A_18], %add3A_17 {strides = array<i32>} : memref<80xi32, #tpu.memory_space<vmem>>, vector<16xi32>,
    %swap3A_20 = arith.constant 48 : index
    %swap3A_21 = tpu.vector_load %arg6[%swap3A_20] {strides = array<i32>} : memref<80xi32, #tpu.memory_space<vmem>>, vector<16xi32>,
    tpu.vector_store %arg6[%swap3A_20], %broadcast_in_dim3A_0 {strides = array<i32>} : memref<80xi32, #tpu.memory_space<vmem>>, vector<16xi32>,
    %add3A_22 = arith.constant 48 : i32
    %add3A_23 = vector.broadcast %add3A_22 : i32 to vector<16xi32>
    %add3A_24 = arith.addi %iota3A, %add3A_23 : vector<16xi32>
    %swap3A_25 = arith.constant 48 : index
    %swap3A_26 = tpu.vector_load %arg7[%swap3A_25] {strides = array<i32>} : memref<80xi32, #tpu.memory_space<vmem>>, vector<16xi32>,
    tpu.vector_store %arg7[%swap3A_25], %add3A_24 {strides = array<i32>} : memref<80xi32, #tpu.memory_space<vmem>>, vector<16xi32>,
    %swap3A_27 = arith.constant 64 : index
    %swap3A_28 = tpu.vector_load %arg6[%swap3A_27] {strides = array<i32>} : memref<80xi32, #tpu.memory_space<vmem>>, vector<16xi32>,
    tpu.vector_store %arg6[%swap3A_27], %broadcast_in_dim3A_0 {strides = array<i32>} : memref<80xi32, #tpu.memory_space<vmem>>, vector<16xi32>,
    %add3A_29 = arith.constant 64 : i32
    %add3A_30 = vector.broadcast %add3A_29 : i32 to vector<16xi32>
    %add3A_31 = arith.addi %iota3A, %add3A_30 : vector<16xi32>
    %swap3A_32 = arith.constant 64 : index
    %swap3A_33 = tpu.vector_load %arg7[%swap3A_32] {strides = array<i32>} : memref<80xi32, #tpu.memory_space<vmem>>, vector<16xi32>,
    tpu.vector_store %arg7[%swap3A_32], %add3A_31 {strides = array<i32>} : memref<80xi32, #tpu.memory_space<vmem>>, vector<16xi32>,
    %eq3A = arith.constant 0 : i32
    %eq3A_34 = arith.cmpi eq, %arg1, %eq3A : i32
    %convert_element_type3A = arith.extui %eq3A_34 : i1 to i32
    %cond3A = arith.constant 0 : i32
    %cond3A_35 = arith.cmpi ne, %convert_element_type3A, %cond3A : i32
    scf.if %cond3A_35 {
      "tpu.region"() ({
        %run_scoped3A = tpu.sem_alloc : memref<!tpu.dma_semaphore, #tpu.memory_space<semaphore_mem>>
        tpu.enqueue_dma source(%arg6 : memref<80xi32, #tpu.memory_space<vmem>>) target(%arg11 : memref<80xi32, #tpu.memory_space<vmem_shared>>) target_semaphore(%run_scoped3A : memref<!tpu.dma_semaphore, #tpu.memory_space<semaphore_mem>>)
        tpu.wait_dma2 semaphore(%run_scoped3A : memref<!tpu.dma_semaphore, #tpu.memory_space<semaphore_mem>>) src(%arg6 : memref<80xi32, #tpu.memory_space<vmem>>) dst(%arg11 : memref<80xi32, #tpu.memory_space<vmem_shared>>)
        tpu.yield
      }) : () -> ()
    } else {
    }
    %mul3A = arith.constant 6272 : i32
    %mul3A_36 = arith.muli %arg1, %mul3A : i32
    %lt3A = arith.constant 15 : i32
    %lt3A_37 = arith.cmpi slt, %arg1, %lt3A : i32
    %convert_element_type3A_38 = arith.extui %lt3A_37 : i1 to i32
    %cond3A_39 = arith.constant 0 : i32
    %cond3A_40 = arith.cmpi ne, %convert_element_type3A_38, %cond3A_39 : i32
    scf.if %cond3A_40 {
      "tpu.region"() ({
        %run_scoped3A = tpu.sem_alloc : memref<!tpu.dma_semaphore, #tpu.memory_space<semaphore_mem>>
        %dma_start3A = tpu.memref_slice %arg2[%mul3A_36] : memref<100000xi32, #tpu.memory_space<hbm>> -> memref<6288xi32, #tpu.memory_space<hbm>>
        %dma_start3A_57 = tpu.memref_slice %arg2[%mul3A_36] : memref<100000xi32, #tpu.memory_space<hbm>> -> memref<6288xi32, #tpu.memory_space<hbm>>
        tpu.enqueue_dma source(%dma_start3A_57 : memref<6288xi32, #tpu.memory_space<hbm>>) target(%arg5 : memref<6288xi32, #tpu.memory_space<vmem>>) target_semaphore(%run_scoped3A : memref<!tpu.dma_semaphore, #tpu.memory_space<semaphore_mem>>)
        %dma_wait3A = tpu.memref_slice %arg2[%mul3A_36] : memref<100000xi32, #tpu.memory_space<hbm>> -> memref<6288xi32, #tpu.memory_space<hbm>>
        %dma_wait3A_58 = tpu.memref_slice %arg2[%mul3A_36] : memref<100000xi32, #tpu.memory_space<hbm>> -> memref<6288xi32, #tpu.memory_space<hbm>>
        tpu.wait_dma2 semaphore(%run_scoped3A : memref<!tpu.dma_semaphore, #tpu.memory_space<semaphore_mem>>) src(%dma_wait3A_58 : memref<6288xi32, #tpu.memory_space<hbm>>) dst(%arg5 : memref<6288xi32, #tpu.memory_space<vmem>>)
        tpu.yield
      }) : () -> ()
      %scan3A = arith.constant 0 : i32
      %scan3A_52 = arith.constant 0 : i32
      %scan3A_53 = arith.constant 392 : i32
      %scan3A_54 = arith.addi %scan3A_52, %scan3A_53 : i32
      %scan3A_55 = arith.constant 1 : i32
      scf.for %scan3A_57 = %scan3A_52 to %scan3A_54 step %scan3A_55  : i32 {
        %mul3A_58 = arith.constant 16 : i32
        %mul3A_59 = arith.muli %scan3A_57, %mul3A_58 : i32
        %get3A = arith.index_cast %mul3A_59 : i32 to index
        %get3A_60 = tpu.vector_load %arg5[%get3A] {strides = array<i32>} : memref<6288xi32, #tpu.memory_space<vmem>>, vector<16xi32>,
        %mul3A_61 = arith.constant 16 : i32
        %mul3A_62 = arith.muli %scan3A_57, %mul3A_61 : i32
        %add3A_63 = arith.constant 1 : i32
        %add3A_64 = arith.addi %mul3A_62, %add3A_63 : i32
        %add3A_65 = vector.broadcast %add3A_64 : i32 to vector<16xi32>
        %add3A_66 = arith.addi %iota3A, %add3A_65 : vector<16xi32>
        %gather3A = tpu.vector_load_idx %arg5[%add3A_66] : memref<6288xi32, #tpu.memory_space<vmem>>[vector<16xi32>], vector<16xi32>,
        %ne3A = arith.cmpi ne, %get3A_60, %gather3A : vector<16xi32>
        %mul3A_67 = arith.constant 16 : i32
        %mul3A_68 = arith.muli %scan3A_57, %mul3A_67 : i32
        %add3A_69 = arith.addi %mul3A_36, %mul3A_68 : i32
        %add3A_70 = arith.constant 1 : i32
        %add3A_71 = arith.addi %add3A_69, %add3A_70 : i32
        %add3A_72 = vector.broadcast %add3A_71 : i32 to vector<16xi32>
        %add3A_73 = arith.addi %iota3A, %add3A_72 : vector<16xi32>
        tpu.vector_store_idx %arg6[%get3A_60], %add3A_73 masked %ne3A : memref<80xi32, #tpu.memory_space<vmem>>[vector<16xi32>], vector<16xi32>, vector<16xi1>
      }
      %scan3A_56 = arith.constant 392 : i32
    } else {
    }
    %eq3A_41 = arith.constant 15 : i32
    %eq3A_42 = arith.cmpi eq, %arg1, %eq3A_41 : i32
    %convert_element_type3A_43 = arith.extui %eq3A_42 : i1 to i32
    %cond3A_44 = arith.constant 0 : i32
    %cond3A_45 = arith.cmpi ne, %convert_element_type3A_43, %cond3A_44 : i32
    scf.if %cond3A_45 {
      "tpu.region"() ({
        %run_scoped3A = tpu.sem_alloc : memref<!tpu.dma_semaphore, #tpu.memory_space<semaphore_mem>>
        %dma_start3A = arith.constant 0 : i32
        %dma_start3A_72 = tpu.memref_slice %arg5[%dma_start3A] : memref<6288xi32, #tpu.memory_space<vmem>> -> memref<5920xi32, #tpu.memory_space<vmem>>
        %dma_start3A_73 = tpu.memref_slice %arg2[%mul3A_36] : memref<100000xi32, #tpu.memory_space<hbm>> -> memref<5920xi32, #tpu.memory_space<hbm>>
        %dma_start3A_74 = arith.constant 0 : i32
        %dma_start3A_75 = tpu.memref_slice %arg5[%dma_start3A_74] : memref<6288xi32, #tpu.memory_space<vmem>> -> memref<5920xi32, #tpu.memory_space<vmem>>
        %dma_start3A_76 = tpu.memref_slice %arg2[%mul3A_36] : memref<100000xi32, #tpu.memory_space<hbm>> -> memref<5920xi32, #tpu.memory_space<hbm>>
        tpu.enqueue_dma source(%dma_start3A_76 : memref<5920xi32, #tpu.memory_space<hbm>>) target(%dma_start3A_75 : memref<5920xi32, #tpu.memory_space<vmem>>) target_semaphore(%run_scoped3A : memref<!tpu.dma_semaphore, #tpu.memory_space<semaphore_mem>>)
        %dma_wait3A = arith.constant 0 : i32
        %dma_wait3A_77 = tpu.memref_slice %arg5[%dma_wait3A] : memref<6288xi32, #tpu.memory_space<vmem>> -> memref<5920xi32, #tpu.memory_space<vmem>>
        %dma_wait3A_78 = tpu.memref_slice %arg2[%mul3A_36] : memref<100000xi32, #tpu.memory_space<hbm>> -> memref<5920xi32, #tpu.memory_space<hbm>>
        %dma_wait3A_79 = arith.constant 0 : i32
        %dma_wait3A_80 = tpu.memref_slice %arg5[%dma_wait3A_79] : memref<6288xi32, #tpu.memory_space<vmem>> -> memref<5920xi32, #tpu.memory_space<vmem>>
        %dma_wait3A_81 = tpu.memref_slice %arg2[%mul3A_36] : memref<100000xi32, #tpu.memory_space<hbm>> -> memref<5920xi32, #tpu.memory_space<hbm>>
        tpu.wait_dma2 semaphore(%run_scoped3A : memref<!tpu.dma_semaphore, #tpu.memory_space<semaphore_mem>>) src(%dma_wait3A_81 : memref<5920xi32, #tpu.memory_space<hbm>>) dst(%dma_wait3A_80 : memref<5920xi32, #tpu.memory_space<vmem>>)
        tpu.yield
      }) : () -> ()
      %scan3A = arith.constant 0 : i32
      %scan3A_52 = arith.constant 0 : i32
      %scan3A_53 = arith.constant 369 : i32
      %scan3A_54 = arith.addi %scan3A_52, %scan3A_53 : i32
      %scan3A_55 = arith.constant 1 : i32
      scf.for %scan3A_72 = %scan3A_52 to %scan3A_54 step %scan3A_55  : i32 {
        %mul3A_73 = arith.constant 16 : i32
        %mul3A_74 = arith.muli %scan3A_72, %mul3A_73 : i32
        %get3A_75 = arith.index_cast %mul3A_74 : i32 to index
        %get3A_76 = tpu.vector_load %arg5[%get3A_75] {strides = array<i32>} : memref<6288xi32, #tpu.memory_space<vmem>>, vector<16xi32>,
        %mul3A_77 = arith.constant 16 : i32
        %mul3A_78 = arith.muli %scan3A_72, %mul3A_77 : i32
        %add3A_79 = arith.constant 1 : i32
        %add3A_80 = arith.addi %mul3A_78, %add3A_79 : i32
        %add3A_81 = vector.broadcast %add3A_80 : i32 to vector<16xi32>
        %add3A_82 = arith.addi %iota3A, %add3A_81 : vector<16xi32>
        %gather3A_83 = tpu.vector_load_idx %arg5[%add3A_82] : memref<6288xi32, #tpu.memory_space<vmem>>[vector<16xi32>], vector<16xi32>,
        %ne3A_84 = arith.cmpi ne, %get3A_76, %gather3A_83 : vector<16xi32>
        %mul3A_85 = arith.constant 16 : i32
        %mul3A_86 = arith.muli %scan3A_72, %mul3A_85 : i32
        %add3A_87 = arith.addi %mul3A_36, %mul3A_86 : i32
        %add3A_88 = arith.constant 1 : i32
        %add3A_89 = arith.addi %add3A_87, %add3A_88 : i32
        %add3A_90 = vector.broadcast %add3A_89 : i32 to vector<16xi32>
        %add3A_91 = arith.addi %iota3A, %add3A_90 : vector<16xi32>
        tpu.vector_store_idx %arg6[%get3A_76], %add3A_91 masked %ne3A_84 : memref<80xi32, #tpu.memory_space<vmem>>[vector<16xi32>], vector<16xi32>, vector<16xi1>
      }
      %scan3A_56 = arith.constant 369 : i32
      %get3A = arith.constant 5904 : index
      %get3A_57 = tpu.vector_load %arg5[%get3A] {strides = array<i32>} : memref<6288xi32, #tpu.memory_space<vmem>>, vector<16xi32>,
      %add3A_58 = arith.constant 5905 : i32
      %add3A_59 = vector.broadcast %add3A_58 : i32 to vector<16xi32>
      %add3A_60 = arith.addi %iota3A, %add3A_59 : vector<16xi32>
      %min3A = arith.constant 5919 : i32
      %min3A_61 = vector.broadcast %min3A : i32 to vector<16xi32>
      %min3A_62 = arith.minsi %add3A_60, %min3A_61 : vector<16xi32>
      %gather3A = tpu.vector_load_idx %arg5[%min3A_62] : memref<6288xi32, #tpu.memory_space<vmem>>[vector<16xi32>], vector<16xi32>,
      %ne3A = arith.cmpi ne, %get3A_57, %gather3A : vector<16xi32>
      %eq3A_63 = arith.constant 15 : i32
      %eq3A_64 = vector.broadcast %eq3A_63 : i32 to vector<16xi32>
      %eq3A_65 = arith.cmpi eq, %iota3A, %eq3A_64 : vector<16xi32>
      %or3A = arith.ori %ne3A, %eq3A_65 : vector<16xi1>
      %add3A_66 = arith.constant 5904 : i32
      %add3A_67 = arith.addi %mul3A_36, %add3A_66 : i32
      %add3A_68 = arith.constant 1 : i32
      %add3A_69 = arith.addi %add3A_67, %add3A_68 : i32
      %add3A_70 = vector.broadcast %add3A_69 : i32 to vector<16xi32>
      %add3A_71 = arith.addi %iota3A, %add3A_70 : vector<16xi32>
      tpu.vector_store_idx %arg6[%get3A_57], %add3A_71 masked %or3A : memref<80xi32, #tpu.memory_space<vmem>>[vector<16xi32>], vector<16xi32>, vector<16xi1>
    } else {
    }
    %barrier3A = arith.constant 0 : index
    tpu.barrier barrier_id(%barrier3A)
    "tpu.region"() ({
      %run_scoped3A = tpu.sem_alloc : memref<!tpu.dma_semaphore, #tpu.memory_space<semaphore_mem>>
      %dma_start3A = arith.constant 0 : i32
      %dma_start3A_52 = tpu.memref_slice %arg11[%dma_start3A] : memref<80xi32, #tpu.memory_space<vmem_shared>> -> memref<80xi32, #tpu.memory_space<vmem_shared>>
      tpu.enqueue_indirect_dma source(%arg6 : memref<80xi32, #tpu.memory_space<vmem>>) target(%dma_start3A_52 : memref<80xi32, #tpu.memory_space<vmem_shared>>) offsets(%arg7 : memref<80xi32, #tpu.memory_space<vmem>>) semaphore(%run_scoped3A : memref<!tpu.dma_semaphore, #tpu.memory_space<semaphore_mem>>) {add = true}
      %dma_wait3A = arith.constant 0 : i32
      %dma_wait3A_53 = tpu.memref_slice %arg11[%dma_wait3A] : memref<80xi32, #tpu.memory_space<vmem_shared>> -> memref<80xi32, #tpu.memory_space<vmem_shared>>
      tpu.wait_indirect_dma semaphore(%run_scoped3A : memref<!tpu.dma_semaphore, #tpu.memory_space<semaphore_mem>>) src(%arg6 : memref<80xi32, #tpu.memory_space<vmem>>) dst(%dma_wait3A_53 : memref<80xi32, #tpu.memory_space<vmem_shared>>)
      tpu.yield
    }) : () -> ()
    %barrier3A_46 = arith.constant 0 : index
    tpu.barrier barrier_id(%barrier3A_46)
    %eq3A_47 = arith.constant 0 : i32
    %eq3A_48 = arith.cmpi eq, %arg1, %eq3A_47 : i32
    %convert_element_type3A_49 = arith.extui %eq3A_48 : i1 to i32
    %cond3A_50 = arith.constant 0 : i32
    %cond3A_51 = arith.cmpi ne, %convert_element_type3A_49, %cond3A_50 : i32
    scf.if %cond3A_51 {
      "tpu.region"() ({
        %run_scoped3A = tpu.sem_alloc : memref<!tpu.dma_semaphore, #tpu.memory_space<semaphore_mem>>
        tpu.enqueue_dma source(%arg11 : memref<80xi32, #tpu.memory_space<vmem_shared>>) target(%arg6 : memref<80xi32, #tpu.memory_space<vmem>>) target_semaphore(%run_scoped3A : memref<!tpu.dma_semaphore, #tpu.memory_space<semaphore_mem>>)
        tpu.wait_dma2 semaphore(%run_scoped3A : memref<!tpu.dma_semaphore, #tpu.memory_space<semaphore_mem>>) src(%arg11 : memref<80xi32, #tpu.memory_space<vmem_shared>>) dst(%arg6 : memref<80xi32, #tpu.memory_space<vmem>>)
        tpu.yield
      }) : () -> ()
      %broadcast_in_dim3A_52 = arith.constant 0.000000e+00 : f32
      %broadcast_in_dim3A_53 = vector.broadcast %broadcast_in_dim3A_52 : f32 to vector<16xf32>
      %swap3A_54 = arith.constant 0 : i32
      %swap3A_55 = arith.index_cast %swap3A_54 : i32 to index
      %swap3A_56 = arith.constant 0 : index
      %swap3A_57 = tpu.vector_load %arg8[%swap3A_55, %swap3A_56] {strides = array<i32>} : memref<1x80xf32, #tpu.memory_space<vmem>>, vector<16xf32>,
      tpu.vector_store %arg8[%swap3A_55, %swap3A_56], %broadcast_in_dim3A_53 {strides = array<i32>} : memref<1x80xf32, #tpu.memory_space<vmem>>, vector<16xf32>,
      %broadcast_in_dim3A_58 = arith.constant 0.000000e+00 : f32
      %broadcast_in_dim3A_59 = vector.broadcast %broadcast_in_dim3A_58 : f32 to vector<16xf32>
      %swap3A_60 = arith.constant 0 : i32
      %swap3A_61 = arith.index_cast %swap3A_60 : i32 to index
      %swap3A_62 = arith.constant 0 : index
      %swap3A_63 = tpu.vector_load %arg9[%swap3A_61, %swap3A_62] {strides = array<i32>} : memref<1x80xf32, #tpu.memory_space<vmem>>, vector<16xf32>,
      tpu.vector_store %arg9[%swap3A_61, %swap3A_62], %broadcast_in_dim3A_59 {strides = array<i32>} : memref<1x80xf32, #tpu.memory_space<vmem>>, vector<16xf32>,
      %broadcast_in_dim3A_64 = arith.constant 0.000000e+00 : f32
      %broadcast_in_dim3A_65 = vector.broadcast %broadcast_in_dim3A_64 : f32 to vector<16xf32>
      %swap3A_66 = arith.constant 0 : i32
      %swap3A_67 = arith.index_cast %swap3A_66 : i32 to index
      %swap3A_68 = arith.constant 16 : index
      %swap3A_69 = tpu.vector_load %arg8[%swap3A_67, %swap3A_68] {strides = array<i32>} : memref<1x80xf32, #tpu.memory_space<vmem>>, vector<16xf32>,
      tpu.vector_store %arg8[%swap3A_67, %swap3A_68], %broadcast_in_dim3A_65 {strides = array<i32>} : memref<1x80xf32, #tpu.memory_space<vmem>>, vector<16xf32>,
      %broadcast_in_dim3A_70 = arith.constant 0.000000e+00 : f32
      %broadcast_in_dim3A_71 = vector.broadcast %broadcast_in_dim3A_70 : f32 to vector<16xf32>
      %swap3A_72 = arith.constant 0 : i32
      %swap3A_73 = arith.index_cast %swap3A_72 : i32 to index
      %swap3A_74 = arith.constant 16 : index
      %swap3A_75 = tpu.vector_load %arg9[%swap3A_73, %swap3A_74] {strides = array<i32>} : memref<1x80xf32, #tpu.memory_space<vmem>>, vector<16xf32>,
      tpu.vector_store %arg9[%swap3A_73, %swap3A_74], %broadcast_in_dim3A_71 {strides = array<i32>} : memref<1x80xf32, #tpu.memory_space<vmem>>, vector<16xf32>,
      %broadcast_in_dim3A_76 = arith.constant 0.000000e+00 : f32
      %broadcast_in_dim3A_77 = vector.broadcast %broadcast_in_dim3A_76 : f32 to vector<16xf32>
      %swap3A_78 = arith.constant 0 : i32
      %swap3A_79 = arith.index_cast %swap3A_78 : i32 to index
      %swap3A_80 = arith.constant 32 : index
      %swap3A_81 = tpu.vector_load %arg8[%swap3A_79, %swap3A_80] {strides = array<i32>} : memref<1x80xf32, #tpu.memory_space<vmem>>, vector<16xf32>,
      tpu.vector_store %arg8[%swap3A_79, %swap3A_80], %broadcast_in_dim3A_77 {strides = array<i32>} : memref<1x80xf32, #tpu.memory_space<vmem>>, vector<16xf32>,
      %broadcast_in_dim3A_82 = arith.constant 0.000000e+00 : f32
      %broadcast_in_dim3A_83 = vector.broadcast %broadcast_in_dim3A_82 : f32 to vector<16xf32>
      %swap3A_84 = arith.constant 0 : i32
      %swap3A_85 = arith.index_cast %swap3A_84 : i32 to index
      %swap3A_86 = arith.constant 32 : index
      %swap3A_87 = tpu.vector_load %arg9[%swap3A_85, %swap3A_86] {strides = array<i32>} : memref<1x80xf32, #tpu.memory_space<vmem>>, vector<16xf32>,
      tpu.vector_store %arg9[%swap3A_85, %swap3A_86], %broadcast_in_dim3A_83 {strides = array<i32>} : memref<1x80xf32, #tpu.memory_space<vmem>>, vector<16xf32>,
      %broadcast_in_dim3A_88 = arith.constant 0.000000e+00 : f32
      %broadcast_in_dim3A_89 = vector.broadcast %broadcast_in_dim3A_88 : f32 to vector<16xf32>
      %swap3A_90 = arith.constant 0 : i32
      %swap3A_91 = arith.index_cast %swap3A_90 : i32 to index
      %swap3A_92 = arith.constant 48 : index
      %swap3A_93 = tpu.vector_load %arg8[%swap3A_91, %swap3A_92] {strides = array<i32>} : memref<1x80xf32, #tpu.memory_space<vmem>>, vector<16xf32>,
      tpu.vector_store %arg8[%swap3A_91, %swap3A_92], %broadcast_in_dim3A_89 {strides = array<i32>} : memref<1x80xf32, #tpu.memory_space<vmem>>, vector<16xf32>,
      %broadcast_in_dim3A_94 = arith.constant 0.000000e+00 : f32
      %broadcast_in_dim3A_95 = vector.broadcast %broadcast_in_dim3A_94 : f32 to vector<16xf32>
      %swap3A_96 = arith.constant 0 : i32
      %swap3A_97 = arith.index_cast %swap3A_96 : i32 to index
      %swap3A_98 = arith.constant 48 : index
      %swap3A_99 = tpu.vector_load %arg9[%swap3A_97, %swap3A_98] {strides = array<i32>} : memref<1x80xf32, #tpu.memory_space<vmem>>, vector<16xf32>,
      tpu.vector_store %arg9[%swap3A_97, %swap3A_98], %broadcast_in_dim3A_95 {strides = array<i32>} : memref<1x80xf32, #tpu.memory_space<vmem>>, vector<16xf32>,
      %broadcast_in_dim3A_100 = arith.constant 0.000000e+00 : f32
      %broadcast_in_dim3A_101 = vector.broadcast %broadcast_in_dim3A_100 : f32 to vector<16xf32>
      %swap3A_102 = arith.constant 0 : i32
      %swap3A_103 = arith.index_cast %swap3A_102 : i32 to index
      %swap3A_104 = arith.constant 64 : index
      %swap3A_105 = tpu.vector_load %arg8[%swap3A_103, %swap3A_104] {strides = array<i32>} : memref<1x80xf32, #tpu.memory_space<vmem>>, vector<16xf32>,
      tpu.vector_store %arg8[%swap3A_103, %swap3A_104], %broadcast_in_dim3A_101 {strides = array<i32>} : memref<1x80xf32, #tpu.memory_space<vmem>>, vector<16xf32>,
      %broadcast_in_dim3A_106 = arith.constant 0.000000e+00 : f32
      %broadcast_in_dim3A_107 = vector.broadcast %broadcast_in_dim3A_106 : f32 to vector<16xf32>
      %swap3A_108 = arith.constant 0 : i32
      %swap3A_109 = arith.index_cast %swap3A_108 : i32 to index
      %swap3A_110 = arith.constant 64 : index
      %swap3A_111 = tpu.vector_load %arg9[%swap3A_109, %swap3A_110] {strides = array<i32>} : memref<1x80xf32, #tpu.memory_space<vmem>>, vector<16xf32>,
      tpu.vector_store %arg9[%swap3A_109, %swap3A_110], %broadcast_in_dim3A_107 {strides = array<i32>} : memref<1x80xf32, #tpu.memory_space<vmem>>, vector<16xf32>,
      %get3A = arith.constant 0 : index
      %get3A_112 = tpu.vector_load %arg6[%get3A] {strides = array<i32>} : memref<80xi32, #tpu.memory_space<vmem>>, vector<16xi32>,
      %broadcast_in_dim3A_113 = arith.constant true
      %broadcast_in_dim3A_114 = vector.broadcast %broadcast_in_dim3A_113 : i1 to vector<16xi1>
      %masked_cummax3A = arith.constant -2147483648 : i32
      %masked_cummax3A_115 = vector.broadcast %masked_cummax3A : i32 to vector<16xi32>
      %masked_cummax3A_116 = arith.xori %get3A_112, %masked_cummax3A_115 : vector<16xi32>
      %masked_cummax3A_117 = tpu.scan <max>, %masked_cummax3A_116 masked %broadcast_in_dim3A_114 : vector<16xi32>, vector<16xi1> -> vector<16xi32>
      %masked_cummax3A_118 = arith.xori %masked_cummax3A_117, %masked_cummax3A_115 : vector<16xi32>
      %max3A = arith.constant 0 : i32
      %max3A_119 = vector.broadcast %max3A : i32 to vector<16xi32>
      %max3A_120 = arith.maxsi %masked_cummax3A_118, %max3A_119 : vector<16xi32>
      %reduce_max3A = arith.constant true
      %reduce_max3A_121 = vector.broadcast %reduce_max3A : i1 to vector<16xi1>
      %reduce_max3A_122 = arith.constant -2147483648 : i32
      %reduce_max3A_123 = vector.broadcast %reduce_max3A_122 : i32 to vector<16xi32>
      %reduce_max3A_124 = arith.xori %max3A_120, %reduce_max3A_123 : vector<16xi32>
      %reduce_max3A_125 = tpu.scan <max>, %reduce_max3A_124 masked %reduce_max3A_121 : vector<16xi32>, vector<16xi1> -> vector<16xi32>
      %reduce_max3A_126 = arith.xori %reduce_max3A_125, %reduce_max3A_123 : vector<16xi32>
      %reduce_max3A_127 = vector.extract %reduce_max3A_126[15] : i32 from vector<16xi32>
      %add3A_128 = arith.constant 1 : i32
      %add3A_129 = vector.broadcast %add3A_128 : i32 to vector<16xi32>
      %add3A_130 = arith.addi %iota3A, %add3A_129 : vector<16xi32>
      %convert_element_type3A_131 = arith.sitofp %max3A_120 : vector<16xi32> to vector<16xf32>
      tpu.vector_store_idx %arg8[%broadcast_in_dim3A_0, %add3A_130], %convert_element_type3A_131 : memref<1x80xf32, #tpu.memory_space<vmem>>[vector<16xi32>, vector<16xi32>], vector<16xf32>,
      %get3A_132 = arith.constant 0 : i32
      %get3A_133 = arith.index_cast %get3A_132 : i32 to index
      %get3A_134 = arith.constant 0 : index
      %get3A_135 = tpu.vector_load %arg8[%get3A_133, %get3A_134] {strides = array<i32>} : memref<1x80xf32, #tpu.memory_space<vmem>>, vector<16xf32>,
      %convert_element_type3A_136 = arith.sitofp %max3A_120 : vector<16xi32> to vector<16xf32>
      %sub3A = arith.subf %convert_element_type3A_136, %get3A_135 : vector<16xf32>
      %bitcast3A = vector.bitcast %sub3A : vector<16xf32> to vector<16xi32>
      %shift_right_arithmetic3A = arith.constant 1 : i32
      %shift_right_arithmetic3A_137 = vector.broadcast %shift_right_arithmetic3A : i32 to vector<16xi32>
      %shift_right_arithmetic3A_138 = arith.shrsi %bitcast3A, %shift_right_arithmetic3A_137 : vector<16xi32>
      %sub3A_139 = arith.constant 1597463007 : i32
      %sub3A_140 = vector.broadcast %sub3A_139 : i32 to vector<16xi32>
      %sub3A_141 = arith.subi %sub3A_140, %shift_right_arithmetic3A_138 : vector<16xi32>
      %bitcast3A_142 = vector.bitcast %sub3A_141 : vector<16xi32> to vector<16xf32>
      %mul3A_143 = arith.constant 5.000000e-01 : f32
      %mul3A_144 = vector.broadcast %mul3A_143 : f32 to vector<16xf32>
      %mul3A_145 = arith.mulf %mul3A_144, %sub3A : vector<16xf32>
      %mul3A_146 = arith.mulf %mul3A_145, %bitcast3A_142 : vector<16xf32>
      %mul3A_147 = arith.mulf %mul3A_146, %bitcast3A_142 : vector<16xf32>
      %sub3A_148 = arith.constant 1.500000e+00 : f32
      %sub3A_149 = vector.broadcast %sub3A_148 : f32 to vector<16xf32>
      %sub3A_150 = arith.subf %sub3A_149, %mul3A_147 : vector<16xf32>
      %mul3A_151 = arith.mulf %bitcast3A_142, %sub3A_150 : vector<16xf32>
      %mul3A_152 = arith.constant 5.000000e-01 : f32
      %mul3A_153 = vector.broadcast %mul3A_152 : f32 to vector<16xf32>
      %mul3A_154 = arith.mulf %mul3A_153, %sub3A : vector<16xf32>
      %mul3A_155 = arith.mulf %mul3A_154, %mul3A_151 : vector<16xf32>
      %mul3A_156 = arith.mulf %mul3A_155, %mul3A_151 : vector<16xf32>
      %sub3A_157 = arith.constant 1.500000e+00 : f32
      %sub3A_158 = vector.broadcast %sub3A_157 : f32 to vector<16xf32>
      %sub3A_159 = arith.subf %sub3A_158, %mul3A_156 : vector<16xf32>
      %mul3A_160 = arith.mulf %mul3A_151, %sub3A_159 : vector<16xf32>
      %mul3A_161 = arith.constant 5.000000e-01 : f32
      %mul3A_162 = vector.broadcast %mul3A_161 : f32 to vector<16xf32>
      %mul3A_163 = arith.mulf %mul3A_162, %sub3A : vector<16xf32>
      %mul3A_164 = arith.mulf %mul3A_163, %mul3A_160 : vector<16xf32>
      %mul3A_165 = arith.mulf %mul3A_164, %mul3A_160 : vector<16xf32>
      %sub3A_166 = arith.constant 1.500000e+00 : f32
      %sub3A_167 = vector.broadcast %sub3A_166 : f32 to vector<16xf32>
      %sub3A_168 = arith.subf %sub3A_167, %mul3A_165 : vector<16xf32>
      %mul3A_169 = arith.mulf %mul3A_160, %sub3A_168 : vector<16xf32>
      %swap3A_170 = arith.constant 0 : i32
      %swap3A_171 = arith.index_cast %swap3A_170 : i32 to index
      %swap3A_172 = arith.constant 0 : index
      %swap3A_173 = tpu.vector_load %arg9[%swap3A_171, %swap3A_172] {strides = array<i32>} : memref<1x80xf32, #tpu.memory_space<vmem>>, vector<16xf32>,
      tpu.vector_store %arg9[%swap3A_171, %swap3A_172], %mul3A_169 {strides = array<i32>} : memref<1x80xf32, #tpu.memory_space<vmem>>, vector<16xf32>,
      %get3A_174 = arith.constant 16 : index
      %get3A_175 = tpu.vector_load %arg6[%get3A_174] {strides = array<i32>} : memref<80xi32, #tpu.memory_space<vmem>>, vector<16xi32>,
      %broadcast_in_dim3A_176 = arith.constant true
      %broadcast_in_dim3A_177 = vector.broadcast %broadcast_in_dim3A_176 : i1 to vector<16xi1>
      %masked_cummax3A_178 = arith.constant -2147483648 : i32
      %masked_cummax3A_179 = vector.broadcast %masked_cummax3A_178 : i32 to vector<16xi32>
      %masked_cummax3A_180 = arith.xori %get3A_175, %masked_cummax3A_179 : vector<16xi32>
      %masked_cummax3A_181 = tpu.scan <max>, %masked_cummax3A_180 masked %broadcast_in_dim3A_177 : vector<16xi32>, vector<16xi1> -> vector<16xi32>
      %masked_cummax3A_182 = arith.xori %masked_cummax3A_181, %masked_cummax3A_179 : vector<16xi32>
      %max3A_183 = vector.broadcast %reduce_max3A_127 : i32 to vector<16xi32>
      %max3A_184 = arith.maxsi %masked_cummax3A_182, %max3A_183 : vector<16xi32>
      %reduce_max3A_185 = arith.constant true
      %reduce_max3A_186 = vector.broadcast %reduce_max3A_185 : i1 to vector<16xi1>
      %reduce_max3A_187 = arith.constant -2147483648 : i32
      %reduce_max3A_188 = vector.broadcast %reduce_max3A_187 : i32 to vector<16xi32>
      %reduce_max3A_189 = arith.xori %max3A_184, %reduce_max3A_188 : vector<16xi32>
      %reduce_max3A_190 = tpu.scan <max>, %reduce_max3A_189 masked %reduce_max3A_186 : vector<16xi32>, vector<16xi1> -> vector<16xi32>
      %reduce_max3A_191 = arith.xori %reduce_max3A_190, %reduce_max3A_188 : vector<16xi32>
      %reduce_max3A_192 = vector.extract %reduce_max3A_191[15] : i32 from vector<16xi32>
      %add3A_193 = arith.constant 17 : i32
      %add3A_194 = vector.broadcast %add3A_193 : i32 to vector<16xi32>
      %add3A_195 = arith.addi %iota3A, %add3A_194 : vector<16xi32>
      %convert_element_type3A_196 = arith.sitofp %max3A_184 : vector<16xi32> to vector<16xf32>
      tpu.vector_store_idx %arg8[%broadcast_in_dim3A_0, %add3A_195], %convert_element_type3A_196 : memref<1x80xf32, #tpu.memory_space<vmem>>[vector<16xi32>, vector<16xi32>], vector<16xf32>,
      %get3A_197 = arith.constant 0 : i32
      %get3A_198 = arith.index_cast %get3A_197 : i32 to index
      %get3A_199 = arith.constant 16 : index
      %get3A_200 = tpu.vector_load %arg8[%get3A_198, %get3A_199] {strides = array<i32>} : memref<1x80xf32, #tpu.memory_space<vmem>>, vector<16xf32>,
      %convert_element_type3A_201 = arith.sitofp %max3A_184 : vector<16xi32> to vector<16xf32>
      %sub3A_202 = arith.subf %convert_element_type3A_201, %get3A_200 : vector<16xf32>
      %bitcast3A_203 = vector.bitcast %sub3A_202 : vector<16xf32> to vector<16xi32>
      %shift_right_arithmetic3A_204 = arith.constant 1 : i32
      %shift_right_arithmetic3A_205 = vector.broadcast %shift_right_arithmetic3A_204 : i32 to vector<16xi32>
      %shift_right_arithmetic3A_206 = arith.shrsi %bitcast3A_203, %shift_right_arithmetic3A_205 : vector<16xi32>
      %sub3A_207 = arith.constant 1597463007 : i32
      %sub3A_208 = vector.broadcast %sub3A_207 : i32 to vector<16xi32>
      %sub3A_209 = arith.subi %sub3A_208, %shift_right_arithmetic3A_206 : vector<16xi32>
      %bitcast3A_210 = vector.bitcast %sub3A_209 : vector<16xi32> to vector<16xf32>
      %mul3A_211 = arith.constant 5.000000e-01 : f32
      %mul3A_212 = vector.broadcast %mul3A_211 : f32 to vector<16xf32>
      %mul3A_213 = arith.mulf %mul3A_212, %sub3A_202 : vector<16xf32>
      %mul3A_214 = arith.mulf %mul3A_213, %bitcast3A_210 : vector<16xf32>
      %mul3A_215 = arith.mulf %mul3A_214, %bitcast3A_210 : vector<16xf32>
      %sub3A_216 = arith.constant 1.500000e+00 : f32
      %sub3A_217 = vector.broadcast %sub3A_216 : f32 to vector<16xf32>
      %sub3A_218 = arith.subf %sub3A_217, %mul3A_215 : vector<16xf32>
      %mul3A_219 = arith.mulf %bitcast3A_210, %sub3A_218 : vector<16xf32>
      %mul3A_220 = arith.constant 5.000000e-01 : f32
      %mul3A_221 = vector.broadcast %mul3A_220 : f32 to vector<16xf32>
      %mul3A_222 = arith.mulf %mul3A_221, %sub3A_202 : vector<16xf32>
      %mul3A_223 = arith.mulf %mul3A_222, %mul3A_219 : vector<16xf32>
      %mul3A_224 = arith.mulf %mul3A_223, %mul3A_219 : vector<16xf32>
      %sub3A_225 = arith.constant 1.500000e+00 : f32
      %sub3A_226 = vector.broadcast %sub3A_225 : f32 to vector<16xf32>
      %sub3A_227 = arith.subf %sub3A_226, %mul3A_224 : vector<16xf32>
      %mul3A_228 = arith.mulf %mul3A_219, %sub3A_227 : vector<16xf32>
      %mul3A_229 = arith.constant 5.000000e-01 : f32
      %mul3A_230 = vector.broadcast %mul3A_229 : f32 to vector<16xf32>
      %mul3A_231 = arith.mulf %mul3A_230, %sub3A_202 : vector<16xf32>
      %mul3A_232 = arith.mulf %mul3A_231, %mul3A_228 : vector<16xf32>
      %mul3A_233 = arith.mulf %mul3A_232, %mul3A_228 : vector<16xf32>
      %sub3A_234 = arith.constant 1.500000e+00 : f32
      %sub3A_235 = vector.broadcast %sub3A_234 : f32 to vector<16xf32>
      %sub3A_236 = arith.subf %sub3A_235, %mul3A_233 : vector<16xf32>
      %mul3A_237 = arith.mulf %mul3A_228, %sub3A_236 : vector<16xf32>
      %swap3A_238 = arith.constant 0 : i32
      %swap3A_239 = arith.index_cast %swap3A_238 : i32 to index
      %swap3A_240 = arith.constant 16 : index
      %swap3A_241 = tpu.vector_load %arg9[%swap3A_239, %swap3A_240] {strides = array<i32>} : memref<1x80xf32, #tpu.memory_space<vmem>>, vector<16xf32>,
      tpu.vector_store %arg9[%swap3A_239, %swap3A_240], %mul3A_237 {strides = array<i32>} : memref<1x80xf32, #tpu.memory_space<vmem>>, vector<16xf32>,
      %get3A_242 = arith.constant 32 : index
      %get3A_243 = tpu.vector_load %arg6[%get3A_242] {strides = array<i32>} : memref<80xi32, #tpu.memory_space<vmem>>, vector<16xi32>,
      %broadcast_in_dim3A_244 = arith.constant true
      %broadcast_in_dim3A_245 = vector.broadcast %broadcast_in_dim3A_244 : i1 to vector<16xi1>
      %masked_cummax3A_246 = arith.constant -2147483648 : i32
      %masked_cummax3A_247 = vector.broadcast %masked_cummax3A_246 : i32 to vector<16xi32>
      %masked_cummax3A_248 = arith.xori %get3A_243, %masked_cummax3A_247 : vector<16xi32>
      %masked_cummax3A_249 = tpu.scan <max>, %masked_cummax3A_248 masked %broadcast_in_dim3A_245 : vector<16xi32>, vector<16xi1> -> vector<16xi32>
      %masked_cummax3A_250 = arith.xori %masked_cummax3A_249, %masked_cummax3A_247 : vector<16xi32>
      %max3A_251 = vector.broadcast %reduce_max3A_192 : i32 to vector<16xi32>
      %max3A_252 = arith.maxsi %masked_cummax3A_250, %max3A_251 : vector<16xi32>
      %reduce_max3A_253 = arith.constant true
      %reduce_max3A_254 = vector.broadcast %reduce_max3A_253 : i1 to vector<16xi1>
      %reduce_max3A_255 = arith.constant -2147483648 : i32
      %reduce_max3A_256 = vector.broadcast %reduce_max3A_255 : i32 to vector<16xi32>
      %reduce_max3A_257 = arith.xori %max3A_252, %reduce_max3A_256 : vector<16xi32>
      %reduce_max3A_258 = tpu.scan <max>, %reduce_max3A_257 masked %reduce_max3A_254 : vector<16xi32>, vector<16xi1> -> vector<16xi32>
      %reduce_max3A_259 = arith.xori %reduce_max3A_258, %reduce_max3A_256 : vector<16xi32>
      %reduce_max3A_260 = vector.extract %reduce_max3A_259[15] : i32 from vector<16xi32>
      %add3A_261 = arith.constant 33 : i32
      %add3A_262 = vector.broadcast %add3A_261 : i32 to vector<16xi32>
      %add3A_263 = arith.addi %iota3A, %add3A_262 : vector<16xi32>
      %convert_element_type3A_264 = arith.sitofp %max3A_252 : vector<16xi32> to vector<16xf32>
      tpu.vector_store_idx %arg8[%broadcast_in_dim3A_0, %add3A_263], %convert_element_type3A_264 : memref<1x80xf32, #tpu.memory_space<vmem>>[vector<16xi32>, vector<16xi32>], vector<16xf32>,
      %get3A_265 = arith.constant 0 : i32
      %get3A_266 = arith.index_cast %get3A_265 : i32 to index
      %get3A_267 = arith.constant 32 : index
      %get3A_268 = tpu.vector_load %arg8[%get3A_266, %get3A_267] {strides = array<i32>} : memref<1x80xf32, #tpu.memory_space<vmem>>, vector<16xf32>,
      %convert_element_type3A_269 = arith.sitofp %max3A_252 : vector<16xi32> to vector<16xf32>
      %sub3A_270 = arith.subf %convert_element_type3A_269, %get3A_268 : vector<16xf32>
      %bitcast3A_271 = vector.bitcast %sub3A_270 : vector<16xf32> to vector<16xi32>
      %shift_right_arithmetic3A_272 = arith.constant 1 : i32
      %shift_right_arithmetic3A_273 = vector.broadcast %shift_right_arithmetic3A_272 : i32 to vector<16xi32>
      %shift_right_arithmetic3A_274 = arith.shrsi %bitcast3A_271, %shift_right_arithmetic3A_273 : vector<16xi32>
      %sub3A_275 = arith.constant 1597463007 : i32
      %sub3A_276 = vector.broadcast %sub3A_275 : i32 to vector<16xi32>
      %sub3A_277 = arith.subi %sub3A_276, %shift_right_arithmetic3A_274 : vector<16xi32>
      %bitcast3A_278 = vector.bitcast %sub3A_277 : vector<16xi32> to vector<16xf32>
      %mul3A_279 = arith.constant 5.000000e-01 : f32
      %mul3A_280 = vector.broadcast %mul3A_279 : f32 to vector<16xf32>
      %mul3A_281 = arith.mulf %mul3A_280, %sub3A_270 : vector<16xf32>
      %mul3A_282 = arith.mulf %mul3A_281, %bitcast3A_278 : vector<16xf32>
      %mul3A_283 = arith.mulf %mul3A_282, %bitcast3A_278 : vector<16xf32>
      %sub3A_284 = arith.constant 1.500000e+00 : f32
      %sub3A_285 = vector.broadcast %sub3A_284 : f32 to vector<16xf32>
      %sub3A_286 = arith.subf %sub3A_285, %mul3A_283 : vector<16xf32>
      %mul3A_287 = arith.mulf %bitcast3A_278, %sub3A_286 : vector<16xf32>
      %mul3A_288 = arith.constant 5.000000e-01 : f32
      %mul3A_289 = vector.broadcast %mul3A_288 : f32 to vector<16xf32>
      %mul3A_290 = arith.mulf %mul3A_289, %sub3A_270 : vector<16xf32>
      %mul3A_291 = arith.mulf %mul3A_290, %mul3A_287 : vector<16xf32>
      %mul3A_292 = arith.mulf %mul3A_291, %mul3A_287 : vector<16xf32>
      %sub3A_293 = arith.constant 1.500000e+00 : f32
      %sub3A_294 = vector.broadcast %sub3A_293 : f32 to vector<16xf32>
      %sub3A_295 = arith.subf %sub3A_294, %mul3A_292 : vector<16xf32>
      %mul3A_296 = arith.mulf %mul3A_287, %sub3A_295 : vector<16xf32>
      %mul3A_297 = arith.constant 5.000000e-01 : f32
      %mul3A_298 = vector.broadcast %mul3A_297 : f32 to vector<16xf32>
      %mul3A_299 = arith.mulf %mul3A_298, %sub3A_270 : vector<16xf32>
      %mul3A_300 = arith.mulf %mul3A_299, %mul3A_296 : vector<16xf32>
      %mul3A_301 = arith.mulf %mul3A_300, %mul3A_296 : vector<16xf32>
      %sub3A_302 = arith.constant 1.500000e+00 : f32
      %sub3A_303 = vector.broadcast %sub3A_302 : f32 to vector<16xf32>
      %sub3A_304 = arith.subf %sub3A_303, %mul3A_301 : vector<16xf32>
      %mul3A_305 = arith.mulf %mul3A_296, %sub3A_304 : vector<16xf32>
      %swap3A_306 = arith.constant 0 : i32
      %swap3A_307 = arith.index_cast %swap3A_306 : i32 to index
      %swap3A_308 = arith.constant 32 : index
      %swap3A_309 = tpu.vector_load %arg9[%swap3A_307, %swap3A_308] {strides = array<i32>} : memref<1x80xf32, #tpu.memory_space<vmem>>, vector<16xf32>,
      tpu.vector_store %arg9[%swap3A_307, %swap3A_308], %mul3A_305 {strides = array<i32>} : memref<1x80xf32, #tpu.memory_space<vmem>>, vector<16xf32>,
      %get3A_310 = arith.constant 48 : index
      %get3A_311 = tpu.vector_load %arg6[%get3A_310] {strides = array<i32>} : memref<80xi32, #tpu.memory_space<vmem>>, vector<16xi32>,
      %broadcast_in_dim3A_312 = arith.constant true
      %broadcast_in_dim3A_313 = vector.broadcast %broadcast_in_dim3A_312 : i1 to vector<16xi1>
      %masked_cummax3A_314 = arith.constant -2147483648 : i32
      %masked_cummax3A_315 = vector.broadcast %masked_cummax3A_314 : i32 to vector<16xi32>
      %masked_cummax3A_316 = arith.xori %get3A_311, %masked_cummax3A_315 : vector<16xi32>
      %masked_cummax3A_317 = tpu.scan <max>, %masked_cummax3A_316 masked %broadcast_in_dim3A_313 : vector<16xi32>, vector<16xi1> -> vector<16xi32>
      %masked_cummax3A_318 = arith.xori %masked_cummax3A_317, %masked_cummax3A_315 : vector<16xi32>
      %max3A_319 = vector.broadcast %reduce_max3A_260 : i32 to vector<16xi32>
      %max3A_320 = arith.maxsi %masked_cummax3A_318, %max3A_319 : vector<16xi32>
      %reduce_max3A_321 = arith.constant true
      %reduce_max3A_322 = vector.broadcast %reduce_max3A_321 : i1 to vector<16xi1>
      %reduce_max3A_323 = arith.constant -2147483648 : i32
      %reduce_max3A_324 = vector.broadcast %reduce_max3A_323 : i32 to vector<16xi32>
      %reduce_max3A_325 = arith.xori %max3A_320, %reduce_max3A_324 : vector<16xi32>
      %reduce_max3A_326 = tpu.scan <max>, %reduce_max3A_325 masked %reduce_max3A_322 : vector<16xi32>, vector<16xi1> -> vector<16xi32>
      %reduce_max3A_327 = arith.xori %reduce_max3A_326, %reduce_max3A_324 : vector<16xi32>
      %reduce_max3A_328 = vector.extract %reduce_max3A_327[15] : i32 from vector<16xi32>
      %add3A_329 = arith.constant 49 : i32
      %add3A_330 = vector.broadcast %add3A_329 : i32 to vector<16xi32>
      %add3A_331 = arith.addi %iota3A, %add3A_330 : vector<16xi32>
      %convert_element_type3A_332 = arith.sitofp %max3A_320 : vector<16xi32> to vector<16xf32>
      tpu.vector_store_idx %arg8[%broadcast_in_dim3A_0, %add3A_331], %convert_element_type3A_332 : memref<1x80xf32, #tpu.memory_space<vmem>>[vector<16xi32>, vector<16xi32>], vector<16xf32>,
      %get3A_333 = arith.constant 0 : i32
      %get3A_334 = arith.index_cast %get3A_333 : i32 to index
      %get3A_335 = arith.constant 48 : index
      %get3A_336 = tpu.vector_load %arg8[%get3A_334, %get3A_335] {strides = array<i32>} : memref<1x80xf32, #tpu.memory_space<vmem>>, vector<16xf32>,
      %convert_element_type3A_337 = arith.sitofp %max3A_320 : vector<16xi32> to vector<16xf32>
      %sub3A_338 = arith.subf %convert_element_type3A_337, %get3A_336 : vector<16xf32>
      %bitcast3A_339 = vector.bitcast %sub3A_338 : vector<16xf32> to vector<16xi32>
      %shift_right_arithmetic3A_340 = arith.constant 1 : i32
      %shift_right_arithmetic3A_341 = vector.broadcast %shift_right_arithmetic3A_340 : i32 to vector<16xi32>
      %shift_right_arithmetic3A_342 = arith.shrsi %bitcast3A_339, %shift_right_arithmetic3A_341 : vector<16xi32>
      %sub3A_343 = arith.constant 1597463007 : i32
      %sub3A_344 = vector.broadcast %sub3A_343 : i32 to vector<16xi32>
      %sub3A_345 = arith.subi %sub3A_344, %shift_right_arithmetic3A_342 : vector<16xi32>
      %bitcast3A_346 = vector.bitcast %sub3A_345 : vector<16xi32> to vector<16xf32>
      %mul3A_347 = arith.constant 5.000000e-01 : f32
      %mul3A_348 = vector.broadcast %mul3A_347 : f32 to vector<16xf32>
      %mul3A_349 = arith.mulf %mul3A_348, %sub3A_338 : vector<16xf32>
      %mul3A_350 = arith.mulf %mul3A_349, %bitcast3A_346 : vector<16xf32>
      %mul3A_351 = arith.mulf %mul3A_350, %bitcast3A_346 : vector<16xf32>
      %sub3A_352 = arith.constant 1.500000e+00 : f32
      %sub3A_353 = vector.broadcast %sub3A_352 : f32 to vector<16xf32>
      %sub3A_354 = arith.subf %sub3A_353, %mul3A_351 : vector<16xf32>
      %mul3A_355 = arith.mulf %bitcast3A_346, %sub3A_354 : vector<16xf32>
      %mul3A_356 = arith.constant 5.000000e-01 : f32
      %mul3A_357 = vector.broadcast %mul3A_356 : f32 to vector<16xf32>
      %mul3A_358 = arith.mulf %mul3A_357, %sub3A_338 : vector<16xf32>
      %mul3A_359 = arith.mulf %mul3A_358, %mul3A_355 : vector<16xf32>
      %mul3A_360 = arith.mulf %mul3A_359, %mul3A_355 : vector<16xf32>
      %sub3A_361 = arith.constant 1.500000e+00 : f32
      %sub3A_362 = vector.broadcast %sub3A_361 : f32 to vector<16xf32>
      %sub3A_363 = arith.subf %sub3A_362, %mul3A_360 : vector<16xf32>
      %mul3A_364 = arith.mulf %mul3A_355, %sub3A_363 : vector<16xf32>
      %mul3A_365 = arith.constant 5.000000e-01 : f32
      %mul3A_366 = vector.broadcast %mul3A_365 : f32 to vector<16xf32>
      %mul3A_367 = arith.mulf %mul3A_366, %sub3A_338 : vector<16xf32>
      %mul3A_368 = arith.mulf %mul3A_367, %mul3A_364 : vector<16xf32>
      %mul3A_369 = arith.mulf %mul3A_368, %mul3A_364 : vector<16xf32>
      %sub3A_370 = arith.constant 1.500000e+00 : f32
      %sub3A_371 = vector.broadcast %sub3A_370 : f32 to vector<16xf32>
      %sub3A_372 = arith.subf %sub3A_371, %mul3A_369 : vector<16xf32>
      %mul3A_373 = arith.mulf %mul3A_364, %sub3A_372 : vector<16xf32>
      %swap3A_374 = arith.constant 0 : i32
      %swap3A_375 = arith.index_cast %swap3A_374 : i32 to index
      %swap3A_376 = arith.constant 48 : index
      %swap3A_377 = tpu.vector_load %arg9[%swap3A_375, %swap3A_376] {strides = array<i32>} : memref<1x80xf32, #tpu.memory_space<vmem>>, vector<16xf32>,
      tpu.vector_store %arg9[%swap3A_375, %swap3A_376], %mul3A_373 {strides = array<i32>} : memref<1x80xf32, #tpu.memory_space<vmem>>, vector<16xf32>,
      %broadcast_in_dim3A_378 = arith.constant 0 : i32
      %broadcast_in_dim3A_379 = vector.broadcast %broadcast_in_dim3A_378 : i32 to vector<16xi32>
      %gather3A = tpu.vector_load_idx %arg9[%broadcast_in_dim3A_0, %broadcast_in_dim3A_379] : memref<1x80xf32, #tpu.memory_space<vmem>>[vector<16xi32>, vector<16xi32>], vector<16xf32>,
      %swap3A_380 = arith.constant 0 : i32
      %swap3A_381 = arith.index_cast %swap3A_380 : i32 to index
      %swap3A_382 = arith.constant 0 : index
      %swap3A_383 = tpu.vector_load %arg10[%swap3A_381, %swap3A_382] {strides = array<i32>} : memref<64x128xf32, #tpu.memory_space<vmem>>, vector<16xf32>,
      tpu.vector_store %arg10[%swap3A_381, %swap3A_382], %gather3A {strides = array<i32>} : memref<64x128xf32, #tpu.memory_space<vmem>>, vector<16xf32>,
      %swap3A_384 = arith.constant 0 : i32
      %swap3A_385 = arith.index_cast %swap3A_384 : i32 to index
      %swap3A_386 = arith.constant 16 : index
      %swap3A_387 = tpu.vector_load %arg10[%swap3A_385, %swap3A_386] {strides = array<i32>} : memref<64x128xf32, #tpu.memory_space<vmem>>, vector<16xf32>,
      tpu.vector_store %arg10[%swap3A_385, %swap3A_386], %gather3A {strides = array<i32>} : memref<64x128xf32, #tpu.memory_space<vmem>>, vector<16xf32>,
      %swap3A_388 = arith.constant 0 : i32
      %swap3A_389 = arith.index_cast %swap3A_388 : i32 to index
      %swap3A_390 = arith.constant 32 : index
      %swap3A_391 = tpu.vector_load %arg10[%swap3A_389, %swap3A_390] {strides = array<i32>} : memref<64x128xf32, #tpu.memory_space<vmem>>, vector<16xf32>,
      tpu.vector_store %arg10[%swap3A_389, %swap3A_390], %gather3A {strides = array<i32>} : memref<64x128xf32, #tpu.memory_space<vmem>>, vector<16xf32>,
      %swap3A_392 = arith.constant 0 : i32
      %swap3A_393 = arith.index_cast %swap3A_392 : i32 to index
      %swap3A_394 = arith.constant 48 : index
      %swap3A_395 = tpu.vector_load %arg10[%swap3A_393, %swap3A_394] {strides = array<i32>} : memref<64x128xf32, #tpu.memory_space<vmem>>, vector<16xf32>,
      tpu.vector_store %arg10[%swap3A_393, %swap3A_394], %gather3A {strides = array<i32>} : memref<64x128xf32, #tpu.memory_space<vmem>>, vector<16xf32>,
      %swap3A_396 = arith.constant 0 : i32
      %swap3A_397 = arith.index_cast %swap3A_396 : i32 to index
      %swap3A_398 = arith.constant 64 : index
      %swap3A_399 = tpu.vector_load %arg10[%swap3A_397, %swap3A_398] {strides = array<i32>} : memref<64x128xf32, #tpu.memory_space<vmem>>, vector<16xf32>,
      tpu.vector_store %arg10[%swap3A_397, %swap3A_398], %gather3A {strides = array<i32>} : memref<64x128xf32, #tpu.memory_space<vmem>>, vector<16xf32>,
      %swap3A_400 = arith.constant 0 : i32
      %swap3A_401 = arith.index_cast %swap3A_400 : i32 to index
      %swap3A_402 = arith.constant 80 : index
      %swap3A_403 = tpu.vector_load %arg10[%swap3A_401, %swap3A_402] {strides = array<i32>} : memref<64x128xf32, #tpu.memory_space<vmem>>, vector<16xf32>,
      tpu.vector_store %arg10[%swap3A_401, %swap3A_402], %gather3A {strides = array<i32>} : memref<64x128xf32, #tpu.memory_space<vmem>>, vector<16xf32>,
      %swap3A_404 = arith.constant 0 : i32
      %swap3A_405 = arith.index_cast %swap3A_404 : i32 to index
      %swap3A_406 = arith.constant 96 : index
      %swap3A_407 = tpu.vector_load %arg10[%swap3A_405, %swap3A_406] {strides = array<i32>} : memref<64x128xf32, #tpu.memory_space<vmem>>, vector<16xf32>,
      tpu.vector_store %arg10[%swap3A_405, %swap3A_406], %gather3A {strides = array<i32>} : memref<64x128xf32, #tpu.memory_space<vmem>>, vector<16xf32>,
      %swap3A_408 = arith.constant 0 : i32
      %swap3A_409 = arith.index_cast %swap3A_408 : i32 to index
      %swap3A_410 = arith.constant 112 : index
      %swap3A_411 = tpu.vector_load %arg10[%swap3A_409, %swap3A_410] {strides = array<i32>} : memref<64x128xf32, #tpu.memory_space<vmem>>, vector<16xf32>,
      tpu.vector_store %arg10[%swap3A_409, %swap3A_410], %gather3A {strides = array<i32>} : memref<64x128xf32, #tpu.memory_space<vmem>>, vector<16xf32>,
      %broadcast_in_dim3A_412 = arith.constant 1 : i32
      %broadcast_in_dim3A_413 = vector.broadcast %broadcast_in_dim3A_412 : i32 to vector<16xi32>
      %gather3A_414 = tpu.vector_load_idx %arg9[%broadcast_in_dim3A_0, %broadcast_in_dim3A_413] : memref<1x80xf32, #tpu.memory_space<vmem>>[vector<16xi32>, vector<16xi32>], vector<16xf32>,
      %swap3A_415 = arith.constant 1 : i32
      %swap3A_416 = arith.index_cast %swap3A_415 : i32 to index
      %swap3A_417 = arith.constant 0 : index
      %swap3A_418 = tpu.vector_load %arg10[%swap3A_416, %swap3A_417] {strides = array<i32>} : memref<64x128xf32, #tpu.memory_space<vmem>>, vector<16xf32>,
      tpu.vector_store %arg10[%swap3A_416, %swap3A_417], %gather3A_414 {strides = array<i32>} : memref<64x128xf32, #tpu.memory_space<vmem>>, vector<16xf32>,
      %swap3A_419 = arith.constant 1 : i32
      %swap3A_420 = arith.index_cast %swap3A_419 : i32 to index
      %swap3A_421 = arith.constant 16 : index
      %swap3A_422 = tpu.vector_load %arg10[%swap3A_420, %swap3A_421] {strides = array<i32>} : memref<64x128xf32, #tpu.memory_space<vmem>>, vector<16xf32>,
      tpu.vector_store %arg10[%swap3A_420, %swap3A_421], %gather3A_414 {strides = array<i32>} : memref<64x128xf32, #tpu.memory_space<vmem>>, vector<16xf32>,
      %swap3A_423 = arith.constant 1 : i32
      %swap3A_424 = arith.index_cast %swap3A_423 : i32 to index
      %swap3A_425 = arith.constant 32 : index
      %swap3A_426 = tpu.vector_load %arg10[%swap3A_424, %swap3A_425] {strides = array<i32>} : memref<64x128xf32, #tpu.memory_space<vmem>>, vector<16xf32>,
      tpu.vector_store %arg10[%swap3A_424, %swap3A_425], %gather3A_414 {strides = array<i32>} : memref<64x128xf32, #tpu.memory_space<vmem>>, vector<16xf32>,
      %swap3A_427 = arith.constant 1 : i32
      %swap3A_428 = arith.index_cast %swap3A_427 : i32 to index
      %swap3A_429 = arith.constant 48 : index
      %swap3A_430 = tpu.vector_load %arg10[%swap3A_428, %swap3A_429] {strides = array<i32>} : memref<64x128xf32, #tpu.memory_space<vmem>>, vector<16xf32>,
      tpu.vector_store %arg10[%swap3A_428, %swap3A_429], %gather3A_414 {strides = array<i32>} : memref<64x128xf32, #tpu.memory_space<vmem>>, vector<16xf32>,
      %swap3A_431 = arith.constant 1 : i32
      %swap3A_432 = arith.index_cast %swap3A_431 : i32 to index
      %swap3A_433 = arith.constant 64 : index
      %swap3A_434 = tpu.vector_load %arg10[%swap3A_432, %swap3A_433] {strides = array<i32>} : memref<64x128xf32, #tpu.memory_space<vmem>>, vector<16xf32>,
      tpu.vector_store %arg10[%swap3A_432, %swap3A_433], %gather3A_414 {strides = array<i32>} : memref<64x128xf32, #tpu.memory_space<vmem>>, vector<16xf32>,
      %swap3A_435 = arith.constant 1 : i32
      %swap3A_436 = arith.index_cast %swap3A_435 : i32 to index
      %swap3A_437 = arith.constant 80 : index
      %swap3A_438 = tpu.vector_load %arg10[%swap3A_436, %swap3A_437] {strides = array<i32>} : memref<64x128xf32, #tpu.memory_space<vmem>>, vector<16xf32>,
      tpu.vector_store %arg10[%swap3A_436, %swap3A_437], %gather3A_414 {strides = array<i32>} : memref<64x128xf32, #tpu.memory_space<vmem>>, vector<16xf32>,
      %swap3A_439 = arith.constant 1 : i32
      %swap3A_440 = arith.index_cast %swap3A_439 : i32 to index
      %swap3A_441 = arith.constant 96 : index
      %swap3A_442 = tpu.vector_load %arg10[%swap3A_440, %swap3A_441] {strides = array<i32>} : memref<64x128xf32, #tpu.memory_space<vmem>>, vector<16xf32>,
      tpu.vector_store %arg10[%swap3A_440, %swap3A_441], %gather3A_414 {strides = array<i32>} : memref<64x128xf32, #tpu.memory_space<vmem>>, vector<16xf32>,
      %swap3A_443 = arith.constant 1 : i32
      %swap3A_444 = arith.index_cast %swap3A_443 : i32 to index
      %swap3A_445 = arith.constant 112 : index
      %swap3A_446 = tpu.vector_load %arg10[%swap3A_444, %swap3A_445] {strides = array<i32>} : memref<64x128xf32, #tpu.memory_space<vmem>>, vector<16xf32>,
      tpu.vector_store %arg10[%swap3A_444, %swap3A_445], %gather3A_414 {strides = array<i32>} : memref<64x128xf32, #tpu.memory_space<vmem>>, vector<16xf32>,
      %broadcast_in_dim3A_447 = arith.constant 2 : i32
      %broadcast_in_dim3A_448 = vector.broadcast %broadcast_in_dim3A_447 : i32 to vector<16xi32>
      %gather3A_449 = tpu.vector_load_idx %arg9[%broadcast_in_dim3A_0, %broadcast_in_dim3A_448] : memref<1x80xf32, #tpu.memory_space<vmem>>[vector<16xi32>, vector<16xi32>], vector<16xf32>,
      %swap3A_450 = arith.constant 2 : i32
      %swap3A_451 = arith.index_cast %swap3A_450 : i32 to index
      %swap3A_452 = arith.constant 0 : index
      %swap3A_453 = tpu.vector_load %arg10[%swap3A_451, %swap3A_452] {strides = array<i32>} : memref<64x128xf32, #tpu.memory_space<vmem>>, vector<16xf32>,
      tpu.vector_store %arg10[%swap3A_451, %swap3A_452], %gather3A_449 {strides = array<i32>} : memref<64x128xf32, #tpu.memory_space<vmem>>, vector<16xf32>,
      %swap3A_454 = arith.constant 2 : i32
      %swap3A_455 = arith.index_cast %swap3A_454 : i32 to index
      %swap3A_456 = arith.constant 16 : index
      %swap3A_457 = tpu.vector_load %arg10[%swap3A_455, %swap3A_456] {strides = array<i32>} : memref<64x128xf32, #tpu.memory_space<vmem>>, vector<16xf32>,
      tpu.vector_store %arg10[%swap3A_455, %swap3A_456], %gather3A_449 {strides = array<i32>} : memref<64x128xf32, #tpu.memory_space<vmem>>, vector<16xf32>,
      %swap3A_458 = arith.constant 2 : i32
      %swap3A_459 = arith.index_cast %swap3A_458 : i32 to index
      %swap3A_460 = arith.constant 32 : index
      %swap3A_461 = tpu.vector_load %arg10[%swap3A_459, %swap3A_460] {strides = array<i32>} : memref<64x128xf32, #tpu.memory_space<vmem>>, vector<16xf32>,
      tpu.vector_store %arg10[%swap3A_459, %swap3A_460], %gather3A_449 {strides = array<i32>} : memref<64x128xf32, #tpu.memory_space<vmem>>, vector<16xf32>,
      %swap3A_462 = arith.constant 2 : i32
      %swap3A_463 = arith.index_cast %swap3A_462 : i32 to index
      %swap3A_464 = arith.constant 48 : index
      %swap3A_465 = tpu.vector_load %arg10[%swap3A_463, %swap3A_464] {strides = array<i32>} : memref<64x128xf32, #tpu.memory_space<vmem>>, vector<16xf32>,
      tpu.vector_store %arg10[%swap3A_463, %swap3A_464], %gather3A_449 {strides = array<i32>} : memref<64x128xf32, #tpu.memory_space<vmem>>, vector<16xf32>,
      %swap3A_466 = arith.constant 2 : i32
      %swap3A_467 = arith.index_cast %swap3A_466 : i32 to index
      %swap3A_468 = arith.constant 64 : index
      %swap3A_469 = tpu.vector_load %arg10[%swap3A_467, %swap3A_468] {strides = array<i32>} : memref<64x128xf32, #tpu.memory_space<vmem>>, vector<16xf32>,
      tpu.vector_store %arg10[%swap3A_467, %swap3A_468], %gather3A_449 {strides = array<i32>} : memref<64x128xf32, #tpu.memory_space<vmem>>, vector<16xf32>,
      %swap3A_470 = arith.constant 2 : i32
      %swap3A_471 = arith.index_cast %swap3A_470 : i32 to index
      %swap3A_472 = arith.constant 80 : index
      %swap3A_473 = tpu.vector_load %arg10[%swap3A_471, %swap3A_472] {strides = array<i32>} : memref<64x128xf32, #tpu.memory_space<vmem>>, vector<16xf32>,
      tpu.vector_store %arg10[%swap3A_471, %swap3A_472], %gather3A_449 {strides = array<i32>} : memref<64x128xf32, #tpu.memory_space<vmem>>, vector<16xf32>,
      %swap3A_474 = arith.constant 2 : i32
      %swap3A_475 = arith.index_cast %swap3A_474 : i32 to index
      %swap3A_476 = arith.constant 96 : index
      %swap3A_477 = tpu.vector_load %arg10[%swap3A_475, %swap3A_476] {strides = array<i32>} : memref<64x128xf32, #tpu.memory_space<vmem>>, vector<16xf32>,
      tpu.vector_store %arg10[%swap3A_475, %swap3A_476], %gather3A_449 {strides = array<i32>} : memref<64x128xf32, #tpu.memory_space<vmem>>, vector<16xf32>,
      %swap3A_478 = arith.constant 2 : i32
      %swap3A_479 = arith.index_cast %swap3A_478 : i32 to index
      %swap3A_480 = arith.constant 112 : index
      %swap3A_481 = tpu.vector_load %arg10[%swap3A_479, %swap3A_480] {strides = array<i32>} : memref<64x128xf32, #tpu.memory_space<vmem>>, vector<16xf32>,
      tpu.vector_store %arg10[%swap3A_479, %swap3A_480], %gather3A_449 {strides = array<i32>} : memref<64x128xf32, #tpu.memory_space<vmem>>, vector<16xf32>,
      %broadcast_in_dim3A_482 = arith.constant 3 : i32
      %broadcast_in_dim3A_483 = vector.broadcast %broadcast_in_dim3A_482 : i32 to vector<16xi32>
      %gather3A_484 = tpu.vector_load_idx %arg9[%broadcast_in_dim3A_0, %broadcast_in_dim3A_483] : memref<1x80xf32, #tpu.memory_space<vmem>>[vector<16xi32>, vector<16xi32>], vector<16xf32>,
      %swap3A_485 = arith.constant 3 : i32
      %swap3A_486 = arith.index_cast %swap3A_485 : i32 to index
      %swap3A_487 = arith.constant 0 : index
      %swap3A_488 = tpu.vector_load %arg10[%swap3A_486, %swap3A_487] {strides = array<i32>} : memref<64x128xf32, #tpu.memory_space<vmem>>, vector<16xf32>,
      tpu.vector_store %arg10[%swap3A_486, %swap3A_487], %gather3A_484 {strides = array<i32>} : memref<64x128xf32, #tpu.memory_space<vmem>>, vector<16xf32>,
      %swap3A_489 = arith.constant 3 : i32
      %swap3A_490 = arith.index_cast %swap3A_489 : i32 to index
      %swap3A_491 = arith.constant 16 : index
      %swap3A_492 = tpu.vector_load %arg10[%swap3A_490, %swap3A_491] {strides = array<i32>} : memref<64x128xf32, #tpu.memory_space<vmem>>, vector<16xf32>,
      tpu.vector_store %arg10[%swap3A_490, %swap3A_491], %gather3A_484 {strides = array<i32>} : memref<64x128xf32, #tpu.memory_space<vmem>>, vector<16xf32>,
      %swap3A_493 = arith.constant 3 : i32
      %swap3A_494 = arith.index_cast %swap3A_493 : i32 to index
      %swap3A_495 = arith.constant 32 : index
      %swap3A_496 = tpu.vector_load %arg10[%swap3A_494, %swap3A_495] {strides = array<i32>} : memref<64x128xf32, #tpu.memory_space<vmem>>, vector<16xf32>,
      tpu.vector_store %arg10[%swap3A_494, %swap3A_495], %gather3A_484 {strides = array<i32>} : memref<64x128xf32, #tpu.memory_space<vmem>>, vector<16xf32>,
      %swap3A_497 = arith.constant 3 : i32
      %swap3A_498 = arith.index_cast %swap3A_497 : i32 to index
      %swap3A_499 = arith.constant 48 : index
      %swap3A_500 = tpu.vector_load %arg10[%swap3A_498, %swap3A_499] {strides = array<i32>} : memref<64x128xf32, #tpu.memory_space<vmem>>, vector<16xf32>,
      tpu.vector_store %arg10[%swap3A_498, %swap3A_499], %gather3A_484 {strides = array<i32>} : memref<64x128xf32, #tpu.memory_space<vmem>>, vector<16xf32>,
      %swap3A_501 = arith.constant 3 : i32
      %swap3A_502 = arith.index_cast %swap3A_501 : i32 to index
      %swap3A_503 = arith.constant 64 : index
      %swap3A_504 = tpu.vector_load %arg10[%swap3A_502, %swap3A_503] {strides = array<i32>} : memref<64x128xf32, #tpu.memory_space<vmem>>, vector<16xf32>,
      tpu.vector_store %arg10[%swap3A_502, %swap3A_503], %gather3A_484 {strides = array<i32>} : memref<64x128xf32, #tpu.memory_space<vmem>>, vector<16xf32>,
      %swap3A_505 = arith.constant 3 : i32
      %swap3A_506 = arith.index_cast %swap3A_505 : i32 to index
      %swap3A_507 = arith.constant 80 : index
      %swap3A_508 = tpu.vector_load %arg10[%swap3A_506, %swap3A_507] {strides = array<i32>} : memref<64x128xf32, #tpu.memory_space<vmem>>, vector<16xf32>,
      tpu.vector_store %arg10[%swap3A_506, %swap3A_507], %gather3A_484 {strides = array<i32>} : memref<64x128xf32, #tpu.memory_space<vmem>>, vector<16xf32>,
      %swap3A_509 = arith.constant 3 : i32
      %swap3A_510 = arith.index_cast %swap3A_509 : i32 to index
      %swap3A_511 = arith.constant 96 : index
      %swap3A_512 = tpu.vector_load %arg10[%swap3A_510, %swap3A_511] {strides = array<i32>} : memref<64x128xf32, #tpu.memory_space<vmem>>, vector<16xf32>,
      tpu.vector_store %arg10[%swap3A_510, %swap3A_511], %gather3A_484 {strides = array<i32>} : memref<64x128xf32, #tpu.memory_space<vmem>>, vector<16xf32>,
      %swap3A_513 = arith.constant 3 : i32
      %swap3A_514 = arith.index_cast %swap3A_513 : i32 to index
      %swap3A_515 = arith.constant 112 : index
      %swap3A_516 = tpu.vector_load %arg10[%swap3A_514, %swap3A_515] {strides = array<i32>} : memref<64x128xf32, #tpu.memory_space<vmem>>, vector<16xf32>,
      tpu.vector_store %arg10[%swap3A_514, %swap3A_515], %gather3A_484 {strides = array<i32>} : memref<64x128xf32, #tpu.memory_space<vmem>>, vector<16xf32>,
      %broadcast_in_dim3A_517 = arith.constant 4 : i32
      %broadcast_in_dim3A_518 = vector.broadcast %broadcast_in_dim3A_517 : i32 to vector<16xi32>
      %gather3A_519 = tpu.vector_load_idx %arg9[%broadcast_in_dim3A_0, %broadcast_in_dim3A_518] : memref<1x80xf32, #tpu.memory_space<vmem>>[vector<16xi32>, vector<16xi32>], vector<16xf32>,
      %swap3A_520 = arith.constant 4 : i32
      %swap3A_521 = arith.index_cast %swap3A_520 : i32 to index
      %swap3A_522 = arith.constant 0 : index
      %swap3A_523 = tpu.vector_load %arg10[%swap3A_521, %swap3A_522] {strides = array<i32>} : memref<64x128xf32, #tpu.memory_space<vmem>>, vector<16xf32>,
      tpu.vector_store %arg10[%swap3A_521, %swap3A_522], %gather3A_519 {strides = array<i32>} : memref<64x128xf32, #tpu.memory_space<vmem>>, vector<16xf32>,
      %swap3A_524 = arith.constant 4 : i32
      %swap3A_525 = arith.index_cast %swap3A_524 : i32 to index
      %swap3A_526 = arith.constant 16 : index
      %swap3A_527 = tpu.vector_load %arg10[%swap3A_525, %swap3A_526] {strides = array<i32>} : memref<64x128xf32, #tpu.memory_space<vmem>>, vector<16xf32>,
      tpu.vector_store %arg10[%swap3A_525, %swap3A_526], %gather3A_519 {strides = array<i32>} : memref<64x128xf32, #tpu.memory_space<vmem>>, vector<16xf32>,
      %swap3A_528 = arith.constant 4 : i32
      %swap3A_529 = arith.index_cast %swap3A_528 : i32 to index
      %swap3A_530 = arith.constant 32 : index
      %swap3A_531 = tpu.vector_load %arg10[%swap3A_529, %swap3A_530] {strides = array<i32>} : memref<64x128xf32, #tpu.memory_space<vmem>>, vector<16xf32>,
      tpu.vector_store %arg10[%swap3A_529, %swap3A_530], %gather3A_519 {strides = array<i32>} : memref<64x128xf32, #tpu.memory_space<vmem>>, vector<16xf32>,
      %swap3A_532 = arith.constant 4 : i32
      %swap3A_533 = arith.index_cast %swap3A_532 : i32 to index
      %swap3A_534 = arith.constant 48 : index
      %swap3A_535 = tpu.vector_load %arg10[%swap3A_533, %swap3A_534] {strides = array<i32>} : memref<64x128xf32, #tpu.memory_space<vmem>>, vector<16xf32>,
      tpu.vector_store %arg10[%swap3A_533, %swap3A_534], %gather3A_519 {strides = array<i32>} : memref<64x128xf32, #tpu.memory_space<vmem>>, vector<16xf32>,
      %swap3A_536 = arith.constant 4 : i32
      %swap3A_537 = arith.index_cast %swap3A_536 : i32 to index
      %swap3A_538 = arith.constant 64 : index
      %swap3A_539 = tpu.vector_load %arg10[%swap3A_537, %swap3A_538] {strides = array<i32>} : memref<64x128xf32, #tpu.memory_space<vmem>>, vector<16xf32>,
      tpu.vector_store %arg10[%swap3A_537, %swap3A_538], %gather3A_519 {strides = array<i32>} : memref<64x128xf32, #tpu.memory_space<vmem>>, vector<16xf32>,
      %swap3A_540 = arith.constant 4 : i32
      %swap3A_541 = arith.index_cast %swap3A_540 : i32 to index
      %swap3A_542 = arith.constant 80 : index
      %swap3A_543 = tpu.vector_load %arg10[%swap3A_541, %swap3A_542] {strides = array<i32>} : memref<64x128xf32, #tpu.memory_space<vmem>>, vector<16xf32>,
      tpu.vector_store %arg10[%swap3A_541, %swap3A_542], %gather3A_519 {strides = array<i32>} : memref<64x128xf32, #tpu.memory_space<vmem>>, vector<16xf32>,
      %swap3A_544 = arith.constant 4 : i32
      %swap3A_545 = arith.index_cast %swap3A_544 : i32 to index
      %swap3A_546 = arith.constant 96 : index
      %swap3A_547 = tpu.vector_load %arg10[%swap3A_545, %swap3A_546] {strides = array<i32>} : memref<64x128xf32, #tpu.memory_space<vmem>>, vector<16xf32>,
      tpu.vector_store %arg10[%swap3A_545, %swap3A_546], %gather3A_519 {strides = array<i32>} : memref<64x128xf32, #tpu.memory_space<vmem>>, vector<16xf32>,
      %swap3A_548 = arith.constant 4 : i32
      %swap3A_549 = arith.index_cast %swap3A_548 : i32 to index
      %swap3A_550 = arith.constant 112 : index
      %swap3A_551 = tpu.vector_load %arg10[%swap3A_549, %swap3A_550] {strides = array<i32>} : memref<64x128xf32, #tpu.memory_space<vmem>>, vector<16xf32>,
      tpu.vector_store %arg10[%swap3A_549, %swap3A_550], %gather3A_519 {strides = array<i32>} : memref<64x128xf32, #tpu.memory_space<vmem>>, vector<16xf32>,
      %broadcast_in_dim3A_552 = arith.constant 5 : i32
      %broadcast_in_dim3A_553 = vector.broadcast %broadcast_in_dim3A_552 : i32 to vector<16xi32>
      %gather3A_554 = tpu.vector_load_idx %arg9[%broadcast_in_dim3A_0, %broadcast_in_dim3A_553] : memref<1x80xf32, #tpu.memory_space<vmem>>[vector<16xi32>, vector<16xi32>], vector<16xf32>,
      %swap3A_555 = arith.constant 5 : i32
      %swap3A_556 = arith.index_cast %swap3A_555 : i32 to index
      %swap3A_557 = arith.constant 0 : index
      %swap3A_558 = tpu.vector_load %arg10[%swap3A_556, %swap3A_557] {strides = array<i32>} : memref<64x128xf32, #tpu.memory_space<vmem>>, vector<16xf32>,
      tpu.vector_store %arg10[%swap3A_556, %swap3A_557], %gather3A_554 {strides = array<i32>} : memref<64x128xf32, #tpu.memory_space<vmem>>, vector<16xf32>,
      %swap3A_559 = arith.constant 5 : i32
      %swap3A_560 = arith.index_cast %swap3A_559 : i32 to index
      %swap3A_561 = arith.constant 16 : index
      %swap3A_562 = tpu.vector_load %arg10[%swap3A_560, %swap3A_561] {strides = array<i32>} : memref<64x128xf32, #tpu.memory_space<vmem>>, vector<16xf32>,
      tpu.vector_store %arg10[%swap3A_560, %swap3A_561], %gather3A_554 {strides = array<i32>} : memref<64x128xf32, #tpu.memory_space<vmem>>, vector<16xf32>,
      %swap3A_563 = arith.constant 5 : i32
      %swap3A_564 = arith.index_cast %swap3A_563 : i32 to index
      %swap3A_565 = arith.constant 32 : index
      %swap3A_566 = tpu.vector_load %arg10[%swap3A_564, %swap3A_565] {strides = array<i32>} : memref<64x128xf32, #tpu.memory_space<vmem>>, vector<16xf32>,
      tpu.vector_store %arg10[%swap3A_564, %swap3A_565], %gather3A_554 {strides = array<i32>} : memref<64x128xf32, #tpu.memory_space<vmem>>, vector<16xf32>,
      %swap3A_567 = arith.constant 5 : i32
      %swap3A_568 = arith.index_cast %swap3A_567 : i32 to index
      %swap3A_569 = arith.constant 48 : index
      %swap3A_570 = tpu.vector_load %arg10[%swap3A_568, %swap3A_569] {strides = array<i32>} : memref<64x128xf32, #tpu.memory_space<vmem>>, vector<16xf32>,
      tpu.vector_store %arg10[%swap3A_568, %swap3A_569], %gather3A_554 {strides = array<i32>} : memref<64x128xf32, #tpu.memory_space<vmem>>, vector<16xf32>,
      %swap3A_571 = arith.constant 5 : i32
      %swap3A_572 = arith.index_cast %swap3A_571 : i32 to index
      %swap3A_573 = arith.constant 64 : index
      %swap3A_574 = tpu.vector_load %arg10[%swap3A_572, %swap3A_573] {strides = array<i32>} : memref<64x128xf32, #tpu.memory_space<vmem>>, vector<16xf32>,
      tpu.vector_store %arg10[%swap3A_572, %swap3A_573], %gather3A_554 {strides = array<i32>} : memref<64x128xf32, #tpu.memory_space<vmem>>, vector<16xf32>,
      %swap3A_575 = arith.constant 5 : i32
      %swap3A_576 = arith.index_cast %swap3A_575 : i32 to index
      %swap3A_577 = arith.constant 80 : index
      %swap3A_578 = tpu.vector_load %arg10[%swap3A_576, %swap3A_577] {strides = array<i32>} : memref<64x128xf32, #tpu.memory_space<vmem>>, vector<16xf32>,
      tpu.vector_store %arg10[%swap3A_576, %swap3A_577], %gather3A_554 {strides = array<i32>} : memref<64x128xf32, #tpu.memory_space<vmem>>, vector<16xf32>,
      %swap3A_579 = arith.constant 5 : i32
      %swap3A_580 = arith.index_cast %swap3A_579 : i32 to index
      %swap3A_581 = arith.constant 96 : index
      %swap3A_582 = tpu.vector_load %arg10[%swap3A_580, %swap3A_581] {strides = array<i32>} : memref<64x128xf32, #tpu.memory_space<vmem>>, vector<16xf32>,
      tpu.vector_store %arg10[%swap3A_580, %swap3A_581], %gather3A_554 {strides = array<i32>} : memref<64x128xf32, #tpu.memory_space<vmem>>, vector<16xf32>,
      %swap3A_583 = arith.constant 5 : i32
      %swap3A_584 = arith.index_cast %swap3A_583 : i32 to index
      %swap3A_585 = arith.constant 112 : index
      %swap3A_586 = tpu.vector_load %arg10[%swap3A_584, %swap3A_585] {strides = array<i32>} : memref<64x128xf32, #tpu.memory_space<vmem>>, vector<16xf32>,
      tpu.vector_store %arg10[%swap3A_584, %swap3A_585], %gather3A_554 {strides = array<i32>} : memref<64x128xf32, #tpu.memory_space<vmem>>, vector<16xf32>,
      %broadcast_in_dim3A_587 = arith.constant 6 : i32
      %broadcast_in_dim3A_588 = vector.broadcast %broadcast_in_dim3A_587 : i32 to vector<16xi32>
      %gather3A_589 = tpu.vector_load_idx %arg9[%broadcast_in_dim3A_0, %broadcast_in_dim3A_588] : memref<1x80xf32, #tpu.memory_space<vmem>>[vector<16xi32>, vector<16xi32>], vector<16xf32>,
      %swap3A_590 = arith.constant 6 : i32
      %swap3A_591 = arith.index_cast %swap3A_590 : i32 to index
      %swap3A_592 = arith.constant 0 : index
      %swap3A_593 = tpu.vector_load %arg10[%swap3A_591, %swap3A_592] {strides = array<i32>} : memref<64x128xf32, #tpu.memory_space<vmem>>, vector<16xf32>,
      tpu.vector_store %arg10[%swap3A_591, %swap3A_592], %gather3A_589 {strides = array<i32>} : memref<64x128xf32, #tpu.memory_space<vmem>>, vector<16xf32>,
      %swap3A_594 = arith.constant 6 : i32
      %swap3A_595 = arith.index_cast %swap3A_594 : i32 to index
      %swap3A_596 = arith.constant 16 : index
      %swap3A_597 = tpu.vector_load %arg10[%swap3A_595, %swap3A_596] {strides = array<i32>} : memref<64x128xf32, #tpu.memory_space<vmem>>, vector<16xf32>,
      tpu.vector_store %arg10[%swap3A_595, %swap3A_596], %gather3A_589 {strides = array<i32>} : memref<64x128xf32, #tpu.memory_space<vmem>>, vector<16xf32>,
      %swap3A_598 = arith.constant 6 : i32
      %swap3A_599 = arith.index_cast %swap3A_598 : i32 to index
      %swap3A_600 = arith.constant 32 : index
      %swap3A_601 = tpu.vector_load %arg10[%swap3A_599, %swap3A_600] {strides = array<i32>} : memref<64x128xf32, #tpu.memory_space<vmem>>, vector<16xf32>,
      tpu.vector_store %arg10[%swap3A_599, %swap3A_600], %gather3A_589 {strides = array<i32>} : memref<64x128xf32, #tpu.memory_space<vmem>>, vector<16xf32>,
      %swap3A_602 = arith.constant 6 : i32
      %swap3A_603 = arith.index_cast %swap3A_602 : i32 to index
      %swap3A_604 = arith.constant 48 : index
      %swap3A_605 = tpu.vector_load %arg10[%swap3A_603, %swap3A_604] {strides = array<i32>} : memref<64x128xf32, #tpu.memory_space<vmem>>, vector<16xf32>,
      tpu.vector_store %arg10[%swap3A_603, %swap3A_604], %gather3A_589 {strides = array<i32>} : memref<64x128xf32, #tpu.memory_space<vmem>>, vector<16xf32>,
      %swap3A_606 = arith.constant 6 : i32
      %swap3A_607 = arith.index_cast %swap3A_606 : i32 to index
      %swap3A_608 = arith.constant 64 : index
      %swap3A_609 = tpu.vector_load %arg10[%swap3A_607, %swap3A_608] {strides = array<i32>} : memref<64x128xf32, #tpu.memory_space<vmem>>, vector<16xf32>,
      tpu.vector_store %arg10[%swap3A_607, %swap3A_608], %gather3A_589 {strides = array<i32>} : memref<64x128xf32, #tpu.memory_space<vmem>>, vector<16xf32>,
      %swap3A_610 = arith.constant 6 : i32
      %swap3A_611 = arith.index_cast %swap3A_610 : i32 to index
      %swap3A_612 = arith.constant 80 : index
      %swap3A_613 = tpu.vector_load %arg10[%swap3A_611, %swap3A_612] {strides = array<i32>} : memref<64x128xf32, #tpu.memory_space<vmem>>, vector<16xf32>,
      tpu.vector_store %arg10[%swap3A_611, %swap3A_612], %gather3A_589 {strides = array<i32>} : memref<64x128xf32, #tpu.memory_space<vmem>>, vector<16xf32>,
      %swap3A_614 = arith.constant 6 : i32
      %swap3A_615 = arith.index_cast %swap3A_614 : i32 to index
      %swap3A_616 = arith.constant 96 : index
      %swap3A_617 = tpu.vector_load %arg10[%swap3A_615, %swap3A_616] {strides = array<i32>} : memref<64x128xf32, #tpu.memory_space<vmem>>, vector<16xf32>,
      tpu.vector_store %arg10[%swap3A_615, %swap3A_616], %gather3A_589 {strides = array<i32>} : memref<64x128xf32, #tpu.memory_space<vmem>>, vector<16xf32>,
      %swap3A_618 = arith.constant 6 : i32
      %swap3A_619 = arith.index_cast %swap3A_618 : i32 to index
      %swap3A_620 = arith.constant 112 : index
      %swap3A_621 = tpu.vector_load %arg10[%swap3A_619, %swap3A_620] {strides = array<i32>} : memref<64x128xf32, #tpu.memory_space<vmem>>, vector<16xf32>,
      tpu.vector_store %arg10[%swap3A_619, %swap3A_620], %gather3A_589 {strides = array<i32>} : memref<64x128xf32, #tpu.memory_space<vmem>>, vector<16xf32>,
      %broadcast_in_dim3A_622 = arith.constant 7 : i32
      %broadcast_in_dim3A_623 = vector.broadcast %broadcast_in_dim3A_622 : i32 to vector<16xi32>
      %gather3A_624 = tpu.vector_load_idx %arg9[%broadcast_in_dim3A_0, %broadcast_in_dim3A_623] : memref<1x80xf32, #tpu.memory_space<vmem>>[vector<16xi32>, vector<16xi32>], vector<16xf32>,
      %swap3A_625 = arith.constant 7 : i32
      %swap3A_626 = arith.index_cast %swap3A_625 : i32 to index
      %swap3A_627 = arith.constant 0 : index
      %swap3A_628 = tpu.vector_load %arg10[%swap3A_626, %swap3A_627] {strides = array<i32>} : memref<64x128xf32, #tpu.memory_space<vmem>>, vector<16xf32>,
      tpu.vector_store %arg10[%swap3A_626, %swap3A_627], %gather3A_624 {strides = array<i32>} : memref<64x128xf32, #tpu.memory_space<vmem>>, vector<16xf32>,
      %swap3A_629 = arith.constant 7 : i32
      %swap3A_630 = arith.index_cast %swap3A_629 : i32 to index
      %swap3A_631 = arith.constant 16 : index
      %swap3A_632 = tpu.vector_load %arg10[%swap3A_630, %swap3A_631] {strides = array<i32>} : memref<64x128xf32, #tpu.memory_space<vmem>>, vector<16xf32>,
      tpu.vector_store %arg10[%swap3A_630, %swap3A_631], %gather3A_624 {strides = array<i32>} : memref<64x128xf32, #tpu.memory_space<vmem>>, vector<16xf32>,
      %swap3A_633 = arith.constant 7 : i32
      %swap3A_634 = arith.index_cast %swap3A_633 : i32 to index
      %swap3A_635 = arith.constant 32 : index
      %swap3A_636 = tpu.vector_load %arg10[%swap3A_634, %swap3A_635] {strides = array<i32>} : memref<64x128xf32, #tpu.memory_space<vmem>>, vector<16xf32>,
      tpu.vector_store %arg10[%swap3A_634, %swap3A_635], %gather3A_624 {strides = array<i32>} : memref<64x128xf32, #tpu.memory_space<vmem>>, vector<16xf32>,
      %swap3A_637 = arith.constant 7 : i32
      %swap3A_638 = arith.index_cast %swap3A_637 : i32 to index
      %swap3A_639 = arith.constant 48 : index
      %swap3A_640 = tpu.vector_load %arg10[%swap3A_638, %swap3A_639] {strides = array<i32>} : memref<64x128xf32, #tpu.memory_space<vmem>>, vector<16xf32>,
      tpu.vector_store %arg10[%swap3A_638, %swap3A_639], %gather3A_624 {strides = array<i32>} : memref<64x128xf32, #tpu.memory_space<vmem>>, vector<16xf32>,
      %swap3A_641 = arith.constant 7 : i32
      %swap3A_642 = arith.index_cast %swap3A_641 : i32 to index
      %swap3A_643 = arith.constant 64 : index
      %swap3A_644 = tpu.vector_load %arg10[%swap3A_642, %swap3A_643] {strides = array<i32>} : memref<64x128xf32, #tpu.memory_space<vmem>>, vector<16xf32>,
      tpu.vector_store %arg10[%swap3A_642, %swap3A_643], %gather3A_624 {strides = array<i32>} : memref<64x128xf32, #tpu.memory_space<vmem>>, vector<16xf32>,
      %swap3A_645 = arith.constant 7 : i32
      %swap3A_646 = arith.index_cast %swap3A_645 : i32 to index
      %swap3A_647 = arith.constant 80 : index
      %swap3A_648 = tpu.vector_load %arg10[%swap3A_646, %swap3A_647] {strides = array<i32>} : memref<64x128xf32, #tpu.memory_space<vmem>>, vector<16xf32>,
      tpu.vector_store %arg10[%swap3A_646, %swap3A_647], %gather3A_624 {strides = array<i32>} : memref<64x128xf32, #tpu.memory_space<vmem>>, vector<16xf32>,
      %swap3A_649 = arith.constant 7 : i32
      %swap3A_650 = arith.index_cast %swap3A_649 : i32 to index
      %swap3A_651 = arith.constant 96 : index
      %swap3A_652 = tpu.vector_load %arg10[%swap3A_650, %swap3A_651] {strides = array<i32>} : memref<64x128xf32, #tpu.memory_space<vmem>>, vector<16xf32>,
      tpu.vector_store %arg10[%swap3A_650, %swap3A_651], %gather3A_624 {strides = array<i32>} : memref<64x128xf32, #tpu.memory_space<vmem>>, vector<16xf32>,
      %swap3A_653 = arith.constant 7 : i32
      %swap3A_654 = arith.index_cast %swap3A_653 : i32 to index
      %swap3A_655 = arith.constant 112 : index
      %swap3A_656 = tpu.vector_load %arg10[%swap3A_654, %swap3A_655] {strides = array<i32>} : memref<64x128xf32, #tpu.memory_space<vmem>>, vector<16xf32>,
      tpu.vector_store %arg10[%swap3A_654, %swap3A_655], %gather3A_624 {strides = array<i32>} : memref<64x128xf32, #tpu.memory_space<vmem>>, vector<16xf32>,
      %broadcast_in_dim3A_657 = arith.constant 8 : i32
      %broadcast_in_dim3A_658 = vector.broadcast %broadcast_in_dim3A_657 : i32 to vector<16xi32>
      %gather3A_659 = tpu.vector_load_idx %arg9[%broadcast_in_dim3A_0, %broadcast_in_dim3A_658] : memref<1x80xf32, #tpu.memory_space<vmem>>[vector<16xi32>, vector<16xi32>], vector<16xf32>,
      %swap3A_660 = arith.constant 8 : i32
      %swap3A_661 = arith.index_cast %swap3A_660 : i32 to index
      %swap3A_662 = arith.constant 0 : index
      %swap3A_663 = tpu.vector_load %arg10[%swap3A_661, %swap3A_662] {strides = array<i32>} : memref<64x128xf32, #tpu.memory_space<vmem>>, vector<16xf32>,
      tpu.vector_store %arg10[%swap3A_661, %swap3A_662], %gather3A_659 {strides = array<i32>} : memref<64x128xf32, #tpu.memory_space<vmem>>, vector<16xf32>,
      %swap3A_664 = arith.constant 8 : i32
      %swap3A_665 = arith.index_cast %swap3A_664 : i32 to index
      %swap3A_666 = arith.constant 16 : index
      %swap3A_667 = tpu.vector_load %arg10[%swap3A_665, %swap3A_666] {strides = array<i32>} : memref<64x128xf32, #tpu.memory_space<vmem>>, vector<16xf32>,
      tpu.vector_store %arg10[%swap3A_665, %swap3A_666], %gather3A_659 {strides = array<i32>} : memref<64x128xf32, #tpu.memory_space<vmem>>, vector<16xf32>,
      %swap3A_668 = arith.constant 8 : i32
      %swap3A_669 = arith.index_cast %swap3A_668 : i32 to index
      %swap3A_670 = arith.constant 32 : index
      %swap3A_671 = tpu.vector_load %arg10[%swap3A_669, %swap3A_670] {strides = array<i32>} : memref<64x128xf32, #tpu.memory_space<vmem>>, vector<16xf32>,
      tpu.vector_store %arg10[%swap3A_669, %swap3A_670], %gather3A_659 {strides = array<i32>} : memref<64x128xf32, #tpu.memory_space<vmem>>, vector<16xf32>,
      %swap3A_672 = arith.constant 8 : i32
      %swap3A_673 = arith.index_cast %swap3A_672 : i32 to index
      %swap3A_674 = arith.constant 48 : index
      %swap3A_675 = tpu.vector_load %arg10[%swap3A_673, %swap3A_674] {strides = array<i32>} : memref<64x128xf32, #tpu.memory_space<vmem>>, vector<16xf32>,
      tpu.vector_store %arg10[%swap3A_673, %swap3A_674], %gather3A_659 {strides = array<i32>} : memref<64x128xf32, #tpu.memory_space<vmem>>, vector<16xf32>,
      %swap3A_676 = arith.constant 8 : i32
      %swap3A_677 = arith.index_cast %swap3A_676 : i32 to index
      %swap3A_678 = arith.constant 64 : index
      %swap3A_679 = tpu.vector_load %arg10[%swap3A_677, %swap3A_678] {strides = array<i32>} : memref<64x128xf32, #tpu.memory_space<vmem>>, vector<16xf32>,
      tpu.vector_store %arg10[%swap3A_677, %swap3A_678], %gather3A_659 {strides = array<i32>} : memref<64x128xf32, #tpu.memory_space<vmem>>, vector<16xf32>,
      %swap3A_680 = arith.constant 8 : i32
      %swap3A_681 = arith.index_cast %swap3A_680 : i32 to index
      %swap3A_682 = arith.constant 80 : index
      %swap3A_683 = tpu.vector_load %arg10[%swap3A_681, %swap3A_682] {strides = array<i32>} : memref<64x128xf32, #tpu.memory_space<vmem>>, vector<16xf32>,
      tpu.vector_store %arg10[%swap3A_681, %swap3A_682], %gather3A_659 {strides = array<i32>} : memref<64x128xf32, #tpu.memory_space<vmem>>, vector<16xf32>,
      %swap3A_684 = arith.constant 8 : i32
      %swap3A_685 = arith.index_cast %swap3A_684 : i32 to index
      %swap3A_686 = arith.constant 96 : index
      %swap3A_687 = tpu.vector_load %arg10[%swap3A_685, %swap3A_686] {strides = array<i32>} : memref<64x128xf32, #tpu.memory_space<vmem>>, vector<16xf32>,
      tpu.vector_store %arg10[%swap3A_685, %swap3A_686], %gather3A_659 {strides = array<i32>} : memref<64x128xf32, #tpu.memory_space<vmem>>, vector<16xf32>,
      %swap3A_688 = arith.constant 8 : i32
      %swap3A_689 = arith.index_cast %swap3A_688 : i32 to index
      %swap3A_690 = arith.constant 112 : index
      %swap3A_691 = tpu.vector_load %arg10[%swap3A_689, %swap3A_690] {strides = array<i32>} : memref<64x128xf32, #tpu.memory_space<vmem>>, vector<16xf32>,
      tpu.vector_store %arg10[%swap3A_689, %swap3A_690], %gather3A_659 {strides = array<i32>} : memref<64x128xf32, #tpu.memory_space<vmem>>, vector<16xf32>,
      %broadcast_in_dim3A_692 = arith.constant 9 : i32
      %broadcast_in_dim3A_693 = vector.broadcast %broadcast_in_dim3A_692 : i32 to vector<16xi32>
      %gather3A_694 = tpu.vector_load_idx %arg9[%broadcast_in_dim3A_0, %broadcast_in_dim3A_693] : memref<1x80xf32, #tpu.memory_space<vmem>>[vector<16xi32>, vector<16xi32>], vector<16xf32>,
      %swap3A_695 = arith.constant 9 : i32
      %swap3A_696 = arith.index_cast %swap3A_695 : i32 to index
      %swap3A_697 = arith.constant 0 : index
      %swap3A_698 = tpu.vector_load %arg10[%swap3A_696, %swap3A_697] {strides = array<i32>} : memref<64x128xf32, #tpu.memory_space<vmem>>, vector<16xf32>,
      tpu.vector_store %arg10[%swap3A_696, %swap3A_697], %gather3A_694 {strides = array<i32>} : memref<64x128xf32, #tpu.memory_space<vmem>>, vector<16xf32>,
      %swap3A_699 = arith.constant 9 : i32
      %swap3A_700 = arith.index_cast %swap3A_699 : i32 to index
      %swap3A_701 = arith.constant 16 : index
      %swap3A_702 = tpu.vector_load %arg10[%swap3A_700, %swap3A_701] {strides = array<i32>} : memref<64x128xf32, #tpu.memory_space<vmem>>, vector<16xf32>,
      tpu.vector_store %arg10[%swap3A_700, %swap3A_701], %gather3A_694 {strides = array<i32>} : memref<64x128xf32, #tpu.memory_space<vmem>>, vector<16xf32>,
      %swap3A_703 = arith.constant 9 : i32
      %swap3A_704 = arith.index_cast %swap3A_703 : i32 to index
      %swap3A_705 = arith.constant 32 : index
      %swap3A_706 = tpu.vector_load %arg10[%swap3A_704, %swap3A_705] {strides = array<i32>} : memref<64x128xf32, #tpu.memory_space<vmem>>, vector<16xf32>,
      tpu.vector_store %arg10[%swap3A_704, %swap3A_705], %gather3A_694 {strides = array<i32>} : memref<64x128xf32, #tpu.memory_space<vmem>>, vector<16xf32>,
      %swap3A_707 = arith.constant 9 : i32
      %swap3A_708 = arith.index_cast %swap3A_707 : i32 to index
      %swap3A_709 = arith.constant 48 : index
      %swap3A_710 = tpu.vector_load %arg10[%swap3A_708, %swap3A_709] {strides = array<i32>} : memref<64x128xf32, #tpu.memory_space<vmem>>, vector<16xf32>,
      tpu.vector_store %arg10[%swap3A_708, %swap3A_709], %gather3A_694 {strides = array<i32>} : memref<64x128xf32, #tpu.memory_space<vmem>>, vector<16xf32>,
      %swap3A_711 = arith.constant 9 : i32
      %swap3A_712 = arith.index_cast %swap3A_711 : i32 to index
      %swap3A_713 = arith.constant 64 : index
      %swap3A_714 = tpu.vector_load %arg10[%swap3A_712, %swap3A_713] {strides = array<i32>} : memref<64x128xf32, #tpu.memory_space<vmem>>, vector<16xf32>,
      tpu.vector_store %arg10[%swap3A_712, %swap3A_713], %gather3A_694 {strides = array<i32>} : memref<64x128xf32, #tpu.memory_space<vmem>>, vector<16xf32>,
      %swap3A_715 = arith.constant 9 : i32
      %swap3A_716 = arith.index_cast %swap3A_715 : i32 to index
      %swap3A_717 = arith.constant 80 : index
      %swap3A_718 = tpu.vector_load %arg10[%swap3A_716, %swap3A_717] {strides = array<i32>} : memref<64x128xf32, #tpu.memory_space<vmem>>, vector<16xf32>,
      tpu.vector_store %arg10[%swap3A_716, %swap3A_717], %gather3A_694 {strides = array<i32>} : memref<64x128xf32, #tpu.memory_space<vmem>>, vector<16xf32>,
      %swap3A_719 = arith.constant 9 : i32
      %swap3A_720 = arith.index_cast %swap3A_719 : i32 to index
      %swap3A_721 = arith.constant 96 : index
      %swap3A_722 = tpu.vector_load %arg10[%swap3A_720, %swap3A_721] {strides = array<i32>} : memref<64x128xf32, #tpu.memory_space<vmem>>, vector<16xf32>,
      tpu.vector_store %arg10[%swap3A_720, %swap3A_721], %gather3A_694 {strides = array<i32>} : memref<64x128xf32, #tpu.memory_space<vmem>>, vector<16xf32>,
      %swap3A_723 = arith.constant 9 : i32
      %swap3A_724 = arith.index_cast %swap3A_723 : i32 to index
      %swap3A_725 = arith.constant 112 : index
      %swap3A_726 = tpu.vector_load %arg10[%swap3A_724, %swap3A_725] {strides = array<i32>} : memref<64x128xf32, #tpu.memory_space<vmem>>, vector<16xf32>,
      tpu.vector_store %arg10[%swap3A_724, %swap3A_725], %gather3A_694 {strides = array<i32>} : memref<64x128xf32, #tpu.memory_space<vmem>>, vector<16xf32>,
      %broadcast_in_dim3A_727 = arith.constant 10 : i32
      %broadcast_in_dim3A_728 = vector.broadcast %broadcast_in_dim3A_727 : i32 to vector<16xi32>
      %gather3A_729 = tpu.vector_load_idx %arg9[%broadcast_in_dim3A_0, %broadcast_in_dim3A_728] : memref<1x80xf32, #tpu.memory_space<vmem>>[vector<16xi32>, vector<16xi32>], vector<16xf32>,
      %swap3A_730 = arith.constant 10 : i32
      %swap3A_731 = arith.index_cast %swap3A_730 : i32 to index
      %swap3A_732 = arith.constant 0 : index
      %swap3A_733 = tpu.vector_load %arg10[%swap3A_731, %swap3A_732] {strides = array<i32>} : memref<64x128xf32, #tpu.memory_space<vmem>>, vector<16xf32>,
      tpu.vector_store %arg10[%swap3A_731, %swap3A_732], %gather3A_729 {strides = array<i32>} : memref<64x128xf32, #tpu.memory_space<vmem>>, vector<16xf32>,
      %swap3A_734 = arith.constant 10 : i32
      %swap3A_735 = arith.index_cast %swap3A_734 : i32 to index
      %swap3A_736 = arith.constant 16 : index
      %swap3A_737 = tpu.vector_load %arg10[%swap3A_735, %swap3A_736] {strides = array<i32>} : memref<64x128xf32, #tpu.memory_space<vmem>>, vector<16xf32>,
      tpu.vector_store %arg10[%swap3A_735, %swap3A_736], %gather3A_729 {strides = array<i32>} : memref<64x128xf32, #tpu.memory_space<vmem>>, vector<16xf32>,
      %swap3A_738 = arith.constant 10 : i32
      %swap3A_739 = arith.index_cast %swap3A_738 : i32 to index
      %swap3A_740 = arith.constant 32 : index
      %swap3A_741 = tpu.vector_load %arg10[%swap3A_739, %swap3A_740] {strides = array<i32>} : memref<64x128xf32, #tpu.memory_space<vmem>>, vector<16xf32>,
      tpu.vector_store %arg10[%swap3A_739, %swap3A_740], %gather3A_729 {strides = array<i32>} : memref<64x128xf32, #tpu.memory_space<vmem>>, vector<16xf32>,
      %swap3A_742 = arith.constant 10 : i32
      %swap3A_743 = arith.index_cast %swap3A_742 : i32 to index
      %swap3A_744 = arith.constant 48 : index
      %swap3A_745 = tpu.vector_load %arg10[%swap3A_743, %swap3A_744] {strides = array<i32>} : memref<64x128xf32, #tpu.memory_space<vmem>>, vector<16xf32>,
      tpu.vector_store %arg10[%swap3A_743, %swap3A_744], %gather3A_729 {strides = array<i32>} : memref<64x128xf32, #tpu.memory_space<vmem>>, vector<16xf32>,
      %swap3A_746 = arith.constant 10 : i32
      %swap3A_747 = arith.index_cast %swap3A_746 : i32 to index
      %swap3A_748 = arith.constant 64 : index
      %swap3A_749 = tpu.vector_load %arg10[%swap3A_747, %swap3A_748] {strides = array<i32>} : memref<64x128xf32, #tpu.memory_space<vmem>>, vector<16xf32>,
      tpu.vector_store %arg10[%swap3A_747, %swap3A_748], %gather3A_729 {strides = array<i32>} : memref<64x128xf32, #tpu.memory_space<vmem>>, vector<16xf32>,
      %swap3A_750 = arith.constant 10 : i32
      %swap3A_751 = arith.index_cast %swap3A_750 : i32 to index
      %swap3A_752 = arith.constant 80 : index
      %swap3A_753 = tpu.vector_load %arg10[%swap3A_751, %swap3A_752] {strides = array<i32>} : memref<64x128xf32, #tpu.memory_space<vmem>>, vector<16xf32>,
      tpu.vector_store %arg10[%swap3A_751, %swap3A_752], %gather3A_729 {strides = array<i32>} : memref<64x128xf32, #tpu.memory_space<vmem>>, vector<16xf32>,
      %swap3A_754 = arith.constant 10 : i32
      %swap3A_755 = arith.index_cast %swap3A_754 : i32 to index
      %swap3A_756 = arith.constant 96 : index
      %swap3A_757 = tpu.vector_load %arg10[%swap3A_755, %swap3A_756] {strides = array<i32>} : memref<64x128xf32, #tpu.memory_space<vmem>>, vector<16xf32>,
      tpu.vector_store %arg10[%swap3A_755, %swap3A_756], %gather3A_729 {strides = array<i32>} : memref<64x128xf32, #tpu.memory_space<vmem>>, vector<16xf32>,
      %swap3A_758 = arith.constant 10 : i32
      %swap3A_759 = arith.index_cast %swap3A_758 : i32 to index
      %swap3A_760 = arith.constant 112 : index
      %swap3A_761 = tpu.vector_load %arg10[%swap3A_759, %swap3A_760] {strides = array<i32>} : memref<64x128xf32, #tpu.memory_space<vmem>>, vector<16xf32>,
      tpu.vector_store %arg10[%swap3A_759, %swap3A_760], %gather3A_729 {strides = array<i32>} : memref<64x128xf32, #tpu.memory_space<vmem>>, vector<16xf32>,
      %broadcast_in_dim3A_762 = arith.constant 11 : i32
      %broadcast_in_dim3A_763 = vector.broadcast %broadcast_in_dim3A_762 : i32 to vector<16xi32>
      %gather3A_764 = tpu.vector_load_idx %arg9[%broadcast_in_dim3A_0, %broadcast_in_dim3A_763] : memref<1x80xf32, #tpu.memory_space<vmem>>[vector<16xi32>, vector<16xi32>], vector<16xf32>,
      %swap3A_765 = arith.constant 11 : i32
      %swap3A_766 = arith.index_cast %swap3A_765 : i32 to index
      %swap3A_767 = arith.constant 0 : index
      %swap3A_768 = tpu.vector_load %arg10[%swap3A_766, %swap3A_767] {strides = array<i32>} : memref<64x128xf32, #tpu.memory_space<vmem>>, vector<16xf32>,
      tpu.vector_store %arg10[%swap3A_766, %swap3A_767], %gather3A_764 {strides = array<i32>} : memref<64x128xf32, #tpu.memory_space<vmem>>, vector<16xf32>,
      %swap3A_769 = arith.constant 11 : i32
      %swap3A_770 = arith.index_cast %swap3A_769 : i32 to index
      %swap3A_771 = arith.constant 16 : index
      %swap3A_772 = tpu.vector_load %arg10[%swap3A_770, %swap3A_771] {strides = array<i32>} : memref<64x128xf32, #tpu.memory_space<vmem>>, vector<16xf32>,
      tpu.vector_store %arg10[%swap3A_770, %swap3A_771], %gather3A_764 {strides = array<i32>} : memref<64x128xf32, #tpu.memory_space<vmem>>, vector<16xf32>,
      %swap3A_773 = arith.constant 11 : i32
      %swap3A_774 = arith.index_cast %swap3A_773 : i32 to index
      %swap3A_775 = arith.constant 32 : index
      %swap3A_776 = tpu.vector_load %arg10[%swap3A_774, %swap3A_775] {strides = array<i32>} : memref<64x128xf32, #tpu.memory_space<vmem>>, vector<16xf32>,
      tpu.vector_store %arg10[%swap3A_774, %swap3A_775], %gather3A_764 {strides = array<i32>} : memref<64x128xf32, #tpu.memory_space<vmem>>, vector<16xf32>,
      %swap3A_777 = arith.constant 11 : i32
      %swap3A_778 = arith.index_cast %swap3A_777 : i32 to index
      %swap3A_779 = arith.constant 48 : index
      %swap3A_780 = tpu.vector_load %arg10[%swap3A_778, %swap3A_779] {strides = array<i32>} : memref<64x128xf32, #tpu.memory_space<vmem>>, vector<16xf32>,
      tpu.vector_store %arg10[%swap3A_778, %swap3A_779], %gather3A_764 {strides = array<i32>} : memref<64x128xf32, #tpu.memory_space<vmem>>, vector<16xf32>,
      %swap3A_781 = arith.constant 11 : i32
      %swap3A_782 = arith.index_cast %swap3A_781 : i32 to index
      %swap3A_783 = arith.constant 64 : index
      %swap3A_784 = tpu.vector_load %arg10[%swap3A_782, %swap3A_783] {strides = array<i32>} : memref<64x128xf32, #tpu.memory_space<vmem>>, vector<16xf32>,
      tpu.vector_store %arg10[%swap3A_782, %swap3A_783], %gather3A_764 {strides = array<i32>} : memref<64x128xf32, #tpu.memory_space<vmem>>, vector<16xf32>,
      %swap3A_785 = arith.constant 11 : i32
      %swap3A_786 = arith.index_cast %swap3A_785 : i32 to index
      %swap3A_787 = arith.constant 80 : index
      %swap3A_788 = tpu.vector_load %arg10[%swap3A_786, %swap3A_787] {strides = array<i32>} : memref<64x128xf32, #tpu.memory_space<vmem>>, vector<16xf32>,
      tpu.vector_store %arg10[%swap3A_786, %swap3A_787], %gather3A_764 {strides = array<i32>} : memref<64x128xf32, #tpu.memory_space<vmem>>, vector<16xf32>,
      %swap3A_789 = arith.constant 11 : i32
      %swap3A_790 = arith.index_cast %swap3A_789 : i32 to index
      %swap3A_791 = arith.constant 96 : index
      %swap3A_792 = tpu.vector_load %arg10[%swap3A_790, %swap3A_791] {strides = array<i32>} : memref<64x128xf32, #tpu.memory_space<vmem>>, vector<16xf32>,
      tpu.vector_store %arg10[%swap3A_790, %swap3A_791], %gather3A_764 {strides = array<i32>} : memref<64x128xf32, #tpu.memory_space<vmem>>, vector<16xf32>,
      %swap3A_793 = arith.constant 11 : i32
      %swap3A_794 = arith.index_cast %swap3A_793 : i32 to index
      %swap3A_795 = arith.constant 112 : index
      %swap3A_796 = tpu.vector_load %arg10[%swap3A_794, %swap3A_795] {strides = array<i32>} : memref<64x128xf32, #tpu.memory_space<vmem>>, vector<16xf32>,
      tpu.vector_store %arg10[%swap3A_794, %swap3A_795], %gather3A_764 {strides = array<i32>} : memref<64x128xf32, #tpu.memory_space<vmem>>, vector<16xf32>,
      %broadcast_in_dim3A_797 = arith.constant 12 : i32
      %broadcast_in_dim3A_798 = vector.broadcast %broadcast_in_dim3A_797 : i32 to vector<16xi32>
      %gather3A_799 = tpu.vector_load_idx %arg9[%broadcast_in_dim3A_0, %broadcast_in_dim3A_798] : memref<1x80xf32, #tpu.memory_space<vmem>>[vector<16xi32>, vector<16xi32>], vector<16xf32>,
      %swap3A_800 = arith.constant 12 : i32
      %swap3A_801 = arith.index_cast %swap3A_800 : i32 to index
      %swap3A_802 = arith.constant 0 : index
      %swap3A_803 = tpu.vector_load %arg10[%swap3A_801, %swap3A_802] {strides = array<i32>} : memref<64x128xf32, #tpu.memory_space<vmem>>, vector<16xf32>,
      tpu.vector_store %arg10[%swap3A_801, %swap3A_802], %gather3A_799 {strides = array<i32>} : memref<64x128xf32, #tpu.memory_space<vmem>>, vector<16xf32>,
      %swap3A_804 = arith.constant 12 : i32
      %swap3A_805 = arith.index_cast %swap3A_804 : i32 to index
      %swap3A_806 = arith.constant 16 : index
      %swap3A_807 = tpu.vector_load %arg10[%swap3A_805, %swap3A_806] {strides = array<i32>} : memref<64x128xf32, #tpu.memory_space<vmem>>, vector<16xf32>,
      tpu.vector_store %arg10[%swap3A_805, %swap3A_806], %gather3A_799 {strides = array<i32>} : memref<64x128xf32, #tpu.memory_space<vmem>>, vector<16xf32>,
      %swap3A_808 = arith.constant 12 : i32
      %swap3A_809 = arith.index_cast %swap3A_808 : i32 to index
      %swap3A_810 = arith.constant 32 : index
      %swap3A_811 = tpu.vector_load %arg10[%swap3A_809, %swap3A_810] {strides = array<i32>} : memref<64x128xf32, #tpu.memory_space<vmem>>, vector<16xf32>,
      tpu.vector_store %arg10[%swap3A_809, %swap3A_810], %gather3A_799 {strides = array<i32>} : memref<64x128xf32, #tpu.memory_space<vmem>>, vector<16xf32>,
      %swap3A_812 = arith.constant 12 : i32
      %swap3A_813 = arith.index_cast %swap3A_812 : i32 to index
      %swap3A_814 = arith.constant 48 : index
      %swap3A_815 = tpu.vector_load %arg10[%swap3A_813, %swap3A_814] {strides = array<i32>} : memref<64x128xf32, #tpu.memory_space<vmem>>, vector<16xf32>,
      tpu.vector_store %arg10[%swap3A_813, %swap3A_814], %gather3A_799 {strides = array<i32>} : memref<64x128xf32, #tpu.memory_space<vmem>>, vector<16xf32>,
      %swap3A_816 = arith.constant 12 : i32
      %swap3A_817 = arith.index_cast %swap3A_816 : i32 to index
      %swap3A_818 = arith.constant 64 : index
      %swap3A_819 = tpu.vector_load %arg10[%swap3A_817, %swap3A_818] {strides = array<i32>} : memref<64x128xf32, #tpu.memory_space<vmem>>, vector<16xf32>,
      tpu.vector_store %arg10[%swap3A_817, %swap3A_818], %gather3A_799 {strides = array<i32>} : memref<64x128xf32, #tpu.memory_space<vmem>>, vector<16xf32>,
      %swap3A_820 = arith.constant 12 : i32
      %swap3A_821 = arith.index_cast %swap3A_820 : i32 to index
      %swap3A_822 = arith.constant 80 : index
      %swap3A_823 = tpu.vector_load %arg10[%swap3A_821, %swap3A_822] {strides = array<i32>} : memref<64x128xf32, #tpu.memory_space<vmem>>, vector<16xf32>,
      tpu.vector_store %arg10[%swap3A_821, %swap3A_822], %gather3A_799 {strides = array<i32>} : memref<64x128xf32, #tpu.memory_space<vmem>>, vector<16xf32>,
      %swap3A_824 = arith.constant 12 : i32
      %swap3A_825 = arith.index_cast %swap3A_824 : i32 to index
      %swap3A_826 = arith.constant 96 : index
      %swap3A_827 = tpu.vector_load %arg10[%swap3A_825, %swap3A_826] {strides = array<i32>} : memref<64x128xf32, #tpu.memory_space<vmem>>, vector<16xf32>,
      tpu.vector_store %arg10[%swap3A_825, %swap3A_826], %gather3A_799 {strides = array<i32>} : memref<64x128xf32, #tpu.memory_space<vmem>>, vector<16xf32>,
      %swap3A_828 = arith.constant 12 : i32
      %swap3A_829 = arith.index_cast %swap3A_828 : i32 to index
      %swap3A_830 = arith.constant 112 : index
      %swap3A_831 = tpu.vector_load %arg10[%swap3A_829, %swap3A_830] {strides = array<i32>} : memref<64x128xf32, #tpu.memory_space<vmem>>, vector<16xf32>,
      tpu.vector_store %arg10[%swap3A_829, %swap3A_830], %gather3A_799 {strides = array<i32>} : memref<64x128xf32, #tpu.memory_space<vmem>>, vector<16xf32>,
      %broadcast_in_dim3A_832 = arith.constant 13 : i32
      %broadcast_in_dim3A_833 = vector.broadcast %broadcast_in_dim3A_832 : i32 to vector<16xi32>
      %gather3A_834 = tpu.vector_load_idx %arg9[%broadcast_in_dim3A_0, %broadcast_in_dim3A_833] : memref<1x80xf32, #tpu.memory_space<vmem>>[vector<16xi32>, vector<16xi32>], vector<16xf32>,
      %swap3A_835 = arith.constant 13 : i32
      %swap3A_836 = arith.index_cast %swap3A_835 : i32 to index
      %swap3A_837 = arith.constant 0 : index
      %swap3A_838 = tpu.vector_load %arg10[%swap3A_836, %swap3A_837] {strides = array<i32>} : memref<64x128xf32, #tpu.memory_space<vmem>>, vector<16xf32>,
      tpu.vector_store %arg10[%swap3A_836, %swap3A_837], %gather3A_834 {strides = array<i32>} : memref<64x128xf32, #tpu.memory_space<vmem>>, vector<16xf32>,
      %swap3A_839 = arith.constant 13 : i32
      %swap3A_840 = arith.index_cast %swap3A_839 : i32 to index
      %swap3A_841 = arith.constant 16 : index
      %swap3A_842 = tpu.vector_load %arg10[%swap3A_840, %swap3A_841] {strides = array<i32>} : memref<64x128xf32, #tpu.memory_space<vmem>>, vector<16xf32>,
      tpu.vector_store %arg10[%swap3A_840, %swap3A_841], %gather3A_834 {strides = array<i32>} : memref<64x128xf32, #tpu.memory_space<vmem>>, vector<16xf32>,
      %swap3A_843 = arith.constant 13 : i32
      %swap3A_844 = arith.index_cast %swap3A_843 : i32 to index
      %swap3A_845 = arith.constant 32 : index
      %swap3A_846 = tpu.vector_load %arg10[%swap3A_844, %swap3A_845] {strides = array<i32>} : memref<64x128xf32, #tpu.memory_space<vmem>>, vector<16xf32>,
      tpu.vector_store %arg10[%swap3A_844, %swap3A_845], %gather3A_834 {strides = array<i32>} : memref<64x128xf32, #tpu.memory_space<vmem>>, vector<16xf32>,
      %swap3A_847 = arith.constant 13 : i32
      %swap3A_848 = arith.index_cast %swap3A_847 : i32 to index
      %swap3A_849 = arith.constant 48 : index
      %swap3A_850 = tpu.vector_load %arg10[%swap3A_848, %swap3A_849] {strides = array<i32>} : memref<64x128xf32, #tpu.memory_space<vmem>>, vector<16xf32>,
      tpu.vector_store %arg10[%swap3A_848, %swap3A_849], %gather3A_834 {strides = array<i32>} : memref<64x128xf32, #tpu.memory_space<vmem>>, vector<16xf32>,
      %swap3A_851 = arith.constant 13 : i32
      %swap3A_852 = arith.index_cast %swap3A_851 : i32 to index
      %swap3A_853 = arith.constant 64 : index
      %swap3A_854 = tpu.vector_load %arg10[%swap3A_852, %swap3A_853] {strides = array<i32>} : memref<64x128xf32, #tpu.memory_space<vmem>>, vector<16xf32>,
      tpu.vector_store %arg10[%swap3A_852, %swap3A_853], %gather3A_834 {strides = array<i32>} : memref<64x128xf32, #tpu.memory_space<vmem>>, vector<16xf32>,
      %swap3A_855 = arith.constant 13 : i32
      %swap3A_856 = arith.index_cast %swap3A_855 : i32 to index
      %swap3A_857 = arith.constant 80 : index
      %swap3A_858 = tpu.vector_load %arg10[%swap3A_856, %swap3A_857] {strides = array<i32>} : memref<64x128xf32, #tpu.memory_space<vmem>>, vector<16xf32>,
      tpu.vector_store %arg10[%swap3A_856, %swap3A_857], %gather3A_834 {strides = array<i32>} : memref<64x128xf32, #tpu.memory_space<vmem>>, vector<16xf32>,
      %swap3A_859 = arith.constant 13 : i32
      %swap3A_860 = arith.index_cast %swap3A_859 : i32 to index
      %swap3A_861 = arith.constant 96 : index
      %swap3A_862 = tpu.vector_load %arg10[%swap3A_860, %swap3A_861] {strides = array<i32>} : memref<64x128xf32, #tpu.memory_space<vmem>>, vector<16xf32>,
      tpu.vector_store %arg10[%swap3A_860, %swap3A_861], %gather3A_834 {strides = array<i32>} : memref<64x128xf32, #tpu.memory_space<vmem>>, vector<16xf32>,
      %swap3A_863 = arith.constant 13 : i32
      %swap3A_864 = arith.index_cast %swap3A_863 : i32 to index
      %swap3A_865 = arith.constant 112 : index
      %swap3A_866 = tpu.vector_load %arg10[%swap3A_864, %swap3A_865] {strides = array<i32>} : memref<64x128xf32, #tpu.memory_space<vmem>>, vector<16xf32>,
      tpu.vector_store %arg10[%swap3A_864, %swap3A_865], %gather3A_834 {strides = array<i32>} : memref<64x128xf32, #tpu.memory_space<vmem>>, vector<16xf32>,
      %broadcast_in_dim3A_867 = arith.constant 14 : i32
      %broadcast_in_dim3A_868 = vector.broadcast %broadcast_in_dim3A_867 : i32 to vector<16xi32>
      %gather3A_869 = tpu.vector_load_idx %arg9[%broadcast_in_dim3A_0, %broadcast_in_dim3A_868] : memref<1x80xf32, #tpu.memory_space<vmem>>[vector<16xi32>, vector<16xi32>], vector<16xf32>,
      %swap3A_870 = arith.constant 14 : i32
      %swap3A_871 = arith.index_cast %swap3A_870 : i32 to index
      %swap3A_872 = arith.constant 0 : index
      %swap3A_873 = tpu.vector_load %arg10[%swap3A_871, %swap3A_872] {strides = array<i32>} : memref<64x128xf32, #tpu.memory_space<vmem>>, vector<16xf32>,
      tpu.vector_store %arg10[%swap3A_871, %swap3A_872], %gather3A_869 {strides = array<i32>} : memref<64x128xf32, #tpu.memory_space<vmem>>, vector<16xf32>,
      %swap3A_874 = arith.constant 14 : i32
      %swap3A_875 = arith.index_cast %swap3A_874 : i32 to index
      %swap3A_876 = arith.constant 16 : index
      %swap3A_877 = tpu.vector_load %arg10[%swap3A_875, %swap3A_876] {strides = array<i32>} : memref<64x128xf32, #tpu.memory_space<vmem>>, vector<16xf32>,
      tpu.vector_store %arg10[%swap3A_875, %swap3A_876], %gather3A_869 {strides = array<i32>} : memref<64x128xf32, #tpu.memory_space<vmem>>, vector<16xf32>,
      %swap3A_878 = arith.constant 14 : i32
      %swap3A_879 = arith.index_cast %swap3A_878 : i32 to index
      %swap3A_880 = arith.constant 32 : index
      %swap3A_881 = tpu.vector_load %arg10[%swap3A_879, %swap3A_880] {strides = array<i32>} : memref<64x128xf32, #tpu.memory_space<vmem>>, vector<16xf32>,
      tpu.vector_store %arg10[%swap3A_879, %swap3A_880], %gather3A_869 {strides = array<i32>} : memref<64x128xf32, #tpu.memory_space<vmem>>, vector<16xf32>,
      %swap3A_882 = arith.constant 14 : i32
      %swap3A_883 = arith.index_cast %swap3A_882 : i32 to index
      %swap3A_884 = arith.constant 48 : index
      %swap3A_885 = tpu.vector_load %arg10[%swap3A_883, %swap3A_884] {strides = array<i32>} : memref<64x128xf32, #tpu.memory_space<vmem>>, vector<16xf32>,
      tpu.vector_store %arg10[%swap3A_883, %swap3A_884], %gather3A_869 {strides = array<i32>} : memref<64x128xf32, #tpu.memory_space<vmem>>, vector<16xf32>,
      %swap3A_886 = arith.constant 14 : i32
      %swap3A_887 = arith.index_cast %swap3A_886 : i32 to index
      %swap3A_888 = arith.constant 64 : index
      %swap3A_889 = tpu.vector_load %arg10[%swap3A_887, %swap3A_888] {strides = array<i32>} : memref<64x128xf32, #tpu.memory_space<vmem>>, vector<16xf32>,
      tpu.vector_store %arg10[%swap3A_887, %swap3A_888], %gather3A_869 {strides = array<i32>} : memref<64x128xf32, #tpu.memory_space<vmem>>, vector<16xf32>,
      %swap3A_890 = arith.constant 14 : i32
      %swap3A_891 = arith.index_cast %swap3A_890 : i32 to index
      %swap3A_892 = arith.constant 80 : index
      %swap3A_893 = tpu.vector_load %arg10[%swap3A_891, %swap3A_892] {strides = array<i32>} : memref<64x128xf32, #tpu.memory_space<vmem>>, vector<16xf32>,
      tpu.vector_store %arg10[%swap3A_891, %swap3A_892], %gather3A_869 {strides = array<i32>} : memref<64x128xf32, #tpu.memory_space<vmem>>, vector<16xf32>,
      %swap3A_894 = arith.constant 14 : i32
      %swap3A_895 = arith.index_cast %swap3A_894 : i32 to index
      %swap3A_896 = arith.constant 96 : index
      %swap3A_897 = tpu.vector_load %arg10[%swap3A_895, %swap3A_896] {strides = array<i32>} : memref<64x128xf32, #tpu.memory_space<vmem>>, vector<16xf32>,
      tpu.vector_store %arg10[%swap3A_895, %swap3A_896], %gather3A_869 {strides = array<i32>} : memref<64x128xf32, #tpu.memory_space<vmem>>, vector<16xf32>,
      %swap3A_898 = arith.constant 14 : i32
      %swap3A_899 = arith.index_cast %swap3A_898 : i32 to index
      %swap3A_900 = arith.constant 112 : index
      %swap3A_901 = tpu.vector_load %arg10[%swap3A_899, %swap3A_900] {strides = array<i32>} : memref<64x128xf32, #tpu.memory_space<vmem>>, vector<16xf32>,
      tpu.vector_store %arg10[%swap3A_899, %swap3A_900], %gather3A_869 {strides = array<i32>} : memref<64x128xf32, #tpu.memory_space<vmem>>, vector<16xf32>,
      %broadcast_in_dim3A_902 = arith.constant 15 : i32
      %broadcast_in_dim3A_903 = vector.broadcast %broadcast_in_dim3A_902 : i32 to vector<16xi32>
      %gather3A_904 = tpu.vector_load_idx %arg9[%broadcast_in_dim3A_0, %broadcast_in_dim3A_903] : memref<1x80xf32, #tpu.memory_space<vmem>>[vector<16xi32>, vector<16xi32>], vector<16xf32>,
      %swap3A_905 = arith.constant 15 : i32
      %swap3A_906 = arith.index_cast %swap3A_905 : i32 to index
      %swap3A_907 = arith.constant 0 : index
      %swap3A_908 = tpu.vector_load %arg10[%swap3A_906, %swap3A_907] {strides = array<i32>} : memref<64x128xf32, #tpu.memory_space<vmem>>, vector<16xf32>,
      tpu.vector_store %arg10[%swap3A_906, %swap3A_907], %gather3A_904 {strides = array<i32>} : memref<64x128xf32, #tpu.memory_space<vmem>>, vector<16xf32>,
      %swap3A_909 = arith.constant 15 : i32
      %swap3A_910 = arith.index_cast %swap3A_909 : i32 to index
      %swap3A_911 = arith.constant 16 : index
      %swap3A_912 = tpu.vector_load %arg10[%swap3A_910, %swap3A_911] {strides = array<i32>} : memref<64x128xf32, #tpu.memory_space<vmem>>, vector<16xf32>,
      tpu.vector_store %arg10[%swap3A_910, %swap3A_911], %gather3A_904 {strides = array<i32>} : memref<64x128xf32, #tpu.memory_space<vmem>>, vector<16xf32>,
      %swap3A_913 = arith.constant 15 : i32
      %swap3A_914 = arith.index_cast %swap3A_913 : i32 to index
      %swap3A_915 = arith.constant 32 : index
      %swap3A_916 = tpu.vector_load %arg10[%swap3A_914, %swap3A_915] {strides = array<i32>} : memref<64x128xf32, #tpu.memory_space<vmem>>, vector<16xf32>,
      tpu.vector_store %arg10[%swap3A_914, %swap3A_915], %gather3A_904 {strides = array<i32>} : memref<64x128xf32, #tpu.memory_space<vmem>>, vector<16xf32>,
      %swap3A_917 = arith.constant 15 : i32
      %swap3A_918 = arith.index_cast %swap3A_917 : i32 to index
      %swap3A_919 = arith.constant 48 : index
      %swap3A_920 = tpu.vector_load %arg10[%swap3A_918, %swap3A_919] {strides = array<i32>} : memref<64x128xf32, #tpu.memory_space<vmem>>, vector<16xf32>,
      tpu.vector_store %arg10[%swap3A_918, %swap3A_919], %gather3A_904 {strides = array<i32>} : memref<64x128xf32, #tpu.memory_space<vmem>>, vector<16xf32>,
      %swap3A_921 = arith.constant 15 : i32
      %swap3A_922 = arith.index_cast %swap3A_921 : i32 to index
      %swap3A_923 = arith.constant 64 : index
      %swap3A_924 = tpu.vector_load %arg10[%swap3A_922, %swap3A_923] {strides = array<i32>} : memref<64x128xf32, #tpu.memory_space<vmem>>, vector<16xf32>,
      tpu.vector_store %arg10[%swap3A_922, %swap3A_923], %gather3A_904 {strides = array<i32>} : memref<64x128xf32, #tpu.memory_space<vmem>>, vector<16xf32>,
      %swap3A_925 = arith.constant 15 : i32
      %swap3A_926 = arith.index_cast %swap3A_925 : i32 to index
      %swap3A_927 = arith.constant 80 : index
      %swap3A_928 = tpu.vector_load %arg10[%swap3A_926, %swap3A_927] {strides = array<i32>} : memref<64x128xf32, #tpu.memory_space<vmem>>, vector<16xf32>,
      tpu.vector_store %arg10[%swap3A_926, %swap3A_927], %gather3A_904 {strides = array<i32>} : memref<64x128xf32, #tpu.memory_space<vmem>>, vector<16xf32>,
      %swap3A_929 = arith.constant 15 : i32
      %swap3A_930 = arith.index_cast %swap3A_929 : i32 to index
      %swap3A_931 = arith.constant 96 : index
      %swap3A_932 = tpu.vector_load %arg10[%swap3A_930, %swap3A_931] {strides = array<i32>} : memref<64x128xf32, #tpu.memory_space<vmem>>, vector<16xf32>,
      tpu.vector_store %arg10[%swap3A_930, %swap3A_931], %gather3A_904 {strides = array<i32>} : memref<64x128xf32, #tpu.memory_space<vmem>>, vector<16xf32>,
      %swap3A_933 = arith.constant 15 : i32
      %swap3A_934 = arith.index_cast %swap3A_933 : i32 to index
      %swap3A_935 = arith.constant 112 : index
      %swap3A_936 = tpu.vector_load %arg10[%swap3A_934, %swap3A_935] {strides = array<i32>} : memref<64x128xf32, #tpu.memory_space<vmem>>, vector<16xf32>,
      tpu.vector_store %arg10[%swap3A_934, %swap3A_935], %gather3A_904 {strides = array<i32>} : memref<64x128xf32, #tpu.memory_space<vmem>>, vector<16xf32>,
      %broadcast_in_dim3A_937 = arith.constant 16 : i32
      %broadcast_in_dim3A_938 = vector.broadcast %broadcast_in_dim3A_937 : i32 to vector<16xi32>
      %gather3A_939 = tpu.vector_load_idx %arg9[%broadcast_in_dim3A_0, %broadcast_in_dim3A_938] : memref<1x80xf32, #tpu.memory_space<vmem>>[vector<16xi32>, vector<16xi32>], vector<16xf32>,
      %swap3A_940 = arith.constant 16 : i32
      %swap3A_941 = arith.index_cast %swap3A_940 : i32 to index
      %swap3A_942 = arith.constant 0 : index
      %swap3A_943 = tpu.vector_load %arg10[%swap3A_941, %swap3A_942] {strides = array<i32>} : memref<64x128xf32, #tpu.memory_space<vmem>>, vector<16xf32>,
      tpu.vector_store %arg10[%swap3A_941, %swap3A_942], %gather3A_939 {strides = array<i32>} : memref<64x128xf32, #tpu.memory_space<vmem>>, vector<16xf32>,
      %swap3A_944 = arith.constant 16 : i32
      %swap3A_945 = arith.index_cast %swap3A_944 : i32 to index
      %swap3A_946 = arith.constant 16 : index
      %swap3A_947 = tpu.vector_load %arg10[%swap3A_945, %swap3A_946] {strides = array<i32>} : memref<64x128xf32, #tpu.memory_space<vmem>>, vector<16xf32>,
      tpu.vector_store %arg10[%swap3A_945, %swap3A_946], %gather3A_939 {strides = array<i32>} : memref<64x128xf32, #tpu.memory_space<vmem>>, vector<16xf32>,
      %swap3A_948 = arith.constant 16 : i32
      %swap3A_949 = arith.index_cast %swap3A_948 : i32 to index
      %swap3A_950 = arith.constant 32 : index
      %swap3A_951 = tpu.vector_load %arg10[%swap3A_949, %swap3A_950] {strides = array<i32>} : memref<64x128xf32, #tpu.memory_space<vmem>>, vector<16xf32>,
      tpu.vector_store %arg10[%swap3A_949, %swap3A_950], %gather3A_939 {strides = array<i32>} : memref<64x128xf32, #tpu.memory_space<vmem>>, vector<16xf32>,
      %swap3A_952 = arith.constant 16 : i32
      %swap3A_953 = arith.index_cast %swap3A_952 : i32 to index
      %swap3A_954 = arith.constant 48 : index
      %swap3A_955 = tpu.vector_load %arg10[%swap3A_953, %swap3A_954] {strides = array<i32>} : memref<64x128xf32, #tpu.memory_space<vmem>>, vector<16xf32>,
      tpu.vector_store %arg10[%swap3A_953, %swap3A_954], %gather3A_939 {strides = array<i32>} : memref<64x128xf32, #tpu.memory_space<vmem>>, vector<16xf32>,
      %swap3A_956 = arith.constant 16 : i32
      %swap3A_957 = arith.index_cast %swap3A_956 : i32 to index
      %swap3A_958 = arith.constant 64 : index
      %swap3A_959 = tpu.vector_load %arg10[%swap3A_957, %swap3A_958] {strides = array<i32>} : memref<64x128xf32, #tpu.memory_space<vmem>>, vector<16xf32>,
      tpu.vector_store %arg10[%swap3A_957, %swap3A_958], %gather3A_939 {strides = array<i32>} : memref<64x128xf32, #tpu.memory_space<vmem>>, vector<16xf32>,
      %swap3A_960 = arith.constant 16 : i32
      %swap3A_961 = arith.index_cast %swap3A_960 : i32 to index
      %swap3A_962 = arith.constant 80 : index
      %swap3A_963 = tpu.vector_load %arg10[%swap3A_961, %swap3A_962] {strides = array<i32>} : memref<64x128xf32, #tpu.memory_space<vmem>>, vector<16xf32>,
      tpu.vector_store %arg10[%swap3A_961, %swap3A_962], %gather3A_939 {strides = array<i32>} : memref<64x128xf32, #tpu.memory_space<vmem>>, vector<16xf32>,
      %swap3A_964 = arith.constant 16 : i32
      %swap3A_965 = arith.index_cast %swap3A_964 : i32 to index
      %swap3A_966 = arith.constant 96 : index
      %swap3A_967 = tpu.vector_load %arg10[%swap3A_965, %swap3A_966] {strides = array<i32>} : memref<64x128xf32, #tpu.memory_space<vmem>>, vector<16xf32>,
      tpu.vector_store %arg10[%swap3A_965, %swap3A_966], %gather3A_939 {strides = array<i32>} : memref<64x128xf32, #tpu.memory_space<vmem>>, vector<16xf32>,
      %swap3A_968 = arith.constant 16 : i32
      %swap3A_969 = arith.index_cast %swap3A_968 : i32 to index
      %swap3A_970 = arith.constant 112 : index
      %swap3A_971 = tpu.vector_load %arg10[%swap3A_969, %swap3A_970] {strides = array<i32>} : memref<64x128xf32, #tpu.memory_space<vmem>>, vector<16xf32>,
      tpu.vector_store %arg10[%swap3A_969, %swap3A_970], %gather3A_939 {strides = array<i32>} : memref<64x128xf32, #tpu.memory_space<vmem>>, vector<16xf32>,
      %broadcast_in_dim3A_972 = arith.constant 17 : i32
      %broadcast_in_dim3A_973 = vector.broadcast %broadcast_in_dim3A_972 : i32 to vector<16xi32>
      %gather3A_974 = tpu.vector_load_idx %arg9[%broadcast_in_dim3A_0, %broadcast_in_dim3A_973] : memref<1x80xf32, #tpu.memory_space<vmem>>[vector<16xi32>, vector<16xi32>], vector<16xf32>,
      %swap3A_975 = arith.constant 17 : i32
      %swap3A_976 = arith.index_cast %swap3A_975 : i32 to index
      %swap3A_977 = arith.constant 0 : index
      %swap3A_978 = tpu.vector_load %arg10[%swap3A_976, %swap3A_977] {strides = array<i32>} : memref<64x128xf32, #tpu.memory_space<vmem>>, vector<16xf32>,
      tpu.vector_store %arg10[%swap3A_976, %swap3A_977], %gather3A_974 {strides = array<i32>} : memref<64x128xf32, #tpu.memory_space<vmem>>, vector<16xf32>,
      %swap3A_979 = arith.constant 17 : i32
      %swap3A_980 = arith.index_cast %swap3A_979 : i32 to index
      %swap3A_981 = arith.constant 16 : index
      %swap3A_982 = tpu.vector_load %arg10[%swap3A_980, %swap3A_981] {strides = array<i32>} : memref<64x128xf32, #tpu.memory_space<vmem>>, vector<16xf32>,
      tpu.vector_store %arg10[%swap3A_980, %swap3A_981], %gather3A_974 {strides = array<i32>} : memref<64x128xf32, #tpu.memory_space<vmem>>, vector<16xf32>,
      %swap3A_983 = arith.constant 17 : i32
      %swap3A_984 = arith.index_cast %swap3A_983 : i32 to index
      %swap3A_985 = arith.constant 32 : index
      %swap3A_986 = tpu.vector_load %arg10[%swap3A_984, %swap3A_985] {strides = array<i32>} : memref<64x128xf32, #tpu.memory_space<vmem>>, vector<16xf32>,
      tpu.vector_store %arg10[%swap3A_984, %swap3A_985], %gather3A_974 {strides = array<i32>} : memref<64x128xf32, #tpu.memory_space<vmem>>, vector<16xf32>,
      %swap3A_987 = arith.constant 17 : i32
      %swap3A_988 = arith.index_cast %swap3A_987 : i32 to index
      %swap3A_989 = arith.constant 48 : index
      %swap3A_990 = tpu.vector_load %arg10[%swap3A_988, %swap3A_989] {strides = array<i32>} : memref<64x128xf32, #tpu.memory_space<vmem>>, vector<16xf32>,
      tpu.vector_store %arg10[%swap3A_988, %swap3A_989], %gather3A_974 {strides = array<i32>} : memref<64x128xf32, #tpu.memory_space<vmem>>, vector<16xf32>,
      %swap3A_991 = arith.constant 17 : i32
      %swap3A_992 = arith.index_cast %swap3A_991 : i32 to index
      %swap3A_993 = arith.constant 64 : index
      %swap3A_994 = tpu.vector_load %arg10[%swap3A_992, %swap3A_993] {strides = array<i32>} : memref<64x128xf32, #tpu.memory_space<vmem>>, vector<16xf32>,
      tpu.vector_store %arg10[%swap3A_992, %swap3A_993], %gather3A_974 {strides = array<i32>} : memref<64x128xf32, #tpu.memory_space<vmem>>, vector<16xf32>,
      %swap3A_995 = arith.constant 17 : i32
      %swap3A_996 = arith.index_cast %swap3A_995 : i32 to index
      %swap3A_997 = arith.constant 80 : index
      %swap3A_998 = tpu.vector_load %arg10[%swap3A_996, %swap3A_997] {strides = array<i32>} : memref<64x128xf32, #tpu.memory_space<vmem>>, vector<16xf32>,
      tpu.vector_store %arg10[%swap3A_996, %swap3A_997], %gather3A_974 {strides = array<i32>} : memref<64x128xf32, #tpu.memory_space<vmem>>, vector<16xf32>,
      %swap3A_999 = arith.constant 17 : i32
      %swap3A_1000 = arith.index_cast %swap3A_999 : i32 to index
      %swap3A_1001 = arith.constant 96 : index
      %swap3A_1002 = tpu.vector_load %arg10[%swap3A_1000, %swap3A_1001] {strides = array<i32>} : memref<64x128xf32, #tpu.memory_space<vmem>>, vector<16xf32>,
      tpu.vector_store %arg10[%swap3A_1000, %swap3A_1001], %gather3A_974 {strides = array<i32>} : memref<64x128xf32, #tpu.memory_space<vmem>>, vector<16xf32>,
      %swap3A_1003 = arith.constant 17 : i32
      %swap3A_1004 = arith.index_cast %swap3A_1003 : i32 to index
      %swap3A_1005 = arith.constant 112 : index
      %swap3A_1006 = tpu.vector_load %arg10[%swap3A_1004, %swap3A_1005] {strides = array<i32>} : memref<64x128xf32, #tpu.memory_space<vmem>>, vector<16xf32>,
      tpu.vector_store %arg10[%swap3A_1004, %swap3A_1005], %gather3A_974 {strides = array<i32>} : memref<64x128xf32, #tpu.memory_space<vmem>>, vector<16xf32>,
      %broadcast_in_dim3A_1007 = arith.constant 18 : i32
      %broadcast_in_dim3A_1008 = vector.broadcast %broadcast_in_dim3A_1007 : i32 to vector<16xi32>
      %gather3A_1009 = tpu.vector_load_idx %arg9[%broadcast_in_dim3A_0, %broadcast_in_dim3A_1008] : memref<1x80xf32, #tpu.memory_space<vmem>>[vector<16xi32>, vector<16xi32>], vector<16xf32>,
      %swap3A_1010 = arith.constant 18 : i32
      %swap3A_1011 = arith.index_cast %swap3A_1010 : i32 to index
      %swap3A_1012 = arith.constant 0 : index
      %swap3A_1013 = tpu.vector_load %arg10[%swap3A_1011, %swap3A_1012] {strides = array<i32>} : memref<64x128xf32, #tpu.memory_space<vmem>>, vector<16xf32>,
      tpu.vector_store %arg10[%swap3A_1011, %swap3A_1012], %gather3A_1009 {strides = array<i32>} : memref<64x128xf32, #tpu.memory_space<vmem>>, vector<16xf32>,
      %swap3A_1014 = arith.constant 18 : i32
      %swap3A_1015 = arith.index_cast %swap3A_1014 : i32 to index
      %swap3A_1016 = arith.constant 16 : index
      %swap3A_1017 = tpu.vector_load %arg10[%swap3A_1015, %swap3A_1016] {strides = array<i32>} : memref<64x128xf32, #tpu.memory_space<vmem>>, vector<16xf32>,
      tpu.vector_store %arg10[%swap3A_1015, %swap3A_1016], %gather3A_1009 {strides = array<i32>} : memref<64x128xf32, #tpu.memory_space<vmem>>, vector<16xf32>,
      %swap3A_1018 = arith.constant 18 : i32
      %swap3A_1019 = arith.index_cast %swap3A_1018 : i32 to index
      %swap3A_1020 = arith.constant 32 : index
      %swap3A_1021 = tpu.vector_load %arg10[%swap3A_1019, %swap3A_1020] {strides = array<i32>} : memref<64x128xf32, #tpu.memory_space<vmem>>, vector<16xf32>,
      tpu.vector_store %arg10[%swap3A_1019, %swap3A_1020], %gather3A_1009 {strides = array<i32>} : memref<64x128xf32, #tpu.memory_space<vmem>>, vector<16xf32>,
      %swap3A_1022 = arith.constant 18 : i32
      %swap3A_1023 = arith.index_cast %swap3A_1022 : i32 to index
      %swap3A_1024 = arith.constant 48 : index
      %swap3A_1025 = tpu.vector_load %arg10[%swap3A_1023, %swap3A_1024] {strides = array<i32>} : memref<64x128xf32, #tpu.memory_space<vmem>>, vector<16xf32>,
      tpu.vector_store %arg10[%swap3A_1023, %swap3A_1024], %gather3A_1009 {strides = array<i32>} : memref<64x128xf32, #tpu.memory_space<vmem>>, vector<16xf32>,
      %swap3A_1026 = arith.constant 18 : i32
      %swap3A_1027 = arith.index_cast %swap3A_1026 : i32 to index
      %swap3A_1028 = arith.constant 64 : index
      %swap3A_1029 = tpu.vector_load %arg10[%swap3A_1027, %swap3A_1028] {strides = array<i32>} : memref<64x128xf32, #tpu.memory_space<vmem>>, vector<16xf32>,
      tpu.vector_store %arg10[%swap3A_1027, %swap3A_1028], %gather3A_1009 {strides = array<i32>} : memref<64x128xf32, #tpu.memory_space<vmem>>, vector<16xf32>,
      %swap3A_1030 = arith.constant 18 : i32
      %swap3A_1031 = arith.index_cast %swap3A_1030 : i32 to index
      %swap3A_1032 = arith.constant 80 : index
      %swap3A_1033 = tpu.vector_load %arg10[%swap3A_1031, %swap3A_1032] {strides = array<i32>} : memref<64x128xf32, #tpu.memory_space<vmem>>, vector<16xf32>,
      tpu.vector_store %arg10[%swap3A_1031, %swap3A_1032], %gather3A_1009 {strides = array<i32>} : memref<64x128xf32, #tpu.memory_space<vmem>>, vector<16xf32>,
      %swap3A_1034 = arith.constant 18 : i32
      %swap3A_1035 = arith.index_cast %swap3A_1034 : i32 to index
      %swap3A_1036 = arith.constant 96 : index
      %swap3A_1037 = tpu.vector_load %arg10[%swap3A_1035, %swap3A_1036] {strides = array<i32>} : memref<64x128xf32, #tpu.memory_space<vmem>>, vector<16xf32>,
      tpu.vector_store %arg10[%swap3A_1035, %swap3A_1036], %gather3A_1009 {strides = array<i32>} : memref<64x128xf32, #tpu.memory_space<vmem>>, vector<16xf32>,
      %swap3A_1038 = arith.constant 18 : i32
      %swap3A_1039 = arith.index_cast %swap3A_1038 : i32 to index
      %swap3A_1040 = arith.constant 112 : index
      %swap3A_1041 = tpu.vector_load %arg10[%swap3A_1039, %swap3A_1040] {strides = array<i32>} : memref<64x128xf32, #tpu.memory_space<vmem>>, vector<16xf32>,
      tpu.vector_store %arg10[%swap3A_1039, %swap3A_1040], %gather3A_1009 {strides = array<i32>} : memref<64x128xf32, #tpu.memory_space<vmem>>, vector<16xf32>,
      %broadcast_in_dim3A_1042 = arith.constant 19 : i32
      %broadcast_in_dim3A_1043 = vector.broadcast %broadcast_in_dim3A_1042 : i32 to vector<16xi32>
      %gather3A_1044 = tpu.vector_load_idx %arg9[%broadcast_in_dim3A_0, %broadcast_in_dim3A_1043] : memref<1x80xf32, #tpu.memory_space<vmem>>[vector<16xi32>, vector<16xi32>], vector<16xf32>,
      %swap3A_1045 = arith.constant 19 : i32
      %swap3A_1046 = arith.index_cast %swap3A_1045 : i32 to index
      %swap3A_1047 = arith.constant 0 : index
      %swap3A_1048 = tpu.vector_load %arg10[%swap3A_1046, %swap3A_1047] {strides = array<i32>} : memref<64x128xf32, #tpu.memory_space<vmem>>, vector<16xf32>,
      tpu.vector_store %arg10[%swap3A_1046, %swap3A_1047], %gather3A_1044 {strides = array<i32>} : memref<64x128xf32, #tpu.memory_space<vmem>>, vector<16xf32>,
      %swap3A_1049 = arith.constant 19 : i32
      %swap3A_1050 = arith.index_cast %swap3A_1049 : i32 to index
      %swap3A_1051 = arith.constant 16 : index
      %swap3A_1052 = tpu.vector_load %arg10[%swap3A_1050, %swap3A_1051] {strides = array<i32>} : memref<64x128xf32, #tpu.memory_space<vmem>>, vector<16xf32>,
      tpu.vector_store %arg10[%swap3A_1050, %swap3A_1051], %gather3A_1044 {strides = array<i32>} : memref<64x128xf32, #tpu.memory_space<vmem>>, vector<16xf32>,
      %swap3A_1053 = arith.constant 19 : i32
      %swap3A_1054 = arith.index_cast %swap3A_1053 : i32 to index
      %swap3A_1055 = arith.constant 32 : index
      %swap3A_1056 = tpu.vector_load %arg10[%swap3A_1054, %swap3A_1055] {strides = array<i32>} : memref<64x128xf32, #tpu.memory_space<vmem>>, vector<16xf32>,
      tpu.vector_store %arg10[%swap3A_1054, %swap3A_1055], %gather3A_1044 {strides = array<i32>} : memref<64x128xf32, #tpu.memory_space<vmem>>, vector<16xf32>,
      %swap3A_1057 = arith.constant 19 : i32
      %swap3A_1058 = arith.index_cast %swap3A_1057 : i32 to index
      %swap3A_1059 = arith.constant 48 : index
      %swap3A_1060 = tpu.vector_load %arg10[%swap3A_1058, %swap3A_1059] {strides = array<i32>} : memref<64x128xf32, #tpu.memory_space<vmem>>, vector<16xf32>,
      tpu.vector_store %arg10[%swap3A_1058, %swap3A_1059], %gather3A_1044 {strides = array<i32>} : memref<64x128xf32, #tpu.memory_space<vmem>>, vector<16xf32>,
      %swap3A_1061 = arith.constant 19 : i32
      %swap3A_1062 = arith.index_cast %swap3A_1061 : i32 to index
      %swap3A_1063 = arith.constant 64 : index
      %swap3A_1064 = tpu.vector_load %arg10[%swap3A_1062, %swap3A_1063] {strides = array<i32>} : memref<64x128xf32, #tpu.memory_space<vmem>>, vector<16xf32>,
      tpu.vector_store %arg10[%swap3A_1062, %swap3A_1063], %gather3A_1044 {strides = array<i32>} : memref<64x128xf32, #tpu.memory_space<vmem>>, vector<16xf32>,
      %swap3A_1065 = arith.constant 19 : i32
      %swap3A_1066 = arith.index_cast %swap3A_1065 : i32 to index
      %swap3A_1067 = arith.constant 80 : index
      %swap3A_1068 = tpu.vector_load %arg10[%swap3A_1066, %swap3A_1067] {strides = array<i32>} : memref<64x128xf32, #tpu.memory_space<vmem>>, vector<16xf32>,
      tpu.vector_store %arg10[%swap3A_1066, %swap3A_1067], %gather3A_1044 {strides = array<i32>} : memref<64x128xf32, #tpu.memory_space<vmem>>, vector<16xf32>,
      %swap3A_1069 = arith.constant 19 : i32
      %swap3A_1070 = arith.index_cast %swap3A_1069 : i32 to index
      %swap3A_1071 = arith.constant 96 : index
      %swap3A_1072 = tpu.vector_load %arg10[%swap3A_1070, %swap3A_1071] {strides = array<i32>} : memref<64x128xf32, #tpu.memory_space<vmem>>, vector<16xf32>,
      tpu.vector_store %arg10[%swap3A_1070, %swap3A_1071], %gather3A_1044 {strides = array<i32>} : memref<64x128xf32, #tpu.memory_space<vmem>>, vector<16xf32>,
      %swap3A_1073 = arith.constant 19 : i32
      %swap3A_1074 = arith.index_cast %swap3A_1073 : i32 to index
      %swap3A_1075 = arith.constant 112 : index
      %swap3A_1076 = tpu.vector_load %arg10[%swap3A_1074, %swap3A_1075] {strides = array<i32>} : memref<64x128xf32, #tpu.memory_space<vmem>>, vector<16xf32>,
      tpu.vector_store %arg10[%swap3A_1074, %swap3A_1075], %gather3A_1044 {strides = array<i32>} : memref<64x128xf32, #tpu.memory_space<vmem>>, vector<16xf32>,
      %broadcast_in_dim3A_1077 = arith.constant 20 : i32
      %broadcast_in_dim3A_1078 = vector.broadcast %broadcast_in_dim3A_1077 : i32 to vector<16xi32>
      %gather3A_1079 = tpu.vector_load_idx %arg9[%broadcast_in_dim3A_0, %broadcast_in_dim3A_1078] : memref<1x80xf32, #tpu.memory_space<vmem>>[vector<16xi32>, vector<16xi32>], vector<16xf32>,
      %swap3A_1080 = arith.constant 20 : i32
      %swap3A_1081 = arith.index_cast %swap3A_1080 : i32 to index
      %swap3A_1082 = arith.constant 0 : index
      %swap3A_1083 = tpu.vector_load %arg10[%swap3A_1081, %swap3A_1082] {strides = array<i32>} : memref<64x128xf32, #tpu.memory_space<vmem>>, vector<16xf32>,
      tpu.vector_store %arg10[%swap3A_1081, %swap3A_1082], %gather3A_1079 {strides = array<i32>} : memref<64x128xf32, #tpu.memory_space<vmem>>, vector<16xf32>,
      %swap3A_1084 = arith.constant 20 : i32
      %swap3A_1085 = arith.index_cast %swap3A_1084 : i32 to index
      %swap3A_1086 = arith.constant 16 : index
      %swap3A_1087 = tpu.vector_load %arg10[%swap3A_1085, %swap3A_1086] {strides = array<i32>} : memref<64x128xf32, #tpu.memory_space<vmem>>, vector<16xf32>,
      tpu.vector_store %arg10[%swap3A_1085, %swap3A_1086], %gather3A_1079 {strides = array<i32>} : memref<64x128xf32, #tpu.memory_space<vmem>>, vector<16xf32>,
      %swap3A_1088 = arith.constant 20 : i32
      %swap3A_1089 = arith.index_cast %swap3A_1088 : i32 to index
      %swap3A_1090 = arith.constant 32 : index
      %swap3A_1091 = tpu.vector_load %arg10[%swap3A_1089, %swap3A_1090] {strides = array<i32>} : memref<64x128xf32, #tpu.memory_space<vmem>>, vector<16xf32>,
      tpu.vector_store %arg10[%swap3A_1089, %swap3A_1090], %gather3A_1079 {strides = array<i32>} : memref<64x128xf32, #tpu.memory_space<vmem>>, vector<16xf32>,
      %swap3A_1092 = arith.constant 20 : i32
      %swap3A_1093 = arith.index_cast %swap3A_1092 : i32 to index
      %swap3A_1094 = arith.constant 48 : index
      %swap3A_1095 = tpu.vector_load %arg10[%swap3A_1093, %swap3A_1094] {strides = array<i32>} : memref<64x128xf32, #tpu.memory_space<vmem>>, vector<16xf32>,
      tpu.vector_store %arg10[%swap3A_1093, %swap3A_1094], %gather3A_1079 {strides = array<i32>} : memref<64x128xf32, #tpu.memory_space<vmem>>, vector<16xf32>,
      %swap3A_1096 = arith.constant 20 : i32
      %swap3A_1097 = arith.index_cast %swap3A_1096 : i32 to index
      %swap3A_1098 = arith.constant 64 : index
      %swap3A_1099 = tpu.vector_load %arg10[%swap3A_1097, %swap3A_1098] {strides = array<i32>} : memref<64x128xf32, #tpu.memory_space<vmem>>, vector<16xf32>,
      tpu.vector_store %arg10[%swap3A_1097, %swap3A_1098], %gather3A_1079 {strides = array<i32>} : memref<64x128xf32, #tpu.memory_space<vmem>>, vector<16xf32>,
      %swap3A_1100 = arith.constant 20 : i32
      %swap3A_1101 = arith.index_cast %swap3A_1100 : i32 to index
      %swap3A_1102 = arith.constant 80 : index
      %swap3A_1103 = tpu.vector_load %arg10[%swap3A_1101, %swap3A_1102] {strides = array<i32>} : memref<64x128xf32, #tpu.memory_space<vmem>>, vector<16xf32>,
      tpu.vector_store %arg10[%swap3A_1101, %swap3A_1102], %gather3A_1079 {strides = array<i32>} : memref<64x128xf32, #tpu.memory_space<vmem>>, vector<16xf32>,
      %swap3A_1104 = arith.constant 20 : i32
      %swap3A_1105 = arith.index_cast %swap3A_1104 : i32 to index
      %swap3A_1106 = arith.constant 96 : index
      %swap3A_1107 = tpu.vector_load %arg10[%swap3A_1105, %swap3A_1106] {strides = array<i32>} : memref<64x128xf32, #tpu.memory_space<vmem>>, vector<16xf32>,
      tpu.vector_store %arg10[%swap3A_1105, %swap3A_1106], %gather3A_1079 {strides = array<i32>} : memref<64x128xf32, #tpu.memory_space<vmem>>, vector<16xf32>,
      %swap3A_1108 = arith.constant 20 : i32
      %swap3A_1109 = arith.index_cast %swap3A_1108 : i32 to index
      %swap3A_1110 = arith.constant 112 : index
      %swap3A_1111 = tpu.vector_load %arg10[%swap3A_1109, %swap3A_1110] {strides = array<i32>} : memref<64x128xf32, #tpu.memory_space<vmem>>, vector<16xf32>,
      tpu.vector_store %arg10[%swap3A_1109, %swap3A_1110], %gather3A_1079 {strides = array<i32>} : memref<64x128xf32, #tpu.memory_space<vmem>>, vector<16xf32>,
      %broadcast_in_dim3A_1112 = arith.constant 21 : i32
      %broadcast_in_dim3A_1113 = vector.broadcast %broadcast_in_dim3A_1112 : i32 to vector<16xi32>
      %gather3A_1114 = tpu.vector_load_idx %arg9[%broadcast_in_dim3A_0, %broadcast_in_dim3A_1113] : memref<1x80xf32, #tpu.memory_space<vmem>>[vector<16xi32>, vector<16xi32>], vector<16xf32>,
      %swap3A_1115 = arith.constant 21 : i32
      %swap3A_1116 = arith.index_cast %swap3A_1115 : i32 to index
      %swap3A_1117 = arith.constant 0 : index
      %swap3A_1118 = tpu.vector_load %arg10[%swap3A_1116, %swap3A_1117] {strides = array<i32>} : memref<64x128xf32, #tpu.memory_space<vmem>>, vector<16xf32>,
      tpu.vector_store %arg10[%swap3A_1116, %swap3A_1117], %gather3A_1114 {strides = array<i32>} : memref<64x128xf32, #tpu.memory_space<vmem>>, vector<16xf32>,
      %swap3A_1119 = arith.constant 21 : i32
      %swap3A_1120 = arith.index_cast %swap3A_1119 : i32 to index
      %swap3A_1121 = arith.constant 16 : index
      %swap3A_1122 = tpu.vector_load %arg10[%swap3A_1120, %swap3A_1121] {strides = array<i32>} : memref<64x128xf32, #tpu.memory_space<vmem>>, vector<16xf32>,
      tpu.vector_store %arg10[%swap3A_1120, %swap3A_1121], %gather3A_1114 {strides = array<i32>} : memref<64x128xf32, #tpu.memory_space<vmem>>, vector<16xf32>,
      %swap3A_1123 = arith.constant 21 : i32
      %swap3A_1124 = arith.index_cast %swap3A_1123 : i32 to index
      %swap3A_1125 = arith.constant 32 : index
      %swap3A_1126 = tpu.vector_load %arg10[%swap3A_1124, %swap3A_1125] {strides = array<i32>} : memref<64x128xf32, #tpu.memory_space<vmem>>, vector<16xf32>,
      tpu.vector_store %arg10[%swap3A_1124, %swap3A_1125], %gather3A_1114 {strides = array<i32>} : memref<64x128xf32, #tpu.memory_space<vmem>>, vector<16xf32>,
      %swap3A_1127 = arith.constant 21 : i32
      %swap3A_1128 = arith.index_cast %swap3A_1127 : i32 to index
      %swap3A_1129 = arith.constant 48 : index
      %swap3A_1130 = tpu.vector_load %arg10[%swap3A_1128, %swap3A_1129] {strides = array<i32>} : memref<64x128xf32, #tpu.memory_space<vmem>>, vector<16xf32>,
      tpu.vector_store %arg10[%swap3A_1128, %swap3A_1129], %gather3A_1114 {strides = array<i32>} : memref<64x128xf32, #tpu.memory_space<vmem>>, vector<16xf32>,
      %swap3A_1131 = arith.constant 21 : i32
      %swap3A_1132 = arith.index_cast %swap3A_1131 : i32 to index
      %swap3A_1133 = arith.constant 64 : index
      %swap3A_1134 = tpu.vector_load %arg10[%swap3A_1132, %swap3A_1133] {strides = array<i32>} : memref<64x128xf32, #tpu.memory_space<vmem>>, vector<16xf32>,
      tpu.vector_store %arg10[%swap3A_1132, %swap3A_1133], %gather3A_1114 {strides = array<i32>} : memref<64x128xf32, #tpu.memory_space<vmem>>, vector<16xf32>,
      %swap3A_1135 = arith.constant 21 : i32
      %swap3A_1136 = arith.index_cast %swap3A_1135 : i32 to index
      %swap3A_1137 = arith.constant 80 : index
      %swap3A_1138 = tpu.vector_load %arg10[%swap3A_1136, %swap3A_1137] {strides = array<i32>} : memref<64x128xf32, #tpu.memory_space<vmem>>, vector<16xf32>,
      tpu.vector_store %arg10[%swap3A_1136, %swap3A_1137], %gather3A_1114 {strides = array<i32>} : memref<64x128xf32, #tpu.memory_space<vmem>>, vector<16xf32>,
      %swap3A_1139 = arith.constant 21 : i32
      %swap3A_1140 = arith.index_cast %swap3A_1139 : i32 to index
      %swap3A_1141 = arith.constant 96 : index
      %swap3A_1142 = tpu.vector_load %arg10[%swap3A_1140, %swap3A_1141] {strides = array<i32>} : memref<64x128xf32, #tpu.memory_space<vmem>>, vector<16xf32>,
      tpu.vector_store %arg10[%swap3A_1140, %swap3A_1141], %gather3A_1114 {strides = array<i32>} : memref<64x128xf32, #tpu.memory_space<vmem>>, vector<16xf32>,
      %swap3A_1143 = arith.constant 21 : i32
      %swap3A_1144 = arith.index_cast %swap3A_1143 : i32 to index
      %swap3A_1145 = arith.constant 112 : index
      %swap3A_1146 = tpu.vector_load %arg10[%swap3A_1144, %swap3A_1145] {strides = array<i32>} : memref<64x128xf32, #tpu.memory_space<vmem>>, vector<16xf32>,
      tpu.vector_store %arg10[%swap3A_1144, %swap3A_1145], %gather3A_1114 {strides = array<i32>} : memref<64x128xf32, #tpu.memory_space<vmem>>, vector<16xf32>,
      %broadcast_in_dim3A_1147 = arith.constant 22 : i32
      %broadcast_in_dim3A_1148 = vector.broadcast %broadcast_in_dim3A_1147 : i32 to vector<16xi32>
      %gather3A_1149 = tpu.vector_load_idx %arg9[%broadcast_in_dim3A_0, %broadcast_in_dim3A_1148] : memref<1x80xf32, #tpu.memory_space<vmem>>[vector<16xi32>, vector<16xi32>], vector<16xf32>,
      %swap3A_1150 = arith.constant 22 : i32
      %swap3A_1151 = arith.index_cast %swap3A_1150 : i32 to index
      %swap3A_1152 = arith.constant 0 : index
      %swap3A_1153 = tpu.vector_load %arg10[%swap3A_1151, %swap3A_1152] {strides = array<i32>} : memref<64x128xf32, #tpu.memory_space<vmem>>, vector<16xf32>,
      tpu.vector_store %arg10[%swap3A_1151, %swap3A_1152], %gather3A_1149 {strides = array<i32>} : memref<64x128xf32, #tpu.memory_space<vmem>>, vector<16xf32>,
      %swap3A_1154 = arith.constant 22 : i32
      %swap3A_1155 = arith.index_cast %swap3A_1154 : i32 to index
      %swap3A_1156 = arith.constant 16 : index
      %swap3A_1157 = tpu.vector_load %arg10[%swap3A_1155, %swap3A_1156] {strides = array<i32>} : memref<64x128xf32, #tpu.memory_space<vmem>>, vector<16xf32>,
      tpu.vector_store %arg10[%swap3A_1155, %swap3A_1156], %gather3A_1149 {strides = array<i32>} : memref<64x128xf32, #tpu.memory_space<vmem>>, vector<16xf32>,
      %swap3A_1158 = arith.constant 22 : i32
      %swap3A_1159 = arith.index_cast %swap3A_1158 : i32 to index
      %swap3A_1160 = arith.constant 32 : index
      %swap3A_1161 = tpu.vector_load %arg10[%swap3A_1159, %swap3A_1160] {strides = array<i32>} : memref<64x128xf32, #tpu.memory_space<vmem>>, vector<16xf32>,
      tpu.vector_store %arg10[%swap3A_1159, %swap3A_1160], %gather3A_1149 {strides = array<i32>} : memref<64x128xf32, #tpu.memory_space<vmem>>, vector<16xf32>,
      %swap3A_1162 = arith.constant 22 : i32
      %swap3A_1163 = arith.index_cast %swap3A_1162 : i32 to index
      %swap3A_1164 = arith.constant 48 : index
      %swap3A_1165 = tpu.vector_load %arg10[%swap3A_1163, %swap3A_1164] {strides = array<i32>} : memref<64x128xf32, #tpu.memory_space<vmem>>, vector<16xf32>,
      tpu.vector_store %arg10[%swap3A_1163, %swap3A_1164], %gather3A_1149 {strides = array<i32>} : memref<64x128xf32, #tpu.memory_space<vmem>>, vector<16xf32>,
      %swap3A_1166 = arith.constant 22 : i32
      %swap3A_1167 = arith.index_cast %swap3A_1166 : i32 to index
      %swap3A_1168 = arith.constant 64 : index
      %swap3A_1169 = tpu.vector_load %arg10[%swap3A_1167, %swap3A_1168] {strides = array<i32>} : memref<64x128xf32, #tpu.memory_space<vmem>>, vector<16xf32>,
      tpu.vector_store %arg10[%swap3A_1167, %swap3A_1168], %gather3A_1149 {strides = array<i32>} : memref<64x128xf32, #tpu.memory_space<vmem>>, vector<16xf32>,
      %swap3A_1170 = arith.constant 22 : i32
      %swap3A_1171 = arith.index_cast %swap3A_1170 : i32 to index
      %swap3A_1172 = arith.constant 80 : index
      %swap3A_1173 = tpu.vector_load %arg10[%swap3A_1171, %swap3A_1172] {strides = array<i32>} : memref<64x128xf32, #tpu.memory_space<vmem>>, vector<16xf32>,
      tpu.vector_store %arg10[%swap3A_1171, %swap3A_1172], %gather3A_1149 {strides = array<i32>} : memref<64x128xf32, #tpu.memory_space<vmem>>, vector<16xf32>,
      %swap3A_1174 = arith.constant 22 : i32
      %swap3A_1175 = arith.index_cast %swap3A_1174 : i32 to index
      %swap3A_1176 = arith.constant 96 : index
      %swap3A_1177 = tpu.vector_load %arg10[%swap3A_1175, %swap3A_1176] {strides = array<i32>} : memref<64x128xf32, #tpu.memory_space<vmem>>, vector<16xf32>,
      tpu.vector_store %arg10[%swap3A_1175, %swap3A_1176], %gather3A_1149 {strides = array<i32>} : memref<64x128xf32, #tpu.memory_space<vmem>>, vector<16xf32>,
      %swap3A_1178 = arith.constant 22 : i32
      %swap3A_1179 = arith.index_cast %swap3A_1178 : i32 to index
      %swap3A_1180 = arith.constant 112 : index
      %swap3A_1181 = tpu.vector_load %arg10[%swap3A_1179, %swap3A_1180] {strides = array<i32>} : memref<64x128xf32, #tpu.memory_space<vmem>>, vector<16xf32>,
      tpu.vector_store %arg10[%swap3A_1179, %swap3A_1180], %gather3A_1149 {strides = array<i32>} : memref<64x128xf32, #tpu.memory_space<vmem>>, vector<16xf32>,
      %broadcast_in_dim3A_1182 = arith.constant 23 : i32
      %broadcast_in_dim3A_1183 = vector.broadcast %broadcast_in_dim3A_1182 : i32 to vector<16xi32>
      %gather3A_1184 = tpu.vector_load_idx %arg9[%broadcast_in_dim3A_0, %broadcast_in_dim3A_1183] : memref<1x80xf32, #tpu.memory_space<vmem>>[vector<16xi32>, vector<16xi32>], vector<16xf32>,
      %swap3A_1185 = arith.constant 23 : i32
      %swap3A_1186 = arith.index_cast %swap3A_1185 : i32 to index
      %swap3A_1187 = arith.constant 0 : index
      %swap3A_1188 = tpu.vector_load %arg10[%swap3A_1186, %swap3A_1187] {strides = array<i32>} : memref<64x128xf32, #tpu.memory_space<vmem>>, vector<16xf32>,
      tpu.vector_store %arg10[%swap3A_1186, %swap3A_1187], %gather3A_1184 {strides = array<i32>} : memref<64x128xf32, #tpu.memory_space<vmem>>, vector<16xf32>,
      %swap3A_1189 = arith.constant 23 : i32
      %swap3A_1190 = arith.index_cast %swap3A_1189 : i32 to index
      %swap3A_1191 = arith.constant 16 : index
      %swap3A_1192 = tpu.vector_load %arg10[%swap3A_1190, %swap3A_1191] {strides = array<i32>} : memref<64x128xf32, #tpu.memory_space<vmem>>, vector<16xf32>,
      tpu.vector_store %arg10[%swap3A_1190, %swap3A_1191], %gather3A_1184 {strides = array<i32>} : memref<64x128xf32, #tpu.memory_space<vmem>>, vector<16xf32>,
      %swap3A_1193 = arith.constant 23 : i32
      %swap3A_1194 = arith.index_cast %swap3A_1193 : i32 to index
      %swap3A_1195 = arith.constant 32 : index
      %swap3A_1196 = tpu.vector_load %arg10[%swap3A_1194, %swap3A_1195] {strides = array<i32>} : memref<64x128xf32, #tpu.memory_space<vmem>>, vector<16xf32>,
      tpu.vector_store %arg10[%swap3A_1194, %swap3A_1195], %gather3A_1184 {strides = array<i32>} : memref<64x128xf32, #tpu.memory_space<vmem>>, vector<16xf32>,
      %swap3A_1197 = arith.constant 23 : i32
      %swap3A_1198 = arith.index_cast %swap3A_1197 : i32 to index
      %swap3A_1199 = arith.constant 48 : index
      %swap3A_1200 = tpu.vector_load %arg10[%swap3A_1198, %swap3A_1199] {strides = array<i32>} : memref<64x128xf32, #tpu.memory_space<vmem>>, vector<16xf32>,
      tpu.vector_store %arg10[%swap3A_1198, %swap3A_1199], %gather3A_1184 {strides = array<i32>} : memref<64x128xf32, #tpu.memory_space<vmem>>, vector<16xf32>,
      %swap3A_1201 = arith.constant 23 : i32
      %swap3A_1202 = arith.index_cast %swap3A_1201 : i32 to index
      %swap3A_1203 = arith.constant 64 : index
      %swap3A_1204 = tpu.vector_load %arg10[%swap3A_1202, %swap3A_1203] {strides = array<i32>} : memref<64x128xf32, #tpu.memory_space<vmem>>, vector<16xf32>,
      tpu.vector_store %arg10[%swap3A_1202, %swap3A_1203], %gather3A_1184 {strides = array<i32>} : memref<64x128xf32, #tpu.memory_space<vmem>>, vector<16xf32>,
      %swap3A_1205 = arith.constant 23 : i32
      %swap3A_1206 = arith.index_cast %swap3A_1205 : i32 to index
      %swap3A_1207 = arith.constant 80 : index
      %swap3A_1208 = tpu.vector_load %arg10[%swap3A_1206, %swap3A_1207] {strides = array<i32>} : memref<64x128xf32, #tpu.memory_space<vmem>>, vector<16xf32>,
      tpu.vector_store %arg10[%swap3A_1206, %swap3A_1207], %gather3A_1184 {strides = array<i32>} : memref<64x128xf32, #tpu.memory_space<vmem>>, vector<16xf32>,
      %swap3A_1209 = arith.constant 23 : i32
      %swap3A_1210 = arith.index_cast %swap3A_1209 : i32 to index
      %swap3A_1211 = arith.constant 96 : index
      %swap3A_1212 = tpu.vector_load %arg10[%swap3A_1210, %swap3A_1211] {strides = array<i32>} : memref<64x128xf32, #tpu.memory_space<vmem>>, vector<16xf32>,
      tpu.vector_store %arg10[%swap3A_1210, %swap3A_1211], %gather3A_1184 {strides = array<i32>} : memref<64x128xf32, #tpu.memory_space<vmem>>, vector<16xf32>,
      %swap3A_1213 = arith.constant 23 : i32
      %swap3A_1214 = arith.index_cast %swap3A_1213 : i32 to index
      %swap3A_1215 = arith.constant 112 : index
      %swap3A_1216 = tpu.vector_load %arg10[%swap3A_1214, %swap3A_1215] {strides = array<i32>} : memref<64x128xf32, #tpu.memory_space<vmem>>, vector<16xf32>,
      tpu.vector_store %arg10[%swap3A_1214, %swap3A_1215], %gather3A_1184 {strides = array<i32>} : memref<64x128xf32, #tpu.memory_space<vmem>>, vector<16xf32>,
      %broadcast_in_dim3A_1217 = arith.constant 24 : i32
      %broadcast_in_dim3A_1218 = vector.broadcast %broadcast_in_dim3A_1217 : i32 to vector<16xi32>
      %gather3A_1219 = tpu.vector_load_idx %arg9[%broadcast_in_dim3A_0, %broadcast_in_dim3A_1218] : memref<1x80xf32, #tpu.memory_space<vmem>>[vector<16xi32>, vector<16xi32>], vector<16xf32>,
      %swap3A_1220 = arith.constant 24 : i32
      %swap3A_1221 = arith.index_cast %swap3A_1220 : i32 to index
      %swap3A_1222 = arith.constant 0 : index
      %swap3A_1223 = tpu.vector_load %arg10[%swap3A_1221, %swap3A_1222] {strides = array<i32>} : memref<64x128xf32, #tpu.memory_space<vmem>>, vector<16xf32>,
      tpu.vector_store %arg10[%swap3A_1221, %swap3A_1222], %gather3A_1219 {strides = array<i32>} : memref<64x128xf32, #tpu.memory_space<vmem>>, vector<16xf32>,
      %swap3A_1224 = arith.constant 24 : i32
      %swap3A_1225 = arith.index_cast %swap3A_1224 : i32 to index
      %swap3A_1226 = arith.constant 16 : index
      %swap3A_1227 = tpu.vector_load %arg10[%swap3A_1225, %swap3A_1226] {strides = array<i32>} : memref<64x128xf32, #tpu.memory_space<vmem>>, vector<16xf32>,
      tpu.vector_store %arg10[%swap3A_1225, %swap3A_1226], %gather3A_1219 {strides = array<i32>} : memref<64x128xf32, #tpu.memory_space<vmem>>, vector<16xf32>,
      %swap3A_1228 = arith.constant 24 : i32
      %swap3A_1229 = arith.index_cast %swap3A_1228 : i32 to index
      %swap3A_1230 = arith.constant 32 : index
      %swap3A_1231 = tpu.vector_load %arg10[%swap3A_1229, %swap3A_1230] {strides = array<i32>} : memref<64x128xf32, #tpu.memory_space<vmem>>, vector<16xf32>,
      tpu.vector_store %arg10[%swap3A_1229, %swap3A_1230], %gather3A_1219 {strides = array<i32>} : memref<64x128xf32, #tpu.memory_space<vmem>>, vector<16xf32>,
      %swap3A_1232 = arith.constant 24 : i32
      %swap3A_1233 = arith.index_cast %swap3A_1232 : i32 to index
      %swap3A_1234 = arith.constant 48 : index
      %swap3A_1235 = tpu.vector_load %arg10[%swap3A_1233, %swap3A_1234] {strides = array<i32>} : memref<64x128xf32, #tpu.memory_space<vmem>>, vector<16xf32>,
      tpu.vector_store %arg10[%swap3A_1233, %swap3A_1234], %gather3A_1219 {strides = array<i32>} : memref<64x128xf32, #tpu.memory_space<vmem>>, vector<16xf32>,
      %swap3A_1236 = arith.constant 24 : i32
      %swap3A_1237 = arith.index_cast %swap3A_1236 : i32 to index
      %swap3A_1238 = arith.constant 64 : index
      %swap3A_1239 = tpu.vector_load %arg10[%swap3A_1237, %swap3A_1238] {strides = array<i32>} : memref<64x128xf32, #tpu.memory_space<vmem>>, vector<16xf32>,
      tpu.vector_store %arg10[%swap3A_1237, %swap3A_1238], %gather3A_1219 {strides = array<i32>} : memref<64x128xf32, #tpu.memory_space<vmem>>, vector<16xf32>,
      %swap3A_1240 = arith.constant 24 : i32
      %swap3A_1241 = arith.index_cast %swap3A_1240 : i32 to index
      %swap3A_1242 = arith.constant 80 : index
      %swap3A_1243 = tpu.vector_load %arg10[%swap3A_1241, %swap3A_1242] {strides = array<i32>} : memref<64x128xf32, #tpu.memory_space<vmem>>, vector<16xf32>,
      tpu.vector_store %arg10[%swap3A_1241, %swap3A_1242], %gather3A_1219 {strides = array<i32>} : memref<64x128xf32, #tpu.memory_space<vmem>>, vector<16xf32>,
      %swap3A_1244 = arith.constant 24 : i32
      %swap3A_1245 = arith.index_cast %swap3A_1244 : i32 to index
      %swap3A_1246 = arith.constant 96 : index
      %swap3A_1247 = tpu.vector_load %arg10[%swap3A_1245, %swap3A_1246] {strides = array<i32>} : memref<64x128xf32, #tpu.memory_space<vmem>>, vector<16xf32>,
      tpu.vector_store %arg10[%swap3A_1245, %swap3A_1246], %gather3A_1219 {strides = array<i32>} : memref<64x128xf32, #tpu.memory_space<vmem>>, vector<16xf32>,
      %swap3A_1248 = arith.constant 24 : i32
      %swap3A_1249 = arith.index_cast %swap3A_1248 : i32 to index
      %swap3A_1250 = arith.constant 112 : index
      %swap3A_1251 = tpu.vector_load %arg10[%swap3A_1249, %swap3A_1250] {strides = array<i32>} : memref<64x128xf32, #tpu.memory_space<vmem>>, vector<16xf32>,
      tpu.vector_store %arg10[%swap3A_1249, %swap3A_1250], %gather3A_1219 {strides = array<i32>} : memref<64x128xf32, #tpu.memory_space<vmem>>, vector<16xf32>,
      %broadcast_in_dim3A_1252 = arith.constant 25 : i32
      %broadcast_in_dim3A_1253 = vector.broadcast %broadcast_in_dim3A_1252 : i32 to vector<16xi32>
      %gather3A_1254 = tpu.vector_load_idx %arg9[%broadcast_in_dim3A_0, %broadcast_in_dim3A_1253] : memref<1x80xf32, #tpu.memory_space<vmem>>[vector<16xi32>, vector<16xi32>], vector<16xf32>,
      %swap3A_1255 = arith.constant 25 : i32
      %swap3A_1256 = arith.index_cast %swap3A_1255 : i32 to index
      %swap3A_1257 = arith.constant 0 : index
      %swap3A_1258 = tpu.vector_load %arg10[%swap3A_1256, %swap3A_1257] {strides = array<i32>} : memref<64x128xf32, #tpu.memory_space<vmem>>, vector<16xf32>,
      tpu.vector_store %arg10[%swap3A_1256, %swap3A_1257], %gather3A_1254 {strides = array<i32>} : memref<64x128xf32, #tpu.memory_space<vmem>>, vector<16xf32>,
      %swap3A_1259 = arith.constant 25 : i32
      %swap3A_1260 = arith.index_cast %swap3A_1259 : i32 to index
      %swap3A_1261 = arith.constant 16 : index
      %swap3A_1262 = tpu.vector_load %arg10[%swap3A_1260, %swap3A_1261] {strides = array<i32>} : memref<64x128xf32, #tpu.memory_space<vmem>>, vector<16xf32>,
      tpu.vector_store %arg10[%swap3A_1260, %swap3A_1261], %gather3A_1254 {strides = array<i32>} : memref<64x128xf32, #tpu.memory_space<vmem>>, vector<16xf32>,
      %swap3A_1263 = arith.constant 25 : i32
      %swap3A_1264 = arith.index_cast %swap3A_1263 : i32 to index
      %swap3A_1265 = arith.constant 32 : index
      %swap3A_1266 = tpu.vector_load %arg10[%swap3A_1264, %swap3A_1265] {strides = array<i32>} : memref<64x128xf32, #tpu.memory_space<vmem>>, vector<16xf32>,
      tpu.vector_store %arg10[%swap3A_1264, %swap3A_1265], %gather3A_1254 {strides = array<i32>} : memref<64x128xf32, #tpu.memory_space<vmem>>, vector<16xf32>,
      %swap3A_1267 = arith.constant 25 : i32
      %swap3A_1268 = arith.index_cast %swap3A_1267 : i32 to index
      %swap3A_1269 = arith.constant 48 : index
      %swap3A_1270 = tpu.vector_load %arg10[%swap3A_1268, %swap3A_1269] {strides = array<i32>} : memref<64x128xf32, #tpu.memory_space<vmem>>, vector<16xf32>,
      tpu.vector_store %arg10[%swap3A_1268, %swap3A_1269], %gather3A_1254 {strides = array<i32>} : memref<64x128xf32, #tpu.memory_space<vmem>>, vector<16xf32>,
      %swap3A_1271 = arith.constant 25 : i32
      %swap3A_1272 = arith.index_cast %swap3A_1271 : i32 to index
      %swap3A_1273 = arith.constant 64 : index
      %swap3A_1274 = tpu.vector_load %arg10[%swap3A_1272, %swap3A_1273] {strides = array<i32>} : memref<64x128xf32, #tpu.memory_space<vmem>>, vector<16xf32>,
      tpu.vector_store %arg10[%swap3A_1272, %swap3A_1273], %gather3A_1254 {strides = array<i32>} : memref<64x128xf32, #tpu.memory_space<vmem>>, vector<16xf32>,
      %swap3A_1275 = arith.constant 25 : i32
      %swap3A_1276 = arith.index_cast %swap3A_1275 : i32 to index
      %swap3A_1277 = arith.constant 80 : index
      %swap3A_1278 = tpu.vector_load %arg10[%swap3A_1276, %swap3A_1277] {strides = array<i32>} : memref<64x128xf32, #tpu.memory_space<vmem>>, vector<16xf32>,
      tpu.vector_store %arg10[%swap3A_1276, %swap3A_1277], %gather3A_1254 {strides = array<i32>} : memref<64x128xf32, #tpu.memory_space<vmem>>, vector<16xf32>,
      %swap3A_1279 = arith.constant 25 : i32
      %swap3A_1280 = arith.index_cast %swap3A_1279 : i32 to index
      %swap3A_1281 = arith.constant 96 : index
      %swap3A_1282 = tpu.vector_load %arg10[%swap3A_1280, %swap3A_1281] {strides = array<i32>} : memref<64x128xf32, #tpu.memory_space<vmem>>, vector<16xf32>,
      tpu.vector_store %arg10[%swap3A_1280, %swap3A_1281], %gather3A_1254 {strides = array<i32>} : memref<64x128xf32, #tpu.memory_space<vmem>>, vector<16xf32>,
      %swap3A_1283 = arith.constant 25 : i32
      %swap3A_1284 = arith.index_cast %swap3A_1283 : i32 to index
      %swap3A_1285 = arith.constant 112 : index
      %swap3A_1286 = tpu.vector_load %arg10[%swap3A_1284, %swap3A_1285] {strides = array<i32>} : memref<64x128xf32, #tpu.memory_space<vmem>>, vector<16xf32>,
      tpu.vector_store %arg10[%swap3A_1284, %swap3A_1285], %gather3A_1254 {strides = array<i32>} : memref<64x128xf32, #tpu.memory_space<vmem>>, vector<16xf32>,
      %broadcast_in_dim3A_1287 = arith.constant 26 : i32
      %broadcast_in_dim3A_1288 = vector.broadcast %broadcast_in_dim3A_1287 : i32 to vector<16xi32>
      %gather3A_1289 = tpu.vector_load_idx %arg9[%broadcast_in_dim3A_0, %broadcast_in_dim3A_1288] : memref<1x80xf32, #tpu.memory_space<vmem>>[vector<16xi32>, vector<16xi32>], vector<16xf32>,
      %swap3A_1290 = arith.constant 26 : i32
      %swap3A_1291 = arith.index_cast %swap3A_1290 : i32 to index
      %swap3A_1292 = arith.constant 0 : index
      %swap3A_1293 = tpu.vector_load %arg10[%swap3A_1291, %swap3A_1292] {strides = array<i32>} : memref<64x128xf32, #tpu.memory_space<vmem>>, vector<16xf32>,
      tpu.vector_store %arg10[%swap3A_1291, %swap3A_1292], %gather3A_1289 {strides = array<i32>} : memref<64x128xf32, #tpu.memory_space<vmem>>, vector<16xf32>,
      %swap3A_1294 = arith.constant 26 : i32
      %swap3A_1295 = arith.index_cast %swap3A_1294 : i32 to index
      %swap3A_1296 = arith.constant 16 : index
      %swap3A_1297 = tpu.vector_load %arg10[%swap3A_1295, %swap3A_1296] {strides = array<i32>} : memref<64x128xf32, #tpu.memory_space<vmem>>, vector<16xf32>,
      tpu.vector_store %arg10[%swap3A_1295, %swap3A_1296], %gather3A_1289 {strides = array<i32>} : memref<64x128xf32, #tpu.memory_space<vmem>>, vector<16xf32>,
      %swap3A_1298 = arith.constant 26 : i32
      %swap3A_1299 = arith.index_cast %swap3A_1298 : i32 to index
      %swap3A_1300 = arith.constant 32 : index
      %swap3A_1301 = tpu.vector_load %arg10[%swap3A_1299, %swap3A_1300] {strides = array<i32>} : memref<64x128xf32, #tpu.memory_space<vmem>>, vector<16xf32>,
      tpu.vector_store %arg10[%swap3A_1299, %swap3A_1300], %gather3A_1289 {strides = array<i32>} : memref<64x128xf32, #tpu.memory_space<vmem>>, vector<16xf32>,
      %swap3A_1302 = arith.constant 26 : i32
      %swap3A_1303 = arith.index_cast %swap3A_1302 : i32 to index
      %swap3A_1304 = arith.constant 48 : index
      %swap3A_1305 = tpu.vector_load %arg10[%swap3A_1303, %swap3A_1304] {strides = array<i32>} : memref<64x128xf32, #tpu.memory_space<vmem>>, vector<16xf32>,
      tpu.vector_store %arg10[%swap3A_1303, %swap3A_1304], %gather3A_1289 {strides = array<i32>} : memref<64x128xf32, #tpu.memory_space<vmem>>, vector<16xf32>,
      %swap3A_1306 = arith.constant 26 : i32
      %swap3A_1307 = arith.index_cast %swap3A_1306 : i32 to index
      %swap3A_1308 = arith.constant 64 : index
      %swap3A_1309 = tpu.vector_load %arg10[%swap3A_1307, %swap3A_1308] {strides = array<i32>} : memref<64x128xf32, #tpu.memory_space<vmem>>, vector<16xf32>,
      tpu.vector_store %arg10[%swap3A_1307, %swap3A_1308], %gather3A_1289 {strides = array<i32>} : memref<64x128xf32, #tpu.memory_space<vmem>>, vector<16xf32>,
      %swap3A_1310 = arith.constant 26 : i32
      %swap3A_1311 = arith.index_cast %swap3A_1310 : i32 to index
      %swap3A_1312 = arith.constant 80 : index
      %swap3A_1313 = tpu.vector_load %arg10[%swap3A_1311, %swap3A_1312] {strides = array<i32>} : memref<64x128xf32, #tpu.memory_space<vmem>>, vector<16xf32>,
      tpu.vector_store %arg10[%swap3A_1311, %swap3A_1312], %gather3A_1289 {strides = array<i32>} : memref<64x128xf32, #tpu.memory_space<vmem>>, vector<16xf32>,
      %swap3A_1314 = arith.constant 26 : i32
      %swap3A_1315 = arith.index_cast %swap3A_1314 : i32 to index
      %swap3A_1316 = arith.constant 96 : index
      %swap3A_1317 = tpu.vector_load %arg10[%swap3A_1315, %swap3A_1316] {strides = array<i32>} : memref<64x128xf32, #tpu.memory_space<vmem>>, vector<16xf32>,
      tpu.vector_store %arg10[%swap3A_1315, %swap3A_1316], %gather3A_1289 {strides = array<i32>} : memref<64x128xf32, #tpu.memory_space<vmem>>, vector<16xf32>,
      %swap3A_1318 = arith.constant 26 : i32
      %swap3A_1319 = arith.index_cast %swap3A_1318 : i32 to index
      %swap3A_1320 = arith.constant 112 : index
      %swap3A_1321 = tpu.vector_load %arg10[%swap3A_1319, %swap3A_1320] {strides = array<i32>} : memref<64x128xf32, #tpu.memory_space<vmem>>, vector<16xf32>,
      tpu.vector_store %arg10[%swap3A_1319, %swap3A_1320], %gather3A_1289 {strides = array<i32>} : memref<64x128xf32, #tpu.memory_space<vmem>>, vector<16xf32>,
      %broadcast_in_dim3A_1322 = arith.constant 27 : i32
      %broadcast_in_dim3A_1323 = vector.broadcast %broadcast_in_dim3A_1322 : i32 to vector<16xi32>
      %gather3A_1324 = tpu.vector_load_idx %arg9[%broadcast_in_dim3A_0, %broadcast_in_dim3A_1323] : memref<1x80xf32, #tpu.memory_space<vmem>>[vector<16xi32>, vector<16xi32>], vector<16xf32>,
      %swap3A_1325 = arith.constant 27 : i32
      %swap3A_1326 = arith.index_cast %swap3A_1325 : i32 to index
      %swap3A_1327 = arith.constant 0 : index
      %swap3A_1328 = tpu.vector_load %arg10[%swap3A_1326, %swap3A_1327] {strides = array<i32>} : memref<64x128xf32, #tpu.memory_space<vmem>>, vector<16xf32>,
      tpu.vector_store %arg10[%swap3A_1326, %swap3A_1327], %gather3A_1324 {strides = array<i32>} : memref<64x128xf32, #tpu.memory_space<vmem>>, vector<16xf32>,
      %swap3A_1329 = arith.constant 27 : i32
      %swap3A_1330 = arith.index_cast %swap3A_1329 : i32 to index
      %swap3A_1331 = arith.constant 16 : index
      %swap3A_1332 = tpu.vector_load %arg10[%swap3A_1330, %swap3A_1331] {strides = array<i32>} : memref<64x128xf32, #tpu.memory_space<vmem>>, vector<16xf32>,
      tpu.vector_store %arg10[%swap3A_1330, %swap3A_1331], %gather3A_1324 {strides = array<i32>} : memref<64x128xf32, #tpu.memory_space<vmem>>, vector<16xf32>,
      %swap3A_1333 = arith.constant 27 : i32
      %swap3A_1334 = arith.index_cast %swap3A_1333 : i32 to index
      %swap3A_1335 = arith.constant 32 : index
      %swap3A_1336 = tpu.vector_load %arg10[%swap3A_1334, %swap3A_1335] {strides = array<i32>} : memref<64x128xf32, #tpu.memory_space<vmem>>, vector<16xf32>,
      tpu.vector_store %arg10[%swap3A_1334, %swap3A_1335], %gather3A_1324 {strides = array<i32>} : memref<64x128xf32, #tpu.memory_space<vmem>>, vector<16xf32>,
      %swap3A_1337 = arith.constant 27 : i32
      %swap3A_1338 = arith.index_cast %swap3A_1337 : i32 to index
      %swap3A_1339 = arith.constant 48 : index
      %swap3A_1340 = tpu.vector_load %arg10[%swap3A_1338, %swap3A_1339] {strides = array<i32>} : memref<64x128xf32, #tpu.memory_space<vmem>>, vector<16xf32>,
      tpu.vector_store %arg10[%swap3A_1338, %swap3A_1339], %gather3A_1324 {strides = array<i32>} : memref<64x128xf32, #tpu.memory_space<vmem>>, vector<16xf32>,
      %swap3A_1341 = arith.constant 27 : i32
      %swap3A_1342 = arith.index_cast %swap3A_1341 : i32 to index
      %swap3A_1343 = arith.constant 64 : index
      %swap3A_1344 = tpu.vector_load %arg10[%swap3A_1342, %swap3A_1343] {strides = array<i32>} : memref<64x128xf32, #tpu.memory_space<vmem>>, vector<16xf32>,
      tpu.vector_store %arg10[%swap3A_1342, %swap3A_1343], %gather3A_1324 {strides = array<i32>} : memref<64x128xf32, #tpu.memory_space<vmem>>, vector<16xf32>,
      %swap3A_1345 = arith.constant 27 : i32
      %swap3A_1346 = arith.index_cast %swap3A_1345 : i32 to index
      %swap3A_1347 = arith.constant 80 : index
      %swap3A_1348 = tpu.vector_load %arg10[%swap3A_1346, %swap3A_1347] {strides = array<i32>} : memref<64x128xf32, #tpu.memory_space<vmem>>, vector<16xf32>,
      tpu.vector_store %arg10[%swap3A_1346, %swap3A_1347], %gather3A_1324 {strides = array<i32>} : memref<64x128xf32, #tpu.memory_space<vmem>>, vector<16xf32>,
      %swap3A_1349 = arith.constant 27 : i32
      %swap3A_1350 = arith.index_cast %swap3A_1349 : i32 to index
      %swap3A_1351 = arith.constant 96 : index
      %swap3A_1352 = tpu.vector_load %arg10[%swap3A_1350, %swap3A_1351] {strides = array<i32>} : memref<64x128xf32, #tpu.memory_space<vmem>>, vector<16xf32>,
      tpu.vector_store %arg10[%swap3A_1350, %swap3A_1351], %gather3A_1324 {strides = array<i32>} : memref<64x128xf32, #tpu.memory_space<vmem>>, vector<16xf32>,
      %swap3A_1353 = arith.constant 27 : i32
      %swap3A_1354 = arith.index_cast %swap3A_1353 : i32 to index
      %swap3A_1355 = arith.constant 112 : index
      %swap3A_1356 = tpu.vector_load %arg10[%swap3A_1354, %swap3A_1355] {strides = array<i32>} : memref<64x128xf32, #tpu.memory_space<vmem>>, vector<16xf32>,
      tpu.vector_store %arg10[%swap3A_1354, %swap3A_1355], %gather3A_1324 {strides = array<i32>} : memref<64x128xf32, #tpu.memory_space<vmem>>, vector<16xf32>,
      %broadcast_in_dim3A_1357 = arith.constant 28 : i32
      %broadcast_in_dim3A_1358 = vector.broadcast %broadcast_in_dim3A_1357 : i32 to vector<16xi32>
      %gather3A_1359 = tpu.vector_load_idx %arg9[%broadcast_in_dim3A_0, %broadcast_in_dim3A_1358] : memref<1x80xf32, #tpu.memory_space<vmem>>[vector<16xi32>, vector<16xi32>], vector<16xf32>,
      %swap3A_1360 = arith.constant 28 : i32
      %swap3A_1361 = arith.index_cast %swap3A_1360 : i32 to index
      %swap3A_1362 = arith.constant 0 : index
      %swap3A_1363 = tpu.vector_load %arg10[%swap3A_1361, %swap3A_1362] {strides = array<i32>} : memref<64x128xf32, #tpu.memory_space<vmem>>, vector<16xf32>,
      tpu.vector_store %arg10[%swap3A_1361, %swap3A_1362], %gather3A_1359 {strides = array<i32>} : memref<64x128xf32, #tpu.memory_space<vmem>>, vector<16xf32>,
      %swap3A_1364 = arith.constant 28 : i32
      %swap3A_1365 = arith.index_cast %swap3A_1364 : i32 to index
      %swap3A_1366 = arith.constant 16 : index
      %swap3A_1367 = tpu.vector_load %arg10[%swap3A_1365, %swap3A_1366] {strides = array<i32>} : memref<64x128xf32, #tpu.memory_space<vmem>>, vector<16xf32>,
      tpu.vector_store %arg10[%swap3A_1365, %swap3A_1366], %gather3A_1359 {strides = array<i32>} : memref<64x128xf32, #tpu.memory_space<vmem>>, vector<16xf32>,
      %swap3A_1368 = arith.constant 28 : i32
      %swap3A_1369 = arith.index_cast %swap3A_1368 : i32 to index
      %swap3A_1370 = arith.constant 32 : index
      %swap3A_1371 = tpu.vector_load %arg10[%swap3A_1369, %swap3A_1370] {strides = array<i32>} : memref<64x128xf32, #tpu.memory_space<vmem>>, vector<16xf32>,
      tpu.vector_store %arg10[%swap3A_1369, %swap3A_1370], %gather3A_1359 {strides = array<i32>} : memref<64x128xf32, #tpu.memory_space<vmem>>, vector<16xf32>,
      %swap3A_1372 = arith.constant 28 : i32
      %swap3A_1373 = arith.index_cast %swap3A_1372 : i32 to index
      %swap3A_1374 = arith.constant 48 : index
      %swap3A_1375 = tpu.vector_load %arg10[%swap3A_1373, %swap3A_1374] {strides = array<i32>} : memref<64x128xf32, #tpu.memory_space<vmem>>, vector<16xf32>,
      tpu.vector_store %arg10[%swap3A_1373, %swap3A_1374], %gather3A_1359 {strides = array<i32>} : memref<64x128xf32, #tpu.memory_space<vmem>>, vector<16xf32>,
      %swap3A_1376 = arith.constant 28 : i32
      %swap3A_1377 = arith.index_cast %swap3A_1376 : i32 to index
      %swap3A_1378 = arith.constant 64 : index
      %swap3A_1379 = tpu.vector_load %arg10[%swap3A_1377, %swap3A_1378] {strides = array<i32>} : memref<64x128xf32, #tpu.memory_space<vmem>>, vector<16xf32>,
      tpu.vector_store %arg10[%swap3A_1377, %swap3A_1378], %gather3A_1359 {strides = array<i32>} : memref<64x128xf32, #tpu.memory_space<vmem>>, vector<16xf32>,
      %swap3A_1380 = arith.constant 28 : i32
      %swap3A_1381 = arith.index_cast %swap3A_1380 : i32 to index
      %swap3A_1382 = arith.constant 80 : index
      %swap3A_1383 = tpu.vector_load %arg10[%swap3A_1381, %swap3A_1382] {strides = array<i32>} : memref<64x128xf32, #tpu.memory_space<vmem>>, vector<16xf32>,
      tpu.vector_store %arg10[%swap3A_1381, %swap3A_1382], %gather3A_1359 {strides = array<i32>} : memref<64x128xf32, #tpu.memory_space<vmem>>, vector<16xf32>,
      %swap3A_1384 = arith.constant 28 : i32
      %swap3A_1385 = arith.index_cast %swap3A_1384 : i32 to index
      %swap3A_1386 = arith.constant 96 : index
      %swap3A_1387 = tpu.vector_load %arg10[%swap3A_1385, %swap3A_1386] {strides = array<i32>} : memref<64x128xf32, #tpu.memory_space<vmem>>, vector<16xf32>,
      tpu.vector_store %arg10[%swap3A_1385, %swap3A_1386], %gather3A_1359 {strides = array<i32>} : memref<64x128xf32, #tpu.memory_space<vmem>>, vector<16xf32>,
      %swap3A_1388 = arith.constant 28 : i32
      %swap3A_1389 = arith.index_cast %swap3A_1388 : i32 to index
      %swap3A_1390 = arith.constant 112 : index
      %swap3A_1391 = tpu.vector_load %arg10[%swap3A_1389, %swap3A_1390] {strides = array<i32>} : memref<64x128xf32, #tpu.memory_space<vmem>>, vector<16xf32>,
      tpu.vector_store %arg10[%swap3A_1389, %swap3A_1390], %gather3A_1359 {strides = array<i32>} : memref<64x128xf32, #tpu.memory_space<vmem>>, vector<16xf32>,
      %broadcast_in_dim3A_1392 = arith.constant 29 : i32
      %broadcast_in_dim3A_1393 = vector.broadcast %broadcast_in_dim3A_1392 : i32 to vector<16xi32>
      %gather3A_1394 = tpu.vector_load_idx %arg9[%broadcast_in_dim3A_0, %broadcast_in_dim3A_1393] : memref<1x80xf32, #tpu.memory_space<vmem>>[vector<16xi32>, vector<16xi32>], vector<16xf32>,
      %swap3A_1395 = arith.constant 29 : i32
      %swap3A_1396 = arith.index_cast %swap3A_1395 : i32 to index
      %swap3A_1397 = arith.constant 0 : index
      %swap3A_1398 = tpu.vector_load %arg10[%swap3A_1396, %swap3A_1397] {strides = array<i32>} : memref<64x128xf32, #tpu.memory_space<vmem>>, vector<16xf32>,
      tpu.vector_store %arg10[%swap3A_1396, %swap3A_1397], %gather3A_1394 {strides = array<i32>} : memref<64x128xf32, #tpu.memory_space<vmem>>, vector<16xf32>,
      %swap3A_1399 = arith.constant 29 : i32
      %swap3A_1400 = arith.index_cast %swap3A_1399 : i32 to index
      %swap3A_1401 = arith.constant 16 : index
      %swap3A_1402 = tpu.vector_load %arg10[%swap3A_1400, %swap3A_1401] {strides = array<i32>} : memref<64x128xf32, #tpu.memory_space<vmem>>, vector<16xf32>,
      tpu.vector_store %arg10[%swap3A_1400, %swap3A_1401], %gather3A_1394 {strides = array<i32>} : memref<64x128xf32, #tpu.memory_space<vmem>>, vector<16xf32>,
      %swap3A_1403 = arith.constant 29 : i32
      %swap3A_1404 = arith.index_cast %swap3A_1403 : i32 to index
      %swap3A_1405 = arith.constant 32 : index
      %swap3A_1406 = tpu.vector_load %arg10[%swap3A_1404, %swap3A_1405] {strides = array<i32>} : memref<64x128xf32, #tpu.memory_space<vmem>>, vector<16xf32>,
      tpu.vector_store %arg10[%swap3A_1404, %swap3A_1405], %gather3A_1394 {strides = array<i32>} : memref<64x128xf32, #tpu.memory_space<vmem>>, vector<16xf32>,
      %swap3A_1407 = arith.constant 29 : i32
      %swap3A_1408 = arith.index_cast %swap3A_1407 : i32 to index
      %swap3A_1409 = arith.constant 48 : index
      %swap3A_1410 = tpu.vector_load %arg10[%swap3A_1408, %swap3A_1409] {strides = array<i32>} : memref<64x128xf32, #tpu.memory_space<vmem>>, vector<16xf32>,
      tpu.vector_store %arg10[%swap3A_1408, %swap3A_1409], %gather3A_1394 {strides = array<i32>} : memref<64x128xf32, #tpu.memory_space<vmem>>, vector<16xf32>,
      %swap3A_1411 = arith.constant 29 : i32
      %swap3A_1412 = arith.index_cast %swap3A_1411 : i32 to index
      %swap3A_1413 = arith.constant 64 : index
      %swap3A_1414 = tpu.vector_load %arg10[%swap3A_1412, %swap3A_1413] {strides = array<i32>} : memref<64x128xf32, #tpu.memory_space<vmem>>, vector<16xf32>,
      tpu.vector_store %arg10[%swap3A_1412, %swap3A_1413], %gather3A_1394 {strides = array<i32>} : memref<64x128xf32, #tpu.memory_space<vmem>>, vector<16xf32>,
      %swap3A_1415 = arith.constant 29 : i32
      %swap3A_1416 = arith.index_cast %swap3A_1415 : i32 to index
      %swap3A_1417 = arith.constant 80 : index
      %swap3A_1418 = tpu.vector_load %arg10[%swap3A_1416, %swap3A_1417] {strides = array<i32>} : memref<64x128xf32, #tpu.memory_space<vmem>>, vector<16xf32>,
      tpu.vector_store %arg10[%swap3A_1416, %swap3A_1417], %gather3A_1394 {strides = array<i32>} : memref<64x128xf32, #tpu.memory_space<vmem>>, vector<16xf32>,
      %swap3A_1419 = arith.constant 29 : i32
      %swap3A_1420 = arith.index_cast %swap3A_1419 : i32 to index
      %swap3A_1421 = arith.constant 96 : index
      %swap3A_1422 = tpu.vector_load %arg10[%swap3A_1420, %swap3A_1421] {strides = array<i32>} : memref<64x128xf32, #tpu.memory_space<vmem>>, vector<16xf32>,
      tpu.vector_store %arg10[%swap3A_1420, %swap3A_1421], %gather3A_1394 {strides = array<i32>} : memref<64x128xf32, #tpu.memory_space<vmem>>, vector<16xf32>,
      %swap3A_1423 = arith.constant 29 : i32
      %swap3A_1424 = arith.index_cast %swap3A_1423 : i32 to index
      %swap3A_1425 = arith.constant 112 : index
      %swap3A_1426 = tpu.vector_load %arg10[%swap3A_1424, %swap3A_1425] {strides = array<i32>} : memref<64x128xf32, #tpu.memory_space<vmem>>, vector<16xf32>,
      tpu.vector_store %arg10[%swap3A_1424, %swap3A_1425], %gather3A_1394 {strides = array<i32>} : memref<64x128xf32, #tpu.memory_space<vmem>>, vector<16xf32>,
      %broadcast_in_dim3A_1427 = arith.constant 30 : i32
      %broadcast_in_dim3A_1428 = vector.broadcast %broadcast_in_dim3A_1427 : i32 to vector<16xi32>
      %gather3A_1429 = tpu.vector_load_idx %arg9[%broadcast_in_dim3A_0, %broadcast_in_dim3A_1428] : memref<1x80xf32, #tpu.memory_space<vmem>>[vector<16xi32>, vector<16xi32>], vector<16xf32>,
      %swap3A_1430 = arith.constant 30 : i32
      %swap3A_1431 = arith.index_cast %swap3A_1430 : i32 to index
      %swap3A_1432 = arith.constant 0 : index
      %swap3A_1433 = tpu.vector_load %arg10[%swap3A_1431, %swap3A_1432] {strides = array<i32>} : memref<64x128xf32, #tpu.memory_space<vmem>>, vector<16xf32>,
      tpu.vector_store %arg10[%swap3A_1431, %swap3A_1432], %gather3A_1429 {strides = array<i32>} : memref<64x128xf32, #tpu.memory_space<vmem>>, vector<16xf32>,
      %swap3A_1434 = arith.constant 30 : i32
      %swap3A_1435 = arith.index_cast %swap3A_1434 : i32 to index
      %swap3A_1436 = arith.constant 16 : index
      %swap3A_1437 = tpu.vector_load %arg10[%swap3A_1435, %swap3A_1436] {strides = array<i32>} : memref<64x128xf32, #tpu.memory_space<vmem>>, vector<16xf32>,
      tpu.vector_store %arg10[%swap3A_1435, %swap3A_1436], %gather3A_1429 {strides = array<i32>} : memref<64x128xf32, #tpu.memory_space<vmem>>, vector<16xf32>,
      %swap3A_1438 = arith.constant 30 : i32
      %swap3A_1439 = arith.index_cast %swap3A_1438 : i32 to index
      %swap3A_1440 = arith.constant 32 : index
      %swap3A_1441 = tpu.vector_load %arg10[%swap3A_1439, %swap3A_1440] {strides = array<i32>} : memref<64x128xf32, #tpu.memory_space<vmem>>, vector<16xf32>,
      tpu.vector_store %arg10[%swap3A_1439, %swap3A_1440], %gather3A_1429 {strides = array<i32>} : memref<64x128xf32, #tpu.memory_space<vmem>>, vector<16xf32>,
      %swap3A_1442 = arith.constant 30 : i32
      %swap3A_1443 = arith.index_cast %swap3A_1442 : i32 to index
      %swap3A_1444 = arith.constant 48 : index
      %swap3A_1445 = tpu.vector_load %arg10[%swap3A_1443, %swap3A_1444] {strides = array<i32>} : memref<64x128xf32, #tpu.memory_space<vmem>>, vector<16xf32>,
      tpu.vector_store %arg10[%swap3A_1443, %swap3A_1444], %gather3A_1429 {strides = array<i32>} : memref<64x128xf32, #tpu.memory_space<vmem>>, vector<16xf32>,
      %swap3A_1446 = arith.constant 30 : i32
      %swap3A_1447 = arith.index_cast %swap3A_1446 : i32 to index
      %swap3A_1448 = arith.constant 64 : index
      %swap3A_1449 = tpu.vector_load %arg10[%swap3A_1447, %swap3A_1448] {strides = array<i32>} : memref<64x128xf32, #tpu.memory_space<vmem>>, vector<16xf32>,
      tpu.vector_store %arg10[%swap3A_1447, %swap3A_1448], %gather3A_1429 {strides = array<i32>} : memref<64x128xf32, #tpu.memory_space<vmem>>, vector<16xf32>,
      %swap3A_1450 = arith.constant 30 : i32
      %swap3A_1451 = arith.index_cast %swap3A_1450 : i32 to index
      %swap3A_1452 = arith.constant 80 : index
      %swap3A_1453 = tpu.vector_load %arg10[%swap3A_1451, %swap3A_1452] {strides = array<i32>} : memref<64x128xf32, #tpu.memory_space<vmem>>, vector<16xf32>,
      tpu.vector_store %arg10[%swap3A_1451, %swap3A_1452], %gather3A_1429 {strides = array<i32>} : memref<64x128xf32, #tpu.memory_space<vmem>>, vector<16xf32>,
      %swap3A_1454 = arith.constant 30 : i32
      %swap3A_1455 = arith.index_cast %swap3A_1454 : i32 to index
      %swap3A_1456 = arith.constant 96 : index
      %swap3A_1457 = tpu.vector_load %arg10[%swap3A_1455, %swap3A_1456] {strides = array<i32>} : memref<64x128xf32, #tpu.memory_space<vmem>>, vector<16xf32>,
      tpu.vector_store %arg10[%swap3A_1455, %swap3A_1456], %gather3A_1429 {strides = array<i32>} : memref<64x128xf32, #tpu.memory_space<vmem>>, vector<16xf32>,
      %swap3A_1458 = arith.constant 30 : i32
      %swap3A_1459 = arith.index_cast %swap3A_1458 : i32 to index
      %swap3A_1460 = arith.constant 112 : index
      %swap3A_1461 = tpu.vector_load %arg10[%swap3A_1459, %swap3A_1460] {strides = array<i32>} : memref<64x128xf32, #tpu.memory_space<vmem>>, vector<16xf32>,
      tpu.vector_store %arg10[%swap3A_1459, %swap3A_1460], %gather3A_1429 {strides = array<i32>} : memref<64x128xf32, #tpu.memory_space<vmem>>, vector<16xf32>,
      %broadcast_in_dim3A_1462 = arith.constant 31 : i32
      %broadcast_in_dim3A_1463 = vector.broadcast %broadcast_in_dim3A_1462 : i32 to vector<16xi32>
      %gather3A_1464 = tpu.vector_load_idx %arg9[%broadcast_in_dim3A_0, %broadcast_in_dim3A_1463] : memref<1x80xf32, #tpu.memory_space<vmem>>[vector<16xi32>, vector<16xi32>], vector<16xf32>,
      %swap3A_1465 = arith.constant 31 : i32
      %swap3A_1466 = arith.index_cast %swap3A_1465 : i32 to index
      %swap3A_1467 = arith.constant 0 : index
      %swap3A_1468 = tpu.vector_load %arg10[%swap3A_1466, %swap3A_1467] {strides = array<i32>} : memref<64x128xf32, #tpu.memory_space<vmem>>, vector<16xf32>,
      tpu.vector_store %arg10[%swap3A_1466, %swap3A_1467], %gather3A_1464 {strides = array<i32>} : memref<64x128xf32, #tpu.memory_space<vmem>>, vector<16xf32>,
      %swap3A_1469 = arith.constant 31 : i32
      %swap3A_1470 = arith.index_cast %swap3A_1469 : i32 to index
      %swap3A_1471 = arith.constant 16 : index
      %swap3A_1472 = tpu.vector_load %arg10[%swap3A_1470, %swap3A_1471] {strides = array<i32>} : memref<64x128xf32, #tpu.memory_space<vmem>>, vector<16xf32>,
      tpu.vector_store %arg10[%swap3A_1470, %swap3A_1471], %gather3A_1464 {strides = array<i32>} : memref<64x128xf32, #tpu.memory_space<vmem>>, vector<16xf32>,
      %swap3A_1473 = arith.constant 31 : i32
      %swap3A_1474 = arith.index_cast %swap3A_1473 : i32 to index
      %swap3A_1475 = arith.constant 32 : index
      %swap3A_1476 = tpu.vector_load %arg10[%swap3A_1474, %swap3A_1475] {strides = array<i32>} : memref<64x128xf32, #tpu.memory_space<vmem>>, vector<16xf32>,
      tpu.vector_store %arg10[%swap3A_1474, %swap3A_1475], %gather3A_1464 {strides = array<i32>} : memref<64x128xf32, #tpu.memory_space<vmem>>, vector<16xf32>,
      %swap3A_1477 = arith.constant 31 : i32
      %swap3A_1478 = arith.index_cast %swap3A_1477 : i32 to index
      %swap3A_1479 = arith.constant 48 : index
      %swap3A_1480 = tpu.vector_load %arg10[%swap3A_1478, %swap3A_1479] {strides = array<i32>} : memref<64x128xf32, #tpu.memory_space<vmem>>, vector<16xf32>,
      tpu.vector_store %arg10[%swap3A_1478, %swap3A_1479], %gather3A_1464 {strides = array<i32>} : memref<64x128xf32, #tpu.memory_space<vmem>>, vector<16xf32>,
      %swap3A_1481 = arith.constant 31 : i32
      %swap3A_1482 = arith.index_cast %swap3A_1481 : i32 to index
      %swap3A_1483 = arith.constant 64 : index
      %swap3A_1484 = tpu.vector_load %arg10[%swap3A_1482, %swap3A_1483] {strides = array<i32>} : memref<64x128xf32, #tpu.memory_space<vmem>>, vector<16xf32>,
      tpu.vector_store %arg10[%swap3A_1482, %swap3A_1483], %gather3A_1464 {strides = array<i32>} : memref<64x128xf32, #tpu.memory_space<vmem>>, vector<16xf32>,
      %swap3A_1485 = arith.constant 31 : i32
      %swap3A_1486 = arith.index_cast %swap3A_1485 : i32 to index
      %swap3A_1487 = arith.constant 80 : index
      %swap3A_1488 = tpu.vector_load %arg10[%swap3A_1486, %swap3A_1487] {strides = array<i32>} : memref<64x128xf32, #tpu.memory_space<vmem>>, vector<16xf32>,
      tpu.vector_store %arg10[%swap3A_1486, %swap3A_1487], %gather3A_1464 {strides = array<i32>} : memref<64x128xf32, #tpu.memory_space<vmem>>, vector<16xf32>,
      %swap3A_1489 = arith.constant 31 : i32
      %swap3A_1490 = arith.index_cast %swap3A_1489 : i32 to index
      %swap3A_1491 = arith.constant 96 : index
      %swap3A_1492 = tpu.vector_load %arg10[%swap3A_1490, %swap3A_1491] {strides = array<i32>} : memref<64x128xf32, #tpu.memory_space<vmem>>, vector<16xf32>,
      tpu.vector_store %arg10[%swap3A_1490, %swap3A_1491], %gather3A_1464 {strides = array<i32>} : memref<64x128xf32, #tpu.memory_space<vmem>>, vector<16xf32>,
      %swap3A_1493 = arith.constant 31 : i32
      %swap3A_1494 = arith.index_cast %swap3A_1493 : i32 to index
      %swap3A_1495 = arith.constant 112 : index
      %swap3A_1496 = tpu.vector_load %arg10[%swap3A_1494, %swap3A_1495] {strides = array<i32>} : memref<64x128xf32, #tpu.memory_space<vmem>>, vector<16xf32>,
      tpu.vector_store %arg10[%swap3A_1494, %swap3A_1495], %gather3A_1464 {strides = array<i32>} : memref<64x128xf32, #tpu.memory_space<vmem>>, vector<16xf32>,
      %broadcast_in_dim3A_1497 = arith.constant 32 : i32
      %broadcast_in_dim3A_1498 = vector.broadcast %broadcast_in_dim3A_1497 : i32 to vector<16xi32>
      %gather3A_1499 = tpu.vector_load_idx %arg9[%broadcast_in_dim3A_0, %broadcast_in_dim3A_1498] : memref<1x80xf32, #tpu.memory_space<vmem>>[vector<16xi32>, vector<16xi32>], vector<16xf32>,
      %swap3A_1500 = arith.constant 32 : i32
      %swap3A_1501 = arith.index_cast %swap3A_1500 : i32 to index
      %swap3A_1502 = arith.constant 0 : index
      %swap3A_1503 = tpu.vector_load %arg10[%swap3A_1501, %swap3A_1502] {strides = array<i32>} : memref<64x128xf32, #tpu.memory_space<vmem>>, vector<16xf32>,
      tpu.vector_store %arg10[%swap3A_1501, %swap3A_1502], %gather3A_1499 {strides = array<i32>} : memref<64x128xf32, #tpu.memory_space<vmem>>, vector<16xf32>,
      %swap3A_1504 = arith.constant 32 : i32
      %swap3A_1505 = arith.index_cast %swap3A_1504 : i32 to index
      %swap3A_1506 = arith.constant 16 : index
      %swap3A_1507 = tpu.vector_load %arg10[%swap3A_1505, %swap3A_1506] {strides = array<i32>} : memref<64x128xf32, #tpu.memory_space<vmem>>, vector<16xf32>,
      tpu.vector_store %arg10[%swap3A_1505, %swap3A_1506], %gather3A_1499 {strides = array<i32>} : memref<64x128xf32, #tpu.memory_space<vmem>>, vector<16xf32>,
      %swap3A_1508 = arith.constant 32 : i32
      %swap3A_1509 = arith.index_cast %swap3A_1508 : i32 to index
      %swap3A_1510 = arith.constant 32 : index
      %swap3A_1511 = tpu.vector_load %arg10[%swap3A_1509, %swap3A_1510] {strides = array<i32>} : memref<64x128xf32, #tpu.memory_space<vmem>>, vector<16xf32>,
      tpu.vector_store %arg10[%swap3A_1509, %swap3A_1510], %gather3A_1499 {strides = array<i32>} : memref<64x128xf32, #tpu.memory_space<vmem>>, vector<16xf32>,
      %swap3A_1512 = arith.constant 32 : i32
      %swap3A_1513 = arith.index_cast %swap3A_1512 : i32 to index
      %swap3A_1514 = arith.constant 48 : index
      %swap3A_1515 = tpu.vector_load %arg10[%swap3A_1513, %swap3A_1514] {strides = array<i32>} : memref<64x128xf32, #tpu.memory_space<vmem>>, vector<16xf32>,
      tpu.vector_store %arg10[%swap3A_1513, %swap3A_1514], %gather3A_1499 {strides = array<i32>} : memref<64x128xf32, #tpu.memory_space<vmem>>, vector<16xf32>,
      %swap3A_1516 = arith.constant 32 : i32
      %swap3A_1517 = arith.index_cast %swap3A_1516 : i32 to index
      %swap3A_1518 = arith.constant 64 : index
      %swap3A_1519 = tpu.vector_load %arg10[%swap3A_1517, %swap3A_1518] {strides = array<i32>} : memref<64x128xf32, #tpu.memory_space<vmem>>, vector<16xf32>,
      tpu.vector_store %arg10[%swap3A_1517, %swap3A_1518], %gather3A_1499 {strides = array<i32>} : memref<64x128xf32, #tpu.memory_space<vmem>>, vector<16xf32>,
      %swap3A_1520 = arith.constant 32 : i32
      %swap3A_1521 = arith.index_cast %swap3A_1520 : i32 to index
      %swap3A_1522 = arith.constant 80 : index
      %swap3A_1523 = tpu.vector_load %arg10[%swap3A_1521, %swap3A_1522] {strides = array<i32>} : memref<64x128xf32, #tpu.memory_space<vmem>>, vector<16xf32>,
      tpu.vector_store %arg10[%swap3A_1521, %swap3A_1522], %gather3A_1499 {strides = array<i32>} : memref<64x128xf32, #tpu.memory_space<vmem>>, vector<16xf32>,
      %swap3A_1524 = arith.constant 32 : i32
      %swap3A_1525 = arith.index_cast %swap3A_1524 : i32 to index
      %swap3A_1526 = arith.constant 96 : index
      %swap3A_1527 = tpu.vector_load %arg10[%swap3A_1525, %swap3A_1526] {strides = array<i32>} : memref<64x128xf32, #tpu.memory_space<vmem>>, vector<16xf32>,
      tpu.vector_store %arg10[%swap3A_1525, %swap3A_1526], %gather3A_1499 {strides = array<i32>} : memref<64x128xf32, #tpu.memory_space<vmem>>, vector<16xf32>,
      %swap3A_1528 = arith.constant 32 : i32
      %swap3A_1529 = arith.index_cast %swap3A_1528 : i32 to index
      %swap3A_1530 = arith.constant 112 : index
      %swap3A_1531 = tpu.vector_load %arg10[%swap3A_1529, %swap3A_1530] {strides = array<i32>} : memref<64x128xf32, #tpu.memory_space<vmem>>, vector<16xf32>,
      tpu.vector_store %arg10[%swap3A_1529, %swap3A_1530], %gather3A_1499 {strides = array<i32>} : memref<64x128xf32, #tpu.memory_space<vmem>>, vector<16xf32>,
      %broadcast_in_dim3A_1532 = arith.constant 33 : i32
      %broadcast_in_dim3A_1533 = vector.broadcast %broadcast_in_dim3A_1532 : i32 to vector<16xi32>
      %gather3A_1534 = tpu.vector_load_idx %arg9[%broadcast_in_dim3A_0, %broadcast_in_dim3A_1533] : memref<1x80xf32, #tpu.memory_space<vmem>>[vector<16xi32>, vector<16xi32>], vector<16xf32>,
      %swap3A_1535 = arith.constant 33 : i32
      %swap3A_1536 = arith.index_cast %swap3A_1535 : i32 to index
      %swap3A_1537 = arith.constant 0 : index
      %swap3A_1538 = tpu.vector_load %arg10[%swap3A_1536, %swap3A_1537] {strides = array<i32>} : memref<64x128xf32, #tpu.memory_space<vmem>>, vector<16xf32>,
      tpu.vector_store %arg10[%swap3A_1536, %swap3A_1537], %gather3A_1534 {strides = array<i32>} : memref<64x128xf32, #tpu.memory_space<vmem>>, vector<16xf32>,
      %swap3A_1539 = arith.constant 33 : i32
      %swap3A_1540 = arith.index_cast %swap3A_1539 : i32 to index
      %swap3A_1541 = arith.constant 16 : index
      %swap3A_1542 = tpu.vector_load %arg10[%swap3A_1540, %swap3A_1541] {strides = array<i32>} : memref<64x128xf32, #tpu.memory_space<vmem>>, vector<16xf32>,
      tpu.vector_store %arg10[%swap3A_1540, %swap3A_1541], %gather3A_1534 {strides = array<i32>} : memref<64x128xf32, #tpu.memory_space<vmem>>, vector<16xf32>,
      %swap3A_1543 = arith.constant 33 : i32
      %swap3A_1544 = arith.index_cast %swap3A_1543 : i32 to index
      %swap3A_1545 = arith.constant 32 : index
      %swap3A_1546 = tpu.vector_load %arg10[%swap3A_1544, %swap3A_1545] {strides = array<i32>} : memref<64x128xf32, #tpu.memory_space<vmem>>, vector<16xf32>,
      tpu.vector_store %arg10[%swap3A_1544, %swap3A_1545], %gather3A_1534 {strides = array<i32>} : memref<64x128xf32, #tpu.memory_space<vmem>>, vector<16xf32>,
      %swap3A_1547 = arith.constant 33 : i32
      %swap3A_1548 = arith.index_cast %swap3A_1547 : i32 to index
      %swap3A_1549 = arith.constant 48 : index
      %swap3A_1550 = tpu.vector_load %arg10[%swap3A_1548, %swap3A_1549] {strides = array<i32>} : memref<64x128xf32, #tpu.memory_space<vmem>>, vector<16xf32>,
      tpu.vector_store %arg10[%swap3A_1548, %swap3A_1549], %gather3A_1534 {strides = array<i32>} : memref<64x128xf32, #tpu.memory_space<vmem>>, vector<16xf32>,
      %swap3A_1551 = arith.constant 33 : i32
      %swap3A_1552 = arith.index_cast %swap3A_1551 : i32 to index
      %swap3A_1553 = arith.constant 64 : index
      %swap3A_1554 = tpu.vector_load %arg10[%swap3A_1552, %swap3A_1553] {strides = array<i32>} : memref<64x128xf32, #tpu.memory_space<vmem>>, vector<16xf32>,
      tpu.vector_store %arg10[%swap3A_1552, %swap3A_1553], %gather3A_1534 {strides = array<i32>} : memref<64x128xf32, #tpu.memory_space<vmem>>, vector<16xf32>,
      %swap3A_1555 = arith.constant 33 : i32
      %swap3A_1556 = arith.index_cast %swap3A_1555 : i32 to index
      %swap3A_1557 = arith.constant 80 : index
      %swap3A_1558 = tpu.vector_load %arg10[%swap3A_1556, %swap3A_1557] {strides = array<i32>} : memref<64x128xf32, #tpu.memory_space<vmem>>, vector<16xf32>,
      tpu.vector_store %arg10[%swap3A_1556, %swap3A_1557], %gather3A_1534 {strides = array<i32>} : memref<64x128xf32, #tpu.memory_space<vmem>>, vector<16xf32>,
      %swap3A_1559 = arith.constant 33 : i32
      %swap3A_1560 = arith.index_cast %swap3A_1559 : i32 to index
      %swap3A_1561 = arith.constant 96 : index
      %swap3A_1562 = tpu.vector_load %arg10[%swap3A_1560, %swap3A_1561] {strides = array<i32>} : memref<64x128xf32, #tpu.memory_space<vmem>>, vector<16xf32>,
      tpu.vector_store %arg10[%swap3A_1560, %swap3A_1561], %gather3A_1534 {strides = array<i32>} : memref<64x128xf32, #tpu.memory_space<vmem>>, vector<16xf32>,
      %swap3A_1563 = arith.constant 33 : i32
      %swap3A_1564 = arith.index_cast %swap3A_1563 : i32 to index
      %swap3A_1565 = arith.constant 112 : index
      %swap3A_1566 = tpu.vector_load %arg10[%swap3A_1564, %swap3A_1565] {strides = array<i32>} : memref<64x128xf32, #tpu.memory_space<vmem>>, vector<16xf32>,
      tpu.vector_store %arg10[%swap3A_1564, %swap3A_1565], %gather3A_1534 {strides = array<i32>} : memref<64x128xf32, #tpu.memory_space<vmem>>, vector<16xf32>,
      %broadcast_in_dim3A_1567 = arith.constant 34 : i32
      %broadcast_in_dim3A_1568 = vector.broadcast %broadcast_in_dim3A_1567 : i32 to vector<16xi32>
      %gather3A_1569 = tpu.vector_load_idx %arg9[%broadcast_in_dim3A_0, %broadcast_in_dim3A_1568] : memref<1x80xf32, #tpu.memory_space<vmem>>[vector<16xi32>, vector<16xi32>], vector<16xf32>,
      %swap3A_1570 = arith.constant 34 : i32
      %swap3A_1571 = arith.index_cast %swap3A_1570 : i32 to index
      %swap3A_1572 = arith.constant 0 : index
      %swap3A_1573 = tpu.vector_load %arg10[%swap3A_1571, %swap3A_1572] {strides = array<i32>} : memref<64x128xf32, #tpu.memory_space<vmem>>, vector<16xf32>,
      tpu.vector_store %arg10[%swap3A_1571, %swap3A_1572], %gather3A_1569 {strides = array<i32>} : memref<64x128xf32, #tpu.memory_space<vmem>>, vector<16xf32>,
      %swap3A_1574 = arith.constant 34 : i32
      %swap3A_1575 = arith.index_cast %swap3A_1574 : i32 to index
      %swap3A_1576 = arith.constant 16 : index
      %swap3A_1577 = tpu.vector_load %arg10[%swap3A_1575, %swap3A_1576] {strides = array<i32>} : memref<64x128xf32, #tpu.memory_space<vmem>>, vector<16xf32>,
      tpu.vector_store %arg10[%swap3A_1575, %swap3A_1576], %gather3A_1569 {strides = array<i32>} : memref<64x128xf32, #tpu.memory_space<vmem>>, vector<16xf32>,
      %swap3A_1578 = arith.constant 34 : i32
      %swap3A_1579 = arith.index_cast %swap3A_1578 : i32 to index
      %swap3A_1580 = arith.constant 32 : index
      %swap3A_1581 = tpu.vector_load %arg10[%swap3A_1579, %swap3A_1580] {strides = array<i32>} : memref<64x128xf32, #tpu.memory_space<vmem>>, vector<16xf32>,
      tpu.vector_store %arg10[%swap3A_1579, %swap3A_1580], %gather3A_1569 {strides = array<i32>} : memref<64x128xf32, #tpu.memory_space<vmem>>, vector<16xf32>,
      %swap3A_1582 = arith.constant 34 : i32
      %swap3A_1583 = arith.index_cast %swap3A_1582 : i32 to index
      %swap3A_1584 = arith.constant 48 : index
      %swap3A_1585 = tpu.vector_load %arg10[%swap3A_1583, %swap3A_1584] {strides = array<i32>} : memref<64x128xf32, #tpu.memory_space<vmem>>, vector<16xf32>,
      tpu.vector_store %arg10[%swap3A_1583, %swap3A_1584], %gather3A_1569 {strides = array<i32>} : memref<64x128xf32, #tpu.memory_space<vmem>>, vector<16xf32>,
      %swap3A_1586 = arith.constant 34 : i32
      %swap3A_1587 = arith.index_cast %swap3A_1586 : i32 to index
      %swap3A_1588 = arith.constant 64 : index
      %swap3A_1589 = tpu.vector_load %arg10[%swap3A_1587, %swap3A_1588] {strides = array<i32>} : memref<64x128xf32, #tpu.memory_space<vmem>>, vector<16xf32>,
      tpu.vector_store %arg10[%swap3A_1587, %swap3A_1588], %gather3A_1569 {strides = array<i32>} : memref<64x128xf32, #tpu.memory_space<vmem>>, vector<16xf32>,
      %swap3A_1590 = arith.constant 34 : i32
      %swap3A_1591 = arith.index_cast %swap3A_1590 : i32 to index
      %swap3A_1592 = arith.constant 80 : index
      %swap3A_1593 = tpu.vector_load %arg10[%swap3A_1591, %swap3A_1592] {strides = array<i32>} : memref<64x128xf32, #tpu.memory_space<vmem>>, vector<16xf32>,
      tpu.vector_store %arg10[%swap3A_1591, %swap3A_1592], %gather3A_1569 {strides = array<i32>} : memref<64x128xf32, #tpu.memory_space<vmem>>, vector<16xf32>,
      %swap3A_1594 = arith.constant 34 : i32
      %swap3A_1595 = arith.index_cast %swap3A_1594 : i32 to index
      %swap3A_1596 = arith.constant 96 : index
      %swap3A_1597 = tpu.vector_load %arg10[%swap3A_1595, %swap3A_1596] {strides = array<i32>} : memref<64x128xf32, #tpu.memory_space<vmem>>, vector<16xf32>,
      tpu.vector_store %arg10[%swap3A_1595, %swap3A_1596], %gather3A_1569 {strides = array<i32>} : memref<64x128xf32, #tpu.memory_space<vmem>>, vector<16xf32>,
      %swap3A_1598 = arith.constant 34 : i32
      %swap3A_1599 = arith.index_cast %swap3A_1598 : i32 to index
      %swap3A_1600 = arith.constant 112 : index
      %swap3A_1601 = tpu.vector_load %arg10[%swap3A_1599, %swap3A_1600] {strides = array<i32>} : memref<64x128xf32, #tpu.memory_space<vmem>>, vector<16xf32>,
      tpu.vector_store %arg10[%swap3A_1599, %swap3A_1600], %gather3A_1569 {strides = array<i32>} : memref<64x128xf32, #tpu.memory_space<vmem>>, vector<16xf32>,
      %broadcast_in_dim3A_1602 = arith.constant 35 : i32
      %broadcast_in_dim3A_1603 = vector.broadcast %broadcast_in_dim3A_1602 : i32 to vector<16xi32>
      %gather3A_1604 = tpu.vector_load_idx %arg9[%broadcast_in_dim3A_0, %broadcast_in_dim3A_1603] : memref<1x80xf32, #tpu.memory_space<vmem>>[vector<16xi32>, vector<16xi32>], vector<16xf32>,
      %swap3A_1605 = arith.constant 35 : i32
      %swap3A_1606 = arith.index_cast %swap3A_1605 : i32 to index
      %swap3A_1607 = arith.constant 0 : index
      %swap3A_1608 = tpu.vector_load %arg10[%swap3A_1606, %swap3A_1607] {strides = array<i32>} : memref<64x128xf32, #tpu.memory_space<vmem>>, vector<16xf32>,
      tpu.vector_store %arg10[%swap3A_1606, %swap3A_1607], %gather3A_1604 {strides = array<i32>} : memref<64x128xf32, #tpu.memory_space<vmem>>, vector<16xf32>,
      %swap3A_1609 = arith.constant 35 : i32
      %swap3A_1610 = arith.index_cast %swap3A_1609 : i32 to index
      %swap3A_1611 = arith.constant 16 : index
      %swap3A_1612 = tpu.vector_load %arg10[%swap3A_1610, %swap3A_1611] {strides = array<i32>} : memref<64x128xf32, #tpu.memory_space<vmem>>, vector<16xf32>,
      tpu.vector_store %arg10[%swap3A_1610, %swap3A_1611], %gather3A_1604 {strides = array<i32>} : memref<64x128xf32, #tpu.memory_space<vmem>>, vector<16xf32>,
      %swap3A_1613 = arith.constant 35 : i32
      %swap3A_1614 = arith.index_cast %swap3A_1613 : i32 to index
      %swap3A_1615 = arith.constant 32 : index
      %swap3A_1616 = tpu.vector_load %arg10[%swap3A_1614, %swap3A_1615] {strides = array<i32>} : memref<64x128xf32, #tpu.memory_space<vmem>>, vector<16xf32>,
      tpu.vector_store %arg10[%swap3A_1614, %swap3A_1615], %gather3A_1604 {strides = array<i32>} : memref<64x128xf32, #tpu.memory_space<vmem>>, vector<16xf32>,
      %swap3A_1617 = arith.constant 35 : i32
      %swap3A_1618 = arith.index_cast %swap3A_1617 : i32 to index
      %swap3A_1619 = arith.constant 48 : index
      %swap3A_1620 = tpu.vector_load %arg10[%swap3A_1618, %swap3A_1619] {strides = array<i32>} : memref<64x128xf32, #tpu.memory_space<vmem>>, vector<16xf32>,
      tpu.vector_store %arg10[%swap3A_1618, %swap3A_1619], %gather3A_1604 {strides = array<i32>} : memref<64x128xf32, #tpu.memory_space<vmem>>, vector<16xf32>,
      %swap3A_1621 = arith.constant 35 : i32
      %swap3A_1622 = arith.index_cast %swap3A_1621 : i32 to index
      %swap3A_1623 = arith.constant 64 : index
      %swap3A_1624 = tpu.vector_load %arg10[%swap3A_1622, %swap3A_1623] {strides = array<i32>} : memref<64x128xf32, #tpu.memory_space<vmem>>, vector<16xf32>,
      tpu.vector_store %arg10[%swap3A_1622, %swap3A_1623], %gather3A_1604 {strides = array<i32>} : memref<64x128xf32, #tpu.memory_space<vmem>>, vector<16xf32>,
      %swap3A_1625 = arith.constant 35 : i32
      %swap3A_1626 = arith.index_cast %swap3A_1625 : i32 to index
      %swap3A_1627 = arith.constant 80 : index
      %swap3A_1628 = tpu.vector_load %arg10[%swap3A_1626, %swap3A_1627] {strides = array<i32>} : memref<64x128xf32, #tpu.memory_space<vmem>>, vector<16xf32>,
      tpu.vector_store %arg10[%swap3A_1626, %swap3A_1627], %gather3A_1604 {strides = array<i32>} : memref<64x128xf32, #tpu.memory_space<vmem>>, vector<16xf32>,
      %swap3A_1629 = arith.constant 35 : i32
      %swap3A_1630 = arith.index_cast %swap3A_1629 : i32 to index
      %swap3A_1631 = arith.constant 96 : index
      %swap3A_1632 = tpu.vector_load %arg10[%swap3A_1630, %swap3A_1631] {strides = array<i32>} : memref<64x128xf32, #tpu.memory_space<vmem>>, vector<16xf32>,
      tpu.vector_store %arg10[%swap3A_1630, %swap3A_1631], %gather3A_1604 {strides = array<i32>} : memref<64x128xf32, #tpu.memory_space<vmem>>, vector<16xf32>,
      %swap3A_1633 = arith.constant 35 : i32
      %swap3A_1634 = arith.index_cast %swap3A_1633 : i32 to index
      %swap3A_1635 = arith.constant 112 : index
      %swap3A_1636 = tpu.vector_load %arg10[%swap3A_1634, %swap3A_1635] {strides = array<i32>} : memref<64x128xf32, #tpu.memory_space<vmem>>, vector<16xf32>,
      tpu.vector_store %arg10[%swap3A_1634, %swap3A_1635], %gather3A_1604 {strides = array<i32>} : memref<64x128xf32, #tpu.memory_space<vmem>>, vector<16xf32>,
      %broadcast_in_dim3A_1637 = arith.constant 36 : i32
      %broadcast_in_dim3A_1638 = vector.broadcast %broadcast_in_dim3A_1637 : i32 to vector<16xi32>
      %gather3A_1639 = tpu.vector_load_idx %arg9[%broadcast_in_dim3A_0, %broadcast_in_dim3A_1638] : memref<1x80xf32, #tpu.memory_space<vmem>>[vector<16xi32>, vector<16xi32>], vector<16xf32>,
      %swap3A_1640 = arith.constant 36 : i32
      %swap3A_1641 = arith.index_cast %swap3A_1640 : i32 to index
      %swap3A_1642 = arith.constant 0 : index
      %swap3A_1643 = tpu.vector_load %arg10[%swap3A_1641, %swap3A_1642] {strides = array<i32>} : memref<64x128xf32, #tpu.memory_space<vmem>>, vector<16xf32>,
      tpu.vector_store %arg10[%swap3A_1641, %swap3A_1642], %gather3A_1639 {strides = array<i32>} : memref<64x128xf32, #tpu.memory_space<vmem>>, vector<16xf32>,
      %swap3A_1644 = arith.constant 36 : i32
      %swap3A_1645 = arith.index_cast %swap3A_1644 : i32 to index
      %swap3A_1646 = arith.constant 16 : index
      %swap3A_1647 = tpu.vector_load %arg10[%swap3A_1645, %swap3A_1646] {strides = array<i32>} : memref<64x128xf32, #tpu.memory_space<vmem>>, vector<16xf32>,
      tpu.vector_store %arg10[%swap3A_1645, %swap3A_1646], %gather3A_1639 {strides = array<i32>} : memref<64x128xf32, #tpu.memory_space<vmem>>, vector<16xf32>,
      %swap3A_1648 = arith.constant 36 : i32
      %swap3A_1649 = arith.index_cast %swap3A_1648 : i32 to index
      %swap3A_1650 = arith.constant 32 : index
      %swap3A_1651 = tpu.vector_load %arg10[%swap3A_1649, %swap3A_1650] {strides = array<i32>} : memref<64x128xf32, #tpu.memory_space<vmem>>, vector<16xf32>,
      tpu.vector_store %arg10[%swap3A_1649, %swap3A_1650], %gather3A_1639 {strides = array<i32>} : memref<64x128xf32, #tpu.memory_space<vmem>>, vector<16xf32>,
      %swap3A_1652 = arith.constant 36 : i32
      %swap3A_1653 = arith.index_cast %swap3A_1652 : i32 to index
      %swap3A_1654 = arith.constant 48 : index
      %swap3A_1655 = tpu.vector_load %arg10[%swap3A_1653, %swap3A_1654] {strides = array<i32>} : memref<64x128xf32, #tpu.memory_space<vmem>>, vector<16xf32>,
      tpu.vector_store %arg10[%swap3A_1653, %swap3A_1654], %gather3A_1639 {strides = array<i32>} : memref<64x128xf32, #tpu.memory_space<vmem>>, vector<16xf32>,
      %swap3A_1656 = arith.constant 36 : i32
      %swap3A_1657 = arith.index_cast %swap3A_1656 : i32 to index
      %swap3A_1658 = arith.constant 64 : index
      %swap3A_1659 = tpu.vector_load %arg10[%swap3A_1657, %swap3A_1658] {strides = array<i32>} : memref<64x128xf32, #tpu.memory_space<vmem>>, vector<16xf32>,
      tpu.vector_store %arg10[%swap3A_1657, %swap3A_1658], %gather3A_1639 {strides = array<i32>} : memref<64x128xf32, #tpu.memory_space<vmem>>, vector<16xf32>,
      %swap3A_1660 = arith.constant 36 : i32
      %swap3A_1661 = arith.index_cast %swap3A_1660 : i32 to index
      %swap3A_1662 = arith.constant 80 : index
      %swap3A_1663 = tpu.vector_load %arg10[%swap3A_1661, %swap3A_1662] {strides = array<i32>} : memref<64x128xf32, #tpu.memory_space<vmem>>, vector<16xf32>,
      tpu.vector_store %arg10[%swap3A_1661, %swap3A_1662], %gather3A_1639 {strides = array<i32>} : memref<64x128xf32, #tpu.memory_space<vmem>>, vector<16xf32>,
      %swap3A_1664 = arith.constant 36 : i32
      %swap3A_1665 = arith.index_cast %swap3A_1664 : i32 to index
      %swap3A_1666 = arith.constant 96 : index
      %swap3A_1667 = tpu.vector_load %arg10[%swap3A_1665, %swap3A_1666] {strides = array<i32>} : memref<64x128xf32, #tpu.memory_space<vmem>>, vector<16xf32>,
      tpu.vector_store %arg10[%swap3A_1665, %swap3A_1666], %gather3A_1639 {strides = array<i32>} : memref<64x128xf32, #tpu.memory_space<vmem>>, vector<16xf32>,
      %swap3A_1668 = arith.constant 36 : i32
      %swap3A_1669 = arith.index_cast %swap3A_1668 : i32 to index
      %swap3A_1670 = arith.constant 112 : index
      %swap3A_1671 = tpu.vector_load %arg10[%swap3A_1669, %swap3A_1670] {strides = array<i32>} : memref<64x128xf32, #tpu.memory_space<vmem>>, vector<16xf32>,
      tpu.vector_store %arg10[%swap3A_1669, %swap3A_1670], %gather3A_1639 {strides = array<i32>} : memref<64x128xf32, #tpu.memory_space<vmem>>, vector<16xf32>,
      %broadcast_in_dim3A_1672 = arith.constant 37 : i32
      %broadcast_in_dim3A_1673 = vector.broadcast %broadcast_in_dim3A_1672 : i32 to vector<16xi32>
      %gather3A_1674 = tpu.vector_load_idx %arg9[%broadcast_in_dim3A_0, %broadcast_in_dim3A_1673] : memref<1x80xf32, #tpu.memory_space<vmem>>[vector<16xi32>, vector<16xi32>], vector<16xf32>,
      %swap3A_1675 = arith.constant 37 : i32
      %swap3A_1676 = arith.index_cast %swap3A_1675 : i32 to index
      %swap3A_1677 = arith.constant 0 : index
      %swap3A_1678 = tpu.vector_load %arg10[%swap3A_1676, %swap3A_1677] {strides = array<i32>} : memref<64x128xf32, #tpu.memory_space<vmem>>, vector<16xf32>,
      tpu.vector_store %arg10[%swap3A_1676, %swap3A_1677], %gather3A_1674 {strides = array<i32>} : memref<64x128xf32, #tpu.memory_space<vmem>>, vector<16xf32>,
      %swap3A_1679 = arith.constant 37 : i32
      %swap3A_1680 = arith.index_cast %swap3A_1679 : i32 to index
      %swap3A_1681 = arith.constant 16 : index
      %swap3A_1682 = tpu.vector_load %arg10[%swap3A_1680, %swap3A_1681] {strides = array<i32>} : memref<64x128xf32, #tpu.memory_space<vmem>>, vector<16xf32>,
      tpu.vector_store %arg10[%swap3A_1680, %swap3A_1681], %gather3A_1674 {strides = array<i32>} : memref<64x128xf32, #tpu.memory_space<vmem>>, vector<16xf32>,
      %swap3A_1683 = arith.constant 37 : i32
      %swap3A_1684 = arith.index_cast %swap3A_1683 : i32 to index
      %swap3A_1685 = arith.constant 32 : index
      %swap3A_1686 = tpu.vector_load %arg10[%swap3A_1684, %swap3A_1685] {strides = array<i32>} : memref<64x128xf32, #tpu.memory_space<vmem>>, vector<16xf32>,
      tpu.vector_store %arg10[%swap3A_1684, %swap3A_1685], %gather3A_1674 {strides = array<i32>} : memref<64x128xf32, #tpu.memory_space<vmem>>, vector<16xf32>,
      %swap3A_1687 = arith.constant 37 : i32
      %swap3A_1688 = arith.index_cast %swap3A_1687 : i32 to index
      %swap3A_1689 = arith.constant 48 : index
      %swap3A_1690 = tpu.vector_load %arg10[%swap3A_1688, %swap3A_1689] {strides = array<i32>} : memref<64x128xf32, #tpu.memory_space<vmem>>, vector<16xf32>,
      tpu.vector_store %arg10[%swap3A_1688, %swap3A_1689], %gather3A_1674 {strides = array<i32>} : memref<64x128xf32, #tpu.memory_space<vmem>>, vector<16xf32>,
      %swap3A_1691 = arith.constant 37 : i32
      %swap3A_1692 = arith.index_cast %swap3A_1691 : i32 to index
      %swap3A_1693 = arith.constant 64 : index
      %swap3A_1694 = tpu.vector_load %arg10[%swap3A_1692, %swap3A_1693] {strides = array<i32>} : memref<64x128xf32, #tpu.memory_space<vmem>>, vector<16xf32>,
      tpu.vector_store %arg10[%swap3A_1692, %swap3A_1693], %gather3A_1674 {strides = array<i32>} : memref<64x128xf32, #tpu.memory_space<vmem>>, vector<16xf32>,
      %swap3A_1695 = arith.constant 37 : i32
      %swap3A_1696 = arith.index_cast %swap3A_1695 : i32 to index
      %swap3A_1697 = arith.constant 80 : index
      %swap3A_1698 = tpu.vector_load %arg10[%swap3A_1696, %swap3A_1697] {strides = array<i32>} : memref<64x128xf32, #tpu.memory_space<vmem>>, vector<16xf32>,
      tpu.vector_store %arg10[%swap3A_1696, %swap3A_1697], %gather3A_1674 {strides = array<i32>} : memref<64x128xf32, #tpu.memory_space<vmem>>, vector<16xf32>,
      %swap3A_1699 = arith.constant 37 : i32
      %swap3A_1700 = arith.index_cast %swap3A_1699 : i32 to index
      %swap3A_1701 = arith.constant 96 : index
      %swap3A_1702 = tpu.vector_load %arg10[%swap3A_1700, %swap3A_1701] {strides = array<i32>} : memref<64x128xf32, #tpu.memory_space<vmem>>, vector<16xf32>,
      tpu.vector_store %arg10[%swap3A_1700, %swap3A_1701], %gather3A_1674 {strides = array<i32>} : memref<64x128xf32, #tpu.memory_space<vmem>>, vector<16xf32>,
      %swap3A_1703 = arith.constant 37 : i32
      %swap3A_1704 = arith.index_cast %swap3A_1703 : i32 to index
      %swap3A_1705 = arith.constant 112 : index
      %swap3A_1706 = tpu.vector_load %arg10[%swap3A_1704, %swap3A_1705] {strides = array<i32>} : memref<64x128xf32, #tpu.memory_space<vmem>>, vector<16xf32>,
      tpu.vector_store %arg10[%swap3A_1704, %swap3A_1705], %gather3A_1674 {strides = array<i32>} : memref<64x128xf32, #tpu.memory_space<vmem>>, vector<16xf32>,
      %broadcast_in_dim3A_1707 = arith.constant 38 : i32
      %broadcast_in_dim3A_1708 = vector.broadcast %broadcast_in_dim3A_1707 : i32 to vector<16xi32>
      %gather3A_1709 = tpu.vector_load_idx %arg9[%broadcast_in_dim3A_0, %broadcast_in_dim3A_1708] : memref<1x80xf32, #tpu.memory_space<vmem>>[vector<16xi32>, vector<16xi32>], vector<16xf32>,
      %swap3A_1710 = arith.constant 38 : i32
      %swap3A_1711 = arith.index_cast %swap3A_1710 : i32 to index
      %swap3A_1712 = arith.constant 0 : index
      %swap3A_1713 = tpu.vector_load %arg10[%swap3A_1711, %swap3A_1712] {strides = array<i32>} : memref<64x128xf32, #tpu.memory_space<vmem>>, vector<16xf32>,
      tpu.vector_store %arg10[%swap3A_1711, %swap3A_1712], %gather3A_1709 {strides = array<i32>} : memref<64x128xf32, #tpu.memory_space<vmem>>, vector<16xf32>,
      %swap3A_1714 = arith.constant 38 : i32
      %swap3A_1715 = arith.index_cast %swap3A_1714 : i32 to index
      %swap3A_1716 = arith.constant 16 : index
      %swap3A_1717 = tpu.vector_load %arg10[%swap3A_1715, %swap3A_1716] {strides = array<i32>} : memref<64x128xf32, #tpu.memory_space<vmem>>, vector<16xf32>,
      tpu.vector_store %arg10[%swap3A_1715, %swap3A_1716], %gather3A_1709 {strides = array<i32>} : memref<64x128xf32, #tpu.memory_space<vmem>>, vector<16xf32>,
      %swap3A_1718 = arith.constant 38 : i32
      %swap3A_1719 = arith.index_cast %swap3A_1718 : i32 to index
      %swap3A_1720 = arith.constant 32 : index
      %swap3A_1721 = tpu.vector_load %arg10[%swap3A_1719, %swap3A_1720] {strides = array<i32>} : memref<64x128xf32, #tpu.memory_space<vmem>>, vector<16xf32>,
      tpu.vector_store %arg10[%swap3A_1719, %swap3A_1720], %gather3A_1709 {strides = array<i32>} : memref<64x128xf32, #tpu.memory_space<vmem>>, vector<16xf32>,
      %swap3A_1722 = arith.constant 38 : i32
      %swap3A_1723 = arith.index_cast %swap3A_1722 : i32 to index
      %swap3A_1724 = arith.constant 48 : index
      %swap3A_1725 = tpu.vector_load %arg10[%swap3A_1723, %swap3A_1724] {strides = array<i32>} : memref<64x128xf32, #tpu.memory_space<vmem>>, vector<16xf32>,
      tpu.vector_store %arg10[%swap3A_1723, %swap3A_1724], %gather3A_1709 {strides = array<i32>} : memref<64x128xf32, #tpu.memory_space<vmem>>, vector<16xf32>,
      %swap3A_1726 = arith.constant 38 : i32
      %swap3A_1727 = arith.index_cast %swap3A_1726 : i32 to index
      %swap3A_1728 = arith.constant 64 : index
      %swap3A_1729 = tpu.vector_load %arg10[%swap3A_1727, %swap3A_1728] {strides = array<i32>} : memref<64x128xf32, #tpu.memory_space<vmem>>, vector<16xf32>,
      tpu.vector_store %arg10[%swap3A_1727, %swap3A_1728], %gather3A_1709 {strides = array<i32>} : memref<64x128xf32, #tpu.memory_space<vmem>>, vector<16xf32>,
      %swap3A_1730 = arith.constant 38 : i32
      %swap3A_1731 = arith.index_cast %swap3A_1730 : i32 to index
      %swap3A_1732 = arith.constant 80 : index
      %swap3A_1733 = tpu.vector_load %arg10[%swap3A_1731, %swap3A_1732] {strides = array<i32>} : memref<64x128xf32, #tpu.memory_space<vmem>>, vector<16xf32>,
      tpu.vector_store %arg10[%swap3A_1731, %swap3A_1732], %gather3A_1709 {strides = array<i32>} : memref<64x128xf32, #tpu.memory_space<vmem>>, vector<16xf32>,
      %swap3A_1734 = arith.constant 38 : i32
      %swap3A_1735 = arith.index_cast %swap3A_1734 : i32 to index
      %swap3A_1736 = arith.constant 96 : index
      %swap3A_1737 = tpu.vector_load %arg10[%swap3A_1735, %swap3A_1736] {strides = array<i32>} : memref<64x128xf32, #tpu.memory_space<vmem>>, vector<16xf32>,
      tpu.vector_store %arg10[%swap3A_1735, %swap3A_1736], %gather3A_1709 {strides = array<i32>} : memref<64x128xf32, #tpu.memory_space<vmem>>, vector<16xf32>,
      %swap3A_1738 = arith.constant 38 : i32
      %swap3A_1739 = arith.index_cast %swap3A_1738 : i32 to index
      %swap3A_1740 = arith.constant 112 : index
      %swap3A_1741 = tpu.vector_load %arg10[%swap3A_1739, %swap3A_1740] {strides = array<i32>} : memref<64x128xf32, #tpu.memory_space<vmem>>, vector<16xf32>,
      tpu.vector_store %arg10[%swap3A_1739, %swap3A_1740], %gather3A_1709 {strides = array<i32>} : memref<64x128xf32, #tpu.memory_space<vmem>>, vector<16xf32>,
      %broadcast_in_dim3A_1742 = arith.constant 39 : i32
      %broadcast_in_dim3A_1743 = vector.broadcast %broadcast_in_dim3A_1742 : i32 to vector<16xi32>
      %gather3A_1744 = tpu.vector_load_idx %arg9[%broadcast_in_dim3A_0, %broadcast_in_dim3A_1743] : memref<1x80xf32, #tpu.memory_space<vmem>>[vector<16xi32>, vector<16xi32>], vector<16xf32>,
      %swap3A_1745 = arith.constant 39 : i32
      %swap3A_1746 = arith.index_cast %swap3A_1745 : i32 to index
      %swap3A_1747 = arith.constant 0 : index
      %swap3A_1748 = tpu.vector_load %arg10[%swap3A_1746, %swap3A_1747] {strides = array<i32>} : memref<64x128xf32, #tpu.memory_space<vmem>>, vector<16xf32>,
      tpu.vector_store %arg10[%swap3A_1746, %swap3A_1747], %gather3A_1744 {strides = array<i32>} : memref<64x128xf32, #tpu.memory_space<vmem>>, vector<16xf32>,
      %swap3A_1749 = arith.constant 39 : i32
      %swap3A_1750 = arith.index_cast %swap3A_1749 : i32 to index
      %swap3A_1751 = arith.constant 16 : index
      %swap3A_1752 = tpu.vector_load %arg10[%swap3A_1750, %swap3A_1751] {strides = array<i32>} : memref<64x128xf32, #tpu.memory_space<vmem>>, vector<16xf32>,
      tpu.vector_store %arg10[%swap3A_1750, %swap3A_1751], %gather3A_1744 {strides = array<i32>} : memref<64x128xf32, #tpu.memory_space<vmem>>, vector<16xf32>,
      %swap3A_1753 = arith.constant 39 : i32
      %swap3A_1754 = arith.index_cast %swap3A_1753 : i32 to index
      %swap3A_1755 = arith.constant 32 : index
      %swap3A_1756 = tpu.vector_load %arg10[%swap3A_1754, %swap3A_1755] {strides = array<i32>} : memref<64x128xf32, #tpu.memory_space<vmem>>, vector<16xf32>,
      tpu.vector_store %arg10[%swap3A_1754, %swap3A_1755], %gather3A_1744 {strides = array<i32>} : memref<64x128xf32, #tpu.memory_space<vmem>>, vector<16xf32>,
      %swap3A_1757 = arith.constant 39 : i32
      %swap3A_1758 = arith.index_cast %swap3A_1757 : i32 to index
      %swap3A_1759 = arith.constant 48 : index
      %swap3A_1760 = tpu.vector_load %arg10[%swap3A_1758, %swap3A_1759] {strides = array<i32>} : memref<64x128xf32, #tpu.memory_space<vmem>>, vector<16xf32>,
      tpu.vector_store %arg10[%swap3A_1758, %swap3A_1759], %gather3A_1744 {strides = array<i32>} : memref<64x128xf32, #tpu.memory_space<vmem>>, vector<16xf32>,
      %swap3A_1761 = arith.constant 39 : i32
      %swap3A_1762 = arith.index_cast %swap3A_1761 : i32 to index
      %swap3A_1763 = arith.constant 64 : index
      %swap3A_1764 = tpu.vector_load %arg10[%swap3A_1762, %swap3A_1763] {strides = array<i32>} : memref<64x128xf32, #tpu.memory_space<vmem>>, vector<16xf32>,
      tpu.vector_store %arg10[%swap3A_1762, %swap3A_1763], %gather3A_1744 {strides = array<i32>} : memref<64x128xf32, #tpu.memory_space<vmem>>, vector<16xf32>,
      %swap3A_1765 = arith.constant 39 : i32
      %swap3A_1766 = arith.index_cast %swap3A_1765 : i32 to index
      %swap3A_1767 = arith.constant 80 : index
      %swap3A_1768 = tpu.vector_load %arg10[%swap3A_1766, %swap3A_1767] {strides = array<i32>} : memref<64x128xf32, #tpu.memory_space<vmem>>, vector<16xf32>,
      tpu.vector_store %arg10[%swap3A_1766, %swap3A_1767], %gather3A_1744 {strides = array<i32>} : memref<64x128xf32, #tpu.memory_space<vmem>>, vector<16xf32>,
      %swap3A_1769 = arith.constant 39 : i32
      %swap3A_1770 = arith.index_cast %swap3A_1769 : i32 to index
      %swap3A_1771 = arith.constant 96 : index
      %swap3A_1772 = tpu.vector_load %arg10[%swap3A_1770, %swap3A_1771] {strides = array<i32>} : memref<64x128xf32, #tpu.memory_space<vmem>>, vector<16xf32>,
      tpu.vector_store %arg10[%swap3A_1770, %swap3A_1771], %gather3A_1744 {strides = array<i32>} : memref<64x128xf32, #tpu.memory_space<vmem>>, vector<16xf32>,
      %swap3A_1773 = arith.constant 39 : i32
      %swap3A_1774 = arith.index_cast %swap3A_1773 : i32 to index
      %swap3A_1775 = arith.constant 112 : index
      %swap3A_1776 = tpu.vector_load %arg10[%swap3A_1774, %swap3A_1775] {strides = array<i32>} : memref<64x128xf32, #tpu.memory_space<vmem>>, vector<16xf32>,
      tpu.vector_store %arg10[%swap3A_1774, %swap3A_1775], %gather3A_1744 {strides = array<i32>} : memref<64x128xf32, #tpu.memory_space<vmem>>, vector<16xf32>,
      %broadcast_in_dim3A_1777 = arith.constant 40 : i32
      %broadcast_in_dim3A_1778 = vector.broadcast %broadcast_in_dim3A_1777 : i32 to vector<16xi32>
      %gather3A_1779 = tpu.vector_load_idx %arg9[%broadcast_in_dim3A_0, %broadcast_in_dim3A_1778] : memref<1x80xf32, #tpu.memory_space<vmem>>[vector<16xi32>, vector<16xi32>], vector<16xf32>,
      %swap3A_1780 = arith.constant 40 : i32
      %swap3A_1781 = arith.index_cast %swap3A_1780 : i32 to index
      %swap3A_1782 = arith.constant 0 : index
      %swap3A_1783 = tpu.vector_load %arg10[%swap3A_1781, %swap3A_1782] {strides = array<i32>} : memref<64x128xf32, #tpu.memory_space<vmem>>, vector<16xf32>,
      tpu.vector_store %arg10[%swap3A_1781, %swap3A_1782], %gather3A_1779 {strides = array<i32>} : memref<64x128xf32, #tpu.memory_space<vmem>>, vector<16xf32>,
      %swap3A_1784 = arith.constant 40 : i32
      %swap3A_1785 = arith.index_cast %swap3A_1784 : i32 to index
      %swap3A_1786 = arith.constant 16 : index
      %swap3A_1787 = tpu.vector_load %arg10[%swap3A_1785, %swap3A_1786] {strides = array<i32>} : memref<64x128xf32, #tpu.memory_space<vmem>>, vector<16xf32>,
      tpu.vector_store %arg10[%swap3A_1785, %swap3A_1786], %gather3A_1779 {strides = array<i32>} : memref<64x128xf32, #tpu.memory_space<vmem>>, vector<16xf32>,
      %swap3A_1788 = arith.constant 40 : i32
      %swap3A_1789 = arith.index_cast %swap3A_1788 : i32 to index
      %swap3A_1790 = arith.constant 32 : index
      %swap3A_1791 = tpu.vector_load %arg10[%swap3A_1789, %swap3A_1790] {strides = array<i32>} : memref<64x128xf32, #tpu.memory_space<vmem>>, vector<16xf32>,
      tpu.vector_store %arg10[%swap3A_1789, %swap3A_1790], %gather3A_1779 {strides = array<i32>} : memref<64x128xf32, #tpu.memory_space<vmem>>, vector<16xf32>,
      %swap3A_1792 = arith.constant 40 : i32
      %swap3A_1793 = arith.index_cast %swap3A_1792 : i32 to index
      %swap3A_1794 = arith.constant 48 : index
      %swap3A_1795 = tpu.vector_load %arg10[%swap3A_1793, %swap3A_1794] {strides = array<i32>} : memref<64x128xf32, #tpu.memory_space<vmem>>, vector<16xf32>,
      tpu.vector_store %arg10[%swap3A_1793, %swap3A_1794], %gather3A_1779 {strides = array<i32>} : memref<64x128xf32, #tpu.memory_space<vmem>>, vector<16xf32>,
      %swap3A_1796 = arith.constant 40 : i32
      %swap3A_1797 = arith.index_cast %swap3A_1796 : i32 to index
      %swap3A_1798 = arith.constant 64 : index
      %swap3A_1799 = tpu.vector_load %arg10[%swap3A_1797, %swap3A_1798] {strides = array<i32>} : memref<64x128xf32, #tpu.memory_space<vmem>>, vector<16xf32>,
      tpu.vector_store %arg10[%swap3A_1797, %swap3A_1798], %gather3A_1779 {strides = array<i32>} : memref<64x128xf32, #tpu.memory_space<vmem>>, vector<16xf32>,
      %swap3A_1800 = arith.constant 40 : i32
      %swap3A_1801 = arith.index_cast %swap3A_1800 : i32 to index
      %swap3A_1802 = arith.constant 80 : index
      %swap3A_1803 = tpu.vector_load %arg10[%swap3A_1801, %swap3A_1802] {strides = array<i32>} : memref<64x128xf32, #tpu.memory_space<vmem>>, vector<16xf32>,
      tpu.vector_store %arg10[%swap3A_1801, %swap3A_1802], %gather3A_1779 {strides = array<i32>} : memref<64x128xf32, #tpu.memory_space<vmem>>, vector<16xf32>,
      %swap3A_1804 = arith.constant 40 : i32
      %swap3A_1805 = arith.index_cast %swap3A_1804 : i32 to index
      %swap3A_1806 = arith.constant 96 : index
      %swap3A_1807 = tpu.vector_load %arg10[%swap3A_1805, %swap3A_1806] {strides = array<i32>} : memref<64x128xf32, #tpu.memory_space<vmem>>, vector<16xf32>,
      tpu.vector_store %arg10[%swap3A_1805, %swap3A_1806], %gather3A_1779 {strides = array<i32>} : memref<64x128xf32, #tpu.memory_space<vmem>>, vector<16xf32>,
      %swap3A_1808 = arith.constant 40 : i32
      %swap3A_1809 = arith.index_cast %swap3A_1808 : i32 to index
      %swap3A_1810 = arith.constant 112 : index
      %swap3A_1811 = tpu.vector_load %arg10[%swap3A_1809, %swap3A_1810] {strides = array<i32>} : memref<64x128xf32, #tpu.memory_space<vmem>>, vector<16xf32>,
      tpu.vector_store %arg10[%swap3A_1809, %swap3A_1810], %gather3A_1779 {strides = array<i32>} : memref<64x128xf32, #tpu.memory_space<vmem>>, vector<16xf32>,
      %broadcast_in_dim3A_1812 = arith.constant 41 : i32
      %broadcast_in_dim3A_1813 = vector.broadcast %broadcast_in_dim3A_1812 : i32 to vector<16xi32>
      %gather3A_1814 = tpu.vector_load_idx %arg9[%broadcast_in_dim3A_0, %broadcast_in_dim3A_1813] : memref<1x80xf32, #tpu.memory_space<vmem>>[vector<16xi32>, vector<16xi32>], vector<16xf32>,
      %swap3A_1815 = arith.constant 41 : i32
      %swap3A_1816 = arith.index_cast %swap3A_1815 : i32 to index
      %swap3A_1817 = arith.constant 0 : index
      %swap3A_1818 = tpu.vector_load %arg10[%swap3A_1816, %swap3A_1817] {strides = array<i32>} : memref<64x128xf32, #tpu.memory_space<vmem>>, vector<16xf32>,
      tpu.vector_store %arg10[%swap3A_1816, %swap3A_1817], %gather3A_1814 {strides = array<i32>} : memref<64x128xf32, #tpu.memory_space<vmem>>, vector<16xf32>,
      %swap3A_1819 = arith.constant 41 : i32
      %swap3A_1820 = arith.index_cast %swap3A_1819 : i32 to index
      %swap3A_1821 = arith.constant 16 : index
      %swap3A_1822 = tpu.vector_load %arg10[%swap3A_1820, %swap3A_1821] {strides = array<i32>} : memref<64x128xf32, #tpu.memory_space<vmem>>, vector<16xf32>,
      tpu.vector_store %arg10[%swap3A_1820, %swap3A_1821], %gather3A_1814 {strides = array<i32>} : memref<64x128xf32, #tpu.memory_space<vmem>>, vector<16xf32>,
      %swap3A_1823 = arith.constant 41 : i32
      %swap3A_1824 = arith.index_cast %swap3A_1823 : i32 to index
      %swap3A_1825 = arith.constant 32 : index
      %swap3A_1826 = tpu.vector_load %arg10[%swap3A_1824, %swap3A_1825] {strides = array<i32>} : memref<64x128xf32, #tpu.memory_space<vmem>>, vector<16xf32>,
      tpu.vector_store %arg10[%swap3A_1824, %swap3A_1825], %gather3A_1814 {strides = array<i32>} : memref<64x128xf32, #tpu.memory_space<vmem>>, vector<16xf32>,
      %swap3A_1827 = arith.constant 41 : i32
      %swap3A_1828 = arith.index_cast %swap3A_1827 : i32 to index
      %swap3A_1829 = arith.constant 48 : index
      %swap3A_1830 = tpu.vector_load %arg10[%swap3A_1828, %swap3A_1829] {strides = array<i32>} : memref<64x128xf32, #tpu.memory_space<vmem>>, vector<16xf32>,
      tpu.vector_store %arg10[%swap3A_1828, %swap3A_1829], %gather3A_1814 {strides = array<i32>} : memref<64x128xf32, #tpu.memory_space<vmem>>, vector<16xf32>,
      %swap3A_1831 = arith.constant 41 : i32
      %swap3A_1832 = arith.index_cast %swap3A_1831 : i32 to index
      %swap3A_1833 = arith.constant 64 : index
      %swap3A_1834 = tpu.vector_load %arg10[%swap3A_1832, %swap3A_1833] {strides = array<i32>} : memref<64x128xf32, #tpu.memory_space<vmem>>, vector<16xf32>,
      tpu.vector_store %arg10[%swap3A_1832, %swap3A_1833], %gather3A_1814 {strides = array<i32>} : memref<64x128xf32, #tpu.memory_space<vmem>>, vector<16xf32>,
      %swap3A_1835 = arith.constant 41 : i32
      %swap3A_1836 = arith.index_cast %swap3A_1835 : i32 to index
      %swap3A_1837 = arith.constant 80 : index
      %swap3A_1838 = tpu.vector_load %arg10[%swap3A_1836, %swap3A_1837] {strides = array<i32>} : memref<64x128xf32, #tpu.memory_space<vmem>>, vector<16xf32>,
      tpu.vector_store %arg10[%swap3A_1836, %swap3A_1837], %gather3A_1814 {strides = array<i32>} : memref<64x128xf32, #tpu.memory_space<vmem>>, vector<16xf32>,
      %swap3A_1839 = arith.constant 41 : i32
      %swap3A_1840 = arith.index_cast %swap3A_1839 : i32 to index
      %swap3A_1841 = arith.constant 96 : index
      %swap3A_1842 = tpu.vector_load %arg10[%swap3A_1840, %swap3A_1841] {strides = array<i32>} : memref<64x128xf32, #tpu.memory_space<vmem>>, vector<16xf32>,
      tpu.vector_store %arg10[%swap3A_1840, %swap3A_1841], %gather3A_1814 {strides = array<i32>} : memref<64x128xf32, #tpu.memory_space<vmem>>, vector<16xf32>,
      %swap3A_1843 = arith.constant 41 : i32
      %swap3A_1844 = arith.index_cast %swap3A_1843 : i32 to index
      %swap3A_1845 = arith.constant 112 : index
      %swap3A_1846 = tpu.vector_load %arg10[%swap3A_1844, %swap3A_1845] {strides = array<i32>} : memref<64x128xf32, #tpu.memory_space<vmem>>, vector<16xf32>,
      tpu.vector_store %arg10[%swap3A_1844, %swap3A_1845], %gather3A_1814 {strides = array<i32>} : memref<64x128xf32, #tpu.memory_space<vmem>>, vector<16xf32>,
      %broadcast_in_dim3A_1847 = arith.constant 42 : i32
      %broadcast_in_dim3A_1848 = vector.broadcast %broadcast_in_dim3A_1847 : i32 to vector<16xi32>
      %gather3A_1849 = tpu.vector_load_idx %arg9[%broadcast_in_dim3A_0, %broadcast_in_dim3A_1848] : memref<1x80xf32, #tpu.memory_space<vmem>>[vector<16xi32>, vector<16xi32>], vector<16xf32>,
      %swap3A_1850 = arith.constant 42 : i32
      %swap3A_1851 = arith.index_cast %swap3A_1850 : i32 to index
      %swap3A_1852 = arith.constant 0 : index
      %swap3A_1853 = tpu.vector_load %arg10[%swap3A_1851, %swap3A_1852] {strides = array<i32>} : memref<64x128xf32, #tpu.memory_space<vmem>>, vector<16xf32>,
      tpu.vector_store %arg10[%swap3A_1851, %swap3A_1852], %gather3A_1849 {strides = array<i32>} : memref<64x128xf32, #tpu.memory_space<vmem>>, vector<16xf32>,
      %swap3A_1854 = arith.constant 42 : i32
      %swap3A_1855 = arith.index_cast %swap3A_1854 : i32 to index
      %swap3A_1856 = arith.constant 16 : index
      %swap3A_1857 = tpu.vector_load %arg10[%swap3A_1855, %swap3A_1856] {strides = array<i32>} : memref<64x128xf32, #tpu.memory_space<vmem>>, vector<16xf32>,
      tpu.vector_store %arg10[%swap3A_1855, %swap3A_1856], %gather3A_1849 {strides = array<i32>} : memref<64x128xf32, #tpu.memory_space<vmem>>, vector<16xf32>,
      %swap3A_1858 = arith.constant 42 : i32
      %swap3A_1859 = arith.index_cast %swap3A_1858 : i32 to index
      %swap3A_1860 = arith.constant 32 : index
      %swap3A_1861 = tpu.vector_load %arg10[%swap3A_1859, %swap3A_1860] {strides = array<i32>} : memref<64x128xf32, #tpu.memory_space<vmem>>, vector<16xf32>,
      tpu.vector_store %arg10[%swap3A_1859, %swap3A_1860], %gather3A_1849 {strides = array<i32>} : memref<64x128xf32, #tpu.memory_space<vmem>>, vector<16xf32>,
      %swap3A_1862 = arith.constant 42 : i32
      %swap3A_1863 = arith.index_cast %swap3A_1862 : i32 to index
      %swap3A_1864 = arith.constant 48 : index
      %swap3A_1865 = tpu.vector_load %arg10[%swap3A_1863, %swap3A_1864] {strides = array<i32>} : memref<64x128xf32, #tpu.memory_space<vmem>>, vector<16xf32>,
      tpu.vector_store %arg10[%swap3A_1863, %swap3A_1864], %gather3A_1849 {strides = array<i32>} : memref<64x128xf32, #tpu.memory_space<vmem>>, vector<16xf32>,
      %swap3A_1866 = arith.constant 42 : i32
      %swap3A_1867 = arith.index_cast %swap3A_1866 : i32 to index
      %swap3A_1868 = arith.constant 64 : index
      %swap3A_1869 = tpu.vector_load %arg10[%swap3A_1867, %swap3A_1868] {strides = array<i32>} : memref<64x128xf32, #tpu.memory_space<vmem>>, vector<16xf32>,
      tpu.vector_store %arg10[%swap3A_1867, %swap3A_1868], %gather3A_1849 {strides = array<i32>} : memref<64x128xf32, #tpu.memory_space<vmem>>, vector<16xf32>,
      %swap3A_1870 = arith.constant 42 : i32
      %swap3A_1871 = arith.index_cast %swap3A_1870 : i32 to index
      %swap3A_1872 = arith.constant 80 : index
      %swap3A_1873 = tpu.vector_load %arg10[%swap3A_1871, %swap3A_1872] {strides = array<i32>} : memref<64x128xf32, #tpu.memory_space<vmem>>, vector<16xf32>,
      tpu.vector_store %arg10[%swap3A_1871, %swap3A_1872], %gather3A_1849 {strides = array<i32>} : memref<64x128xf32, #tpu.memory_space<vmem>>, vector<16xf32>,
      %swap3A_1874 = arith.constant 42 : i32
      %swap3A_1875 = arith.index_cast %swap3A_1874 : i32 to index
      %swap3A_1876 = arith.constant 96 : index
      %swap3A_1877 = tpu.vector_load %arg10[%swap3A_1875, %swap3A_1876] {strides = array<i32>} : memref<64x128xf32, #tpu.memory_space<vmem>>, vector<16xf32>,
      tpu.vector_store %arg10[%swap3A_1875, %swap3A_1876], %gather3A_1849 {strides = array<i32>} : memref<64x128xf32, #tpu.memory_space<vmem>>, vector<16xf32>,
      %swap3A_1878 = arith.constant 42 : i32
      %swap3A_1879 = arith.index_cast %swap3A_1878 : i32 to index
      %swap3A_1880 = arith.constant 112 : index
      %swap3A_1881 = tpu.vector_load %arg10[%swap3A_1879, %swap3A_1880] {strides = array<i32>} : memref<64x128xf32, #tpu.memory_space<vmem>>, vector<16xf32>,
      tpu.vector_store %arg10[%swap3A_1879, %swap3A_1880], %gather3A_1849 {strides = array<i32>} : memref<64x128xf32, #tpu.memory_space<vmem>>, vector<16xf32>,
      %broadcast_in_dim3A_1882 = arith.constant 43 : i32
      %broadcast_in_dim3A_1883 = vector.broadcast %broadcast_in_dim3A_1882 : i32 to vector<16xi32>
      %gather3A_1884 = tpu.vector_load_idx %arg9[%broadcast_in_dim3A_0, %broadcast_in_dim3A_1883] : memref<1x80xf32, #tpu.memory_space<vmem>>[vector<16xi32>, vector<16xi32>], vector<16xf32>,
      %swap3A_1885 = arith.constant 43 : i32
      %swap3A_1886 = arith.index_cast %swap3A_1885 : i32 to index
      %swap3A_1887 = arith.constant 0 : index
      %swap3A_1888 = tpu.vector_load %arg10[%swap3A_1886, %swap3A_1887] {strides = array<i32>} : memref<64x128xf32, #tpu.memory_space<vmem>>, vector<16xf32>,
      tpu.vector_store %arg10[%swap3A_1886, %swap3A_1887], %gather3A_1884 {strides = array<i32>} : memref<64x128xf32, #tpu.memory_space<vmem>>, vector<16xf32>,
      %swap3A_1889 = arith.constant 43 : i32
      %swap3A_1890 = arith.index_cast %swap3A_1889 : i32 to index
      %swap3A_1891 = arith.constant 16 : index
      %swap3A_1892 = tpu.vector_load %arg10[%swap3A_1890, %swap3A_1891] {strides = array<i32>} : memref<64x128xf32, #tpu.memory_space<vmem>>, vector<16xf32>,
      tpu.vector_store %arg10[%swap3A_1890, %swap3A_1891], %gather3A_1884 {strides = array<i32>} : memref<64x128xf32, #tpu.memory_space<vmem>>, vector<16xf32>,
      %swap3A_1893 = arith.constant 43 : i32
      %swap3A_1894 = arith.index_cast %swap3A_1893 : i32 to index
      %swap3A_1895 = arith.constant 32 : index
      %swap3A_1896 = tpu.vector_load %arg10[%swap3A_1894, %swap3A_1895] {strides = array<i32>} : memref<64x128xf32, #tpu.memory_space<vmem>>, vector<16xf32>,
      tpu.vector_store %arg10[%swap3A_1894, %swap3A_1895], %gather3A_1884 {strides = array<i32>} : memref<64x128xf32, #tpu.memory_space<vmem>>, vector<16xf32>,
      %swap3A_1897 = arith.constant 43 : i32
      %swap3A_1898 = arith.index_cast %swap3A_1897 : i32 to index
      %swap3A_1899 = arith.constant 48 : index
      %swap3A_1900 = tpu.vector_load %arg10[%swap3A_1898, %swap3A_1899] {strides = array<i32>} : memref<64x128xf32, #tpu.memory_space<vmem>>, vector<16xf32>,
      tpu.vector_store %arg10[%swap3A_1898, %swap3A_1899], %gather3A_1884 {strides = array<i32>} : memref<64x128xf32, #tpu.memory_space<vmem>>, vector<16xf32>,
      %swap3A_1901 = arith.constant 43 : i32
      %swap3A_1902 = arith.index_cast %swap3A_1901 : i32 to index
      %swap3A_1903 = arith.constant 64 : index
      %swap3A_1904 = tpu.vector_load %arg10[%swap3A_1902, %swap3A_1903] {strides = array<i32>} : memref<64x128xf32, #tpu.memory_space<vmem>>, vector<16xf32>,
      tpu.vector_store %arg10[%swap3A_1902, %swap3A_1903], %gather3A_1884 {strides = array<i32>} : memref<64x128xf32, #tpu.memory_space<vmem>>, vector<16xf32>,
      %swap3A_1905 = arith.constant 43 : i32
      %swap3A_1906 = arith.index_cast %swap3A_1905 : i32 to index
      %swap3A_1907 = arith.constant 80 : index
      %swap3A_1908 = tpu.vector_load %arg10[%swap3A_1906, %swap3A_1907] {strides = array<i32>} : memref<64x128xf32, #tpu.memory_space<vmem>>, vector<16xf32>,
      tpu.vector_store %arg10[%swap3A_1906, %swap3A_1907], %gather3A_1884 {strides = array<i32>} : memref<64x128xf32, #tpu.memory_space<vmem>>, vector<16xf32>,
      %swap3A_1909 = arith.constant 43 : i32
      %swap3A_1910 = arith.index_cast %swap3A_1909 : i32 to index
      %swap3A_1911 = arith.constant 96 : index
      %swap3A_1912 = tpu.vector_load %arg10[%swap3A_1910, %swap3A_1911] {strides = array<i32>} : memref<64x128xf32, #tpu.memory_space<vmem>>, vector<16xf32>,
      tpu.vector_store %arg10[%swap3A_1910, %swap3A_1911], %gather3A_1884 {strides = array<i32>} : memref<64x128xf32, #tpu.memory_space<vmem>>, vector<16xf32>,
      %swap3A_1913 = arith.constant 43 : i32
      %swap3A_1914 = arith.index_cast %swap3A_1913 : i32 to index
      %swap3A_1915 = arith.constant 112 : index
      %swap3A_1916 = tpu.vector_load %arg10[%swap3A_1914, %swap3A_1915] {strides = array<i32>} : memref<64x128xf32, #tpu.memory_space<vmem>>, vector<16xf32>,
      tpu.vector_store %arg10[%swap3A_1914, %swap3A_1915], %gather3A_1884 {strides = array<i32>} : memref<64x128xf32, #tpu.memory_space<vmem>>, vector<16xf32>,
      %broadcast_in_dim3A_1917 = arith.constant 44 : i32
      %broadcast_in_dim3A_1918 = vector.broadcast %broadcast_in_dim3A_1917 : i32 to vector<16xi32>
      %gather3A_1919 = tpu.vector_load_idx %arg9[%broadcast_in_dim3A_0, %broadcast_in_dim3A_1918] : memref<1x80xf32, #tpu.memory_space<vmem>>[vector<16xi32>, vector<16xi32>], vector<16xf32>,
      %swap3A_1920 = arith.constant 44 : i32
      %swap3A_1921 = arith.index_cast %swap3A_1920 : i32 to index
      %swap3A_1922 = arith.constant 0 : index
      %swap3A_1923 = tpu.vector_load %arg10[%swap3A_1921, %swap3A_1922] {strides = array<i32>} : memref<64x128xf32, #tpu.memory_space<vmem>>, vector<16xf32>,
      tpu.vector_store %arg10[%swap3A_1921, %swap3A_1922], %gather3A_1919 {strides = array<i32>} : memref<64x128xf32, #tpu.memory_space<vmem>>, vector<16xf32>,
      %swap3A_1924 = arith.constant 44 : i32
      %swap3A_1925 = arith.index_cast %swap3A_1924 : i32 to index
      %swap3A_1926 = arith.constant 16 : index
      %swap3A_1927 = tpu.vector_load %arg10[%swap3A_1925, %swap3A_1926] {strides = array<i32>} : memref<64x128xf32, #tpu.memory_space<vmem>>, vector<16xf32>,
      tpu.vector_store %arg10[%swap3A_1925, %swap3A_1926], %gather3A_1919 {strides = array<i32>} : memref<64x128xf32, #tpu.memory_space<vmem>>, vector<16xf32>,
      %swap3A_1928 = arith.constant 44 : i32
      %swap3A_1929 = arith.index_cast %swap3A_1928 : i32 to index
      %swap3A_1930 = arith.constant 32 : index
      %swap3A_1931 = tpu.vector_load %arg10[%swap3A_1929, %swap3A_1930] {strides = array<i32>} : memref<64x128xf32, #tpu.memory_space<vmem>>, vector<16xf32>,
      tpu.vector_store %arg10[%swap3A_1929, %swap3A_1930], %gather3A_1919 {strides = array<i32>} : memref<64x128xf32, #tpu.memory_space<vmem>>, vector<16xf32>,
      %swap3A_1932 = arith.constant 44 : i32
      %swap3A_1933 = arith.index_cast %swap3A_1932 : i32 to index
      %swap3A_1934 = arith.constant 48 : index
      %swap3A_1935 = tpu.vector_load %arg10[%swap3A_1933, %swap3A_1934] {strides = array<i32>} : memref<64x128xf32, #tpu.memory_space<vmem>>, vector<16xf32>,
      tpu.vector_store %arg10[%swap3A_1933, %swap3A_1934], %gather3A_1919 {strides = array<i32>} : memref<64x128xf32, #tpu.memory_space<vmem>>, vector<16xf32>,
      %swap3A_1936 = arith.constant 44 : i32
      %swap3A_1937 = arith.index_cast %swap3A_1936 : i32 to index
      %swap3A_1938 = arith.constant 64 : index
      %swap3A_1939 = tpu.vector_load %arg10[%swap3A_1937, %swap3A_1938] {strides = array<i32>} : memref<64x128xf32, #tpu.memory_space<vmem>>, vector<16xf32>,
      tpu.vector_store %arg10[%swap3A_1937, %swap3A_1938], %gather3A_1919 {strides = array<i32>} : memref<64x128xf32, #tpu.memory_space<vmem>>, vector<16xf32>,
      %swap3A_1940 = arith.constant 44 : i32
      %swap3A_1941 = arith.index_cast %swap3A_1940 : i32 to index
      %swap3A_1942 = arith.constant 80 : index
      %swap3A_1943 = tpu.vector_load %arg10[%swap3A_1941, %swap3A_1942] {strides = array<i32>} : memref<64x128xf32, #tpu.memory_space<vmem>>, vector<16xf32>,
      tpu.vector_store %arg10[%swap3A_1941, %swap3A_1942], %gather3A_1919 {strides = array<i32>} : memref<64x128xf32, #tpu.memory_space<vmem>>, vector<16xf32>,
      %swap3A_1944 = arith.constant 44 : i32
      %swap3A_1945 = arith.index_cast %swap3A_1944 : i32 to index
      %swap3A_1946 = arith.constant 96 : index
      %swap3A_1947 = tpu.vector_load %arg10[%swap3A_1945, %swap3A_1946] {strides = array<i32>} : memref<64x128xf32, #tpu.memory_space<vmem>>, vector<16xf32>,
      tpu.vector_store %arg10[%swap3A_1945, %swap3A_1946], %gather3A_1919 {strides = array<i32>} : memref<64x128xf32, #tpu.memory_space<vmem>>, vector<16xf32>,
      %swap3A_1948 = arith.constant 44 : i32
      %swap3A_1949 = arith.index_cast %swap3A_1948 : i32 to index
      %swap3A_1950 = arith.constant 112 : index
      %swap3A_1951 = tpu.vector_load %arg10[%swap3A_1949, %swap3A_1950] {strides = array<i32>} : memref<64x128xf32, #tpu.memory_space<vmem>>, vector<16xf32>,
      tpu.vector_store %arg10[%swap3A_1949, %swap3A_1950], %gather3A_1919 {strides = array<i32>} : memref<64x128xf32, #tpu.memory_space<vmem>>, vector<16xf32>,
      %broadcast_in_dim3A_1952 = arith.constant 45 : i32
      %broadcast_in_dim3A_1953 = vector.broadcast %broadcast_in_dim3A_1952 : i32 to vector<16xi32>
      %gather3A_1954 = tpu.vector_load_idx %arg9[%broadcast_in_dim3A_0, %broadcast_in_dim3A_1953] : memref<1x80xf32, #tpu.memory_space<vmem>>[vector<16xi32>, vector<16xi32>], vector<16xf32>,
      %swap3A_1955 = arith.constant 45 : i32
      %swap3A_1956 = arith.index_cast %swap3A_1955 : i32 to index
      %swap3A_1957 = arith.constant 0 : index
      %swap3A_1958 = tpu.vector_load %arg10[%swap3A_1956, %swap3A_1957] {strides = array<i32>} : memref<64x128xf32, #tpu.memory_space<vmem>>, vector<16xf32>,
      tpu.vector_store %arg10[%swap3A_1956, %swap3A_1957], %gather3A_1954 {strides = array<i32>} : memref<64x128xf32, #tpu.memory_space<vmem>>, vector<16xf32>,
      %swap3A_1959 = arith.constant 45 : i32
      %swap3A_1960 = arith.index_cast %swap3A_1959 : i32 to index
      %swap3A_1961 = arith.constant 16 : index
      %swap3A_1962 = tpu.vector_load %arg10[%swap3A_1960, %swap3A_1961] {strides = array<i32>} : memref<64x128xf32, #tpu.memory_space<vmem>>, vector<16xf32>,
      tpu.vector_store %arg10[%swap3A_1960, %swap3A_1961], %gather3A_1954 {strides = array<i32>} : memref<64x128xf32, #tpu.memory_space<vmem>>, vector<16xf32>,
      %swap3A_1963 = arith.constant 45 : i32
      %swap3A_1964 = arith.index_cast %swap3A_1963 : i32 to index
      %swap3A_1965 = arith.constant 32 : index
      %swap3A_1966 = tpu.vector_load %arg10[%swap3A_1964, %swap3A_1965] {strides = array<i32>} : memref<64x128xf32, #tpu.memory_space<vmem>>, vector<16xf32>,
      tpu.vector_store %arg10[%swap3A_1964, %swap3A_1965], %gather3A_1954 {strides = array<i32>} : memref<64x128xf32, #tpu.memory_space<vmem>>, vector<16xf32>,
      %swap3A_1967 = arith.constant 45 : i32
      %swap3A_1968 = arith.index_cast %swap3A_1967 : i32 to index
      %swap3A_1969 = arith.constant 48 : index
      %swap3A_1970 = tpu.vector_load %arg10[%swap3A_1968, %swap3A_1969] {strides = array<i32>} : memref<64x128xf32, #tpu.memory_space<vmem>>, vector<16xf32>,
      tpu.vector_store %arg10[%swap3A_1968, %swap3A_1969], %gather3A_1954 {strides = array<i32>} : memref<64x128xf32, #tpu.memory_space<vmem>>, vector<16xf32>,
      %swap3A_1971 = arith.constant 45 : i32
      %swap3A_1972 = arith.index_cast %swap3A_1971 : i32 to index
      %swap3A_1973 = arith.constant 64 : index
      %swap3A_1974 = tpu.vector_load %arg10[%swap3A_1972, %swap3A_1973] {strides = array<i32>} : memref<64x128xf32, #tpu.memory_space<vmem>>, vector<16xf32>,
      tpu.vector_store %arg10[%swap3A_1972, %swap3A_1973], %gather3A_1954 {strides = array<i32>} : memref<64x128xf32, #tpu.memory_space<vmem>>, vector<16xf32>,
      %swap3A_1975 = arith.constant 45 : i32
      %swap3A_1976 = arith.index_cast %swap3A_1975 : i32 to index
      %swap3A_1977 = arith.constant 80 : index
      %swap3A_1978 = tpu.vector_load %arg10[%swap3A_1976, %swap3A_1977] {strides = array<i32>} : memref<64x128xf32, #tpu.memory_space<vmem>>, vector<16xf32>,
      tpu.vector_store %arg10[%swap3A_1976, %swap3A_1977], %gather3A_1954 {strides = array<i32>} : memref<64x128xf32, #tpu.memory_space<vmem>>, vector<16xf32>,
      %swap3A_1979 = arith.constant 45 : i32
      %swap3A_1980 = arith.index_cast %swap3A_1979 : i32 to index
      %swap3A_1981 = arith.constant 96 : index
      %swap3A_1982 = tpu.vector_load %arg10[%swap3A_1980, %swap3A_1981] {strides = array<i32>} : memref<64x128xf32, #tpu.memory_space<vmem>>, vector<16xf32>,
      tpu.vector_store %arg10[%swap3A_1980, %swap3A_1981], %gather3A_1954 {strides = array<i32>} : memref<64x128xf32, #tpu.memory_space<vmem>>, vector<16xf32>,
      %swap3A_1983 = arith.constant 45 : i32
      %swap3A_1984 = arith.index_cast %swap3A_1983 : i32 to index
      %swap3A_1985 = arith.constant 112 : index
      %swap3A_1986 = tpu.vector_load %arg10[%swap3A_1984, %swap3A_1985] {strides = array<i32>} : memref<64x128xf32, #tpu.memory_space<vmem>>, vector<16xf32>,
      tpu.vector_store %arg10[%swap3A_1984, %swap3A_1985], %gather3A_1954 {strides = array<i32>} : memref<64x128xf32, #tpu.memory_space<vmem>>, vector<16xf32>,
      %broadcast_in_dim3A_1987 = arith.constant 46 : i32
      %broadcast_in_dim3A_1988 = vector.broadcast %broadcast_in_dim3A_1987 : i32 to vector<16xi32>
      %gather3A_1989 = tpu.vector_load_idx %arg9[%broadcast_in_dim3A_0, %broadcast_in_dim3A_1988] : memref<1x80xf32, #tpu.memory_space<vmem>>[vector<16xi32>, vector<16xi32>], vector<16xf32>,
      %swap3A_1990 = arith.constant 46 : i32
      %swap3A_1991 = arith.index_cast %swap3A_1990 : i32 to index
      %swap3A_1992 = arith.constant 0 : index
      %swap3A_1993 = tpu.vector_load %arg10[%swap3A_1991, %swap3A_1992] {strides = array<i32>} : memref<64x128xf32, #tpu.memory_space<vmem>>, vector<16xf32>,
      tpu.vector_store %arg10[%swap3A_1991, %swap3A_1992], %gather3A_1989 {strides = array<i32>} : memref<64x128xf32, #tpu.memory_space<vmem>>, vector<16xf32>,
      %swap3A_1994 = arith.constant 46 : i32
      %swap3A_1995 = arith.index_cast %swap3A_1994 : i32 to index
      %swap3A_1996 = arith.constant 16 : index
      %swap3A_1997 = tpu.vector_load %arg10[%swap3A_1995, %swap3A_1996] {strides = array<i32>} : memref<64x128xf32, #tpu.memory_space<vmem>>, vector<16xf32>,
      tpu.vector_store %arg10[%swap3A_1995, %swap3A_1996], %gather3A_1989 {strides = array<i32>} : memref<64x128xf32, #tpu.memory_space<vmem>>, vector<16xf32>,
      %swap3A_1998 = arith.constant 46 : i32
      %swap3A_1999 = arith.index_cast %swap3A_1998 : i32 to index
      %swap3A_2000 = arith.constant 32 : index
      %swap3A_2001 = tpu.vector_load %arg10[%swap3A_1999, %swap3A_2000] {strides = array<i32>} : memref<64x128xf32, #tpu.memory_space<vmem>>, vector<16xf32>,
      tpu.vector_store %arg10[%swap3A_1999, %swap3A_2000], %gather3A_1989 {strides = array<i32>} : memref<64x128xf32, #tpu.memory_space<vmem>>, vector<16xf32>,
      %swap3A_2002 = arith.constant 46 : i32
      %swap3A_2003 = arith.index_cast %swap3A_2002 : i32 to index
      %swap3A_2004 = arith.constant 48 : index
      %swap3A_2005 = tpu.vector_load %arg10[%swap3A_2003, %swap3A_2004] {strides = array<i32>} : memref<64x128xf32, #tpu.memory_space<vmem>>, vector<16xf32>,
      tpu.vector_store %arg10[%swap3A_2003, %swap3A_2004], %gather3A_1989 {strides = array<i32>} : memref<64x128xf32, #tpu.memory_space<vmem>>, vector<16xf32>,
      %swap3A_2006 = arith.constant 46 : i32
      %swap3A_2007 = arith.index_cast %swap3A_2006 : i32 to index
      %swap3A_2008 = arith.constant 64 : index
      %swap3A_2009 = tpu.vector_load %arg10[%swap3A_2007, %swap3A_2008] {strides = array<i32>} : memref<64x128xf32, #tpu.memory_space<vmem>>, vector<16xf32>,
      tpu.vector_store %arg10[%swap3A_2007, %swap3A_2008], %gather3A_1989 {strides = array<i32>} : memref<64x128xf32, #tpu.memory_space<vmem>>, vector<16xf32>,
      %swap3A_2010 = arith.constant 46 : i32
      %swap3A_2011 = arith.index_cast %swap3A_2010 : i32 to index
      %swap3A_2012 = arith.constant 80 : index
      %swap3A_2013 = tpu.vector_load %arg10[%swap3A_2011, %swap3A_2012] {strides = array<i32>} : memref<64x128xf32, #tpu.memory_space<vmem>>, vector<16xf32>,
      tpu.vector_store %arg10[%swap3A_2011, %swap3A_2012], %gather3A_1989 {strides = array<i32>} : memref<64x128xf32, #tpu.memory_space<vmem>>, vector<16xf32>,
      %swap3A_2014 = arith.constant 46 : i32
      %swap3A_2015 = arith.index_cast %swap3A_2014 : i32 to index
      %swap3A_2016 = arith.constant 96 : index
      %swap3A_2017 = tpu.vector_load %arg10[%swap3A_2015, %swap3A_2016] {strides = array<i32>} : memref<64x128xf32, #tpu.memory_space<vmem>>, vector<16xf32>,
      tpu.vector_store %arg10[%swap3A_2015, %swap3A_2016], %gather3A_1989 {strides = array<i32>} : memref<64x128xf32, #tpu.memory_space<vmem>>, vector<16xf32>,
      %swap3A_2018 = arith.constant 46 : i32
      %swap3A_2019 = arith.index_cast %swap3A_2018 : i32 to index
      %swap3A_2020 = arith.constant 112 : index
      %swap3A_2021 = tpu.vector_load %arg10[%swap3A_2019, %swap3A_2020] {strides = array<i32>} : memref<64x128xf32, #tpu.memory_space<vmem>>, vector<16xf32>,
      tpu.vector_store %arg10[%swap3A_2019, %swap3A_2020], %gather3A_1989 {strides = array<i32>} : memref<64x128xf32, #tpu.memory_space<vmem>>, vector<16xf32>,
      %broadcast_in_dim3A_2022 = arith.constant 47 : i32
      %broadcast_in_dim3A_2023 = vector.broadcast %broadcast_in_dim3A_2022 : i32 to vector<16xi32>
      %gather3A_2024 = tpu.vector_load_idx %arg9[%broadcast_in_dim3A_0, %broadcast_in_dim3A_2023] : memref<1x80xf32, #tpu.memory_space<vmem>>[vector<16xi32>, vector<16xi32>], vector<16xf32>,
      %swap3A_2025 = arith.constant 47 : i32
      %swap3A_2026 = arith.index_cast %swap3A_2025 : i32 to index
      %swap3A_2027 = arith.constant 0 : index
      %swap3A_2028 = tpu.vector_load %arg10[%swap3A_2026, %swap3A_2027] {strides = array<i32>} : memref<64x128xf32, #tpu.memory_space<vmem>>, vector<16xf32>,
      tpu.vector_store %arg10[%swap3A_2026, %swap3A_2027], %gather3A_2024 {strides = array<i32>} : memref<64x128xf32, #tpu.memory_space<vmem>>, vector<16xf32>,
      %swap3A_2029 = arith.constant 47 : i32
      %swap3A_2030 = arith.index_cast %swap3A_2029 : i32 to index
      %swap3A_2031 = arith.constant 16 : index
      %swap3A_2032 = tpu.vector_load %arg10[%swap3A_2030, %swap3A_2031] {strides = array<i32>} : memref<64x128xf32, #tpu.memory_space<vmem>>, vector<16xf32>,
      tpu.vector_store %arg10[%swap3A_2030, %swap3A_2031], %gather3A_2024 {strides = array<i32>} : memref<64x128xf32, #tpu.memory_space<vmem>>, vector<16xf32>,
      %swap3A_2033 = arith.constant 47 : i32
      %swap3A_2034 = arith.index_cast %swap3A_2033 : i32 to index
      %swap3A_2035 = arith.constant 32 : index
      %swap3A_2036 = tpu.vector_load %arg10[%swap3A_2034, %swap3A_2035] {strides = array<i32>} : memref<64x128xf32, #tpu.memory_space<vmem>>, vector<16xf32>,
      tpu.vector_store %arg10[%swap3A_2034, %swap3A_2035], %gather3A_2024 {strides = array<i32>} : memref<64x128xf32, #tpu.memory_space<vmem>>, vector<16xf32>,
      %swap3A_2037 = arith.constant 47 : i32
      %swap3A_2038 = arith.index_cast %swap3A_2037 : i32 to index
      %swap3A_2039 = arith.constant 48 : index
      %swap3A_2040 = tpu.vector_load %arg10[%swap3A_2038, %swap3A_2039] {strides = array<i32>} : memref<64x128xf32, #tpu.memory_space<vmem>>, vector<16xf32>,
      tpu.vector_store %arg10[%swap3A_2038, %swap3A_2039], %gather3A_2024 {strides = array<i32>} : memref<64x128xf32, #tpu.memory_space<vmem>>, vector<16xf32>,
      %swap3A_2041 = arith.constant 47 : i32
      %swap3A_2042 = arith.index_cast %swap3A_2041 : i32 to index
      %swap3A_2043 = arith.constant 64 : index
      %swap3A_2044 = tpu.vector_load %arg10[%swap3A_2042, %swap3A_2043] {strides = array<i32>} : memref<64x128xf32, #tpu.memory_space<vmem>>, vector<16xf32>,
      tpu.vector_store %arg10[%swap3A_2042, %swap3A_2043], %gather3A_2024 {strides = array<i32>} : memref<64x128xf32, #tpu.memory_space<vmem>>, vector<16xf32>,
      %swap3A_2045 = arith.constant 47 : i32
      %swap3A_2046 = arith.index_cast %swap3A_2045 : i32 to index
      %swap3A_2047 = arith.constant 80 : index
      %swap3A_2048 = tpu.vector_load %arg10[%swap3A_2046, %swap3A_2047] {strides = array<i32>} : memref<64x128xf32, #tpu.memory_space<vmem>>, vector<16xf32>,
      tpu.vector_store %arg10[%swap3A_2046, %swap3A_2047], %gather3A_2024 {strides = array<i32>} : memref<64x128xf32, #tpu.memory_space<vmem>>, vector<16xf32>,
      %swap3A_2049 = arith.constant 47 : i32
      %swap3A_2050 = arith.index_cast %swap3A_2049 : i32 to index
      %swap3A_2051 = arith.constant 96 : index
      %swap3A_2052 = tpu.vector_load %arg10[%swap3A_2050, %swap3A_2051] {strides = array<i32>} : memref<64x128xf32, #tpu.memory_space<vmem>>, vector<16xf32>,
      tpu.vector_store %arg10[%swap3A_2050, %swap3A_2051], %gather3A_2024 {strides = array<i32>} : memref<64x128xf32, #tpu.memory_space<vmem>>, vector<16xf32>,
      %swap3A_2053 = arith.constant 47 : i32
      %swap3A_2054 = arith.index_cast %swap3A_2053 : i32 to index
      %swap3A_2055 = arith.constant 112 : index
      %swap3A_2056 = tpu.vector_load %arg10[%swap3A_2054, %swap3A_2055] {strides = array<i32>} : memref<64x128xf32, #tpu.memory_space<vmem>>, vector<16xf32>,
      tpu.vector_store %arg10[%swap3A_2054, %swap3A_2055], %gather3A_2024 {strides = array<i32>} : memref<64x128xf32, #tpu.memory_space<vmem>>, vector<16xf32>,
      %broadcast_in_dim3A_2057 = arith.constant 48 : i32
      %broadcast_in_dim3A_2058 = vector.broadcast %broadcast_in_dim3A_2057 : i32 to vector<16xi32>
      %gather3A_2059 = tpu.vector_load_idx %arg9[%broadcast_in_dim3A_0, %broadcast_in_dim3A_2058] : memref<1x80xf32, #tpu.memory_space<vmem>>[vector<16xi32>, vector<16xi32>], vector<16xf32>,
      %swap3A_2060 = arith.constant 48 : i32
      %swap3A_2061 = arith.index_cast %swap3A_2060 : i32 to index
      %swap3A_2062 = arith.constant 0 : index
      %swap3A_2063 = tpu.vector_load %arg10[%swap3A_2061, %swap3A_2062] {strides = array<i32>} : memref<64x128xf32, #tpu.memory_space<vmem>>, vector<16xf32>,
      tpu.vector_store %arg10[%swap3A_2061, %swap3A_2062], %gather3A_2059 {strides = array<i32>} : memref<64x128xf32, #tpu.memory_space<vmem>>, vector<16xf32>,
      %swap3A_2064 = arith.constant 48 : i32
      %swap3A_2065 = arith.index_cast %swap3A_2064 : i32 to index
      %swap3A_2066 = arith.constant 16 : index
      %swap3A_2067 = tpu.vector_load %arg10[%swap3A_2065, %swap3A_2066] {strides = array<i32>} : memref<64x128xf32, #tpu.memory_space<vmem>>, vector<16xf32>,
      tpu.vector_store %arg10[%swap3A_2065, %swap3A_2066], %gather3A_2059 {strides = array<i32>} : memref<64x128xf32, #tpu.memory_space<vmem>>, vector<16xf32>,
      %swap3A_2068 = arith.constant 48 : i32
      %swap3A_2069 = arith.index_cast %swap3A_2068 : i32 to index
      %swap3A_2070 = arith.constant 32 : index
      %swap3A_2071 = tpu.vector_load %arg10[%swap3A_2069, %swap3A_2070] {strides = array<i32>} : memref<64x128xf32, #tpu.memory_space<vmem>>, vector<16xf32>,
      tpu.vector_store %arg10[%swap3A_2069, %swap3A_2070], %gather3A_2059 {strides = array<i32>} : memref<64x128xf32, #tpu.memory_space<vmem>>, vector<16xf32>,
      %swap3A_2072 = arith.constant 48 : i32
      %swap3A_2073 = arith.index_cast %swap3A_2072 : i32 to index
      %swap3A_2074 = arith.constant 48 : index
      %swap3A_2075 = tpu.vector_load %arg10[%swap3A_2073, %swap3A_2074] {strides = array<i32>} : memref<64x128xf32, #tpu.memory_space<vmem>>, vector<16xf32>,
      tpu.vector_store %arg10[%swap3A_2073, %swap3A_2074], %gather3A_2059 {strides = array<i32>} : memref<64x128xf32, #tpu.memory_space<vmem>>, vector<16xf32>,
      %swap3A_2076 = arith.constant 48 : i32
      %swap3A_2077 = arith.index_cast %swap3A_2076 : i32 to index
      %swap3A_2078 = arith.constant 64 : index
      %swap3A_2079 = tpu.vector_load %arg10[%swap3A_2077, %swap3A_2078] {strides = array<i32>} : memref<64x128xf32, #tpu.memory_space<vmem>>, vector<16xf32>,
      tpu.vector_store %arg10[%swap3A_2077, %swap3A_2078], %gather3A_2059 {strides = array<i32>} : memref<64x128xf32, #tpu.memory_space<vmem>>, vector<16xf32>,
      %swap3A_2080 = arith.constant 48 : i32
      %swap3A_2081 = arith.index_cast %swap3A_2080 : i32 to index
      %swap3A_2082 = arith.constant 80 : index
      %swap3A_2083 = tpu.vector_load %arg10[%swap3A_2081, %swap3A_2082] {strides = array<i32>} : memref<64x128xf32, #tpu.memory_space<vmem>>, vector<16xf32>,
      tpu.vector_store %arg10[%swap3A_2081, %swap3A_2082], %gather3A_2059 {strides = array<i32>} : memref<64x128xf32, #tpu.memory_space<vmem>>, vector<16xf32>,
      %swap3A_2084 = arith.constant 48 : i32
      %swap3A_2085 = arith.index_cast %swap3A_2084 : i32 to index
      %swap3A_2086 = arith.constant 96 : index
      %swap3A_2087 = tpu.vector_load %arg10[%swap3A_2085, %swap3A_2086] {strides = array<i32>} : memref<64x128xf32, #tpu.memory_space<vmem>>, vector<16xf32>,
      tpu.vector_store %arg10[%swap3A_2085, %swap3A_2086], %gather3A_2059 {strides = array<i32>} : memref<64x128xf32, #tpu.memory_space<vmem>>, vector<16xf32>,
      %swap3A_2088 = arith.constant 48 : i32
      %swap3A_2089 = arith.index_cast %swap3A_2088 : i32 to index
      %swap3A_2090 = arith.constant 112 : index
      %swap3A_2091 = tpu.vector_load %arg10[%swap3A_2089, %swap3A_2090] {strides = array<i32>} : memref<64x128xf32, #tpu.memory_space<vmem>>, vector<16xf32>,
      tpu.vector_store %arg10[%swap3A_2089, %swap3A_2090], %gather3A_2059 {strides = array<i32>} : memref<64x128xf32, #tpu.memory_space<vmem>>, vector<16xf32>,
      %broadcast_in_dim3A_2092 = arith.constant 49 : i32
      %broadcast_in_dim3A_2093 = vector.broadcast %broadcast_in_dim3A_2092 : i32 to vector<16xi32>
      %gather3A_2094 = tpu.vector_load_idx %arg9[%broadcast_in_dim3A_0, %broadcast_in_dim3A_2093] : memref<1x80xf32, #tpu.memory_space<vmem>>[vector<16xi32>, vector<16xi32>], vector<16xf32>,
      %swap3A_2095 = arith.constant 49 : i32
      %swap3A_2096 = arith.index_cast %swap3A_2095 : i32 to index
      %swap3A_2097 = arith.constant 0 : index
      %swap3A_2098 = tpu.vector_load %arg10[%swap3A_2096, %swap3A_2097] {strides = array<i32>} : memref<64x128xf32, #tpu.memory_space<vmem>>, vector<16xf32>,
      tpu.vector_store %arg10[%swap3A_2096, %swap3A_2097], %gather3A_2094 {strides = array<i32>} : memref<64x128xf32, #tpu.memory_space<vmem>>, vector<16xf32>,
      %swap3A_2099 = arith.constant 49 : i32
      %swap3A_2100 = arith.index_cast %swap3A_2099 : i32 to index
      %swap3A_2101 = arith.constant 16 : index
      %swap3A_2102 = tpu.vector_load %arg10[%swap3A_2100, %swap3A_2101] {strides = array<i32>} : memref<64x128xf32, #tpu.memory_space<vmem>>, vector<16xf32>,
      tpu.vector_store %arg10[%swap3A_2100, %swap3A_2101], %gather3A_2094 {strides = array<i32>} : memref<64x128xf32, #tpu.memory_space<vmem>>, vector<16xf32>,
      %swap3A_2103 = arith.constant 49 : i32
      %swap3A_2104 = arith.index_cast %swap3A_2103 : i32 to index
      %swap3A_2105 = arith.constant 32 : index
      %swap3A_2106 = tpu.vector_load %arg10[%swap3A_2104, %swap3A_2105] {strides = array<i32>} : memref<64x128xf32, #tpu.memory_space<vmem>>, vector<16xf32>,
      tpu.vector_store %arg10[%swap3A_2104, %swap3A_2105], %gather3A_2094 {strides = array<i32>} : memref<64x128xf32, #tpu.memory_space<vmem>>, vector<16xf32>,
      %swap3A_2107 = arith.constant 49 : i32
      %swap3A_2108 = arith.index_cast %swap3A_2107 : i32 to index
      %swap3A_2109 = arith.constant 48 : index
      %swap3A_2110 = tpu.vector_load %arg10[%swap3A_2108, %swap3A_2109] {strides = array<i32>} : memref<64x128xf32, #tpu.memory_space<vmem>>, vector<16xf32>,
      tpu.vector_store %arg10[%swap3A_2108, %swap3A_2109], %gather3A_2094 {strides = array<i32>} : memref<64x128xf32, #tpu.memory_space<vmem>>, vector<16xf32>,
      %swap3A_2111 = arith.constant 49 : i32
      %swap3A_2112 = arith.index_cast %swap3A_2111 : i32 to index
      %swap3A_2113 = arith.constant 64 : index
      %swap3A_2114 = tpu.vector_load %arg10[%swap3A_2112, %swap3A_2113] {strides = array<i32>} : memref<64x128xf32, #tpu.memory_space<vmem>>, vector<16xf32>,
      tpu.vector_store %arg10[%swap3A_2112, %swap3A_2113], %gather3A_2094 {strides = array<i32>} : memref<64x128xf32, #tpu.memory_space<vmem>>, vector<16xf32>,
      %swap3A_2115 = arith.constant 49 : i32
      %swap3A_2116 = arith.index_cast %swap3A_2115 : i32 to index
      %swap3A_2117 = arith.constant 80 : index
      %swap3A_2118 = tpu.vector_load %arg10[%swap3A_2116, %swap3A_2117] {strides = array<i32>} : memref<64x128xf32, #tpu.memory_space<vmem>>, vector<16xf32>,
      tpu.vector_store %arg10[%swap3A_2116, %swap3A_2117], %gather3A_2094 {strides = array<i32>} : memref<64x128xf32, #tpu.memory_space<vmem>>, vector<16xf32>,
      %swap3A_2119 = arith.constant 49 : i32
      %swap3A_2120 = arith.index_cast %swap3A_2119 : i32 to index
      %swap3A_2121 = arith.constant 96 : index
      %swap3A_2122 = tpu.vector_load %arg10[%swap3A_2120, %swap3A_2121] {strides = array<i32>} : memref<64x128xf32, #tpu.memory_space<vmem>>, vector<16xf32>,
      tpu.vector_store %arg10[%swap3A_2120, %swap3A_2121], %gather3A_2094 {strides = array<i32>} : memref<64x128xf32, #tpu.memory_space<vmem>>, vector<16xf32>,
      %swap3A_2123 = arith.constant 49 : i32
      %swap3A_2124 = arith.index_cast %swap3A_2123 : i32 to index
      %swap3A_2125 = arith.constant 112 : index
      %swap3A_2126 = tpu.vector_load %arg10[%swap3A_2124, %swap3A_2125] {strides = array<i32>} : memref<64x128xf32, #tpu.memory_space<vmem>>, vector<16xf32>,
      tpu.vector_store %arg10[%swap3A_2124, %swap3A_2125], %gather3A_2094 {strides = array<i32>} : memref<64x128xf32, #tpu.memory_space<vmem>>, vector<16xf32>,
      %broadcast_in_dim3A_2127 = arith.constant 50 : i32
      %broadcast_in_dim3A_2128 = vector.broadcast %broadcast_in_dim3A_2127 : i32 to vector<16xi32>
      %gather3A_2129 = tpu.vector_load_idx %arg9[%broadcast_in_dim3A_0, %broadcast_in_dim3A_2128] : memref<1x80xf32, #tpu.memory_space<vmem>>[vector<16xi32>, vector<16xi32>], vector<16xf32>,
      %swap3A_2130 = arith.constant 50 : i32
      %swap3A_2131 = arith.index_cast %swap3A_2130 : i32 to index
      %swap3A_2132 = arith.constant 0 : index
      %swap3A_2133 = tpu.vector_load %arg10[%swap3A_2131, %swap3A_2132] {strides = array<i32>} : memref<64x128xf32, #tpu.memory_space<vmem>>, vector<16xf32>,
      tpu.vector_store %arg10[%swap3A_2131, %swap3A_2132], %gather3A_2129 {strides = array<i32>} : memref<64x128xf32, #tpu.memory_space<vmem>>, vector<16xf32>,
      %swap3A_2134 = arith.constant 50 : i32
      %swap3A_2135 = arith.index_cast %swap3A_2134 : i32 to index
      %swap3A_2136 = arith.constant 16 : index
      %swap3A_2137 = tpu.vector_load %arg10[%swap3A_2135, %swap3A_2136] {strides = array<i32>} : memref<64x128xf32, #tpu.memory_space<vmem>>, vector<16xf32>,
      tpu.vector_store %arg10[%swap3A_2135, %swap3A_2136], %gather3A_2129 {strides = array<i32>} : memref<64x128xf32, #tpu.memory_space<vmem>>, vector<16xf32>,
      %swap3A_2138 = arith.constant 50 : i32
      %swap3A_2139 = arith.index_cast %swap3A_2138 : i32 to index
      %swap3A_2140 = arith.constant 32 : index
      %swap3A_2141 = tpu.vector_load %arg10[%swap3A_2139, %swap3A_2140] {strides = array<i32>} : memref<64x128xf32, #tpu.memory_space<vmem>>, vector<16xf32>,
      tpu.vector_store %arg10[%swap3A_2139, %swap3A_2140], %gather3A_2129 {strides = array<i32>} : memref<64x128xf32, #tpu.memory_space<vmem>>, vector<16xf32>,
      %swap3A_2142 = arith.constant 50 : i32
      %swap3A_2143 = arith.index_cast %swap3A_2142 : i32 to index
      %swap3A_2144 = arith.constant 48 : index
      %swap3A_2145 = tpu.vector_load %arg10[%swap3A_2143, %swap3A_2144] {strides = array<i32>} : memref<64x128xf32, #tpu.memory_space<vmem>>, vector<16xf32>,
      tpu.vector_store %arg10[%swap3A_2143, %swap3A_2144], %gather3A_2129 {strides = array<i32>} : memref<64x128xf32, #tpu.memory_space<vmem>>, vector<16xf32>,
      %swap3A_2146 = arith.constant 50 : i32
      %swap3A_2147 = arith.index_cast %swap3A_2146 : i32 to index
      %swap3A_2148 = arith.constant 64 : index
      %swap3A_2149 = tpu.vector_load %arg10[%swap3A_2147, %swap3A_2148] {strides = array<i32>} : memref<64x128xf32, #tpu.memory_space<vmem>>, vector<16xf32>,
      tpu.vector_store %arg10[%swap3A_2147, %swap3A_2148], %gather3A_2129 {strides = array<i32>} : memref<64x128xf32, #tpu.memory_space<vmem>>, vector<16xf32>,
      %swap3A_2150 = arith.constant 50 : i32
      %swap3A_2151 = arith.index_cast %swap3A_2150 : i32 to index
      %swap3A_2152 = arith.constant 80 : index
      %swap3A_2153 = tpu.vector_load %arg10[%swap3A_2151, %swap3A_2152] {strides = array<i32>} : memref<64x128xf32, #tpu.memory_space<vmem>>, vector<16xf32>,
      tpu.vector_store %arg10[%swap3A_2151, %swap3A_2152], %gather3A_2129 {strides = array<i32>} : memref<64x128xf32, #tpu.memory_space<vmem>>, vector<16xf32>,
      %swap3A_2154 = arith.constant 50 : i32
      %swap3A_2155 = arith.index_cast %swap3A_2154 : i32 to index
      %swap3A_2156 = arith.constant 96 : index
      %swap3A_2157 = tpu.vector_load %arg10[%swap3A_2155, %swap3A_2156] {strides = array<i32>} : memref<64x128xf32, #tpu.memory_space<vmem>>, vector<16xf32>,
      tpu.vector_store %arg10[%swap3A_2155, %swap3A_2156], %gather3A_2129 {strides = array<i32>} : memref<64x128xf32, #tpu.memory_space<vmem>>, vector<16xf32>,
      %swap3A_2158 = arith.constant 50 : i32
      %swap3A_2159 = arith.index_cast %swap3A_2158 : i32 to index
      %swap3A_2160 = arith.constant 112 : index
      %swap3A_2161 = tpu.vector_load %arg10[%swap3A_2159, %swap3A_2160] {strides = array<i32>} : memref<64x128xf32, #tpu.memory_space<vmem>>, vector<16xf32>,
      tpu.vector_store %arg10[%swap3A_2159, %swap3A_2160], %gather3A_2129 {strides = array<i32>} : memref<64x128xf32, #tpu.memory_space<vmem>>, vector<16xf32>,
      %broadcast_in_dim3A_2162 = arith.constant 51 : i32
      %broadcast_in_dim3A_2163 = vector.broadcast %broadcast_in_dim3A_2162 : i32 to vector<16xi32>
      %gather3A_2164 = tpu.vector_load_idx %arg9[%broadcast_in_dim3A_0, %broadcast_in_dim3A_2163] : memref<1x80xf32, #tpu.memory_space<vmem>>[vector<16xi32>, vector<16xi32>], vector<16xf32>,
      %swap3A_2165 = arith.constant 51 : i32
      %swap3A_2166 = arith.index_cast %swap3A_2165 : i32 to index
      %swap3A_2167 = arith.constant 0 : index
      %swap3A_2168 = tpu.vector_load %arg10[%swap3A_2166, %swap3A_2167] {strides = array<i32>} : memref<64x128xf32, #tpu.memory_space<vmem>>, vector<16xf32>,
      tpu.vector_store %arg10[%swap3A_2166, %swap3A_2167], %gather3A_2164 {strides = array<i32>} : memref<64x128xf32, #tpu.memory_space<vmem>>, vector<16xf32>,
      %swap3A_2169 = arith.constant 51 : i32
      %swap3A_2170 = arith.index_cast %swap3A_2169 : i32 to index
      %swap3A_2171 = arith.constant 16 : index
      %swap3A_2172 = tpu.vector_load %arg10[%swap3A_2170, %swap3A_2171] {strides = array<i32>} : memref<64x128xf32, #tpu.memory_space<vmem>>, vector<16xf32>,
      tpu.vector_store %arg10[%swap3A_2170, %swap3A_2171], %gather3A_2164 {strides = array<i32>} : memref<64x128xf32, #tpu.memory_space<vmem>>, vector<16xf32>,
      %swap3A_2173 = arith.constant 51 : i32
      %swap3A_2174 = arith.index_cast %swap3A_2173 : i32 to index
      %swap3A_2175 = arith.constant 32 : index
      %swap3A_2176 = tpu.vector_load %arg10[%swap3A_2174, %swap3A_2175] {strides = array<i32>} : memref<64x128xf32, #tpu.memory_space<vmem>>, vector<16xf32>,
      tpu.vector_store %arg10[%swap3A_2174, %swap3A_2175], %gather3A_2164 {strides = array<i32>} : memref<64x128xf32, #tpu.memory_space<vmem>>, vector<16xf32>,
      %swap3A_2177 = arith.constant 51 : i32
      %swap3A_2178 = arith.index_cast %swap3A_2177 : i32 to index
      %swap3A_2179 = arith.constant 48 : index
      %swap3A_2180 = tpu.vector_load %arg10[%swap3A_2178, %swap3A_2179] {strides = array<i32>} : memref<64x128xf32, #tpu.memory_space<vmem>>, vector<16xf32>,
      tpu.vector_store %arg10[%swap3A_2178, %swap3A_2179], %gather3A_2164 {strides = array<i32>} : memref<64x128xf32, #tpu.memory_space<vmem>>, vector<16xf32>,
      %swap3A_2181 = arith.constant 51 : i32
      %swap3A_2182 = arith.index_cast %swap3A_2181 : i32 to index
      %swap3A_2183 = arith.constant 64 : index
      %swap3A_2184 = tpu.vector_load %arg10[%swap3A_2182, %swap3A_2183] {strides = array<i32>} : memref<64x128xf32, #tpu.memory_space<vmem>>, vector<16xf32>,
      tpu.vector_store %arg10[%swap3A_2182, %swap3A_2183], %gather3A_2164 {strides = array<i32>} : memref<64x128xf32, #tpu.memory_space<vmem>>, vector<16xf32>,
      %swap3A_2185 = arith.constant 51 : i32
      %swap3A_2186 = arith.index_cast %swap3A_2185 : i32 to index
      %swap3A_2187 = arith.constant 80 : index
      %swap3A_2188 = tpu.vector_load %arg10[%swap3A_2186, %swap3A_2187] {strides = array<i32>} : memref<64x128xf32, #tpu.memory_space<vmem>>, vector<16xf32>,
      tpu.vector_store %arg10[%swap3A_2186, %swap3A_2187], %gather3A_2164 {strides = array<i32>} : memref<64x128xf32, #tpu.memory_space<vmem>>, vector<16xf32>,
      %swap3A_2189 = arith.constant 51 : i32
      %swap3A_2190 = arith.index_cast %swap3A_2189 : i32 to index
      %swap3A_2191 = arith.constant 96 : index
      %swap3A_2192 = tpu.vector_load %arg10[%swap3A_2190, %swap3A_2191] {strides = array<i32>} : memref<64x128xf32, #tpu.memory_space<vmem>>, vector<16xf32>,
      tpu.vector_store %arg10[%swap3A_2190, %swap3A_2191], %gather3A_2164 {strides = array<i32>} : memref<64x128xf32, #tpu.memory_space<vmem>>, vector<16xf32>,
      %swap3A_2193 = arith.constant 51 : i32
      %swap3A_2194 = arith.index_cast %swap3A_2193 : i32 to index
      %swap3A_2195 = arith.constant 112 : index
      %swap3A_2196 = tpu.vector_load %arg10[%swap3A_2194, %swap3A_2195] {strides = array<i32>} : memref<64x128xf32, #tpu.memory_space<vmem>>, vector<16xf32>,
      tpu.vector_store %arg10[%swap3A_2194, %swap3A_2195], %gather3A_2164 {strides = array<i32>} : memref<64x128xf32, #tpu.memory_space<vmem>>, vector<16xf32>,
      %broadcast_in_dim3A_2197 = arith.constant 52 : i32
      %broadcast_in_dim3A_2198 = vector.broadcast %broadcast_in_dim3A_2197 : i32 to vector<16xi32>
      %gather3A_2199 = tpu.vector_load_idx %arg9[%broadcast_in_dim3A_0, %broadcast_in_dim3A_2198] : memref<1x80xf32, #tpu.memory_space<vmem>>[vector<16xi32>, vector<16xi32>], vector<16xf32>,
      %swap3A_2200 = arith.constant 52 : i32
      %swap3A_2201 = arith.index_cast %swap3A_2200 : i32 to index
      %swap3A_2202 = arith.constant 0 : index
      %swap3A_2203 = tpu.vector_load %arg10[%swap3A_2201, %swap3A_2202] {strides = array<i32>} : memref<64x128xf32, #tpu.memory_space<vmem>>, vector<16xf32>,
      tpu.vector_store %arg10[%swap3A_2201, %swap3A_2202], %gather3A_2199 {strides = array<i32>} : memref<64x128xf32, #tpu.memory_space<vmem>>, vector<16xf32>,
      %swap3A_2204 = arith.constant 52 : i32
      %swap3A_2205 = arith.index_cast %swap3A_2204 : i32 to index
      %swap3A_2206 = arith.constant 16 : index
      %swap3A_2207 = tpu.vector_load %arg10[%swap3A_2205, %swap3A_2206] {strides = array<i32>} : memref<64x128xf32, #tpu.memory_space<vmem>>, vector<16xf32>,
      tpu.vector_store %arg10[%swap3A_2205, %swap3A_2206], %gather3A_2199 {strides = array<i32>} : memref<64x128xf32, #tpu.memory_space<vmem>>, vector<16xf32>,
      %swap3A_2208 = arith.constant 52 : i32
      %swap3A_2209 = arith.index_cast %swap3A_2208 : i32 to index
      %swap3A_2210 = arith.constant 32 : index
      %swap3A_2211 = tpu.vector_load %arg10[%swap3A_2209, %swap3A_2210] {strides = array<i32>} : memref<64x128xf32, #tpu.memory_space<vmem>>, vector<16xf32>,
      tpu.vector_store %arg10[%swap3A_2209, %swap3A_2210], %gather3A_2199 {strides = array<i32>} : memref<64x128xf32, #tpu.memory_space<vmem>>, vector<16xf32>,
      %swap3A_2212 = arith.constant 52 : i32
      %swap3A_2213 = arith.index_cast %swap3A_2212 : i32 to index
      %swap3A_2214 = arith.constant 48 : index
      %swap3A_2215 = tpu.vector_load %arg10[%swap3A_2213, %swap3A_2214] {strides = array<i32>} : memref<64x128xf32, #tpu.memory_space<vmem>>, vector<16xf32>,
      tpu.vector_store %arg10[%swap3A_2213, %swap3A_2214], %gather3A_2199 {strides = array<i32>} : memref<64x128xf32, #tpu.memory_space<vmem>>, vector<16xf32>,
      %swap3A_2216 = arith.constant 52 : i32
      %swap3A_2217 = arith.index_cast %swap3A_2216 : i32 to index
      %swap3A_2218 = arith.constant 64 : index
      %swap3A_2219 = tpu.vector_load %arg10[%swap3A_2217, %swap3A_2218] {strides = array<i32>} : memref<64x128xf32, #tpu.memory_space<vmem>>, vector<16xf32>,
      tpu.vector_store %arg10[%swap3A_2217, %swap3A_2218], %gather3A_2199 {strides = array<i32>} : memref<64x128xf32, #tpu.memory_space<vmem>>, vector<16xf32>,
      %swap3A_2220 = arith.constant 52 : i32
      %swap3A_2221 = arith.index_cast %swap3A_2220 : i32 to index
      %swap3A_2222 = arith.constant 80 : index
      %swap3A_2223 = tpu.vector_load %arg10[%swap3A_2221, %swap3A_2222] {strides = array<i32>} : memref<64x128xf32, #tpu.memory_space<vmem>>, vector<16xf32>,
      tpu.vector_store %arg10[%swap3A_2221, %swap3A_2222], %gather3A_2199 {strides = array<i32>} : memref<64x128xf32, #tpu.memory_space<vmem>>, vector<16xf32>,
      %swap3A_2224 = arith.constant 52 : i32
      %swap3A_2225 = arith.index_cast %swap3A_2224 : i32 to index
      %swap3A_2226 = arith.constant 96 : index
      %swap3A_2227 = tpu.vector_load %arg10[%swap3A_2225, %swap3A_2226] {strides = array<i32>} : memref<64x128xf32, #tpu.memory_space<vmem>>, vector<16xf32>,
      tpu.vector_store %arg10[%swap3A_2225, %swap3A_2226], %gather3A_2199 {strides = array<i32>} : memref<64x128xf32, #tpu.memory_space<vmem>>, vector<16xf32>,
      %swap3A_2228 = arith.constant 52 : i32
      %swap3A_2229 = arith.index_cast %swap3A_2228 : i32 to index
      %swap3A_2230 = arith.constant 112 : index
      %swap3A_2231 = tpu.vector_load %arg10[%swap3A_2229, %swap3A_2230] {strides = array<i32>} : memref<64x128xf32, #tpu.memory_space<vmem>>, vector<16xf32>,
      tpu.vector_store %arg10[%swap3A_2229, %swap3A_2230], %gather3A_2199 {strides = array<i32>} : memref<64x128xf32, #tpu.memory_space<vmem>>, vector<16xf32>,
      %broadcast_in_dim3A_2232 = arith.constant 53 : i32
      %broadcast_in_dim3A_2233 = vector.broadcast %broadcast_in_dim3A_2232 : i32 to vector<16xi32>
      %gather3A_2234 = tpu.vector_load_idx %arg9[%broadcast_in_dim3A_0, %broadcast_in_dim3A_2233] : memref<1x80xf32, #tpu.memory_space<vmem>>[vector<16xi32>, vector<16xi32>], vector<16xf32>,
      %swap3A_2235 = arith.constant 53 : i32
      %swap3A_2236 = arith.index_cast %swap3A_2235 : i32 to index
      %swap3A_2237 = arith.constant 0 : index
      %swap3A_2238 = tpu.vector_load %arg10[%swap3A_2236, %swap3A_2237] {strides = array<i32>} : memref<64x128xf32, #tpu.memory_space<vmem>>, vector<16xf32>,
      tpu.vector_store %arg10[%swap3A_2236, %swap3A_2237], %gather3A_2234 {strides = array<i32>} : memref<64x128xf32, #tpu.memory_space<vmem>>, vector<16xf32>,
      %swap3A_2239 = arith.constant 53 : i32
      %swap3A_2240 = arith.index_cast %swap3A_2239 : i32 to index
      %swap3A_2241 = arith.constant 16 : index
      %swap3A_2242 = tpu.vector_load %arg10[%swap3A_2240, %swap3A_2241] {strides = array<i32>} : memref<64x128xf32, #tpu.memory_space<vmem>>, vector<16xf32>,
      tpu.vector_store %arg10[%swap3A_2240, %swap3A_2241], %gather3A_2234 {strides = array<i32>} : memref<64x128xf32, #tpu.memory_space<vmem>>, vector<16xf32>,
      %swap3A_2243 = arith.constant 53 : i32
      %swap3A_2244 = arith.index_cast %swap3A_2243 : i32 to index
      %swap3A_2245 = arith.constant 32 : index
      %swap3A_2246 = tpu.vector_load %arg10[%swap3A_2244, %swap3A_2245] {strides = array<i32>} : memref<64x128xf32, #tpu.memory_space<vmem>>, vector<16xf32>,
      tpu.vector_store %arg10[%swap3A_2244, %swap3A_2245], %gather3A_2234 {strides = array<i32>} : memref<64x128xf32, #tpu.memory_space<vmem>>, vector<16xf32>,
      %swap3A_2247 = arith.constant 53 : i32
      %swap3A_2248 = arith.index_cast %swap3A_2247 : i32 to index
      %swap3A_2249 = arith.constant 48 : index
      %swap3A_2250 = tpu.vector_load %arg10[%swap3A_2248, %swap3A_2249] {strides = array<i32>} : memref<64x128xf32, #tpu.memory_space<vmem>>, vector<16xf32>,
      tpu.vector_store %arg10[%swap3A_2248, %swap3A_2249], %gather3A_2234 {strides = array<i32>} : memref<64x128xf32, #tpu.memory_space<vmem>>, vector<16xf32>,
      %swap3A_2251 = arith.constant 53 : i32
      %swap3A_2252 = arith.index_cast %swap3A_2251 : i32 to index
      %swap3A_2253 = arith.constant 64 : index
      %swap3A_2254 = tpu.vector_load %arg10[%swap3A_2252, %swap3A_2253] {strides = array<i32>} : memref<64x128xf32, #tpu.memory_space<vmem>>, vector<16xf32>,
      tpu.vector_store %arg10[%swap3A_2252, %swap3A_2253], %gather3A_2234 {strides = array<i32>} : memref<64x128xf32, #tpu.memory_space<vmem>>, vector<16xf32>,
      %swap3A_2255 = arith.constant 53 : i32
      %swap3A_2256 = arith.index_cast %swap3A_2255 : i32 to index
      %swap3A_2257 = arith.constant 80 : index
      %swap3A_2258 = tpu.vector_load %arg10[%swap3A_2256, %swap3A_2257] {strides = array<i32>} : memref<64x128xf32, #tpu.memory_space<vmem>>, vector<16xf32>,
      tpu.vector_store %arg10[%swap3A_2256, %swap3A_2257], %gather3A_2234 {strides = array<i32>} : memref<64x128xf32, #tpu.memory_space<vmem>>, vector<16xf32>,
      %swap3A_2259 = arith.constant 53 : i32
      %swap3A_2260 = arith.index_cast %swap3A_2259 : i32 to index
      %swap3A_2261 = arith.constant 96 : index
      %swap3A_2262 = tpu.vector_load %arg10[%swap3A_2260, %swap3A_2261] {strides = array<i32>} : memref<64x128xf32, #tpu.memory_space<vmem>>, vector<16xf32>,
      tpu.vector_store %arg10[%swap3A_2260, %swap3A_2261], %gather3A_2234 {strides = array<i32>} : memref<64x128xf32, #tpu.memory_space<vmem>>, vector<16xf32>,
      %swap3A_2263 = arith.constant 53 : i32
      %swap3A_2264 = arith.index_cast %swap3A_2263 : i32 to index
      %swap3A_2265 = arith.constant 112 : index
      %swap3A_2266 = tpu.vector_load %arg10[%swap3A_2264, %swap3A_2265] {strides = array<i32>} : memref<64x128xf32, #tpu.memory_space<vmem>>, vector<16xf32>,
      tpu.vector_store %arg10[%swap3A_2264, %swap3A_2265], %gather3A_2234 {strides = array<i32>} : memref<64x128xf32, #tpu.memory_space<vmem>>, vector<16xf32>,
      %broadcast_in_dim3A_2267 = arith.constant 54 : i32
      %broadcast_in_dim3A_2268 = vector.broadcast %broadcast_in_dim3A_2267 : i32 to vector<16xi32>
      %gather3A_2269 = tpu.vector_load_idx %arg9[%broadcast_in_dim3A_0, %broadcast_in_dim3A_2268] : memref<1x80xf32, #tpu.memory_space<vmem>>[vector<16xi32>, vector<16xi32>], vector<16xf32>,
      %swap3A_2270 = arith.constant 54 : i32
      %swap3A_2271 = arith.index_cast %swap3A_2270 : i32 to index
      %swap3A_2272 = arith.constant 0 : index
      %swap3A_2273 = tpu.vector_load %arg10[%swap3A_2271, %swap3A_2272] {strides = array<i32>} : memref<64x128xf32, #tpu.memory_space<vmem>>, vector<16xf32>,
      tpu.vector_store %arg10[%swap3A_2271, %swap3A_2272], %gather3A_2269 {strides = array<i32>} : memref<64x128xf32, #tpu.memory_space<vmem>>, vector<16xf32>,
      %swap3A_2274 = arith.constant 54 : i32
      %swap3A_2275 = arith.index_cast %swap3A_2274 : i32 to index
      %swap3A_2276 = arith.constant 16 : index
      %swap3A_2277 = tpu.vector_load %arg10[%swap3A_2275, %swap3A_2276] {strides = array<i32>} : memref<64x128xf32, #tpu.memory_space<vmem>>, vector<16xf32>,
      tpu.vector_store %arg10[%swap3A_2275, %swap3A_2276], %gather3A_2269 {strides = array<i32>} : memref<64x128xf32, #tpu.memory_space<vmem>>, vector<16xf32>,
      %swap3A_2278 = arith.constant 54 : i32
      %swap3A_2279 = arith.index_cast %swap3A_2278 : i32 to index
      %swap3A_2280 = arith.constant 32 : index
      %swap3A_2281 = tpu.vector_load %arg10[%swap3A_2279, %swap3A_2280] {strides = array<i32>} : memref<64x128xf32, #tpu.memory_space<vmem>>, vector<16xf32>,
      tpu.vector_store %arg10[%swap3A_2279, %swap3A_2280], %gather3A_2269 {strides = array<i32>} : memref<64x128xf32, #tpu.memory_space<vmem>>, vector<16xf32>,
      %swap3A_2282 = arith.constant 54 : i32
      %swap3A_2283 = arith.index_cast %swap3A_2282 : i32 to index
      %swap3A_2284 = arith.constant 48 : index
      %swap3A_2285 = tpu.vector_load %arg10[%swap3A_2283, %swap3A_2284] {strides = array<i32>} : memref<64x128xf32, #tpu.memory_space<vmem>>, vector<16xf32>,
      tpu.vector_store %arg10[%swap3A_2283, %swap3A_2284], %gather3A_2269 {strides = array<i32>} : memref<64x128xf32, #tpu.memory_space<vmem>>, vector<16xf32>,
      %swap3A_2286 = arith.constant 54 : i32
      %swap3A_2287 = arith.index_cast %swap3A_2286 : i32 to index
      %swap3A_2288 = arith.constant 64 : index
      %swap3A_2289 = tpu.vector_load %arg10[%swap3A_2287, %swap3A_2288] {strides = array<i32>} : memref<64x128xf32, #tpu.memory_space<vmem>>, vector<16xf32>,
      tpu.vector_store %arg10[%swap3A_2287, %swap3A_2288], %gather3A_2269 {strides = array<i32>} : memref<64x128xf32, #tpu.memory_space<vmem>>, vector<16xf32>,
      %swap3A_2290 = arith.constant 54 : i32
      %swap3A_2291 = arith.index_cast %swap3A_2290 : i32 to index
      %swap3A_2292 = arith.constant 80 : index
      %swap3A_2293 = tpu.vector_load %arg10[%swap3A_2291, %swap3A_2292] {strides = array<i32>} : memref<64x128xf32, #tpu.memory_space<vmem>>, vector<16xf32>,
      tpu.vector_store %arg10[%swap3A_2291, %swap3A_2292], %gather3A_2269 {strides = array<i32>} : memref<64x128xf32, #tpu.memory_space<vmem>>, vector<16xf32>,
      %swap3A_2294 = arith.constant 54 : i32
      %swap3A_2295 = arith.index_cast %swap3A_2294 : i32 to index
      %swap3A_2296 = arith.constant 96 : index
      %swap3A_2297 = tpu.vector_load %arg10[%swap3A_2295, %swap3A_2296] {strides = array<i32>} : memref<64x128xf32, #tpu.memory_space<vmem>>, vector<16xf32>,
      tpu.vector_store %arg10[%swap3A_2295, %swap3A_2296], %gather3A_2269 {strides = array<i32>} : memref<64x128xf32, #tpu.memory_space<vmem>>, vector<16xf32>,
      %swap3A_2298 = arith.constant 54 : i32
      %swap3A_2299 = arith.index_cast %swap3A_2298 : i32 to index
      %swap3A_2300 = arith.constant 112 : index
      %swap3A_2301 = tpu.vector_load %arg10[%swap3A_2299, %swap3A_2300] {strides = array<i32>} : memref<64x128xf32, #tpu.memory_space<vmem>>, vector<16xf32>,
      tpu.vector_store %arg10[%swap3A_2299, %swap3A_2300], %gather3A_2269 {strides = array<i32>} : memref<64x128xf32, #tpu.memory_space<vmem>>, vector<16xf32>,
      %broadcast_in_dim3A_2302 = arith.constant 55 : i32
      %broadcast_in_dim3A_2303 = vector.broadcast %broadcast_in_dim3A_2302 : i32 to vector<16xi32>
      %gather3A_2304 = tpu.vector_load_idx %arg9[%broadcast_in_dim3A_0, %broadcast_in_dim3A_2303] : memref<1x80xf32, #tpu.memory_space<vmem>>[vector<16xi32>, vector<16xi32>], vector<16xf32>,
      %swap3A_2305 = arith.constant 55 : i32
      %swap3A_2306 = arith.index_cast %swap3A_2305 : i32 to index
      %swap3A_2307 = arith.constant 0 : index
      %swap3A_2308 = tpu.vector_load %arg10[%swap3A_2306, %swap3A_2307] {strides = array<i32>} : memref<64x128xf32, #tpu.memory_space<vmem>>, vector<16xf32>,
      tpu.vector_store %arg10[%swap3A_2306, %swap3A_2307], %gather3A_2304 {strides = array<i32>} : memref<64x128xf32, #tpu.memory_space<vmem>>, vector<16xf32>,
      %swap3A_2309 = arith.constant 55 : i32
      %swap3A_2310 = arith.index_cast %swap3A_2309 : i32 to index
      %swap3A_2311 = arith.constant 16 : index
      %swap3A_2312 = tpu.vector_load %arg10[%swap3A_2310, %swap3A_2311] {strides = array<i32>} : memref<64x128xf32, #tpu.memory_space<vmem>>, vector<16xf32>,
      tpu.vector_store %arg10[%swap3A_2310, %swap3A_2311], %gather3A_2304 {strides = array<i32>} : memref<64x128xf32, #tpu.memory_space<vmem>>, vector<16xf32>,
      %swap3A_2313 = arith.constant 55 : i32
      %swap3A_2314 = arith.index_cast %swap3A_2313 : i32 to index
      %swap3A_2315 = arith.constant 32 : index
      %swap3A_2316 = tpu.vector_load %arg10[%swap3A_2314, %swap3A_2315] {strides = array<i32>} : memref<64x128xf32, #tpu.memory_space<vmem>>, vector<16xf32>,
      tpu.vector_store %arg10[%swap3A_2314, %swap3A_2315], %gather3A_2304 {strides = array<i32>} : memref<64x128xf32, #tpu.memory_space<vmem>>, vector<16xf32>,
      %swap3A_2317 = arith.constant 55 : i32
      %swap3A_2318 = arith.index_cast %swap3A_2317 : i32 to index
      %swap3A_2319 = arith.constant 48 : index
      %swap3A_2320 = tpu.vector_load %arg10[%swap3A_2318, %swap3A_2319] {strides = array<i32>} : memref<64x128xf32, #tpu.memory_space<vmem>>, vector<16xf32>,
      tpu.vector_store %arg10[%swap3A_2318, %swap3A_2319], %gather3A_2304 {strides = array<i32>} : memref<64x128xf32, #tpu.memory_space<vmem>>, vector<16xf32>,
      %swap3A_2321 = arith.constant 55 : i32
      %swap3A_2322 = arith.index_cast %swap3A_2321 : i32 to index
      %swap3A_2323 = arith.constant 64 : index
      %swap3A_2324 = tpu.vector_load %arg10[%swap3A_2322, %swap3A_2323] {strides = array<i32>} : memref<64x128xf32, #tpu.memory_space<vmem>>, vector<16xf32>,
      tpu.vector_store %arg10[%swap3A_2322, %swap3A_2323], %gather3A_2304 {strides = array<i32>} : memref<64x128xf32, #tpu.memory_space<vmem>>, vector<16xf32>,
      %swap3A_2325 = arith.constant 55 : i32
      %swap3A_2326 = arith.index_cast %swap3A_2325 : i32 to index
      %swap3A_2327 = arith.constant 80 : index
      %swap3A_2328 = tpu.vector_load %arg10[%swap3A_2326, %swap3A_2327] {strides = array<i32>} : memref<64x128xf32, #tpu.memory_space<vmem>>, vector<16xf32>,
      tpu.vector_store %arg10[%swap3A_2326, %swap3A_2327], %gather3A_2304 {strides = array<i32>} : memref<64x128xf32, #tpu.memory_space<vmem>>, vector<16xf32>,
      %swap3A_2329 = arith.constant 55 : i32
      %swap3A_2330 = arith.index_cast %swap3A_2329 : i32 to index
      %swap3A_2331 = arith.constant 96 : index
      %swap3A_2332 = tpu.vector_load %arg10[%swap3A_2330, %swap3A_2331] {strides = array<i32>} : memref<64x128xf32, #tpu.memory_space<vmem>>, vector<16xf32>,
      tpu.vector_store %arg10[%swap3A_2330, %swap3A_2331], %gather3A_2304 {strides = array<i32>} : memref<64x128xf32, #tpu.memory_space<vmem>>, vector<16xf32>,
      %swap3A_2333 = arith.constant 55 : i32
      %swap3A_2334 = arith.index_cast %swap3A_2333 : i32 to index
      %swap3A_2335 = arith.constant 112 : index
      %swap3A_2336 = tpu.vector_load %arg10[%swap3A_2334, %swap3A_2335] {strides = array<i32>} : memref<64x128xf32, #tpu.memory_space<vmem>>, vector<16xf32>,
      tpu.vector_store %arg10[%swap3A_2334, %swap3A_2335], %gather3A_2304 {strides = array<i32>} : memref<64x128xf32, #tpu.memory_space<vmem>>, vector<16xf32>,
      %broadcast_in_dim3A_2337 = arith.constant 56 : i32
      %broadcast_in_dim3A_2338 = vector.broadcast %broadcast_in_dim3A_2337 : i32 to vector<16xi32>
      %gather3A_2339 = tpu.vector_load_idx %arg9[%broadcast_in_dim3A_0, %broadcast_in_dim3A_2338] : memref<1x80xf32, #tpu.memory_space<vmem>>[vector<16xi32>, vector<16xi32>], vector<16xf32>,
      %swap3A_2340 = arith.constant 56 : i32
      %swap3A_2341 = arith.index_cast %swap3A_2340 : i32 to index
      %swap3A_2342 = arith.constant 0 : index
      %swap3A_2343 = tpu.vector_load %arg10[%swap3A_2341, %swap3A_2342] {strides = array<i32>} : memref<64x128xf32, #tpu.memory_space<vmem>>, vector<16xf32>,
      tpu.vector_store %arg10[%swap3A_2341, %swap3A_2342], %gather3A_2339 {strides = array<i32>} : memref<64x128xf32, #tpu.memory_space<vmem>>, vector<16xf32>,
      %swap3A_2344 = arith.constant 56 : i32
      %swap3A_2345 = arith.index_cast %swap3A_2344 : i32 to index
      %swap3A_2346 = arith.constant 16 : index
      %swap3A_2347 = tpu.vector_load %arg10[%swap3A_2345, %swap3A_2346] {strides = array<i32>} : memref<64x128xf32, #tpu.memory_space<vmem>>, vector<16xf32>,
      tpu.vector_store %arg10[%swap3A_2345, %swap3A_2346], %gather3A_2339 {strides = array<i32>} : memref<64x128xf32, #tpu.memory_space<vmem>>, vector<16xf32>,
      %swap3A_2348 = arith.constant 56 : i32
      %swap3A_2349 = arith.index_cast %swap3A_2348 : i32 to index
      %swap3A_2350 = arith.constant 32 : index
      %swap3A_2351 = tpu.vector_load %arg10[%swap3A_2349, %swap3A_2350] {strides = array<i32>} : memref<64x128xf32, #tpu.memory_space<vmem>>, vector<16xf32>,
      tpu.vector_store %arg10[%swap3A_2349, %swap3A_2350], %gather3A_2339 {strides = array<i32>} : memref<64x128xf32, #tpu.memory_space<vmem>>, vector<16xf32>,
      %swap3A_2352 = arith.constant 56 : i32
      %swap3A_2353 = arith.index_cast %swap3A_2352 : i32 to index
      %swap3A_2354 = arith.constant 48 : index
      %swap3A_2355 = tpu.vector_load %arg10[%swap3A_2353, %swap3A_2354] {strides = array<i32>} : memref<64x128xf32, #tpu.memory_space<vmem>>, vector<16xf32>,
      tpu.vector_store %arg10[%swap3A_2353, %swap3A_2354], %gather3A_2339 {strides = array<i32>} : memref<64x128xf32, #tpu.memory_space<vmem>>, vector<16xf32>,
      %swap3A_2356 = arith.constant 56 : i32
      %swap3A_2357 = arith.index_cast %swap3A_2356 : i32 to index
      %swap3A_2358 = arith.constant 64 : index
      %swap3A_2359 = tpu.vector_load %arg10[%swap3A_2357, %swap3A_2358] {strides = array<i32>} : memref<64x128xf32, #tpu.memory_space<vmem>>, vector<16xf32>,
      tpu.vector_store %arg10[%swap3A_2357, %swap3A_2358], %gather3A_2339 {strides = array<i32>} : memref<64x128xf32, #tpu.memory_space<vmem>>, vector<16xf32>,
      %swap3A_2360 = arith.constant 56 : i32
      %swap3A_2361 = arith.index_cast %swap3A_2360 : i32 to index
      %swap3A_2362 = arith.constant 80 : index
      %swap3A_2363 = tpu.vector_load %arg10[%swap3A_2361, %swap3A_2362] {strides = array<i32>} : memref<64x128xf32, #tpu.memory_space<vmem>>, vector<16xf32>,
      tpu.vector_store %arg10[%swap3A_2361, %swap3A_2362], %gather3A_2339 {strides = array<i32>} : memref<64x128xf32, #tpu.memory_space<vmem>>, vector<16xf32>,
      %swap3A_2364 = arith.constant 56 : i32
      %swap3A_2365 = arith.index_cast %swap3A_2364 : i32 to index
      %swap3A_2366 = arith.constant 96 : index
      %swap3A_2367 = tpu.vector_load %arg10[%swap3A_2365, %swap3A_2366] {strides = array<i32>} : memref<64x128xf32, #tpu.memory_space<vmem>>, vector<16xf32>,
      tpu.vector_store %arg10[%swap3A_2365, %swap3A_2366], %gather3A_2339 {strides = array<i32>} : memref<64x128xf32, #tpu.memory_space<vmem>>, vector<16xf32>,
      %swap3A_2368 = arith.constant 56 : i32
      %swap3A_2369 = arith.index_cast %swap3A_2368 : i32 to index
      %swap3A_2370 = arith.constant 112 : index
      %swap3A_2371 = tpu.vector_load %arg10[%swap3A_2369, %swap3A_2370] {strides = array<i32>} : memref<64x128xf32, #tpu.memory_space<vmem>>, vector<16xf32>,
      tpu.vector_store %arg10[%swap3A_2369, %swap3A_2370], %gather3A_2339 {strides = array<i32>} : memref<64x128xf32, #tpu.memory_space<vmem>>, vector<16xf32>,
      %broadcast_in_dim3A_2372 = arith.constant 57 : i32
      %broadcast_in_dim3A_2373 = vector.broadcast %broadcast_in_dim3A_2372 : i32 to vector<16xi32>
      %gather3A_2374 = tpu.vector_load_idx %arg9[%broadcast_in_dim3A_0, %broadcast_in_dim3A_2373] : memref<1x80xf32, #tpu.memory_space<vmem>>[vector<16xi32>, vector<16xi32>], vector<16xf32>,
      %swap3A_2375 = arith.constant 57 : i32
      %swap3A_2376 = arith.index_cast %swap3A_2375 : i32 to index
      %swap3A_2377 = arith.constant 0 : index
      %swap3A_2378 = tpu.vector_load %arg10[%swap3A_2376, %swap3A_2377] {strides = array<i32>} : memref<64x128xf32, #tpu.memory_space<vmem>>, vector<16xf32>,
      tpu.vector_store %arg10[%swap3A_2376, %swap3A_2377], %gather3A_2374 {strides = array<i32>} : memref<64x128xf32, #tpu.memory_space<vmem>>, vector<16xf32>,
      %swap3A_2379 = arith.constant 57 : i32
      %swap3A_2380 = arith.index_cast %swap3A_2379 : i32 to index
      %swap3A_2381 = arith.constant 16 : index
      %swap3A_2382 = tpu.vector_load %arg10[%swap3A_2380, %swap3A_2381] {strides = array<i32>} : memref<64x128xf32, #tpu.memory_space<vmem>>, vector<16xf32>,
      tpu.vector_store %arg10[%swap3A_2380, %swap3A_2381], %gather3A_2374 {strides = array<i32>} : memref<64x128xf32, #tpu.memory_space<vmem>>, vector<16xf32>,
      %swap3A_2383 = arith.constant 57 : i32
      %swap3A_2384 = arith.index_cast %swap3A_2383 : i32 to index
      %swap3A_2385 = arith.constant 32 : index
      %swap3A_2386 = tpu.vector_load %arg10[%swap3A_2384, %swap3A_2385] {strides = array<i32>} : memref<64x128xf32, #tpu.memory_space<vmem>>, vector<16xf32>,
      tpu.vector_store %arg10[%swap3A_2384, %swap3A_2385], %gather3A_2374 {strides = array<i32>} : memref<64x128xf32, #tpu.memory_space<vmem>>, vector<16xf32>,
      %swap3A_2387 = arith.constant 57 : i32
      %swap3A_2388 = arith.index_cast %swap3A_2387 : i32 to index
      %swap3A_2389 = arith.constant 48 : index
      %swap3A_2390 = tpu.vector_load %arg10[%swap3A_2388, %swap3A_2389] {strides = array<i32>} : memref<64x128xf32, #tpu.memory_space<vmem>>, vector<16xf32>,
      tpu.vector_store %arg10[%swap3A_2388, %swap3A_2389], %gather3A_2374 {strides = array<i32>} : memref<64x128xf32, #tpu.memory_space<vmem>>, vector<16xf32>,
      %swap3A_2391 = arith.constant 57 : i32
      %swap3A_2392 = arith.index_cast %swap3A_2391 : i32 to index
      %swap3A_2393 = arith.constant 64 : index
      %swap3A_2394 = tpu.vector_load %arg10[%swap3A_2392, %swap3A_2393] {strides = array<i32>} : memref<64x128xf32, #tpu.memory_space<vmem>>, vector<16xf32>,
      tpu.vector_store %arg10[%swap3A_2392, %swap3A_2393], %gather3A_2374 {strides = array<i32>} : memref<64x128xf32, #tpu.memory_space<vmem>>, vector<16xf32>,
      %swap3A_2395 = arith.constant 57 : i32
      %swap3A_2396 = arith.index_cast %swap3A_2395 : i32 to index
      %swap3A_2397 = arith.constant 80 : index
      %swap3A_2398 = tpu.vector_load %arg10[%swap3A_2396, %swap3A_2397] {strides = array<i32>} : memref<64x128xf32, #tpu.memory_space<vmem>>, vector<16xf32>,
      tpu.vector_store %arg10[%swap3A_2396, %swap3A_2397], %gather3A_2374 {strides = array<i32>} : memref<64x128xf32, #tpu.memory_space<vmem>>, vector<16xf32>,
      %swap3A_2399 = arith.constant 57 : i32
      %swap3A_2400 = arith.index_cast %swap3A_2399 : i32 to index
      %swap3A_2401 = arith.constant 96 : index
      %swap3A_2402 = tpu.vector_load %arg10[%swap3A_2400, %swap3A_2401] {strides = array<i32>} : memref<64x128xf32, #tpu.memory_space<vmem>>, vector<16xf32>,
      tpu.vector_store %arg10[%swap3A_2400, %swap3A_2401], %gather3A_2374 {strides = array<i32>} : memref<64x128xf32, #tpu.memory_space<vmem>>, vector<16xf32>,
      %swap3A_2403 = arith.constant 57 : i32
      %swap3A_2404 = arith.index_cast %swap3A_2403 : i32 to index
      %swap3A_2405 = arith.constant 112 : index
      %swap3A_2406 = tpu.vector_load %arg10[%swap3A_2404, %swap3A_2405] {strides = array<i32>} : memref<64x128xf32, #tpu.memory_space<vmem>>, vector<16xf32>,
      tpu.vector_store %arg10[%swap3A_2404, %swap3A_2405], %gather3A_2374 {strides = array<i32>} : memref<64x128xf32, #tpu.memory_space<vmem>>, vector<16xf32>,
      %broadcast_in_dim3A_2407 = arith.constant 58 : i32
      %broadcast_in_dim3A_2408 = vector.broadcast %broadcast_in_dim3A_2407 : i32 to vector<16xi32>
      %gather3A_2409 = tpu.vector_load_idx %arg9[%broadcast_in_dim3A_0, %broadcast_in_dim3A_2408] : memref<1x80xf32, #tpu.memory_space<vmem>>[vector<16xi32>, vector<16xi32>], vector<16xf32>,
      %swap3A_2410 = arith.constant 58 : i32
      %swap3A_2411 = arith.index_cast %swap3A_2410 : i32 to index
      %swap3A_2412 = arith.constant 0 : index
      %swap3A_2413 = tpu.vector_load %arg10[%swap3A_2411, %swap3A_2412] {strides = array<i32>} : memref<64x128xf32, #tpu.memory_space<vmem>>, vector<16xf32>,
      tpu.vector_store %arg10[%swap3A_2411, %swap3A_2412], %gather3A_2409 {strides = array<i32>} : memref<64x128xf32, #tpu.memory_space<vmem>>, vector<16xf32>,
      %swap3A_2414 = arith.constant 58 : i32
      %swap3A_2415 = arith.index_cast %swap3A_2414 : i32 to index
      %swap3A_2416 = arith.constant 16 : index
      %swap3A_2417 = tpu.vector_load %arg10[%swap3A_2415, %swap3A_2416] {strides = array<i32>} : memref<64x128xf32, #tpu.memory_space<vmem>>, vector<16xf32>,
      tpu.vector_store %arg10[%swap3A_2415, %swap3A_2416], %gather3A_2409 {strides = array<i32>} : memref<64x128xf32, #tpu.memory_space<vmem>>, vector<16xf32>,
      %swap3A_2418 = arith.constant 58 : i32
      %swap3A_2419 = arith.index_cast %swap3A_2418 : i32 to index
      %swap3A_2420 = arith.constant 32 : index
      %swap3A_2421 = tpu.vector_load %arg10[%swap3A_2419, %swap3A_2420] {strides = array<i32>} : memref<64x128xf32, #tpu.memory_space<vmem>>, vector<16xf32>,
      tpu.vector_store %arg10[%swap3A_2419, %swap3A_2420], %gather3A_2409 {strides = array<i32>} : memref<64x128xf32, #tpu.memory_space<vmem>>, vector<16xf32>,
      %swap3A_2422 = arith.constant 58 : i32
      %swap3A_2423 = arith.index_cast %swap3A_2422 : i32 to index
      %swap3A_2424 = arith.constant 48 : index
      %swap3A_2425 = tpu.vector_load %arg10[%swap3A_2423, %swap3A_2424] {strides = array<i32>} : memref<64x128xf32, #tpu.memory_space<vmem>>, vector<16xf32>,
      tpu.vector_store %arg10[%swap3A_2423, %swap3A_2424], %gather3A_2409 {strides = array<i32>} : memref<64x128xf32, #tpu.memory_space<vmem>>, vector<16xf32>,
      %swap3A_2426 = arith.constant 58 : i32
      %swap3A_2427 = arith.index_cast %swap3A_2426 : i32 to index
      %swap3A_2428 = arith.constant 64 : index
      %swap3A_2429 = tpu.vector_load %arg10[%swap3A_2427, %swap3A_2428] {strides = array<i32>} : memref<64x128xf32, #tpu.memory_space<vmem>>, vector<16xf32>,
      tpu.vector_store %arg10[%swap3A_2427, %swap3A_2428], %gather3A_2409 {strides = array<i32>} : memref<64x128xf32, #tpu.memory_space<vmem>>, vector<16xf32>,
      %swap3A_2430 = arith.constant 58 : i32
      %swap3A_2431 = arith.index_cast %swap3A_2430 : i32 to index
      %swap3A_2432 = arith.constant 80 : index
      %swap3A_2433 = tpu.vector_load %arg10[%swap3A_2431, %swap3A_2432] {strides = array<i32>} : memref<64x128xf32, #tpu.memory_space<vmem>>, vector<16xf32>,
      tpu.vector_store %arg10[%swap3A_2431, %swap3A_2432], %gather3A_2409 {strides = array<i32>} : memref<64x128xf32, #tpu.memory_space<vmem>>, vector<16xf32>,
      %swap3A_2434 = arith.constant 58 : i32
      %swap3A_2435 = arith.index_cast %swap3A_2434 : i32 to index
      %swap3A_2436 = arith.constant 96 : index
      %swap3A_2437 = tpu.vector_load %arg10[%swap3A_2435, %swap3A_2436] {strides = array<i32>} : memref<64x128xf32, #tpu.memory_space<vmem>>, vector<16xf32>,
      tpu.vector_store %arg10[%swap3A_2435, %swap3A_2436], %gather3A_2409 {strides = array<i32>} : memref<64x128xf32, #tpu.memory_space<vmem>>, vector<16xf32>,
      %swap3A_2438 = arith.constant 58 : i32
      %swap3A_2439 = arith.index_cast %swap3A_2438 : i32 to index
      %swap3A_2440 = arith.constant 112 : index
      %swap3A_2441 = tpu.vector_load %arg10[%swap3A_2439, %swap3A_2440] {strides = array<i32>} : memref<64x128xf32, #tpu.memory_space<vmem>>, vector<16xf32>,
      tpu.vector_store %arg10[%swap3A_2439, %swap3A_2440], %gather3A_2409 {strides = array<i32>} : memref<64x128xf32, #tpu.memory_space<vmem>>, vector<16xf32>,
      %broadcast_in_dim3A_2442 = arith.constant 59 : i32
      %broadcast_in_dim3A_2443 = vector.broadcast %broadcast_in_dim3A_2442 : i32 to vector<16xi32>
      %gather3A_2444 = tpu.vector_load_idx %arg9[%broadcast_in_dim3A_0, %broadcast_in_dim3A_2443] : memref<1x80xf32, #tpu.memory_space<vmem>>[vector<16xi32>, vector<16xi32>], vector<16xf32>,
      %swap3A_2445 = arith.constant 59 : i32
      %swap3A_2446 = arith.index_cast %swap3A_2445 : i32 to index
      %swap3A_2447 = arith.constant 0 : index
      %swap3A_2448 = tpu.vector_load %arg10[%swap3A_2446, %swap3A_2447] {strides = array<i32>} : memref<64x128xf32, #tpu.memory_space<vmem>>, vector<16xf32>,
      tpu.vector_store %arg10[%swap3A_2446, %swap3A_2447], %gather3A_2444 {strides = array<i32>} : memref<64x128xf32, #tpu.memory_space<vmem>>, vector<16xf32>,
      %swap3A_2449 = arith.constant 59 : i32
      %swap3A_2450 = arith.index_cast %swap3A_2449 : i32 to index
      %swap3A_2451 = arith.constant 16 : index
      %swap3A_2452 = tpu.vector_load %arg10[%swap3A_2450, %swap3A_2451] {strides = array<i32>} : memref<64x128xf32, #tpu.memory_space<vmem>>, vector<16xf32>,
      tpu.vector_store %arg10[%swap3A_2450, %swap3A_2451], %gather3A_2444 {strides = array<i32>} : memref<64x128xf32, #tpu.memory_space<vmem>>, vector<16xf32>,
      %swap3A_2453 = arith.constant 59 : i32
      %swap3A_2454 = arith.index_cast %swap3A_2453 : i32 to index
      %swap3A_2455 = arith.constant 32 : index
      %swap3A_2456 = tpu.vector_load %arg10[%swap3A_2454, %swap3A_2455] {strides = array<i32>} : memref<64x128xf32, #tpu.memory_space<vmem>>, vector<16xf32>,
      tpu.vector_store %arg10[%swap3A_2454, %swap3A_2455], %gather3A_2444 {strides = array<i32>} : memref<64x128xf32, #tpu.memory_space<vmem>>, vector<16xf32>,
      %swap3A_2457 = arith.constant 59 : i32
      %swap3A_2458 = arith.index_cast %swap3A_2457 : i32 to index
      %swap3A_2459 = arith.constant 48 : index
      %swap3A_2460 = tpu.vector_load %arg10[%swap3A_2458, %swap3A_2459] {strides = array<i32>} : memref<64x128xf32, #tpu.memory_space<vmem>>, vector<16xf32>,
      tpu.vector_store %arg10[%swap3A_2458, %swap3A_2459], %gather3A_2444 {strides = array<i32>} : memref<64x128xf32, #tpu.memory_space<vmem>>, vector<16xf32>,
      %swap3A_2461 = arith.constant 59 : i32
      %swap3A_2462 = arith.index_cast %swap3A_2461 : i32 to index
      %swap3A_2463 = arith.constant 64 : index
      %swap3A_2464 = tpu.vector_load %arg10[%swap3A_2462, %swap3A_2463] {strides = array<i32>} : memref<64x128xf32, #tpu.memory_space<vmem>>, vector<16xf32>,
      tpu.vector_store %arg10[%swap3A_2462, %swap3A_2463], %gather3A_2444 {strides = array<i32>} : memref<64x128xf32, #tpu.memory_space<vmem>>, vector<16xf32>,
      %swap3A_2465 = arith.constant 59 : i32
      %swap3A_2466 = arith.index_cast %swap3A_2465 : i32 to index
      %swap3A_2467 = arith.constant 80 : index
      %swap3A_2468 = tpu.vector_load %arg10[%swap3A_2466, %swap3A_2467] {strides = array<i32>} : memref<64x128xf32, #tpu.memory_space<vmem>>, vector<16xf32>,
      tpu.vector_store %arg10[%swap3A_2466, %swap3A_2467], %gather3A_2444 {strides = array<i32>} : memref<64x128xf32, #tpu.memory_space<vmem>>, vector<16xf32>,
      %swap3A_2469 = arith.constant 59 : i32
      %swap3A_2470 = arith.index_cast %swap3A_2469 : i32 to index
      %swap3A_2471 = arith.constant 96 : index
      %swap3A_2472 = tpu.vector_load %arg10[%swap3A_2470, %swap3A_2471] {strides = array<i32>} : memref<64x128xf32, #tpu.memory_space<vmem>>, vector<16xf32>,
      tpu.vector_store %arg10[%swap3A_2470, %swap3A_2471], %gather3A_2444 {strides = array<i32>} : memref<64x128xf32, #tpu.memory_space<vmem>>, vector<16xf32>,
      %swap3A_2473 = arith.constant 59 : i32
      %swap3A_2474 = arith.index_cast %swap3A_2473 : i32 to index
      %swap3A_2475 = arith.constant 112 : index
      %swap3A_2476 = tpu.vector_load %arg10[%swap3A_2474, %swap3A_2475] {strides = array<i32>} : memref<64x128xf32, #tpu.memory_space<vmem>>, vector<16xf32>,
      tpu.vector_store %arg10[%swap3A_2474, %swap3A_2475], %gather3A_2444 {strides = array<i32>} : memref<64x128xf32, #tpu.memory_space<vmem>>, vector<16xf32>,
      %broadcast_in_dim3A_2477 = arith.constant 60 : i32
      %broadcast_in_dim3A_2478 = vector.broadcast %broadcast_in_dim3A_2477 : i32 to vector<16xi32>
      %gather3A_2479 = tpu.vector_load_idx %arg9[%broadcast_in_dim3A_0, %broadcast_in_dim3A_2478] : memref<1x80xf32, #tpu.memory_space<vmem>>[vector<16xi32>, vector<16xi32>], vector<16xf32>,
      %swap3A_2480 = arith.constant 60 : i32
      %swap3A_2481 = arith.index_cast %swap3A_2480 : i32 to index
      %swap3A_2482 = arith.constant 0 : index
      %swap3A_2483 = tpu.vector_load %arg10[%swap3A_2481, %swap3A_2482] {strides = array<i32>} : memref<64x128xf32, #tpu.memory_space<vmem>>, vector<16xf32>,
      tpu.vector_store %arg10[%swap3A_2481, %swap3A_2482], %gather3A_2479 {strides = array<i32>} : memref<64x128xf32, #tpu.memory_space<vmem>>, vector<16xf32>,
      %swap3A_2484 = arith.constant 60 : i32
      %swap3A_2485 = arith.index_cast %swap3A_2484 : i32 to index
      %swap3A_2486 = arith.constant 16 : index
      %swap3A_2487 = tpu.vector_load %arg10[%swap3A_2485, %swap3A_2486] {strides = array<i32>} : memref<64x128xf32, #tpu.memory_space<vmem>>, vector<16xf32>,
      tpu.vector_store %arg10[%swap3A_2485, %swap3A_2486], %gather3A_2479 {strides = array<i32>} : memref<64x128xf32, #tpu.memory_space<vmem>>, vector<16xf32>,
      %swap3A_2488 = arith.constant 60 : i32
      %swap3A_2489 = arith.index_cast %swap3A_2488 : i32 to index
      %swap3A_2490 = arith.constant 32 : index
      %swap3A_2491 = tpu.vector_load %arg10[%swap3A_2489, %swap3A_2490] {strides = array<i32>} : memref<64x128xf32, #tpu.memory_space<vmem>>, vector<16xf32>,
      tpu.vector_store %arg10[%swap3A_2489, %swap3A_2490], %gather3A_2479 {strides = array<i32>} : memref<64x128xf32, #tpu.memory_space<vmem>>, vector<16xf32>,
      %swap3A_2492 = arith.constant 60 : i32
      %swap3A_2493 = arith.index_cast %swap3A_2492 : i32 to index
      %swap3A_2494 = arith.constant 48 : index
      %swap3A_2495 = tpu.vector_load %arg10[%swap3A_2493, %swap3A_2494] {strides = array<i32>} : memref<64x128xf32, #tpu.memory_space<vmem>>, vector<16xf32>,
      tpu.vector_store %arg10[%swap3A_2493, %swap3A_2494], %gather3A_2479 {strides = array<i32>} : memref<64x128xf32, #tpu.memory_space<vmem>>, vector<16xf32>,
      %swap3A_2496 = arith.constant 60 : i32
      %swap3A_2497 = arith.index_cast %swap3A_2496 : i32 to index
      %swap3A_2498 = arith.constant 64 : index
      %swap3A_2499 = tpu.vector_load %arg10[%swap3A_2497, %swap3A_2498] {strides = array<i32>} : memref<64x128xf32, #tpu.memory_space<vmem>>, vector<16xf32>,
      tpu.vector_store %arg10[%swap3A_2497, %swap3A_2498], %gather3A_2479 {strides = array<i32>} : memref<64x128xf32, #tpu.memory_space<vmem>>, vector<16xf32>,
      %swap3A_2500 = arith.constant 60 : i32
      %swap3A_2501 = arith.index_cast %swap3A_2500 : i32 to index
      %swap3A_2502 = arith.constant 80 : index
      %swap3A_2503 = tpu.vector_load %arg10[%swap3A_2501, %swap3A_2502] {strides = array<i32>} : memref<64x128xf32, #tpu.memory_space<vmem>>, vector<16xf32>,
      tpu.vector_store %arg10[%swap3A_2501, %swap3A_2502], %gather3A_2479 {strides = array<i32>} : memref<64x128xf32, #tpu.memory_space<vmem>>, vector<16xf32>,
      %swap3A_2504 = arith.constant 60 : i32
      %swap3A_2505 = arith.index_cast %swap3A_2504 : i32 to index
      %swap3A_2506 = arith.constant 96 : index
      %swap3A_2507 = tpu.vector_load %arg10[%swap3A_2505, %swap3A_2506] {strides = array<i32>} : memref<64x128xf32, #tpu.memory_space<vmem>>, vector<16xf32>,
      tpu.vector_store %arg10[%swap3A_2505, %swap3A_2506], %gather3A_2479 {strides = array<i32>} : memref<64x128xf32, #tpu.memory_space<vmem>>, vector<16xf32>,
      %swap3A_2508 = arith.constant 60 : i32
      %swap3A_2509 = arith.index_cast %swap3A_2508 : i32 to index
      %swap3A_2510 = arith.constant 112 : index
      %swap3A_2511 = tpu.vector_load %arg10[%swap3A_2509, %swap3A_2510] {strides = array<i32>} : memref<64x128xf32, #tpu.memory_space<vmem>>, vector<16xf32>,
      tpu.vector_store %arg10[%swap3A_2509, %swap3A_2510], %gather3A_2479 {strides = array<i32>} : memref<64x128xf32, #tpu.memory_space<vmem>>, vector<16xf32>,
      %broadcast_in_dim3A_2512 = arith.constant 61 : i32
      %broadcast_in_dim3A_2513 = vector.broadcast %broadcast_in_dim3A_2512 : i32 to vector<16xi32>
      %gather3A_2514 = tpu.vector_load_idx %arg9[%broadcast_in_dim3A_0, %broadcast_in_dim3A_2513] : memref<1x80xf32, #tpu.memory_space<vmem>>[vector<16xi32>, vector<16xi32>], vector<16xf32>,
      %swap3A_2515 = arith.constant 61 : i32
      %swap3A_2516 = arith.index_cast %swap3A_2515 : i32 to index
      %swap3A_2517 = arith.constant 0 : index
      %swap3A_2518 = tpu.vector_load %arg10[%swap3A_2516, %swap3A_2517] {strides = array<i32>} : memref<64x128xf32, #tpu.memory_space<vmem>>, vector<16xf32>,
      tpu.vector_store %arg10[%swap3A_2516, %swap3A_2517], %gather3A_2514 {strides = array<i32>} : memref<64x128xf32, #tpu.memory_space<vmem>>, vector<16xf32>,
      %swap3A_2519 = arith.constant 61 : i32
      %swap3A_2520 = arith.index_cast %swap3A_2519 : i32 to index
      %swap3A_2521 = arith.constant 16 : index
      %swap3A_2522 = tpu.vector_load %arg10[%swap3A_2520, %swap3A_2521] {strides = array<i32>} : memref<64x128xf32, #tpu.memory_space<vmem>>, vector<16xf32>,
      tpu.vector_store %arg10[%swap3A_2520, %swap3A_2521], %gather3A_2514 {strides = array<i32>} : memref<64x128xf32, #tpu.memory_space<vmem>>, vector<16xf32>,
      %swap3A_2523 = arith.constant 61 : i32
      %swap3A_2524 = arith.index_cast %swap3A_2523 : i32 to index
      %swap3A_2525 = arith.constant 32 : index
      %swap3A_2526 = tpu.vector_load %arg10[%swap3A_2524, %swap3A_2525] {strides = array<i32>} : memref<64x128xf32, #tpu.memory_space<vmem>>, vector<16xf32>,
      tpu.vector_store %arg10[%swap3A_2524, %swap3A_2525], %gather3A_2514 {strides = array<i32>} : memref<64x128xf32, #tpu.memory_space<vmem>>, vector<16xf32>,
      %swap3A_2527 = arith.constant 61 : i32
      %swap3A_2528 = arith.index_cast %swap3A_2527 : i32 to index
      %swap3A_2529 = arith.constant 48 : index
      %swap3A_2530 = tpu.vector_load %arg10[%swap3A_2528, %swap3A_2529] {strides = array<i32>} : memref<64x128xf32, #tpu.memory_space<vmem>>, vector<16xf32>,
      tpu.vector_store %arg10[%swap3A_2528, %swap3A_2529], %gather3A_2514 {strides = array<i32>} : memref<64x128xf32, #tpu.memory_space<vmem>>, vector<16xf32>,
      %swap3A_2531 = arith.constant 61 : i32
      %swap3A_2532 = arith.index_cast %swap3A_2531 : i32 to index
      %swap3A_2533 = arith.constant 64 : index
      %swap3A_2534 = tpu.vector_load %arg10[%swap3A_2532, %swap3A_2533] {strides = array<i32>} : memref<64x128xf32, #tpu.memory_space<vmem>>, vector<16xf32>,
      tpu.vector_store %arg10[%swap3A_2532, %swap3A_2533], %gather3A_2514 {strides = array<i32>} : memref<64x128xf32, #tpu.memory_space<vmem>>, vector<16xf32>,
      %swap3A_2535 = arith.constant 61 : i32
      %swap3A_2536 = arith.index_cast %swap3A_2535 : i32 to index
      %swap3A_2537 = arith.constant 80 : index
      %swap3A_2538 = tpu.vector_load %arg10[%swap3A_2536, %swap3A_2537] {strides = array<i32>} : memref<64x128xf32, #tpu.memory_space<vmem>>, vector<16xf32>,
      tpu.vector_store %arg10[%swap3A_2536, %swap3A_2537], %gather3A_2514 {strides = array<i32>} : memref<64x128xf32, #tpu.memory_space<vmem>>, vector<16xf32>,
      %swap3A_2539 = arith.constant 61 : i32
      %swap3A_2540 = arith.index_cast %swap3A_2539 : i32 to index
      %swap3A_2541 = arith.constant 96 : index
      %swap3A_2542 = tpu.vector_load %arg10[%swap3A_2540, %swap3A_2541] {strides = array<i32>} : memref<64x128xf32, #tpu.memory_space<vmem>>, vector<16xf32>,
      tpu.vector_store %arg10[%swap3A_2540, %swap3A_2541], %gather3A_2514 {strides = array<i32>} : memref<64x128xf32, #tpu.memory_space<vmem>>, vector<16xf32>,
      %swap3A_2543 = arith.constant 61 : i32
      %swap3A_2544 = arith.index_cast %swap3A_2543 : i32 to index
      %swap3A_2545 = arith.constant 112 : index
      %swap3A_2546 = tpu.vector_load %arg10[%swap3A_2544, %swap3A_2545] {strides = array<i32>} : memref<64x128xf32, #tpu.memory_space<vmem>>, vector<16xf32>,
      tpu.vector_store %arg10[%swap3A_2544, %swap3A_2545], %gather3A_2514 {strides = array<i32>} : memref<64x128xf32, #tpu.memory_space<vmem>>, vector<16xf32>,
      %broadcast_in_dim3A_2547 = arith.constant 62 : i32
      %broadcast_in_dim3A_2548 = vector.broadcast %broadcast_in_dim3A_2547 : i32 to vector<16xi32>
      %gather3A_2549 = tpu.vector_load_idx %arg9[%broadcast_in_dim3A_0, %broadcast_in_dim3A_2548] : memref<1x80xf32, #tpu.memory_space<vmem>>[vector<16xi32>, vector<16xi32>], vector<16xf32>,
      %swap3A_2550 = arith.constant 62 : i32
      %swap3A_2551 = arith.index_cast %swap3A_2550 : i32 to index
      %swap3A_2552 = arith.constant 0 : index
      %swap3A_2553 = tpu.vector_load %arg10[%swap3A_2551, %swap3A_2552] {strides = array<i32>} : memref<64x128xf32, #tpu.memory_space<vmem>>, vector<16xf32>,
      tpu.vector_store %arg10[%swap3A_2551, %swap3A_2552], %gather3A_2549 {strides = array<i32>} : memref<64x128xf32, #tpu.memory_space<vmem>>, vector<16xf32>,
      %swap3A_2554 = arith.constant 62 : i32
      %swap3A_2555 = arith.index_cast %swap3A_2554 : i32 to index
      %swap3A_2556 = arith.constant 16 : index
      %swap3A_2557 = tpu.vector_load %arg10[%swap3A_2555, %swap3A_2556] {strides = array<i32>} : memref<64x128xf32, #tpu.memory_space<vmem>>, vector<16xf32>,
      tpu.vector_store %arg10[%swap3A_2555, %swap3A_2556], %gather3A_2549 {strides = array<i32>} : memref<64x128xf32, #tpu.memory_space<vmem>>, vector<16xf32>,
      %swap3A_2558 = arith.constant 62 : i32
      %swap3A_2559 = arith.index_cast %swap3A_2558 : i32 to index
      %swap3A_2560 = arith.constant 32 : index
      %swap3A_2561 = tpu.vector_load %arg10[%swap3A_2559, %swap3A_2560] {strides = array<i32>} : memref<64x128xf32, #tpu.memory_space<vmem>>, vector<16xf32>,
      tpu.vector_store %arg10[%swap3A_2559, %swap3A_2560], %gather3A_2549 {strides = array<i32>} : memref<64x128xf32, #tpu.memory_space<vmem>>, vector<16xf32>,
      %swap3A_2562 = arith.constant 62 : i32
      %swap3A_2563 = arith.index_cast %swap3A_2562 : i32 to index
      %swap3A_2564 = arith.constant 48 : index
      %swap3A_2565 = tpu.vector_load %arg10[%swap3A_2563, %swap3A_2564] {strides = array<i32>} : memref<64x128xf32, #tpu.memory_space<vmem>>, vector<16xf32>,
      tpu.vector_store %arg10[%swap3A_2563, %swap3A_2564], %gather3A_2549 {strides = array<i32>} : memref<64x128xf32, #tpu.memory_space<vmem>>, vector<16xf32>,
      %swap3A_2566 = arith.constant 62 : i32
      %swap3A_2567 = arith.index_cast %swap3A_2566 : i32 to index
      %swap3A_2568 = arith.constant 64 : index
      %swap3A_2569 = tpu.vector_load %arg10[%swap3A_2567, %swap3A_2568] {strides = array<i32>} : memref<64x128xf32, #tpu.memory_space<vmem>>, vector<16xf32>,
      tpu.vector_store %arg10[%swap3A_2567, %swap3A_2568], %gather3A_2549 {strides = array<i32>} : memref<64x128xf32, #tpu.memory_space<vmem>>, vector<16xf32>,
      %swap3A_2570 = arith.constant 62 : i32
      %swap3A_2571 = arith.index_cast %swap3A_2570 : i32 to index
      %swap3A_2572 = arith.constant 80 : index
      %swap3A_2573 = tpu.vector_load %arg10[%swap3A_2571, %swap3A_2572] {strides = array<i32>} : memref<64x128xf32, #tpu.memory_space<vmem>>, vector<16xf32>,
      tpu.vector_store %arg10[%swap3A_2571, %swap3A_2572], %gather3A_2549 {strides = array<i32>} : memref<64x128xf32, #tpu.memory_space<vmem>>, vector<16xf32>,
      %swap3A_2574 = arith.constant 62 : i32
      %swap3A_2575 = arith.index_cast %swap3A_2574 : i32 to index
      %swap3A_2576 = arith.constant 96 : index
      %swap3A_2577 = tpu.vector_load %arg10[%swap3A_2575, %swap3A_2576] {strides = array<i32>} : memref<64x128xf32, #tpu.memory_space<vmem>>, vector<16xf32>,
      tpu.vector_store %arg10[%swap3A_2575, %swap3A_2576], %gather3A_2549 {strides = array<i32>} : memref<64x128xf32, #tpu.memory_space<vmem>>, vector<16xf32>,
      %swap3A_2578 = arith.constant 62 : i32
      %swap3A_2579 = arith.index_cast %swap3A_2578 : i32 to index
      %swap3A_2580 = arith.constant 112 : index
      %swap3A_2581 = tpu.vector_load %arg10[%swap3A_2579, %swap3A_2580] {strides = array<i32>} : memref<64x128xf32, #tpu.memory_space<vmem>>, vector<16xf32>,
      tpu.vector_store %arg10[%swap3A_2579, %swap3A_2580], %gather3A_2549 {strides = array<i32>} : memref<64x128xf32, #tpu.memory_space<vmem>>, vector<16xf32>,
      %broadcast_in_dim3A_2582 = arith.constant 63 : i32
      %broadcast_in_dim3A_2583 = vector.broadcast %broadcast_in_dim3A_2582 : i32 to vector<16xi32>
      %gather3A_2584 = tpu.vector_load_idx %arg9[%broadcast_in_dim3A_0, %broadcast_in_dim3A_2583] : memref<1x80xf32, #tpu.memory_space<vmem>>[vector<16xi32>, vector<16xi32>], vector<16xf32>,
      %swap3A_2585 = arith.constant 63 : i32
      %swap3A_2586 = arith.index_cast %swap3A_2585 : i32 to index
      %swap3A_2587 = arith.constant 0 : index
      %swap3A_2588 = tpu.vector_load %arg10[%swap3A_2586, %swap3A_2587] {strides = array<i32>} : memref<64x128xf32, #tpu.memory_space<vmem>>, vector<16xf32>,
      tpu.vector_store %arg10[%swap3A_2586, %swap3A_2587], %gather3A_2584 {strides = array<i32>} : memref<64x128xf32, #tpu.memory_space<vmem>>, vector<16xf32>,
      %swap3A_2589 = arith.constant 63 : i32
      %swap3A_2590 = arith.index_cast %swap3A_2589 : i32 to index
      %swap3A_2591 = arith.constant 16 : index
      %swap3A_2592 = tpu.vector_load %arg10[%swap3A_2590, %swap3A_2591] {strides = array<i32>} : memref<64x128xf32, #tpu.memory_space<vmem>>, vector<16xf32>,
      tpu.vector_store %arg10[%swap3A_2590, %swap3A_2591], %gather3A_2584 {strides = array<i32>} : memref<64x128xf32, #tpu.memory_space<vmem>>, vector<16xf32>,
      %swap3A_2593 = arith.constant 63 : i32
      %swap3A_2594 = arith.index_cast %swap3A_2593 : i32 to index
      %swap3A_2595 = arith.constant 32 : index
      %swap3A_2596 = tpu.vector_load %arg10[%swap3A_2594, %swap3A_2595] {strides = array<i32>} : memref<64x128xf32, #tpu.memory_space<vmem>>, vector<16xf32>,
      tpu.vector_store %arg10[%swap3A_2594, %swap3A_2595], %gather3A_2584 {strides = array<i32>} : memref<64x128xf32, #tpu.memory_space<vmem>>, vector<16xf32>,
      %swap3A_2597 = arith.constant 63 : i32
      %swap3A_2598 = arith.index_cast %swap3A_2597 : i32 to index
      %swap3A_2599 = arith.constant 48 : index
      %swap3A_2600 = tpu.vector_load %arg10[%swap3A_2598, %swap3A_2599] {strides = array<i32>} : memref<64x128xf32, #tpu.memory_space<vmem>>, vector<16xf32>,
      tpu.vector_store %arg10[%swap3A_2598, %swap3A_2599], %gather3A_2584 {strides = array<i32>} : memref<64x128xf32, #tpu.memory_space<vmem>>, vector<16xf32>,
      %swap3A_2601 = arith.constant 63 : i32
      %swap3A_2602 = arith.index_cast %swap3A_2601 : i32 to index
      %swap3A_2603 = arith.constant 64 : index
      %swap3A_2604 = tpu.vector_load %arg10[%swap3A_2602, %swap3A_2603] {strides = array<i32>} : memref<64x128xf32, #tpu.memory_space<vmem>>, vector<16xf32>,
      tpu.vector_store %arg10[%swap3A_2602, %swap3A_2603], %gather3A_2584 {strides = array<i32>} : memref<64x128xf32, #tpu.memory_space<vmem>>, vector<16xf32>,
      %swap3A_2605 = arith.constant 63 : i32
      %swap3A_2606 = arith.index_cast %swap3A_2605 : i32 to index
      %swap3A_2607 = arith.constant 80 : index
      %swap3A_2608 = tpu.vector_load %arg10[%swap3A_2606, %swap3A_2607] {strides = array<i32>} : memref<64x128xf32, #tpu.memory_space<vmem>>, vector<16xf32>,
      tpu.vector_store %arg10[%swap3A_2606, %swap3A_2607], %gather3A_2584 {strides = array<i32>} : memref<64x128xf32, #tpu.memory_space<vmem>>, vector<16xf32>,
      %swap3A_2609 = arith.constant 63 : i32
      %swap3A_2610 = arith.index_cast %swap3A_2609 : i32 to index
      %swap3A_2611 = arith.constant 96 : index
      %swap3A_2612 = tpu.vector_load %arg10[%swap3A_2610, %swap3A_2611] {strides = array<i32>} : memref<64x128xf32, #tpu.memory_space<vmem>>, vector<16xf32>,
      tpu.vector_store %arg10[%swap3A_2610, %swap3A_2611], %gather3A_2584 {strides = array<i32>} : memref<64x128xf32, #tpu.memory_space<vmem>>, vector<16xf32>,
      %swap3A_2613 = arith.constant 63 : i32
      %swap3A_2614 = arith.index_cast %swap3A_2613 : i32 to index
      %swap3A_2615 = arith.constant 112 : index
      %swap3A_2616 = tpu.vector_load %arg10[%swap3A_2614, %swap3A_2615] {strides = array<i32>} : memref<64x128xf32, #tpu.memory_space<vmem>>, vector<16xf32>,
      tpu.vector_store %arg10[%swap3A_2614, %swap3A_2615], %gather3A_2584 {strides = array<i32>} : memref<64x128xf32, #tpu.memory_space<vmem>>, vector<16xf32>,
      "tpu.region"() ({
        %run_scoped3A = tpu.sem_alloc : memref<!tpu.dma_semaphore, #tpu.memory_space<semaphore_mem>>
        tpu.enqueue_dma source(%arg8 : memref<1x80xf32, #tpu.memory_space<vmem>>) target(%arg3 : memref<1x80xf32, #tpu.memory_space<hbm>>) target_semaphore(%run_scoped3A : memref<!tpu.dma_semaphore, #tpu.memory_space<semaphore_mem>>)
        tpu.wait_dma2 semaphore(%run_scoped3A : memref<!tpu.dma_semaphore, #tpu.memory_space<semaphore_mem>>) src(%arg8 : memref<1x80xf32, #tpu.memory_space<vmem>>) dst(%arg3 : memref<1x80xf32, #tpu.memory_space<hbm>>)
        tpu.yield
      }) : () -> ()
      "tpu.region"() ({
        %run_scoped3A = tpu.sem_alloc : memref<!tpu.dma_semaphore, #tpu.memory_space<semaphore_mem>>
        tpu.enqueue_dma source(%arg10 : memref<64x128xf32, #tpu.memory_space<vmem>>) target(%arg4 : memref<64x128xf32, #tpu.memory_space<hbm>>) target_semaphore(%run_scoped3A : memref<!tpu.dma_semaphore, #tpu.memory_space<semaphore_mem>>)
        tpu.wait_dma2 semaphore(%run_scoped3A : memref<!tpu.dma_semaphore, #tpu.memory_space<semaphore_mem>>) src(%arg10 : memref<64x128xf32, #tpu.memory_space<vmem>>) dst(%arg4 : memref<64x128xf32, #tpu.memory_space<hbm>>)
        tpu.yield
      }) : () -> ()
    } else {
    }
    return
  }
}

module attributes {stable_mosaic.version = 14 : i64} {
  func.func @_mul_body(%arg0: i32, %arg1: memref<10000x128xf32, #tpu.memory_space<vmem>>, %arg2: memref<1x80xf32, #tpu.memory_space<vmem>>, %arg3: memref<64x128xf32, #tpu.memory_space<vmem>>, %arg4: memref<10000x128xf32, #tpu.memory_space<vmem>>) attributes {dimension_semantics = [#tpu.dimension_semantics<arbitrary>], iteration_bounds = array<i64: 10>, scalar_prefetch = 0 : i64, scratch_operands = 0 : i64, tpu.core_type = #tpu.core_type<tc>, window_params = [{transform_indices = @transform_0, window_bounds = array<i64: 10000, 128>}, {pipeline_mode = #tpu.pipeline_mode<synchronous>, transform_indices = @transform_1, window_bounds = array<i64: 1, 80>}, {pipeline_mode = #tpu.pipeline_mode<synchronous>, transform_indices = @transform_2, window_bounds = array<i64: 64, 128>}, {transform_indices = @transform_3, window_bounds = array<i64: 10000, 128>}]} {
    %get3A = arith.constant 0 : index
    %get3A_0 = arith.constant 0 : index
    %get3A_1 = vector.load %arg2[%get3A, %get3A_0] : memref<1x80xf32, #tpu.memory_space<vmem>>, vector<1x80xf32>
    %convert_element_type3A = arith.fptosi %get3A_1 : vector<1x80xf32> to vector<1x80xi32>
    %slice3A = vector.extract_strided_slice %convert_element_type3A {offsets = [0, 0], sizes = [1, 64], strides = [1, 1]} : vector<1x80xi32> to vector<1x64xi32>
    %mul3A = arith.constant 10000 : i32
    %mul3A_2 = arith.muli %arg0, %mul3A : i32
    %sub3A = vector.broadcast %mul3A_2 : i32 to vector<1x64xi32>
    %sub3A_3 = arith.subi %slice3A, %sub3A : vector<1x64xi32>
    %slice3A_4 = vector.extract_strided_slice %convert_element_type3A {offsets = [0, 1], sizes = [1, 64], strides = [1, 1]} : vector<1x80xi32> to vector<1x64xi32>
    %slice3A_5 = vector.extract_strided_slice %convert_element_type3A {offsets = [0, 0], sizes = [1, 64], strides = [1, 1]} : vector<1x80xi32> to vector<1x64xi32>
    %sub3A_6 = arith.subi %slice3A_4, %slice3A_5 : vector<1x64xi32>
    %iota3A = tpu.iota {dimensions = array<i32: 0>} : vector<10000x64xi32>
    %sub3A_7 = vector.broadcast %sub3A_3 : vector<1x64xi32> to vector<10000x64xi32>
    %sub3A_8 = arith.subi %iota3A, %sub3A_7 : vector<10000x64xi32>
    %lt3A = vector.broadcast %sub3A_6 : vector<1x64xi32> to vector<10000x64xi32>
    %lt3A_9 = arith.cmpi ult, %sub3A_8, %lt3A : vector<10000x64xi32>
    %jit3A = arith.constant 1.000000e+00 : f32
    %jit3A_10 = arith.constant 0.000000e+00 : f32
    %broadcast_in_dim3A = vector.broadcast %jit3A : f32 to vector<10000x64xf32>
    %broadcast_in_dim3A_11 = vector.broadcast %jit3A_10 : f32 to vector<10000x64xf32>
    %select_n3A = arith.select %lt3A_9, %broadcast_in_dim3A, %broadcast_in_dim3A_11 : vector<10000x64xi1>, vector<10000x64xf32>
    %convert_element_type3A_12 = arith.truncf %select_n3A : vector<10000x64xf32> to vector<10000x64xbf16>
    %get3A_13 = arith.constant 0 : index
    %get3A_14 = arith.constant 0 : index
    %get3A_15 = vector.load %arg3[%get3A_13, %get3A_14] : memref<64x128xf32, #tpu.memory_space<vmem>>, vector<64x128xf32>
    %convert_element_type3A_16 = arith.truncf %get3A_15 : vector<64x128xf32> to vector<64x128xbf16>
    %dot_general3A = arith.constant dense<0.000000e+00> : vector<10000x128xf32>
    %dot_general3A_17 = tpu.matmul %convert_element_type3A_12, %convert_element_type3A_16, %dot_general3A {dimension_numbers = #tpu.dot_dimension_numbers<[1], [0], [0], [1], [0, 0, 1, 1], [], []>, transpose_lhs_hint = false} : vector<10000x64xbf16>, vector<64x128xbf16>, vector<10000x128xf32> -> vector<10000x128xf32>
    %get3A_18 = arith.constant 0 : index
    %get3A_19 = arith.constant 0 : index
    %get3A_20 = vector.load %arg1[%get3A_18, %get3A_19] : memref<10000x128xf32, #tpu.memory_space<vmem>>, vector<10000x128xf32>
    %mul3A_21 = arith.mulf %get3A_20, %dot_general3A_17 : vector<10000x128xf32>
    %swap3A = arith.constant 0 : index
    %swap3A_22 = arith.constant 0 : index
    %swap3A_23 = vector.load %arg4[%swap3A, %swap3A_22] : memref<10000x128xf32, #tpu.memory_space<vmem>>, vector<10000x128xf32>
    tpu.vector_store %arg4[%swap3A, %swap3A_22], %mul3A_21 {strides = array<i32>} : memref<10000x128xf32, #tpu.memory_space<vmem>>, vector<10000x128xf32>,
    return
  }
  func.func @transform_0(%arg0: i32) -> (i32, i32) {
    %c0_i32 = arith.constant 0 : i32
    %c0_i32_0 = arith.constant 0 : i32
    return %arg0, %c0_i32 : i32, i32
  }
  func.func @transform_1(%arg0: i32) -> (i32, i32) {
    %c0_i32 = arith.constant 0 : i32
    %c0_i32_0 = arith.constant 0 : i32
    %c0_i32_1 = arith.constant 0 : i32
    return %c0_i32, %c0_i32_0 : i32, i32
  }
  func.func @transform_2(%arg0: i32) -> (i32, i32) {
    %c0_i32 = arith.constant 0 : i32
    %c0_i32_0 = arith.constant 0 : i32
    %c0_i32_1 = arith.constant 0 : i32
    return %c0_i32, %c0_i32_0 : i32, i32
  }
  func.func @transform_3(%arg0: i32) -> (i32, i32) {
    %c0_i32 = arith.constant 0 : i32
    %c0_i32_0 = arith.constant 0 : i32
    return %arg0, %c0_i32 : i32, i32
  }
}

</mosaic_0001>

<sc_bundles>
// kernel: kernel.4.cloned.1.call-start
scs
__scs_entry_jumppad:
0x0: {  	(pc) =	sbr.rel $0x88, $3  }
0x1: {  	(tag) =	ssettag $0x0;
	lr =	simm.s32 $0x1  }
0x2: {  	[smem:$0x3F9F] =	sst lr;
	_ =	strace $0xD0000000  }
0x3: {  	_ = 	snop  }
0x4: {  	_ = 	snop  }
0x5: {  	_ = 	snop  }
0x6: {  	_ = 	snop  }
0x7: {  	_ = 	snop  }
__scs_overlays_trampoline_lowered:
0x8: {  	[smem:$0x3FAE] =	sst s0  }
0x9: {  	[smem:$0x3FAF] =	sst s1  }
0xa: {  	[smem:$0x3FB0] =	sst s2  }
0xb: {  	[smem:$0x3FB1] =	sst s3  }
0xc: {  	[smem:$0x3FB2] =	sst s4  }
0xd: {  	[smem:$0x3FB3] =	sst s5  }
0xe: {  	[smem:$0x3FB4] =	sst s6  }
0xf: {  	[smem:$0x3FB5] =	sst s7  }
0x10: {  	[smem:$0x3FB6] =	sst s8  }
0x11: {  	[smem:$0x3FB7] =	sst s9;
	s0 =	simm.s32 @!p0 $0x0  }
0x12: {  	s1 =	sld [smem:$0x3F9D];
	s0 =	simm.s32 @p0 $0x1  }
0x13: {  	[smem:$0x3FB8] =	sst s0;
	s0 =	simm.s32 @!p1 $0x0  }
0x14: {  	s2 =	sld [smem:$0x3F9C];
	s0 =	simm.s32 @p1 $0x1  }
0x15: {  	[smem:$0x3FB9] =	sst s0;
	s0 =	simm.s32 @!p2 $0x0  }
0x16: {  	s3 =	sld [smem:$0x3FDB];
	s0 =	simm.s32 @p2 $0x1  }
0x17: {  	s4 =	simm.s32 $0x1BF5;
	[smem:$0x3FBB] =	sst s0  }
0x18: {  	s0 =	sld [smem:$0x3F9E];
	_ =	swait.ge [sflag:s4], $0x0  }
0x19: {  	s7 =	sld [smem:$0x3F9F]  }
0x1a: {  	s8 =	sadd.s32 $0xFFFFE003, lr  }
0x1b: {  	s9 =	sadd.s32 $0xFFFFFEF7, lr;
	s5 =	simm.s32 $0xFFFFFFFF;
	p2 =	slt.u32 s8, $0xFFFFF086  }
0x1c: {  	p1 =	slt.u32 s9, $0xF7A;
	s5 =	simm.s32 @!p2 $0x0  }
0x1d: {  	s5 =	simm.s32 @p1 $0x1;
	p0 =	seq.s32 s7, s2  }
0x1e: {  	s7 =	smul.u32 @!p0 $0xF7A, s2;
	p2 =	seq.s32 @!p0 s5, $0x0  }
0x1f: {  	s9 =	smul.u32 $0xF7A, s1;
	s8 =	simm.s32 @!p0 $0x1BF5;
	p2 =	por !p2, p0  }
0x20: {  	[sflag:s8] =	ssyncset.s32 @!p0 $0xFFFFF086;
	s6 =	sadd.s32 @!p0 s3, s7;
	s7 =	simm.s32 @!p0 $0x108  }
0x21: {  	s3 =	sadd.s32 s3, s9;
	s6 =	sadd.s32 @!p0 $0x88, s6;
	s7 =	simm.s32 @p2 $0x1082  }
0x22: {  	[simem:s7], [sflag:s8] =	dma.local @!p0 [hbm:s6], $0xF7A  }
0x23: {  	s9 =	sor.u32 $0xD0000000, s2;
	s6 =	simm.s32 $0x108;
	_ =	swait.ge @!p0 [sflag:s8], $0x0  }
0x24: {  	s3 =	sadd.s32 $0x88, s3;
	s6 =	simm.s32 @!p1 $0x1082;
	[sflag:s4] =	ssyncset.s32 $0xFFFFF086  }
0x25: {  	[simem:s6], [sflag:s4] =	dma.local [hbm:s3], $0xF7A  }
0x26: {  	[smem:$0x3F9F] =	sst s1;
	(tag) =	ssettag s2;
	_ =	strace s9  }
0x27: {  	s1 =	sld [smem:$0x3FAF]  }
0x28: {  	s2 =	sld [smem:$0x3FB0]  }
0x29: {  	s4 =	sld [smem:$0x3FB2]  }
0x2a: {  	p0 =	seq.s32 s5, $0x0;
	s5 =	sld [smem:$0x3FB3]  }
0x2b: {  	s6 =	sld [smem:$0x3FB4]  }
0x2c: {  	s7 =	sld [smem:$0x3FB5]  }
0x2d: {  	s3 =	simm.s32 $0x108;
	s8 =	sld [smem:$0x3FB6]  }
0x2e: {  	s3 =	simm.s32 @!p0 $0x1082;
	s9 =	sld [smem:$0x3FB7]  }
0x2f: {  	lr =	sadd.s32 s0, s3;
	s0 =	sld [smem:$0x3FAE]  }
0x30: {  	s3 =	sld [smem:$0x3FB1]  }
0x31: {  	[smem:$0x3FBA] =	sst s10  }
0x32: {  	s10 =	sld [smem:$0x3FB8];
	_ =	sdelay $0x3  }
0x33: {  	p0 =	seq.s32 s10, $0x1;
	s10 =	sld [smem:$0x3FBA];
	_ =	sdelay $0x3  }
0x34: {  	[smem:$0x3FBA] =	sst s10  }
0x35: {  	s10 =	sld [smem:$0x3FB9];
	_ =	sdelay $0x3  }
0x36: {  	p1 =	seq.s32 s10, $0x1;
	s10 =	sld [smem:$0x3FBA];
	_ =	sdelay $0x3  }
0x37: {  	[smem:$0x3FBA] =	sst s10  }
0x38: {  	s10 =	sld [smem:$0x3FBB]  }
0x39: {  	_ = 	snop;
	(pc) =	sbr.ind lr, $3  }
0x3a: {  	_ = 	snop  }
0x3b: {  	_ = 	snop  }
0x3c: {  	p2 =	seq.s32 s10, $0x1;
	s10 =	sld [smem:$0x3FBA]  }
0x3d: {  	_ =	shalt  }
0x3e: {  	_ =	shalt  }
0x3f: {  	_ =	shalt  }
0x40: {  	_ =	shalt  }
0x41: {  	_ =	shalt  }
0x42: {  	_ =	shalt  }
0x43: {  	_ =	shalt  }
0x44: {  	_ =	shalt  }
0x45: {  	_ =	shalt  }
0x46: {  	_ =	shalt  }
0x47: {  	_ =	shalt  }
0x48: {  	_ =	shalt  }
0x49: {  	_ =	shalt  }
0x4a: {  	_ =	shalt  }
0x4b: {  	_ =	shalt  }
0x4c: {  	_ =	shalt  }
0x4d: {  	_ =	shalt  }
0x4e: {  	_ =	shalt  }
0x4f: {  	_ =	shalt  }
0x50: {  	_ =	shalt  }
0x51: {  	_ =	shalt  }
0x52: {  	_ =	shalt  }
0x53: {  	_ =	shalt  }
0x54: {  	_ =	shalt  }
0x55: {  	_ =	shalt  }
0x56: {  	_ =	shalt  }
0x57: {  	_ =	shalt  }
0x58: {  	_ =	shalt  }
0x59: {  	_ =	shalt  }
0x5a: {  	_ =	shalt  }
0x5b: {  	_ =	shalt  }
0x5c: {  	_ =	shalt  }
0x5d: {  	_ =	shalt  }
0x5e: {  	_ =	shalt  }
0x5f: {  	_ =	shalt  }
0x60: {  	_ =	shalt  }
0x61: {  	_ =	shalt  }
0x62: {  	_ =	shalt  }
0x63: {  	_ =	shalt  }
0x64: {  	_ =	shalt  }
0x65: {  	_ =	shalt  }
0x66: {  	_ =	shalt  }
0x67: {  	_ =	shalt  }
0x68: {  	_ =	shalt  }
0x69: {  	_ =	shalt  }
0x6a: {  	_ =	shalt  }
0x6b: {  	_ =	shalt  }
0x6c: {  	_ =	shalt  }
0x6d: {  	_ =	shalt  }
0x6e: {  	_ =	shalt  }
0x6f: {  	_ =	shalt  }
0x70: {  	_ =	shalt  }
0x71: {  	_ =	shalt  }
0x72: {  	_ =	shalt  }
0x73: {  	_ =	shalt  }
0x74: {  	_ =	shalt  }
0x75: {  	_ =	shalt  }
0x76: {  	_ =	shalt  }
0x77: {  	_ =	shalt  }
0x78: {  	_ =	shalt  }
0x79: {  	_ =	shalt  }
0x7a: {  	_ =	shalt  }
0x7b: {  	_ =	shalt  }
0x7c: {  	_ =	shalt  }
0x7d: {  	_ =	shalt  }
0x7e: {  	_ =	shalt  }
0x7f: {  	_ =	shalt  }
0x80: {  	_ =	shalt  }
0x81: {  	_ =	shalt  }
0x82: {  	_ =	shalt  }
0x83: {  	_ =	shalt  }
0x84: {  	_ =	shalt  }
0x85: {  	_ =	shalt  }
0x86: {  	_ =	shalt  }
0x87: {  	_ =	shalt  }
.Lfunc_end0:
.L_simem_size_0:
called_computation_lowered:
.L_overlay_start_0:
0x88: {  	s0 =	sld [smem:$0x3FD9]  }
0x89: {  	s1 =	sld [smem:$0x3FFE];
	_ =	sdelay $0x3  }
0x8a: {  	s0 =	sadd.s32 s1, s0  }
0x8b: {  	[smem:$0x3FC6] =	sst s0  }
0x8c: {  	_ = 	snop  }
0x8d: {  	s0 =	sld [smem:$0x3FC8]  }
0x8e: {  	s16 =	sld [smem:$0x3FD0];
	(tm) =	ssettm $0x1  }
0x8f: {  	s2 =	sld [smem:$0x3FFB];
	_ =	sdelay $0x3  }
0x90: {  	_ =	strace s2  }
0x91: {  	s2 =	sld [smem:$0x3FFC];
	_ =	sdelay $0x3  }
0x92: {  	_ =	strace s2  }
0x93: {  	s2 =	sld [smem:$0x3FFD];
	_ =	sdelay $0x3  }
0x94: {  	_ =	strace s2  }
0x95: {  	_ =	strace $0x8FFFFFFF  }
0x96: {  	s17 =	sld [smem:$0x3FDB];
	_ =	sdelay $0x1  }
0x97: {  	s3 =	simm.s32 $_scs_section_size  }
0x98: {  	s4 =	simm.s32 $_size__tile_overlayer_lowered;
	s5 =	simm.s32 $_tile_overlayer_lowered  }
0x99: {  	s20 =	simm.s32 $0x1BFF;
	s19 =	sshll.u32 s5, $0x1;
	s2 =	sadd.s32 s3, s17  }
0x9a: {  	s6 =	simm.s32 $0x0;
	s18 =	sshll.u32 s4, $0x1;
	s4 =	sadd.s32 s19, s2  }
0x9b: {  	[timem:s6], [sflag:s20] =	dma.local [hbm:s4], s18  }
0x9c: {  	_ =	swait.ge [sflag:s20], s18  }
0x9d: {  	s3 =	ssub.s32 $0x0, s18;
	[sflag:s20] =	ssyncset.done $0x0  }
0x9e: {  	[sflag:s20] =	ssyncadd.s32 s3;
	_ =	sdelay $0x1  }
0x9f: {  	s21 =	simm.s32 $0x1B8B  }
0xa0: {  	_ =	swait.ge [sflag:s21], $0x1  }
0xa1: {  	[sflag:s21] =	ssyncset.done $0x0  }
0xa2: {  	s23 =	simm.s32 $0x1B8E;
	s22 =	sld [smem:$0x3FFE];
	[sflag:s21] =	ssyncadd.s32 $0xFFFFFFFF  }
0xa3: {  	s24 =	simm.s32 $execute0_lowered;
	[smem:$0x3FD2] =	sst s23  }
0xa4: {  	s4 =	sshll.u32 s24, $0x1;
	_ =	strace $0x80000046;
	[dreg:$0x1] =	wrdreg $0xFFFFFFFF  }
0xa5: {  	s25 =	simm.s32 $_size_execute0_lowered;
	s2 =	sadd.s32 s2, s4;
	[dreg:$0x0] =	wrdreg $0x0  }
0xa6: {  	s4 =	sshll.u32 s25, $0x1;
	[dreg:$0x2] =	wrdreg s2  }
0xa7: {  	[dreg:$0x3] =	wrdreg s4  }
0xa8: {  	[dreg:$0x4] =	wrdreg $0xC0  }
0xa9: {  	_ =	task [dreg:s6], $0x5FFFF  }
0xaa: {  	[dreg:$0x1] =	wrdreg $0xFFFFFFFF  }
0xab: {  	[dreg:$0x0] =	wrdreg $0x60  }
0xac: {  	[dreg:$0x2] =	wrdreg s0  }
0xad: {  	[dreg:$0x3] =	wrdreg s22  }
0xae: {  	[dreg:$0x4] =	wrdreg s16  }
0xaf: {  	[dreg:$0x5] =	wrdreg $0x3B000  }
0xb0: {  	[dreg:$0x6] =	wrdreg $0x9  }
0xb1: {  	_ =	task.clear_ibuf [dreg:s6], $0x7FFFF;
	_ =	strace $0x90000046  }
0xb2: {  	s26 =	simm.s32 $0x9;
	_ =	strace $0x80000048  }
0xb3: {  	_ =	swait.ge [sflag:s26], $0x1  }
0xb4: {  	[sflag:s26] =	ssyncadd.s32 $0xFFFFFFFF  }
0xb5: {  	_ =	strace $0x90000048  }
0xb6: {  	_ =	sfence  }
0xb7: {  	s28 =	sld [smem:$0x0];
	_ =	sdelay $0x1  }
0xb8: {  	s29 =	srdreg.scid  }
0xb9: {  	s30 =	sshll.u32 s29, $0xD;
	s31 =	sshrl.u32 s29, $0x2  }
0xba: {  	s1 =	sand.u32 $0x1, s29;
	s2 =	sand.u32 $0x4000, s30;
	s0 =	sadd.s32 s31, s28  }
0xbb: {  	s1 =	sor.u32 s2, s1;
	s0 =	sshll.u32 s0, $0x11  }
0xbc: {  	s0 =	sor.u32 s0, s1  }
0xbd: {  	s0 =	sadd.s32 $0x8F2B, s0  }
0xbe: {  	[sflag:s0] =	ssyncadd.remote.s32 $0x1  }
0xbf: {  	_ =	sfence.sel $0xFFFF  }
0xc0: {  	[dreg:$0x0] =	wrdreg $0xFFFFFFFF;
	(pc) =	sbr.abs _section_cstart, $3  }
0xc1: {  	[dreg:$0x1] =	wrdreg $0xFFFFFFFF  }
0xc2: {  	_ =	task.clear_ibuf [dreg:s6], $0x2FFFF;
	_ =	strace $0x9FFFFFFF  }
0xc3: {  	(tm) =	ssettm $0x7FFFFFFF  }
tec
execute0_lowered:
.L_overlay_start_1:
0x0: {  	(tag) =	ssettag $0x1  }
0x1: {  	s8 =	rddreg [dreg:$0x0]  }
0x2: {  	s2 =	rddreg [dreg:$0x1]  }
0x3: {  	s1 =	rddreg [dreg:$0x2]  }
0x4: {  	s4 =	rddreg [dreg:$0x3];
	s3 =	simm.s32 $0x0  }
0x5: {  	v1 =	vimm.s32 $0x0;
	[smem:$0x7FF] =	sst s3  }
0x6: {  	s0 =	rddreg [dreg:$0x4];
	v0 =	vlaneseq.u32;
	_ =	strace $0x80000047;
	[tilespmem:$0x1900] =	vst v1  }
0x7: {  	[tilespmem:$0x1980] =	vst v0  }
0x8: {  	v2 =	vor.u32 $0x10, v0;
	[tilespmem:$0x1910] =	vst v1  }
0x9: {  	s5 =	stileid.u32;
	[tilespmem:$0x1990] =	vst v2  }
0xa: {  	p0 =	seq.s32 s5, $0xF;
	[tilespmem:$0x1920] =	vst v1  }
.Ltmp0:
0xb: {  	[tilespmem:$0x1930] =	vst v1;
	(pc) =	sbr.rel @p0 .LBB2_4-.Ltmp0, $4  }
0xc: {  	v2 =	vor.u32 $0x20, v0;
	[tilespmem:$0x1940] =	vst v1  }
0xd: {  	v1 =	vor.u32 $0x40, v0;
	[tilespmem:$0x19A0] =	vst v2  }
0xe: {  	v2 =	vor.u32 $0x30, v0;
	[tilespmem:$0x19C0] =	vst v1  }
0xf: {  	s6 =	smul.u32 $0x1880, s5;
	[tilespmem:$0x19B0] =	vst v2  }
0x10: {  	p0 =	sne.s32 s5, $0x0  }
0x11: {  	s7 =	simm.s32 @!p0 $0x1900;
	s9 =	simm.s32 @!p0 $0x1  }
0x12: {  	[spmem:s4] =	stream.linear.scatter @!p0 [tilespmem:s7], [sflag:$0x1], $0x80, $0x38;
	[tilespmem:$0x3B08] =	vst v63  }
0x13: {  	s6 =	simm.s32 @!p0 $0x0;
	_ =	swait.ge @!p0 [sflag:s9], $0x80  }
0x14: {  	s7 =	simm.s32 $0x1;
	s10 =	sshrl.u32 s6, $0x3;
	[sflag:s9] =	ssyncset.done @!p0 $0x0  }
0x15: {  	s8 =	sadd.s32 s8, s10;
	v1 =	vadd.s32 s7, v0;
	[sflag:s9] =	ssyncadd.s32 @!p0 $0xFFFFFF80  }
0x16: {  	[tilespmem:s3], [sflag:$0x1] =	stream.linear.gather [hbm4b:s8+s3], $0x1890, $0x38;
	[tilespmem:$0x3B08] =	vst v63  }
0x17: {  	_ =	swait.ge [sflag:s7], $0x1890  }
0x18: {  	[sflag:s7] =	ssyncset.done $0x0  }
0x19: {  	[sflag:s7] =	ssyncadd.s32 $0xFFFFE770  }
0x1a: {  	v2 =	vld.idx.msk [tilespmem:v1+s3+$0x0], $0xffff  }
0x1b: {  	v1 =	vld [tilespmem:s3+$0x0];
	_ =	sdelay $0x4  }
0x1c: {  	vm0 =	vne.s32 v1, v2  }
0x1d: {  	s9 =	simm.s32 $0x11  }
0x1e: {  	s11 =	simm.s32 $0x21;
	s10 =	simm.s32 $0x0;
	s8 =	simm.s32 $0x1900;
	v2 =	vadd.s32 s9, v0  }
.LBB2_2:
0x1f: {  	p0 =	seq.s32 s11, $0x1871  }
0x20: {  	s12 =	sadd.s32 s7, s6;
	s7 =	smov.u32 s9;
	s9 =	smov.u32 s11  }
0x21: {  	v3 =	vadd.s32 s12, v0  }
0x22: {  	[tilespmem:v1+s8+$0x0] =	vst.idx.msk vm0, v3  }
0x23: {  	s10 =	sadd.s32 $0x10, s10;
	v2 =	vld.idx.msk [tilespmem:v2+s3+$0x0], $0xffff  }
0x24: {  	v1 =	vld [tilespmem:s10+$0x0];
	_ =	sdelay $0x2  }
.Ltmp1:
0x25: {  	(pc) =	sbr.rel @!p0 .LBB2_2-.Ltmp1, $3  }
0x26: {  	_ = 	snop  }
0x27: {  	vm0 =	vne.s32 v1, v2;
	_ =	sdelay $0x1  }
0x28: {  	s11 =	sadd.s32 $0x10, s11;
	v2 =	vadd.s32 s9, v0  }
0x29: {  	_ =	sdelay $0x2  }
0x2a: {  	s7 =	sadd.s32 s7, s6  }
0x2b: {  	v3 =	vadd.s32 s7, v0  }
0x2c: {  	[tilespmem:v1+s8+$0x0] =	vst.idx.msk vm0, v3  }
0x2d: {  	s30 =	sadd.s32 $0x10, s10;
	v1 =	vld.idx.msk [tilespmem:v2+s3+$0x0], $0xffff  }
0x2e: {  	v62 =	vld [tilespmem:s30+$0x0];
	_ =	sdelay $0x4  }
0x2f: {  	vm15 =	vne.s32 v62, v1;
	_ =	sdelay $0x1  }
.Ltmp2:
0x30: {  	_ = 	snop;
	(pc) =	sbr.rel .LBB2_7-.Ltmp2, $4  }
0x31: {  	_ = 	snop  }
0x32: {  	s31 =	sadd.s32 s9, s6  }
0x33: {  	v63 =	vadd.s32 s31, v0  }
0x34: {  	[tilespmem:v62+s8+$0x0] =	vst.idx.msk vm15, v63  }
.LBB2_4:
0x35: {  	s3 =	simm.s32 $0x1  }
0x36: {  	s8 =	sadd.s32 $0x2DF0, s8;
	s9 =	simm.s32 $0x1;
	s7 =	simm.s32 $0x0  }
0x37: {  	v1 =	vadd.s32 s3, v0;
	[tilespmem:s7], [sflag:$0x1] =	stream.linear.gather [hbm4b:s8+s7], $0x1720, $0x38;
	[tilespmem:$0x3B08] =	vst v63  }
0x38: {  	_ =	swait.ge [sflag:s9], $0x1720  }
0x39: {  	[sflag:s9] =	ssyncset.done $0x0  }
0x3a: {  	[sflag:s9] =	ssyncadd.s32 $0xFFFFE8E0  }
0x3b: {  	v2 =	vld [tilespmem:s7+$0x0]  }
0x3c: {  	v3 =	vld.idx.msk [tilespmem:v1+s7+$0x0], $0xffff;
	_ =	sdelay $0x3  }
0x3d: {  	s11 =	simm.s32 $0x11  }
0x3e: {  	s10 =	simm.s32 $0x16FA1;
	s31 =	sadd.s32 $0x1711, s6;
	s3 =	simm.s32 $0x1900;
	vm0 =	vne.s32 v2, v3  }
0x3f: {  	s6 =	simm.s32 $0x16F91;
	s8 =	simm.s32 $0x0;
	s9 =	simm.s32 $0x16F81;
	v1 =	vadd.s32 s31, v0  }
.LBB2_5:
0x40: {  	p0 =	sne.s32 s10, $0x18681;
	v3 =	vadd.s32 s11, v0;
	_ =	sdelay $0x2  }
0x41: {  	v4 =	vadd.s32 s9, v0;
	s9 =	smov.u32 s6;
	s6 =	smov.u32 s10  }
0x42: {  	[tilespmem:v2+s3+$0x0] =	vst.idx.msk vm0, v4  }
0x43: {  	s8 =	sadd.s32 $0x10, s8;
	v3 =	vld.idx.msk [tilespmem:v3+s7+$0x0], $0xffff  }
0x44: {  	v2 =	vld [tilespmem:s8+$0x0];
	_ =	sdelay $0x1  }
.Ltmp3:
0x45: {  	(pc) =	sbr.rel @p0 .LBB2_5-.Ltmp3, $3  }
0x46: {  	_ =	sdelay $0x1  }
0x47: {  	vm0 =	vne.s32 v2, v3  }
0x48: {  	s10 =	sadd.s32 $0x10, s10;
	s11 =	sadd.s32 $0xFFFE9080, s6  }
0x49: {  	_ = 	snop  }
0x4a: {  	v4 =	vimm.s32 $0x171F;
	vm1 =	vcmask $0x300  }
0x4b: {  	v3 =	vadd.s32 s11, v0;
	vm12 =	vcmask $0x704;
	v4 =	vsel vm1, $0x1711, v4  }
0x4c: {  	vm13 =	vcmask $0xB08;
	v4 =	vsel vm12, $0x1712, v4  }
0x4d: {  	v5 =	vadd.s32 s9, v0;
	vm14 =	vcmask $0xF0C;
	v4 =	vsel vm13, $0x1713, v4  }
0x4e: {  	vm15 =	vcmask $0x1310;
	s29 =	sadd.s32 $0x10, s8;
	[tilespmem:v2+s3+$0x0] =	vst.idx.msk vm0, v5;
	v61 =	vsel vm14, $0x1714, v4  }
0x4f: {  	vm4 =	vcmask $0x1714;
	v62 =	vld [tilespmem:s29+$0x0];
	v2 =	vsel vm15, $0x1715, v61  }
0x50: {  	vm5 =	vcmask $0x1B18;
	v3 =	vld.idx.msk [tilespmem:v3+s7+$0x0], $0xffff;
	v2 =	vsel vm4, $0x1716, v2  }
0x51: {  	vm6 =	vcmask $0x1F1C;
	v2 =	vsel vm5, $0x1717, v2  }
0x52: {  	vm7 =	vcmask $0x2320;
	v2 =	vsel vm6, $0x1718, v2  }
0x53: {  	vm8 =	vcmask $0x2724;
	v2 =	vsel vm7, $0x1719, v2  }
0x54: {  	vm9 =	vcmask $0x2B28;
	v2 =	vsel vm8, $0x171A, v2  }
0x55: {  	vm11 =	vcmask $0x2F2C;
	vm10 =	vne.s32 v62, v3;
	v2 =	vsel vm9, $0x171B, v2  }
0x56: {  	vm12 =	vcmask $0x3330;
	v2 =	vsel vm11, $0x171C, v2  }
0x57: {  	vm13 =	vcmask $0x3734;
	v2 =	vsel vm12, $0x171D, v2  }
0x58: {  	v2 =	vsel vm13, $0x171E, v2;
	_ =	sdelay $0x1  }
0x59: {  	v63 =	vadd.s32 s6, v0  }
0x5a: {  	[tilespmem:v62+s3+$0x0] =	vst.idx.msk vm10, v63  }
0x5b: {  	s30 =	simm.s32 $0x0;
	v0 =	vld [tilespmem:$0x1710]  }
0x5c: {  	v2 =	vld.idx.msk [tilespmem:v2+s30+$0x0], $0xffff;
	_ =	sdelay $0x4  }
0x5d: {  	vm15 =	vcmask $0x3F3C;
	vm14 =	vne.s32 v0, v2  }
0x5e: {  	vm0 =	vmor vm14, vm15;
	_ =	sdelay $0x4  }
0x5f: {  	s31 =	simm.s32 $0x1900  }
0x60: {  	[tilespmem:v0+s31+$0x0] =	vst.idx.msk vm0, v1  }
.LBB2_7:
0x61: {  	[bflag:$0x0] =	sbarrier.arrive $0xFFFF  }
0x62: {  	s3 =	simm.s32 $0x50;
	s7 =	simm.s32 $0x1980;
	s6 =	simm.s32 $0x1900  }
0x63: {  	[spmem:s4] =	stream.indirect.scatter.add.s32 [tilespmem:s6], [sflag:$0x1], $0x1, s7, s3, $0xb8;
	[tilespmem:$0x3B08] =	vst v63  }
0x64: {  	s3 =	simm.s32 $0x1  }
0x65: {  	_ =	swait.ge [sflag:s3], $0x50  }
0x66: {  	[sflag:s3] =	ssyncset.done $0x0  }
0x67: {  	[sflag:s3] =	ssyncadd.s32 $0xFFFFFFB0  }
0x68: {  	p0 =	sne.s32 s5, $0x0;
	[bflag:$0x0] =	sbarrier.arrive $0xFFFF  }
0x69: {  	_ =	sfence.sel @p0 $0x180000  }
0x6a: {  	[bflag:$0x0] =	sbarrier.arrive @p0 $0xFFFF  }
0x6b: {  	_ =	strace @p0 $0x90000047  }
0x6c: {  	[bflag:$0x2] =	sbarrier.arrive @p0 $0xFFFF  }
0x6d: {  	_ =	shalt @p0  }
.LBB2_8:
0x6e: {  	[tilespmem:s6], [sflag:$0x1] =	stream.linear.gather [spmem:s4], $0x80, $0x38;
	[tilespmem:$0x3B08] =	vst v63  }
0x6f: {  	_ =	swait.ge [sflag:s3], $0x80  }
0x70: {  	[sflag:s3] =	ssyncset.done $0x0  }
0x71: {  	[sflag:s3] =	ssyncadd.s32 $0xFFFFFF80  }
0x72: {  	v0 =	vld [tilespmem:$0x1900];
	_ =	sdelay $0x4  }
0x73: {  	v0 =	vxor.u32 $0x80000000, v0  }
0x74: {  	(xrf0) =	vmax.scan.msk.u32 $0xffff, v0  }
0x75: {  	v35 =	vimm.f32 $0.0e+00  }
0x76: {  	[tilespmem:$0x1A00] =	vst v35  }
0x77: {  	[tilespmem:$0x1A80] =	vst v35  }
0x78: {  	[tilespmem:$0x1A10] =	vst v35  }
0x79: {  	[tilespmem:$0x1A90] =	vst v35  }
0x7a: {  	v2 =	vlaneseq.u32;
	[tilespmem:$0x1A20] =	vst v35;
	v1, _, _ =	vpop (xrf0)  }
0x7b: {  	v3 =	vadd.s32 $0x1, v2;
	[tilespmem:$0x1AA0] =	vst v35;
	v1 =	vxor.u32 $0x80000000, v1  }
0x7c: {  	[tilespmem:$0x1A30] =	vst v35;
	vm0 =	vgt.s32 v1, $0x0  }
0x7d: {  	[tilespmem:$0x1AB0] =	vst v35;
	v1 =	vnsel vm0, $0x0, v1  }
0x7e: {  	[tilespmem:$0x1A40] =	vst v35;
	v4 =	vcvt.s32.f32 v1  }
0x7f: {  	s25 =	simm.s32 $0x1A00;
	[tilespmem:$0x1AC0] =	vst v35  }
0x80: {  	[tilespmem:v3+s25+$0x0] =	vst.idx.msk $0xffff, v4  }
0x81: {  	v36 =	vld [tilespmem:$0x1A00];
	_ =	sdelay $0x4  }
0x82: {  	v1 =	vor.u32 $0x80000000, v1;
	v0 =	vsub.f32 v4, v36  }
0x83: {  	(xrf0) =	vmax.scan.msk.u32 $0xffff, v1  }
0x84: {  	v37 =	vshra.s32 v0, $0x1;
	v0 =	vmul.f32 $5.000000000e-01, v0  }
0x85: {  	v1 =	vsub.s32 $0x5F3759DF, v37  }
0x86: {  	v38 =	vmul.f32 v1, v0;
	_ =	sdelay $0x1  }
0x87: {  	v3 =	vmul.f32 v1, v38  }
0x88: {  	v39, _, _ =	vpop (xrf0)  }
0x89: {  	(v2sf) =	vpush v39, $0xF;
	v3 =	vsub.f32 $1.500000000e+00, v3;
	_ =	sdelay $0x1  }
0x8a: {  	v1 =	vmul.f32 v1, v3  }
0x8b: {  	v40 =	vld [tilespmem:$0x1910]  }
0x8c: {  	v41 =	vmul.f32 v1, v0;
	_ =	sdelay $0x1  }
0x8d: {  	v4 =	vmul.f32 v41, v1;
	_ =	sdelay $0x1  }
0x8e: {  	v3 =	vxor.u32 $0x80000000, v40;
	v4 =	vsub.f32 $1.500000000e+00, v4  }
0x8f: {  	(xrf0) =	vmax.scan.msk.u32 $0xffff, v3  }
0x90: {  	v1 =	vmul.f32 v4, v1;
	_ =	sdelay $0x1  }
0x91: {  	v0 =	vmul.f32 v1, v0;
	_ =	sdelay $0x1  }
0x92: {  	v0 =	vmul.f32 v0, v1  }
0x93: {  	s5 =	spop (v2sf);
	v3, _, _ =	vpop (xrf0)  }
0x94: {  	v42 =	vadd.s32 $0x11, v2;
	s5 =	sxor.u32 $0x80000000, s5;
	v3 =	vxor.u32 $0x80000000, v3;
	v0 =	vsub.f32 $1.500000000e+00, v0  }
0x95: {  	vm13 =	vgt.s32 v3, s5  }
0x96: {  	v43 =	vnsel vm13, s5, v3;
	v0 =	vmul.f32 v0, v1  }
0x97: {  	v3 =	vcvt.s32.f32 v43  }
0x98: {  	[tilespmem:$0x1A80] =	vst v0  }
0x99: {  	[tilespmem:v42+s25+$0x0] =	vst.idx.msk $0xffff, v3  }
0x9a: {  	v44 =	vld [tilespmem:$0x1A10];
	_ =	sdelay $0x4  }
0x9b: {  	v1 =	vxor.u32 $0x80000000, v43;
	v0 =	vsub.f32 v3, v44  }
0x9c: {  	(xrf0) =	vmax.scan.msk.u32 $0xffff, v1  }
0x9d: {  	v45 =	vshra.s32 v0, $0x1;
	v0 =	vmul.f32 $5.000000000e-01, v0  }
0x9e: {  	v1 =	vsub.s32 $0x5F3759DF, v45  }
0x9f: {  	v46 =	vmul.f32 v1, v0;
	_ =	sdelay $0x1  }
0xa0: {  	v3 =	vmul.f32 v1, v46  }
0xa1: {  	v47, _, _ =	vpop (xrf0)  }
0xa2: {  	(v2sf) =	vpush v47, $0xF;
	v3 =	vsub.f32 $1.500000000e+00, v3;
	_ =	sdelay $0x1  }
0xa3: {  	v1 =	vmul.f32 v1, v3  }
0xa4: {  	v48 =	vld [tilespmem:$0x1920]  }
0xa5: {  	v49 =	vmul.f32 v1, v0;
	_ =	sdelay $0x1  }
0xa6: {  	v4 =	vmul.f32 v49, v1;
	_ =	sdelay $0x1  }
0xa7: {  	v3 =	vxor.u32 $0x80000000, v48;
	v4 =	vsub.f32 $1.500000000e+00, v4  }
0xa8: {  	(xrf0) =	vmax.scan.msk.u32 $0xffff, v3  }
0xa9: {  	v1 =	vmul.f32 v4, v1;
	_ =	sdelay $0x1  }
0xaa: {  	v0 =	vmul.f32 v1, v0;
	_ =	sdelay $0x1  }
0xab: {  	v0 =	vmul.f32 v0, v1  }
0xac: {  	s26 =	spop (v2sf);
	v3, _, _ =	vpop (xrf0)  }
0xad: {  	v50 =	vadd.s32 $0x21, v2;
	s5 =	sxor.u32 $0x80000000, s26;
	v3 =	vxor.u32 $0x80000000, v3;
	v0 =	vsub.f32 $1.500000000e+00, v0  }
0xae: {  	vm14 =	vgt.s32 v3, s5  }
0xaf: {  	v51 =	vnsel vm14, s5, v3;
	v0 =	vmul.f32 v0, v1  }
0xb0: {  	v3 =	vcvt.s32.f32 v51  }
0xb1: {  	[tilespmem:$0x1A90] =	vst v0  }
0xb2: {  	[tilespmem:v50+s25+$0x0] =	vst.idx.msk $0xffff, v3  }
0xb3: {  	v52 =	vld [tilespmem:$0x1A20];
	_ =	sdelay $0x4  }
0xb4: {  	v1 =	vxor.u32 $0x80000000, v51;
	v0 =	vsub.f32 v3, v52  }
0xb5: {  	(xrf0) =	vmax.scan.msk.u32 $0xffff, v1  }
0xb6: {  	v53 =	vshra.s32 v0, $0x1;
	v0 =	vmul.f32 $5.000000000e-01, v0  }
0xb7: {  	v1 =	vsub.s32 $0x5F3759DF, v53  }
0xb8: {  	v54 =	vmul.f32 v1, v0;
	_ =	sdelay $0x1  }
0xb9: {  	v3 =	vmul.f32 v1, v54  }
0xba: {  	v55, _, _ =	vpop (xrf0)  }
0xbb: {  	(v2sf) =	vpush v55, $0xF;
	v3 =	vsub.f32 $1.500000000e+00, v3;
	_ =	sdelay $0x1  }
0xbc: {  	v1 =	vmul.f32 v1, v3  }
0xbd: {  	v56 =	vld [tilespmem:$0x1930]  }
0xbe: {  	v57 =	vmul.f32 v1, v0;
	_ =	sdelay $0x1  }
0xbf: {  	v4 =	vmul.f32 v57, v1;
	_ =	sdelay $0x1  }
0xc0: {  	v3 =	vxor.u32 $0x80000000, v56;
	v4 =	vsub.f32 $1.500000000e+00, v4  }
0xc1: {  	(xrf0) =	vmax.scan.msk.u32 $0xffff, v3  }
0xc2: {  	v1 =	vmul.f32 v4, v1;
	_ =	sdelay $0x1  }
0xc3: {  	v0 =	vmul.f32 v1, v0;
	_ =	sdelay $0x1  }
0xc4: {  	v0 =	vmul.f32 v0, v1  }
0xc5: {  	s28 =	spop (v2sf);
	v3, _, _ =	vpop (xrf0)  }
0xc6: {  	v2 =	vadd.s32 $0x31, v2;
	s5 =	sxor.u32 $0x80000000, s28;
	v3 =	vxor.u32 $0x80000000, v3;
	v0 =	vsub.f32 $1.500000000e+00, v0  }
0xc7: {  	vm15 =	vgt.s32 v3, s5  }
0xc8: {  	v58 =	vnsel vm15, s5, v3;
	v0 =	vmul.f32 v0, v1  }
0xc9: {  	v1 =	vcvt.s32.f32 v58  }
0xca: {  	[tilespmem:$0x1AA0] =	vst v0  }
0xcb: {  	[tilespmem:v2+s25+$0x0] =	vst.idx.msk $0xffff, v1  }
0xcc: {  	v59 =	vld [tilespmem:$0x1A30];
	_ =	sdelay $0x4  }
0xcd: {  	v0 =	vsub.f32 v1, v59;
	_ =	sdelay $0x1  }
0xce: {  	v1 =	vshra.s32 v0, $0x1;
	v0 =	vmul.f32 $5.000000000e-01, v0  }
0xcf: {  	v1 =	vsub.s32 $0x5F3759DF, v1  }
0xd0: {  	v60 =	vmul.f32 v1, v0;
	_ =	sdelay $0x1  }
0xd1: {  	v2 =	vmul.f32 v1, v60;
	_ =	sdelay $0x1  }
0xd2: {  	v2 =	vsub.f32 $1.500000000e+00, v2;
	_ =	sdelay $0x1  }
0xd3: {  	v1 =	vmul.f32 v1, v2;
	_ =	sdelay $0x1  }
0xd4: {  	v2 =	vmul.f32 v1, v0;
	_ =	sdelay $0x1  }
0xd5: {  	v2 =	vmul.f32 v2, v1;
	_ =	sdelay $0x1  }
0xd6: {  	v2 =	vsub.f32 $1.500000000e+00, v2;
	_ =	sdelay $0x1  }
0xd7: {  	v1 =	vmul.f32 v2, v1;
	_ =	sdelay $0x1  }
0xd8: {  	v0 =	vmul.f32 v1, v0;
	_ =	sdelay $0x1  }
0xd9: {  	v0 =	vmul.f32 v0, v1;
	_ =	sdelay $0x1  }
0xda: {  	v0 =	vsub.f32 $1.500000000e+00, v0;
	_ =	sdelay $0x1  }
0xdb: {  	v0 =	vmul.f32 v0, v1;
	_ =	sdelay $0x1  }
0xdc: {  	s29 =	simm.s32 $0x1A80;
	[tilespmem:$0x1AB0] =	vst v0  }
0xdd: {  	v0 =	vld.msk [tilespmem:s29+$0x0], $0xffff;
	_ =	sdelay $0x4  }
0xde: {  	[tilespmem:$0x1B00] =	vst v0  }
0xdf: {  	[tilespmem:$0x1B10] =	vst v0  }
0xe0: {  	[tilespmem:$0x1B20] =	vst v0  }
0xe1: {  	v61 =	vimm.s32 $0x1;
	[tilespmem:$0x1B30] =	vst v0  }
0xe2: {  	[tilespmem:$0x1B40] =	vst v0  }
0xe3: {  	[tilespmem:$0x1B50] =	vst v0  }
0xe4: {  	[tilespmem:$0x1B60] =	vst v0  }
0xe5: {  	[tilespmem:$0x1B70] =	vst v0  }
0xe6: {  	v0 =	vld.idx.msk [tilespmem:v61+s29+$0x0], $0xffff;
	_ =	sdelay $0x4  }
0xe7: {  	[tilespmem:$0x1B80] =	vst v0  }
0xe8: {  	[tilespmem:$0x1B90] =	vst v0  }
0xe9: {  	[tilespmem:$0x1BA0] =	vst v0  }
0xea: {  	v62 =	vimm.s32 $0x2;
	[tilespmem:$0x1BB0] =	vst v0  }
0xeb: {  	[tilespmem:$0x1BC0] =	vst v0  }
0xec: {  	[tilespmem:$0x1BD0] =	vst v0  }
0xed: {  	[tilespmem:$0x1BE0] =	vst v0  }
0xee: {  	[tilespmem:$0x1BF0] =	vst v0  }
0xef: {  	v0 =	vld.idx.msk [tilespmem:v62+s29+$0x0], $0xffff;
	_ =	sdelay $0x4  }
0xf0: {  	[tilespmem:$0x1C00] =	vst v0  }
0xf1: {  	[tilespmem:$0x1C10] =	vst v0  }
0xf2: {  	[tilespmem:$0x1C20] =	vst v0  }
0xf3: {  	v63 =	vimm.s32 $0x3;
	[tilespmem:$0x1C30] =	vst v0  }
0xf4: {  	[tilespmem:$0x1C40] =	vst v0  }
0xf5: {  	[tilespmem:$0x1C50] =	vst v0  }
0xf6: {  	[tilespmem:$0x1C60] =	vst v0  }
0xf7: {  	[tilespmem:$0x1C70] =	vst v0  }
0xf8: {  	v0 =	vld.idx.msk [tilespmem:v63+s29+$0x0], $0xffff;
	_ =	sdelay $0x4  }
0xf9: {  	[tilespmem:$0x1C80] =	vst v0  }
0xfa: {  	[tilespmem:$0x1C90] =	vst v0  }
0xfb: {  	[tilespmem:$0x1CA0] =	vst v0  }
0xfc: {  	v4 =	vimm.s32 $0x4;
	[tilespmem:$0x1CB0] =	vst v0  }
0xfd: {  	[tilespmem:$0x1CC0] =	vst v0  }
0xfe: {  	[tilespmem:$0x1CD0] =	vst v0  }
0xff: {  	[tilespmem:$0x1CE0] =	vst v0  }
0x100: {  	[tilespmem:$0x1CF0] =	vst v0  }
0x101: {  	v0 =	vld.idx.msk [tilespmem:v4+s29+$0x0], $0xffff;
	_ =	sdelay $0x4  }
0x102: {  	[tilespmem:$0x1D00] =	vst v0  }
0x103: {  	[tilespmem:$0x1D10] =	vst v0  }
0x104: {  	[tilespmem:$0x1D20] =	vst v0  }
0x105: {  	v5 =	vimm.s32 $0x5;
	[tilespmem:$0x1D30] =	vst v0  }
0x106: {  	[tilespmem:$0x1D40] =	vst v0  }
0x107: {  	[tilespmem:$0x1D50] =	vst v0  }
0x108: {  	[tilespmem:$0x1D60] =	vst v0  }
0x109: {  	[tilespmem:$0x1D70] =	vst v0  }
0x10a: {  	v0 =	vld.idx.msk [tilespmem:v5+s29+$0x0], $0xffff;
	_ =	sdelay $0x4  }
0x10b: {  	[tilespmem:$0x1D80] =	vst v0  }
0x10c: {  	[tilespmem:$0x1D90] =	vst v0  }
0x10d: {  	[tilespmem:$0x1DA0] =	vst v0  }
0x10e: {  	v6 =	vimm.s32 $0x6;
	[tilespmem:$0x1DB0] =	vst v0  }
0x10f: {  	[tilespmem:$0x1DC0] =	vst v0  }
0x110: {  	[tilespmem:$0x1DD0] =	vst v0  }
0x111: {  	[tilespmem:$0x1DE0] =	vst v0  }
0x112: {  	[tilespmem:$0x1DF0] =	vst v0  }
0x113: {  	v0 =	vld.idx.msk [tilespmem:v6+s29+$0x0], $0xffff;
	_ =	sdelay $0x4  }
0x114: {  	[tilespmem:$0x1E00] =	vst v0  }
0x115: {  	[tilespmem:$0x1E10] =	vst v0  }
0x116: {  	[tilespmem:$0x1E20] =	vst v0  }
0x117: {  	v7 =	vimm.s32 $0x7;
	[tilespmem:$0x1E30] =	vst v0  }
0x118: {  	[tilespmem:$0x1E40] =	vst v0  }
0x119: {  	[tilespmem:$0x1E50] =	vst v0  }
0x11a: {  	[tilespmem:$0x1E60] =	vst v0  }
0x11b: {  	[tilespmem:$0x1E70] =	vst v0  }
0x11c: {  	v0 =	vld.idx.msk [tilespmem:v7+s29+$0x0], $0xffff;
	_ =	sdelay $0x4  }
0x11d: {  	[tilespmem:$0x1E80] =	vst v0  }
0x11e: {  	[tilespmem:$0x1E90] =	vst v0  }
0x11f: {  	[tilespmem:$0x1EA0] =	vst v0  }
0x120: {  	v8 =	vimm.s32 $0x8;
	[tilespmem:$0x1EB0] =	vst v0  }
0x121: {  	[tilespmem:$0x1EC0] =	vst v0  }
0x122: {  	[tilespmem:$0x1ED0] =	vst v0  }
0x123: {  	[tilespmem:$0x1EE0] =	vst v0  }
0x124: {  	[tilespmem:$0x1EF0] =	vst v0  }
0x125: {  	v0 =	vld.idx.msk [tilespmem:v8+s29+$0x0], $0xffff;
	_ =	sdelay $0x4  }
0x126: {  	[tilespmem:$0x1F00] =	vst v0  }
0x127: {  	[tilespmem:$0x1F10] =	vst v0  }
0x128: {  	[tilespmem:$0x1F20] =	vst v0  }
0x129: {  	v9 =	vimm.s32 $0x9;
	[tilespmem:$0x1F30] =	vst v0  }
0x12a: {  	[tilespmem:$0x1F40] =	vst v0  }
0x12b: {  	[tilespmem:$0x1F50] =	vst v0  }
0x12c: {  	[tilespmem:$0x1F60] =	vst v0  }
0x12d: {  	[tilespmem:$0x1F70] =	vst v0  }
0x12e: {  	v0 =	vld.idx.msk [tilespmem:v9+s29+$0x0], $0xffff;
	_ =	sdelay $0x4  }
0x12f: {  	[tilespmem:$0x1F80] =	vst v0  }
0x130: {  	[tilespmem:$0x1F90] =	vst v0  }
0x131: {  	[tilespmem:$0x1FA0] =	vst v0  }
0x132: {  	v10 =	vimm.s32 $0xA;
	[tilespmem:$0x1FB0] =	vst v0  }
0x133: {  	[tilespmem:$0x1FC0] =	vst v0  }
0x134: {  	[tilespmem:$0x1FD0] =	vst v0  }
0x135: {  	[tilespmem:$0x1FE0] =	vst v0  }
0x136: {  	[tilespmem:$0x1FF0] =	vst v0  }
0x137: {  	v0 =	vld.idx.msk [tilespmem:v10+s29+$0x0], $0xffff;
	_ =	sdelay $0x4  }
0x138: {  	[tilespmem:$0x2000] =	vst v0  }
0x139: {  	[tilespmem:$0x2010] =	vst v0  }
0x13a: {  	[tilespmem:$0x2020] =	vst v0  }
0x13b: {  	v11 =	vimm.s32 $0xB;
	[tilespmem:$0x2030] =	vst v0  }
0x13c: {  	[tilespmem:$0x2040] =	vst v0  }
0x13d: {  	[tilespmem:$0x2050] =	vst v0  }
0x13e: {  	[tilespmem:$0x2060] =	vst v0  }
0x13f: {  	[tilespmem:$0x2070] =	vst v0  }
0x140: {  	v0 =	vld.idx.msk [tilespmem:v11+s29+$0x0], $0xffff;
	_ =	sdelay $0x4  }
0x141: {  	[tilespmem:$0x2080] =	vst v0  }
0x142: {  	[tilespmem:$0x2090] =	vst v0  }
0x143: {  	[tilespmem:$0x20A0] =	vst v0  }
0x144: {  	v12 =	vimm.s32 $0xC;
	[tilespmem:$0x20B0] =	vst v0  }
0x145: {  	[tilespmem:$0x20C0] =	vst v0  }
0x146: {  	[tilespmem:$0x20D0] =	vst v0  }
0x147: {  	[tilespmem:$0x20E0] =	vst v0  }
0x148: {  	[tilespmem:$0x20F0] =	vst v0  }
0x149: {  	v0 =	vld.idx.msk [tilespmem:v12+s29+$0x0], $0xffff;
	_ =	sdelay $0x4  }
0x14a: {  	[tilespmem:$0x2100] =	vst v0  }
0x14b: {  	[tilespmem:$0x2110] =	vst v0  }
0x14c: {  	[tilespmem:$0x2120] =	vst v0  }
0x14d: {  	v13 =	vimm.s32 $0xD;
	[tilespmem:$0x2130] =	vst v0  }
0x14e: {  	[tilespmem:$0x2140] =	vst v0  }
0x14f: {  	[tilespmem:$0x2150] =	vst v0  }
0x150: {  	[tilespmem:$0x2160] =	vst v0  }
0x151: {  	[tilespmem:$0x2170] =	vst v0  }
0x152: {  	v0 =	vld.idx.msk [tilespmem:v13+s29+$0x0], $0xffff;
	_ =	sdelay $0x4  }
0x153: {  	[tilespmem:$0x2180] =	vst v0  }
0x154: {  	[tilespmem:$0x2190] =	vst v0  }
0x155: {  	[tilespmem:$0x21A0] =	vst v0  }
0x156: {  	v14 =	vimm.s32 $0xE;
	[tilespmem:$0x21B0] =	vst v0  }
0x157: {  	[tilespmem:$0x21C0] =	vst v0  }
0x158: {  	[tilespmem:$0x21D0] =	vst v0  }
0x159: {  	[tilespmem:$0x21E0] =	vst v0  }
0x15a: {  	[tilespmem:$0x21F0] =	vst v0  }
0x15b: {  	v0 =	vld.idx.msk [tilespmem:v14+s29+$0x0], $0xffff;
	_ =	sdelay $0x4  }
0x15c: {  	[tilespmem:$0x2200] =	vst v0  }
0x15d: {  	[tilespmem:$0x2210] =	vst v0  }
0x15e: {  	[tilespmem:$0x2220] =	vst v0  }
0x15f: {  	v15 =	vimm.s32 $0xF;
	[tilespmem:$0x2230] =	vst v0  }
0x160: {  	[tilespmem:$0x2240] =	vst v0  }
0x161: {  	[tilespmem:$0x2250] =	vst v0  }
0x162: {  	[tilespmem:$0x2260] =	vst v0  }
0x163: {  	[tilespmem:$0x2270] =	vst v0  }
0x164: {  	v0 =	vld.idx.msk [tilespmem:v15+s29+$0x0], $0xffff;
	_ =	sdelay $0x4  }
0x165: {  	[tilespmem:$0x2280] =	vst v0  }
0x166: {  	[tilespmem:$0x2290] =	vst v0  }
0x167: {  	[tilespmem:$0x22A0] =	vst v0  }
0x168: {  	v16 =	vimm.s32 $0x10;
	[tilespmem:$0x22B0] =	vst v0  }
0x169: {  	[tilespmem:$0x22C0] =	vst v0  }
0x16a: {  	[tilespmem:$0x22D0] =	vst v0  }
0x16b: {  	[tilespmem:$0x22E0] =	vst v0  }
0x16c: {  	[tilespmem:$0x22F0] =	vst v0  }
0x16d: {  	v0 =	vld.idx.msk [tilespmem:v16+s29+$0x0], $0xffff;
	_ =	sdelay $0x4  }
0x16e: {  	[tilespmem:$0x2300] =	vst v0  }
0x16f: {  	[tilespmem:$0x2310] =	vst v0  }
0x170: {  	[tilespmem:$0x2320] =	vst v0  }
0x171: {  	v17 =	vimm.s32 $0x11;
	[tilespmem:$0x2330] =	vst v0  }
0x172: {  	[tilespmem:$0x2340] =	vst v0  }
0x173: {  	[tilespmem:$0x2350] =	vst v0  }
0x174: {  	[tilespmem:$0x2360] =	vst v0  }
0x175: {  	[tilespmem:$0x2370] =	vst v0  }
0x176: {  	v0 =	vld.idx.msk [tilespmem:v17+s29+$0x0], $0xffff;
	_ =	sdelay $0x4  }
0x177: {  	[tilespmem:$0x2380] =	vst v0  }
0x178: {  	[tilespmem:$0x2390] =	vst v0  }
0x179: {  	[tilespmem:$0x23A0] =	vst v0  }
0x17a: {  	v18 =	vimm.s32 $0x12;
	[tilespmem:$0x23B0] =	vst v0  }
0x17b: {  	[tilespmem:$0x23C0] =	vst v0  }
0x17c: {  	[tilespmem:$0x23D0] =	vst v0  }
0x17d: {  	[tilespmem:$0x23E0] =	vst v0  }
0x17e: {  	[tilespmem:$0x23F0] =	vst v0  }
0x17f: {  	v0 =	vld.idx.msk [tilespmem:v18+s29+$0x0], $0xffff;
	_ =	sdelay $0x4  }
0x180: {  	[tilespmem:$0x2400] =	vst v0  }
0x181: {  	[tilespmem:$0x2410] =	vst v0  }
0x182: {  	[tilespmem:$0x2420] =	vst v0  }
0x183: {  	v19 =	vimm.s32 $0x13;
	[tilespmem:$0x2430] =	vst v0  }
0x184: {  	[tilespmem:$0x2440] =	vst v0  }
0x185: {  	[tilespmem:$0x2450] =	vst v0  }
0x186: {  	[tilespmem:$0x2460] =	vst v0  }
0x187: {  	[tilespmem:$0x2470] =	vst v0  }
0x188: {  	v0 =	vld.idx.msk [tilespmem:v19+s29+$0x0], $0xffff;
	_ =	sdelay $0x4  }
0x189: {  	[tilespmem:$0x2480] =	vst v0  }
0x18a: {  	[tilespmem:$0x2490] =	vst v0  }
0x18b: {  	[tilespmem:$0x24A0] =	vst v0  }
0x18c: {  	v20 =	vimm.s32 $0x14;
	[tilespmem:$0x24B0] =	vst v0  }
0x18d: {  	[tilespmem:$0x24C0] =	vst v0  }
0x18e: {  	[tilespmem:$0x24D0] =	vst v0  }
0x18f: {  	[tilespmem:$0x24E0] =	vst v0  }
0x190: {  	[tilespmem:$0x24F0] =	vst v0  }
0x191: {  	v0 =	vld.idx.msk [tilespmem:v20+s29+$0x0], $0xffff;
	_ =	sdelay $0x4  }
0x192: {  	[tilespmem:$0x2500] =	vst v0  }
0x193: {  	[tilespmem:$0x2510] =	vst v0  }
0x194: {  	[tilespmem:$0x2520] =	vst v0  }
0x195: {  	v21 =	vimm.s32 $0x15;
	[tilespmem:$0x2530] =	vst v0  }
0x196: {  	[tilespmem:$0x2540] =	vst v0  }
0x197: {  	[tilespmem:$0x2550] =	vst v0  }
0x198: {  	[tilespmem:$0x2560] =	vst v0  }
0x199: {  	[tilespmem:$0x2570] =	vst v0  }
0x19a: {  	v0 =	vld.idx.msk [tilespmem:v21+s29+$0x0], $0xffff;
	_ =	sdelay $0x4  }
0x19b: {  	[tilespmem:$0x2580] =	vst v0  }
0x19c: {  	[tilespmem:$0x2590] =	vst v0  }
0x19d: {  	[tilespmem:$0x25A0] =	vst v0  }
0x19e: {  	v22 =	vimm.s32 $0x16;
	[tilespmem:$0x25B0] =	vst v0  }
0x19f: {  	[tilespmem:$0x25C0] =	vst v0  }
0x1a0: {  	[tilespmem:$0x25D0] =	vst v0  }
0x1a1: {  	[tilespmem:$0x25E0] =	vst v0  }
0x1a2: {  	[tilespmem:$0x25F0] =	vst v0  }
0x1a3: {  	v0 =	vld.idx.msk [tilespmem:v22+s29+$0x0], $0xffff;
	_ =	sdelay $0x4  }
0x1a4: {  	[tilespmem:$0x2600] =	vst v0  }
0x1a5: {  	[tilespmem:$0x2610] =	vst v0  }
0x1a6: {  	[tilespmem:$0x2620] =	vst v0  }
0x1a7: {  	v23 =	vimm.s32 $0x17;
	[tilespmem:$0x2630] =	vst v0  }
0x1a8: {  	[tilespmem:$0x2640] =	vst v0  }
0x1a9: {  	[tilespmem:$0x2650] =	vst v0  }
0x1aa: {  	[tilespmem:$0x2660] =	vst v0  }
0x1ab: {  	[tilespmem:$0x2670] =	vst v0  }
0x1ac: {  	v0 =	vld.idx.msk [tilespmem:v23+s29+$0x0], $0xffff;
	_ =	sdelay $0x4  }
0x1ad: {  	[tilespmem:$0x2680] =	vst v0  }
0x1ae: {  	[tilespmem:$0x2690] =	vst v0  }
0x1af: {  	[tilespmem:$0x26A0] =	vst v0  }
0x1b0: {  	v24 =	vimm.s32 $0x18;
	[tilespmem:$0x26B0] =	vst v0  }
0x1b1: {  	[tilespmem:$0x26C0] =	vst v0  }
0x1b2: {  	[tilespmem:$0x26D0] =	vst v0  }
0x1b3: {  	[tilespmem:$0x26E0] =	vst v0  }
0x1b4: {  	[tilespmem:$0x26F0] =	vst v0  }
0x1b5: {  	v0 =	vld.idx.msk [tilespmem:v24+s29+$0x0], $0xffff;
	_ =	sdelay $0x4  }
0x1b6: {  	[tilespmem:$0x2700] =	vst v0  }
0x1b7: {  	[tilespmem:$0x2710] =	vst v0  }
0x1b8: {  	[tilespmem:$0x2720] =	vst v0  }
0x1b9: {  	v25 =	vimm.s32 $0x19;
	[tilespmem:$0x2730] =	vst v0  }
0x1ba: {  	[tilespmem:$0x2740] =	vst v0  }
0x1bb: {  	[tilespmem:$0x2750] =	vst v0  }
0x1bc: {  	[tilespmem:$0x2760] =	vst v0  }
0x1bd: {  	[tilespmem:$0x2770] =	vst v0  }
0x1be: {  	v0 =	vld.idx.msk [tilespmem:v25+s29+$0x0], $0xffff;
	_ =	sdelay $0x4  }
0x1bf: {  	[tilespmem:$0x2780] =	vst v0  }
0x1c0: {  	[tilespmem:$0x2790] =	vst v0  }
0x1c1: {  	[tilespmem:$0x27A0] =	vst v0  }
0x1c2: {  	v26 =	vimm.s32 $0x1A;
	[tilespmem:$0x27B0] =	vst v0  }
0x1c3: {  	[tilespmem:$0x27C0] =	vst v0  }
0x1c4: {  	[tilespmem:$0x27D0] =	vst v0  }
0x1c5: {  	[tilespmem:$0x27E0] =	vst v0  }
0x1c6: {  	[tilespmem:$0x27F0] =	vst v0  }
0x1c7: {  	v0 =	vld.idx.msk [tilespmem:v26+s29+$0x0], $0xffff;
	_ =	sdelay $0x4  }
0x1c8: {  	[tilespmem:$0x2800] =	vst v0  }
0x1c9: {  	[tilespmem:$0x2810] =	vst v0  }
0x1ca: {  	[tilespmem:$0x2820] =	vst v0  }
0x1cb: {  	v27 =	vimm.s32 $0x1B;
	[tilespmem:$0x2830] =	vst v0  }
0x1cc: {  	[tilespmem:$0x2840] =	vst v0  }
0x1cd: {  	[tilespmem:$0x2850] =	vst v0  }
0x1ce: {  	[tilespmem:$0x2860] =	vst v0  }
0x1cf: {  	[tilespmem:$0x2870] =	vst v0  }
0x1d0: {  	v0 =	vld.idx.msk [tilespmem:v27+s29+$0x0], $0xffff;
	_ =	sdelay $0x4  }
0x1d1: {  	[tilespmem:$0x2880] =	vst v0  }
0x1d2: {  	[tilespmem:$0x2890] =	vst v0  }
0x1d3: {  	[tilespmem:$0x28A0] =	vst v0  }
0x1d4: {  	v28 =	vimm.s32 $0x1C;
	[tilespmem:$0x28B0] =	vst v0  }
0x1d5: {  	[tilespmem:$0x28C0] =	vst v0  }
0x1d6: {  	[tilespmem:$0x28D0] =	vst v0  }
0x1d7: {  	[tilespmem:$0x28E0] =	vst v0  }
0x1d8: {  	[tilespmem:$0x28F0] =	vst v0  }
0x1d9: {  	v0 =	vld.idx.msk [tilespmem:v28+s29+$0x0], $0xffff;
	_ =	sdelay $0x4  }
0x1da: {  	[tilespmem:$0x2900] =	vst v0  }
0x1db: {  	[tilespmem:$0x2910] =	vst v0  }
0x1dc: {  	[tilespmem:$0x2920] =	vst v0  }
0x1dd: {  	v29 =	vimm.s32 $0x1D;
	[tilespmem:$0x2930] =	vst v0  }
0x1de: {  	[tilespmem:$0x2940] =	vst v0  }
0x1df: {  	[tilespmem:$0x2950] =	vst v0  }
0x1e0: {  	[tilespmem:$0x2960] =	vst v0  }
0x1e1: {  	[tilespmem:$0x2970] =	vst v0  }
0x1e2: {  	v0 =	vld.idx.msk [tilespmem:v29+s29+$0x0], $0xffff;
	_ =	sdelay $0x4  }
0x1e3: {  	[tilespmem:$0x2980] =	vst v0  }
0x1e4: {  	[tilespmem:$0x2990] =	vst v0  }
0x1e5: {  	[tilespmem:$0x29A0] =	vst v0  }
0x1e6: {  	v30 =	vimm.s32 $0x1E;
	[tilespmem:$0x29B0] =	vst v0  }
0x1e7: {  	[tilespmem:$0x29C0] =	vst v0  }
0x1e8: {  	[tilespmem:$0x29D0] =	vst v0  }
0x1e9: {  	[tilespmem:$0x29E0] =	vst v0  }
0x1ea: {  	[tilespmem:$0x29F0] =	vst v0  }
0x1eb: {  	v0 =	vld.idx.msk [tilespmem:v30+s29+$0x0], $0xffff;
	_ =	sdelay $0x4  }
0x1ec: {  	[tilespmem:$0x2A00] =	vst v0  }
0x1ed: {  	[tilespmem:$0x2A10] =	vst v0  }
0x1ee: {  	[tilespmem:$0x2A20] =	vst v0  }
0x1ef: {  	v31 =	vimm.s32 $0x1F;
	[tilespmem:$0x2A30] =	vst v0  }
0x1f0: {  	[tilespmem:$0x2A40] =	vst v0  }
0x1f1: {  	[tilespmem:$0x2A50] =	vst v0  }
0x1f2: {  	[tilespmem:$0x2A60] =	vst v0  }
0x1f3: {  	[tilespmem:$0x2A70] =	vst v0  }
0x1f4: {  	v0 =	vld.idx.msk [tilespmem:v31+s29+$0x0], $0xffff;
	_ =	sdelay $0x4  }
0x1f5: {  	[tilespmem:$0x2A80] =	vst v0  }
0x1f6: {  	[tilespmem:$0x2A90] =	vst v0  }
0x1f7: {  	[tilespmem:$0x2AA0] =	vst v0  }
0x1f8: {  	v32 =	vimm.s32 $0x20;
	[tilespmem:$0x2AB0] =	vst v0  }
0x1f9: {  	[tilespmem:$0x2AC0] =	vst v0  }
0x1fa: {  	[tilespmem:$0x2AD0] =	vst v0  }
0x1fb: {  	[tilespmem:$0x2AE0] =	vst v0  }
0x1fc: {  	[tilespmem:$0x2AF0] =	vst v0  }
0x1fd: {  	v0 =	vld.idx.msk [tilespmem:v32+s29+$0x0], $0xffff;
	_ =	sdelay $0x4  }
0x1fe: {  	[tilespmem:$0x2B00] =	vst v0  }
0x1ff: {  	[tilespmem:$0x2B10] =	vst v0  }
0x200: {  	[tilespmem:$0x2B20] =	vst v0  }
0x201: {  	v33 =	vimm.s32 $0x21;
	[tilespmem:$0x2B30] =	vst v0  }
0x202: {  	[tilespmem:$0x2B40] =	vst v0  }
0x203: {  	[tilespmem:$0x2B50] =	vst v0  }
0x204: {  	[tilespmem:$0x2B60] =	vst v0  }
0x205: {  	[tilespmem:$0x2B70] =	vst v0  }
0x206: {  	v0 =	vld.idx.msk [tilespmem:v33+s29+$0x0], $0xffff;
	_ =	sdelay $0x4  }
0x207: {  	[tilespmem:$0x2B80] =	vst v0  }
0x208: {  	[tilespmem:$0x2B90] =	vst v0  }
0x209: {  	[tilespmem:$0x2BA0] =	vst v0  }
0x20a: {  	v34 =	vimm.s32 $0x22;
	[tilespmem:$0x2BB0] =	vst v0  }
0x20b: {  	[tilespmem:$0x2BC0] =	vst v0  }
0x20c: {  	[tilespmem:$0x2BD0] =	vst v0  }
0x20d: {  	[tilespmem:$0x2BE0] =	vst v0  }
0x20e: {  	[tilespmem:$0x2BF0] =	vst v0  }
0x20f: {  	v0 =	vld.idx.msk [tilespmem:v34+s29+$0x0], $0xffff;
	_ =	sdelay $0x4  }
0x210: {  	[tilespmem:$0x2C00] =	vst v0  }
0x211: {  	[tilespmem:$0x2C10] =	vst v0  }
0x212: {  	[tilespmem:$0x2C20] =	vst v0  }
0x213: {  	v35 =	vimm.s32 $0x23;
	[tilespmem:$0x2C30] =	vst v0  }
0x214: {  	[tilespmem:$0x2C40] =	vst v0  }
0x215: {  	[tilespmem:$0x2C50] =	vst v0  }
0x216: {  	[tilespmem:$0x2C60] =	vst v0  }
0x217: {  	[tilespmem:$0x2C70] =	vst v0  }
0x218: {  	v0 =	vld.idx.msk [tilespmem:v35+s29+$0x0], $0xffff;
	_ =	sdelay $0x4  }
0x219: {  	[tilespmem:$0x2C80] =	vst v0  }
0x21a: {  	[tilespmem:$0x2C90] =	vst v0  }
0x21b: {  	[tilespmem:$0x2CA0] =	vst v0  }
0x21c: {  	v36 =	vimm.s32 $0x24;
	[tilespmem:$0x2CB0] =	vst v0  }
0x21d: {  	[tilespmem:$0x2CC0] =	vst v0  }
0x21e: {  	[tilespmem:$0x2CD0] =	vst v0  }
0x21f: {  	[tilespmem:$0x2CE0] =	vst v0  }
0x220: {  	[tilespmem:$0x2CF0] =	vst v0  }
0x221: {  	v0 =	vld.idx.msk [tilespmem:v36+s29+$0x0], $0xffff;
	_ =	sdelay $0x4  }
0x222: {  	[tilespmem:$0x2D00] =	vst v0  }
0x223: {  	[tilespmem:$0x2D10] =	vst v0  }
0x224: {  	[tilespmem:$0x2D20] =	vst v0  }
0x225: {  	v37 =	vimm.s32 $0x25;
	[tilespmem:$0x2D30] =	vst v0  }
0x226: {  	[tilespmem:$0x2D40] =	vst v0  }
0x227: {  	[tilespmem:$0x2D50] =	vst v0  }
0x228: {  	[tilespmem:$0x2D60] =	vst v0  }
0x229: {  	[tilespmem:$0x2D70] =	vst v0  }
0x22a: {  	v0 =	vld.idx.msk [tilespmem:v37+s29+$0x0], $0xffff;
	_ =	sdelay $0x4  }
0x22b: {  	[tilespmem:$0x2D80] =	vst v0  }
0x22c: {  	[tilespmem:$0x2D90] =	vst v0  }
0x22d: {  	[tilespmem:$0x2DA0] =	vst v0  }
0x22e: {  	v38 =	vimm.s32 $0x26;
	[tilespmem:$0x2DB0] =	vst v0  }
0x22f: {  	[tilespmem:$0x2DC0] =	vst v0  }
0x230: {  	[tilespmem:$0x2DD0] =	vst v0  }
0x231: {  	[tilespmem:$0x2DE0] =	vst v0  }
0x232: {  	[tilespmem:$0x2DF0] =	vst v0  }
0x233: {  	v0 =	vld.idx.msk [tilespmem:v38+s29+$0x0], $0xffff;
	_ =	sdelay $0x4  }
0x234: {  	[tilespmem:$0x2E00] =	vst v0  }
0x235: {  	[tilespmem:$0x2E10] =	vst v0  }
0x236: {  	[tilespmem:$0x2E20] =	vst v0  }
0x237: {  	v39 =	vimm.s32 $0x27;
	[tilespmem:$0x2E30] =	vst v0  }
0x238: {  	[tilespmem:$0x2E40] =	vst v0  }
0x239: {  	[tilespmem:$0x2E50] =	vst v0  }
0x23a: {  	[tilespmem:$0x2E60] =	vst v0  }
0x23b: {  	[tilespmem:$0x2E70] =	vst v0  }
0x23c: {  	v0 =	vld.idx.msk [tilespmem:v39+s29+$0x0], $0xffff;
	_ =	sdelay $0x4  }
0x23d: {  	[tilespmem:$0x2E80] =	vst v0  }
0x23e: {  	[tilespmem:$0x2E90] =	vst v0  }
0x23f: {  	[tilespmem:$0x2EA0] =	vst v0  }
0x240: {  	v40 =	vimm.s32 $0x28;
	[tilespmem:$0x2EB0] =	vst v0  }
0x241: {  	[tilespmem:$0x2EC0] =	vst v0  }
0x242: {  	[tilespmem:$0x2ED0] =	vst v0  }
0x243: {  	[tilespmem:$0x2EE0] =	vst v0  }
0x244: {  	[tilespmem:$0x2EF0] =	vst v0  }
0x245: {  	v0 =	vld.idx.msk [tilespmem:v40+s29+$0x0], $0xffff;
	_ =	sdelay $0x4  }
0x246: {  	[tilespmem:$0x2F00] =	vst v0  }
0x247: {  	[tilespmem:$0x2F10] =	vst v0  }
0x248: {  	[tilespmem:$0x2F20] =	vst v0  }
0x249: {  	v41 =	vimm.s32 $0x29;
	[tilespmem:$0x2F30] =	vst v0  }
0x24a: {  	[tilespmem:$0x2F40] =	vst v0  }
0x24b: {  	[tilespmem:$0x2F50] =	vst v0  }
0x24c: {  	[tilespmem:$0x2F60] =	vst v0  }
0x24d: {  	[tilespmem:$0x2F70] =	vst v0  }
0x24e: {  	v0 =	vld.idx.msk [tilespmem:v41+s29+$0x0], $0xffff;
	_ =	sdelay $0x4  }
0x24f: {  	[tilespmem:$0x2F80] =	vst v0  }
0x250: {  	[tilespmem:$0x2F90] =	vst v0  }
0x251: {  	[tilespmem:$0x2FA0] =	vst v0  }
0x252: {  	v42 =	vimm.s32 $0x2A;
	[tilespmem:$0x2FB0] =	vst v0  }
0x253: {  	[tilespmem:$0x2FC0] =	vst v0  }
0x254: {  	[tilespmem:$0x2FD0] =	vst v0  }
0x255: {  	[tilespmem:$0x2FE0] =	vst v0  }
0x256: {  	[tilespmem:$0x2FF0] =	vst v0  }
0x257: {  	v0 =	vld.idx.msk [tilespmem:v42+s29+$0x0], $0xffff;
	_ =	sdelay $0x4  }
0x258: {  	[tilespmem:$0x3000] =	vst v0  }
0x259: {  	[tilespmem:$0x3010] =	vst v0  }
0x25a: {  	[tilespmem:$0x3020] =	vst v0  }
0x25b: {  	v43 =	vimm.s32 $0x2B;
	[tilespmem:$0x3030] =	vst v0  }
0x25c: {  	[tilespmem:$0x3040] =	vst v0  }
0x25d: {  	[tilespmem:$0x3050] =	vst v0  }
0x25e: {  	[tilespmem:$0x3060] =	vst v0  }
0x25f: {  	[tilespmem:$0x3070] =	vst v0  }
0x260: {  	v0 =	vld.idx.msk [tilespmem:v43+s29+$0x0], $0xffff;
	_ =	sdelay $0x4  }
0x261: {  	[tilespmem:$0x3080] =	vst v0  }
0x262: {  	[tilespmem:$0x3090] =	vst v0  }
0x263: {  	[tilespmem:$0x30A0] =	vst v0  }
0x264: {  	v44 =	vimm.s32 $0x2C;
	[tilespmem:$0x30B0] =	vst v0  }
0x265: {  	[tilespmem:$0x30C0] =	vst v0  }
0x266: {  	[tilespmem:$0x30D0] =	vst v0  }
0x267: {  	[tilespmem:$0x30E0] =	vst v0  }
0x268: {  	[tilespmem:$0x30F0] =	vst v0  }
0x269: {  	v0 =	vld.idx.msk [tilespmem:v44+s29+$0x0], $0xffff;
	_ =	sdelay $0x4  }
0x26a: {  	[tilespmem:$0x3100] =	vst v0  }
0x26b: {  	[tilespmem:$0x3110] =	vst v0  }
0x26c: {  	[tilespmem:$0x3120] =	vst v0  }
0x26d: {  	v45 =	vimm.s32 $0x2D;
	[tilespmem:$0x3130] =	vst v0  }
0x26e: {  	[tilespmem:$0x3140] =	vst v0  }
0x26f: {  	[tilespmem:$0x3150] =	vst v0  }
0x270: {  	[tilespmem:$0x3160] =	vst v0  }
0x271: {  	[tilespmem:$0x3170] =	vst v0  }
0x272: {  	v0 =	vld.idx.msk [tilespmem:v45+s29+$0x0], $0xffff;
	_ =	sdelay $0x4  }
0x273: {  	[tilespmem:$0x3180] =	vst v0  }
0x274: {  	[tilespmem:$0x3190] =	vst v0  }
0x275: {  	[tilespmem:$0x31A0] =	vst v0  }
0x276: {  	v46 =	vimm.s32 $0x2E;
	[tilespmem:$0x31B0] =	vst v0  }
0x277: {  	[tilespmem:$0x31C0] =	vst v0  }
0x278: {  	[tilespmem:$0x31D0] =	vst v0  }
0x279: {  	[tilespmem:$0x31E0] =	vst v0  }
0x27a: {  	[tilespmem:$0x31F0] =	vst v0  }
0x27b: {  	v0 =	vld.idx.msk [tilespmem:v46+s29+$0x0], $0xffff;
	_ =	sdelay $0x4  }
0x27c: {  	[tilespmem:$0x3200] =	vst v0  }
0x27d: {  	[tilespmem:$0x3210] =	vst v0  }
0x27e: {  	[tilespmem:$0x3220] =	vst v0  }
0x27f: {  	v47 =	vimm.s32 $0x2F;
	[tilespmem:$0x3230] =	vst v0  }
0x280: {  	[tilespmem:$0x3240] =	vst v0  }
0x281: {  	[tilespmem:$0x3250] =	vst v0  }
0x282: {  	[tilespmem:$0x3260] =	vst v0  }
0x283: {  	[tilespmem:$0x3270] =	vst v0  }
0x284: {  	v0 =	vld.idx.msk [tilespmem:v47+s29+$0x0], $0xffff;
	_ =	sdelay $0x4  }
0x285: {  	[tilespmem:$0x3280] =	vst v0  }
0x286: {  	[tilespmem:$0x3290] =	vst v0  }
0x287: {  	[tilespmem:$0x32A0] =	vst v0  }
0x288: {  	v48 =	vimm.s32 $0x30;
	[tilespmem:$0x32B0] =	vst v0  }
0x289: {  	[tilespmem:$0x32C0] =	vst v0  }
0x28a: {  	[tilespmem:$0x32D0] =	vst v0  }
0x28b: {  	[tilespmem:$0x32E0] =	vst v0  }
0x28c: {  	[tilespmem:$0x32F0] =	vst v0  }
0x28d: {  	v0 =	vld.idx.msk [tilespmem:v48+s29+$0x0], $0xffff;
	_ =	sdelay $0x4  }
0x28e: {  	[tilespmem:$0x3300] =	vst v0  }
0x28f: {  	[tilespmem:$0x3310] =	vst v0  }
0x290: {  	[tilespmem:$0x3320] =	vst v0  }
0x291: {  	v49 =	vimm.s32 $0x31;
	[tilespmem:$0x3330] =	vst v0  }
0x292: {  	[tilespmem:$0x3340] =	vst v0  }
0x293: {  	[tilespmem:$0x3350] =	vst v0  }
0x294: {  	[tilespmem:$0x3360] =	vst v0  }
0x295: {  	[tilespmem:$0x3370] =	vst v0  }
0x296: {  	v0 =	vld.idx.msk [tilespmem:v49+s29+$0x0], $0xffff;
	_ =	sdelay $0x4  }
0x297: {  	[tilespmem:$0x3380] =	vst v0  }
0x298: {  	[tilespmem:$0x3390] =	vst v0  }
0x299: {  	[tilespmem:$0x33A0] =	vst v0  }
0x29a: {  	v50 =	vimm.s32 $0x32;
	[tilespmem:$0x33B0] =	vst v0  }
0x29b: {  	[tilespmem:$0x33C0] =	vst v0  }
0x29c: {  	[tilespmem:$0x33D0] =	vst v0  }
0x29d: {  	[tilespmem:$0x33E0] =	vst v0  }
0x29e: {  	[tilespmem:$0x33F0] =	vst v0  }
0x29f: {  	v0 =	vld.idx.msk [tilespmem:v50+s29+$0x0], $0xffff;
	_ =	sdelay $0x4  }
0x2a0: {  	[tilespmem:$0x3400] =	vst v0  }
0x2a1: {  	[tilespmem:$0x3410] =	vst v0  }
0x2a2: {  	[tilespmem:$0x3420] =	vst v0  }
0x2a3: {  	v51 =	vimm.s32 $0x33;
	[tilespmem:$0x3430] =	vst v0  }
0x2a4: {  	[tilespmem:$0x3440] =	vst v0  }
0x2a5: {  	[tilespmem:$0x3450] =	vst v0  }
0x2a6: {  	[tilespmem:$0x3460] =	vst v0  }
0x2a7: {  	[tilespmem:$0x3470] =	vst v0  }
0x2a8: {  	v0 =	vld.idx.msk [tilespmem:v51+s29+$0x0], $0xffff;
	_ =	sdelay $0x4  }
0x2a9: {  	[tilespmem:$0x3480] =	vst v0  }
0x2aa: {  	[tilespmem:$0x3490] =	vst v0  }
0x2ab: {  	[tilespmem:$0x34A0] =	vst v0  }
0x2ac: {  	v52 =	vimm.s32 $0x34;
	[tilespmem:$0x34B0] =	vst v0  }
0x2ad: {  	[tilespmem:$0x34C0] =	vst v0  }
0x2ae: {  	[tilespmem:$0x34D0] =	vst v0  }
0x2af: {  	[tilespmem:$0x34E0] =	vst v0  }
0x2b0: {  	[tilespmem:$0x34F0] =	vst v0  }
0x2b1: {  	v0 =	vld.idx.msk [tilespmem:v52+s29+$0x0], $0xffff;
	_ =	sdelay $0x4  }
0x2b2: {  	[tilespmem:$0x3500] =	vst v0  }
0x2b3: {  	[tilespmem:$0x3510] =	vst v0  }
0x2b4: {  	[tilespmem:$0x3520] =	vst v0  }
0x2b5: {  	v53 =	vimm.s32 $0x35;
	[tilespmem:$0x3530] =	vst v0  }
0x2b6: {  	[tilespmem:$0x3540] =	vst v0  }
0x2b7: {  	[tilespmem:$0x3550] =	vst v0  }
0x2b8: {  	[tilespmem:$0x3560] =	vst v0  }
0x2b9: {  	[tilespmem:$0x3570] =	vst v0  }
0x2ba: {  	v0 =	vld.idx.msk [tilespmem:v53+s29+$0x0], $0xffff;
	_ =	sdelay $0x4  }
0x2bb: {  	[tilespmem:$0x3580] =	vst v0  }
0x2bc: {  	[tilespmem:$0x3590] =	vst v0  }
0x2bd: {  	[tilespmem:$0x35A0] =	vst v0  }
0x2be: {  	v54 =	vimm.s32 $0x36;
	[tilespmem:$0x35B0] =	vst v0  }
0x2bf: {  	[tilespmem:$0x35C0] =	vst v0  }
0x2c0: {  	[tilespmem:$0x35D0] =	vst v0  }
0x2c1: {  	[tilespmem:$0x35E0] =	vst v0  }
0x2c2: {  	[tilespmem:$0x35F0] =	vst v0  }
0x2c3: {  	v0 =	vld.idx.msk [tilespmem:v54+s29+$0x0], $0xffff;
	_ =	sdelay $0x4  }
0x2c4: {  	[tilespmem:$0x3600] =	vst v0  }
0x2c5: {  	[tilespmem:$0x3610] =	vst v0  }
0x2c6: {  	[tilespmem:$0x3620] =	vst v0  }
0x2c7: {  	v55 =	vimm.s32 $0x37;
	[tilespmem:$0x3630] =	vst v0  }
0x2c8: {  	[tilespmem:$0x3640] =	vst v0  }
0x2c9: {  	[tilespmem:$0x3650] =	vst v0  }
0x2ca: {  	[tilespmem:$0x3660] =	vst v0  }
0x2cb: {  	[tilespmem:$0x3670] =	vst v0  }
0x2cc: {  	v0 =	vld.idx.msk [tilespmem:v55+s29+$0x0], $0xffff;
	_ =	sdelay $0x4  }
0x2cd: {  	[tilespmem:$0x3680] =	vst v0  }
0x2ce: {  	[tilespmem:$0x3690] =	vst v0  }
0x2cf: {  	[tilespmem:$0x36A0] =	vst v0  }
0x2d0: {  	v56 =	vimm.s32 $0x38;
	[tilespmem:$0x36B0] =	vst v0  }
0x2d1: {  	[tilespmem:$0x36C0] =	vst v0  }
0x2d2: {  	[tilespmem:$0x36D0] =	vst v0  }
0x2d3: {  	[tilespmem:$0x36E0] =	vst v0  }
0x2d4: {  	[tilespmem:$0x36F0] =	vst v0  }
0x2d5: {  	v0 =	vld.idx.msk [tilespmem:v56+s29+$0x0], $0xffff;
	_ =	sdelay $0x4  }
0x2d6: {  	[tilespmem:$0x3700] =	vst v0  }
0x2d7: {  	[tilespmem:$0x3710] =	vst v0  }
0x2d8: {  	[tilespmem:$0x3720] =	vst v0  }
0x2d9: {  	v57 =	vimm.s32 $0x39;
	[tilespmem:$0x3730] =	vst v0  }
0x2da: {  	[tilespmem:$0x3740] =	vst v0  }
0x2db: {  	[tilespmem:$0x3750] =	vst v0  }
0x2dc: {  	[tilespmem:$0x3760] =	vst v0  }
0x2dd: {  	[tilespmem:$0x3770] =	vst v0  }
0x2de: {  	v0 =	vld.idx.msk [tilespmem:v57+s29+$0x0], $0xffff;
	_ =	sdelay $0x4  }
0x2df: {  	[tilespmem:$0x3780] =	vst v0  }
0x2e0: {  	[tilespmem:$0x3790] =	vst v0  }
0x2e1: {  	[tilespmem:$0x37A0] =	vst v0  }
0x2e2: {  	v58 =	vimm.s32 $0x3A;
	[tilespmem:$0x37B0] =	vst v0  }
0x2e3: {  	[tilespmem:$0x37C0] =	vst v0  }
0x2e4: {  	[tilespmem:$0x37D0] =	vst v0  }
0x2e5: {  	[tilespmem:$0x37E0] =	vst v0  }
0x2e6: {  	[tilespmem:$0x37F0] =	vst v0  }
0x2e7: {  	v0 =	vld.idx.msk [tilespmem:v58+s29+$0x0], $0xffff;
	_ =	sdelay $0x4  }
0x2e8: {  	[tilespmem:$0x3800] =	vst v0  }
0x2e9: {  	[tilespmem:$0x3810] =	vst v0  }
0x2ea: {  	[tilespmem:$0x3820] =	vst v0  }
0x2eb: {  	v59 =	vimm.s32 $0x3B;
	[tilespmem:$0x3830] =	vst v0  }
0x2ec: {  	[tilespmem:$0x3840] =	vst v0  }
0x2ed: {  	[tilespmem:$0x3850] =	vst v0  }
0x2ee: {  	[tilespmem:$0x3860] =	vst v0  }
0x2ef: {  	[tilespmem:$0x3870] =	vst v0  }
0x2f0: {  	v0 =	vld.idx.msk [tilespmem:v59+s29+$0x0], $0xffff;
	_ =	sdelay $0x4  }
0x2f1: {  	[tilespmem:$0x3880] =	vst v0  }
0x2f2: {  	[tilespmem:$0x3890] =	vst v0  }
0x2f3: {  	[tilespmem:$0x38A0] =	vst v0  }
0x2f4: {  	v60 =	vimm.s32 $0x3C;
	[tilespmem:$0x38B0] =	vst v0  }
0x2f5: {  	[tilespmem:$0x38C0] =	vst v0  }
0x2f6: {  	[tilespmem:$0x38D0] =	vst v0  }
0x2f7: {  	[tilespmem:$0x38E0] =	vst v0  }
0x2f8: {  	[tilespmem:$0x38F0] =	vst v0  }
0x2f9: {  	v0 =	vld.idx.msk [tilespmem:v60+s29+$0x0], $0xffff;
	_ =	sdelay $0x4  }
0x2fa: {  	[tilespmem:$0x3900] =	vst v0  }
0x2fb: {  	[tilespmem:$0x3910] =	vst v0  }
0x2fc: {  	[tilespmem:$0x3920] =	vst v0  }
0x2fd: {  	v61 =	vimm.s32 $0x3D;
	[tilespmem:$0x3930] =	vst v0  }
0x2fe: {  	[tilespmem:$0x3940] =	vst v0  }
0x2ff: {  	[tilespmem:$0x3950] =	vst v0  }
0x300: {  	[tilespmem:$0x3960] =	vst v0  }
0x301: {  	[tilespmem:$0x3970] =	vst v0  }
0x302: {  	v0 =	vld.idx.msk [tilespmem:v61+s29+$0x0], $0xffff;
	_ =	sdelay $0x4  }
0x303: {  	[tilespmem:$0x3980] =	vst v0  }
0x304: {  	[tilespmem:$0x3990] =	vst v0  }
0x305: {  	[tilespmem:$0x39A0] =	vst v0  }
0x306: {  	v62 =	vimm.s32 $0x3E;
	[tilespmem:$0x39B0] =	vst v0  }
0x307: {  	[tilespmem:$0x39C0] =	vst v0  }
0x308: {  	[tilespmem:$0x39D0] =	vst v0  }
0x309: {  	[tilespmem:$0x39E0] =	vst v0  }
0x30a: {  	[tilespmem:$0x39F0] =	vst v0  }
0x30b: {  	v0 =	vld.idx.msk [tilespmem:v62+s29+$0x0], $0xffff;
	_ =	sdelay $0x4  }
0x30c: {  	[tilespmem:$0x3A00] =	vst v0  }
0x30d: {  	[tilespmem:$0x3A10] =	vst v0  }
0x30e: {  	[tilespmem:$0x3A20] =	vst v0  }
0x30f: {  	v63 =	vimm.s32 $0x3F;
	[tilespmem:$0x3A30] =	vst v0  }
0x310: {  	[tilespmem:$0x3A40] =	vst v0  }
0x311: {  	[tilespmem:$0x3A50] =	vst v0  }
0x312: {  	[tilespmem:$0x3A60] =	vst v0  }
0x313: {  	[tilespmem:$0x3A70] =	vst v0  }
0x314: {  	v0 =	vld.idx.msk [tilespmem:v63+s29+$0x0], $0xffff;
	_ =	sdelay $0x4  }
0x315: {  	[tilespmem:$0x3A80] =	vst v0  }
0x316: {  	[tilespmem:$0x3A90] =	vst v0  }
0x317: {  	[tilespmem:$0x3AA0] =	vst v0  }
0x318: {  	[tilespmem:$0x3AB0] =	vst v0  }
0x319: {  	[tilespmem:$0x3AC0] =	vst v0  }
0x31a: {  	[tilespmem:$0x3AD0] =	vst v0  }
0x31b: {  	[tilespmem:$0x3AE0] =	vst v0  }
0x31c: {  	s2 =	sadd.s32 $0xC00, s2;
	s30 =	simm.s32 $0x0;
	[tilespmem:$0x3AF0] =	vst v0  }
0x31d: {  	[hbm4b:s2+s30] =	stream.linear.scatter [tilespmem:s25], [sflag:$0x1], $0x80, $0x38;
	[tilespmem:$0x3B08] =	vst v63  }
0x31e: {  	_ =	swait.ge [sflag:s3], $0x80  }
0x31f: {  	[sflag:s3] =	ssyncset.done $0x0  }
0x320: {  	s31 =	simm.s32 $0x1B00;
	[sflag:s3] =	ssyncadd.s32 $0xFFFFFF80  }
0x321: {  	[hbm4b:s1+s30] =	stream.linear.scatter [tilespmem:s31], [sflag:$0x1], $0x2000, $0x38;
	[tilespmem:$0x3B08] =	vst v63  }
0x322: {  	_ =	swait.ge [sflag:s3], $0x2000  }
0x323: {  	[sflag:s3] =	ssyncset.done $0x0  }
0x324: {  	[sflag:s3] =	ssyncadd.s32 $0xFFFFE000  }
0x325: {  	_ =	sfence.sel $0x180000  }
0x326: {  	[bflag:$0x0] =	sbarrier.arrive $0xFFFF  }
0x327: {  	_ =	strace $0x90000047  }
0x328: {  	s0 =	sadd.s32 $0x100000, s0;
	[bflag:$0x2] =	sbarrier.arrive $0xFFFF  }
0x329: {  	[sflag:s0] =	ssyncadd.tile.s32 $0x1;
	_ =	shalt  }
.Lfunc_end2:
_tile_overlayer_lowered:
.L_overlay_start_2:
0x32a: {  	(tag) =	ssettag $0x2  }
0x32b: {  	s0 =	rddreg [dreg:$0x0];
	s2 =	stileid.u32  }
0x32c: {  	s1 =	rddreg [dreg:$0x1];
	p0 =	sne.s32 s2, $0x0  }
0x32d: {  	s3 =	rddreg [dreg:$0x2];
	[bflag:$0x3] =	sbarrier.arrive $0xFFFF;
	s2 =	simm.s32 @!p0 $0x1C01  }
0x32e: {  	[timem:s3], [sflag:s2] =	dma.local @!p0 [hbm:s0], s1  }
0x32f: {  	s0 =	simm.s32 @!p0 $0x1  }
0x330: {  	_ =	swait.ge @!p0 [sflag:s0], s1  }
0x331: {  	s1 =	ssub.s32 @!p0 $0x0, s1;
	[sflag:s0] =	ssyncset.done @!p0 $0x0  }
0x332: {  	[sflag:s0] =	ssyncadd.s32 @!p0 s1  }
0x333: {  	[bflag:$0x3] =	sbarrier.arrive $0xFFFF  }
0x334: {  	_ =	shalt  }

</sc_bundles>
